<compile_context>
chip_gen: v7x
topology: tpu7x:2x2x1
jax: 0.10.2.dev20260603
libtpu: 0.0.44.dev20260713+nightly
codegen_flags: <defaults>
</compile_context>

<pallas_src>
import jax
import jax.numpy as jnp
from jax import lax
from jax.experimental import pallas as pl
from jax.experimental.pallas import tpu as pltpu
from jax.experimental.pallas import tpu_sc as plsc

BATCH = 4096
SEQ = 200
EMBED = 64
NC, NS, LANES = 2, 16, 16
NW = NC * NS
BROWS = BATCH // NW
IDX_PER_W = BROWS * SEQ
NBUF = 4
TCHUNK = 32


def _body(idx_hbm, tok_hbm, pos_hbm, out_hbm,
          idx_c, idx_t, pos_v, gbufs, stages, gsems, osems):
    wid = lax.axis_index("s") * NC + lax.axis_index("c")
    base = wid * IDX_PER_W
    pltpu.sync_copy(pos_hbm, pos_v)

    iota = lax.iota(jnp.int32, LANES)
    iota_seq = iota * SEQ

    for q in range(BROWS // TCHUNK):
        pltpu.sync_copy(
            idx_hbm.at[pl.ds(base + q * TCHUNK * SEQ, TCHUNK * SEQ)], idx_c
        )

        @pl.loop(0, SEQ)
        def _tr(s):
            for g in range(TCHUNK // LANES):
                vals = plsc.load_gather(idx_c, [iota_seq + (g * LANES * SEQ + s)])
                idx_t[s, pl.ds((q * TCHUNK) + g * LANES, LANES)] = vals

    def gather(s, b):
        pltpu.async_copy(
            tok_hbm.at[idx_t.at[s]],
            gbufs.at[pl.ds(b * BROWS, BROWS)], gsems[b],
        )

    def gather_wait(s, b):
        pltpu.make_async_copy(
            tok_hbm.at[idx_t.at[s]],
            gbufs.at[pl.ds(b * BROWS, BROWS)], gsems[b],
        ).wait()

    def put(s, b):
        pltpu.async_copy(
            stages.at[pl.ds(b * (EMBED // 8), EMBED // 8)],
            out_hbm.at[s, :, wid], osems[b],
        )

    def put_wait(s, b):
        pltpu.make_async_copy(
            stages.at[pl.ds(b * (EMBED // 8), EMBED // 8)],
            out_hbm.at[s, :, wid], osems[b],
        ).wait()

    for b in range(NBUF - 1):
        gather(b, b)

    @pl.loop(0, SEQ, step=NBUF)
    def _outer(k0):
        for bi in range(NBUF):
            s = k0 + bi
            gather_wait(s, bi)

            bn = (bi + NBUF - 1) % NBUF

            @pl.when(s + NBUF - 1 < SEQ)
            def _prefetch():
                gather(s + NBUF - 1, bn)

            @pl.when(s >= NBUF)
            def _drain():
                put_wait(s - NBUF, bi)

            s_splat = jnp.full((LANES,), 0, jnp.int32) + s

            @pl.loop(0, LANES, unroll=2)
            def _diag(d):
                rot = (iota + d) & (LANES - 1)
                for e0 in range(0, EMBED, LANES):
                    e_idx = e0 + rot
                    pv = plsc.load_gather(pos_v, [s_splat, e_idx])
                    i_hi = bi * (EMBED // 8) + e_idx // 8
                    i_lo = e_idx % 8
                    for r0 in range(0, BROWS, LANES):
                        b_load = iota + (bi * BROWS + r0)
                        b_st = iota + r0
                        tv = plsc.load_gather(gbufs, [b_load, e_idx])
                        plsc.store_scatter(stages, [i_hi, i_lo, b_st], tv + pv)

            put(s, bi)

    for b in range(NBUF):
        put_wait(SEQ - NBUF + b, (SEQ - NBUF + b) % NBUF)


def kernel(inputs, token_table, pos_table):
    flat_idx = inputs.reshape(-1).astype(jnp.int32)
    mesh = plsc.VectorSubcoreMesh(core_axis_name="c", subcore_axis_name="s")
    out = pl.kernel(
        _body,
        out_type=jax.ShapeDtypeStruct((SEQ, EMBED // 8, NW, 8, 128), jnp.float32),
        mesh=mesh,
        scratch_types=[
            pltpu.VMEM((TCHUNK * SEQ,), jnp.int32),
            pltpu.VMEM((SEQ, BROWS), jnp.int32),
            pltpu.VMEM((SEQ, EMBED), jnp.float32),
            pltpu.VMEM((NBUF * BROWS, EMBED), jnp.float32),
            pltpu.VMEM((NBUF * (EMBED // 8), 8, 128), jnp.float32),
            [pltpu.SemaphoreType.DMA] * NBUF,
            [pltpu.SemaphoreType.DMA] * NBUF,
        ],
        compiler_params=pltpu.CompilerParams(
            use_tc_tiling_on_sc=False, needs_layout_passes=False
        ),
    )(flat_idx, token_table, pos_table)
    return out.transpose(2, 4, 0, 1, 3).reshape(BATCH, SEQ, EMBED)

# --- scband reference (transcript-rebuilt; emitter-appended) ---
"""Pipeline reference for scband-positional-embedding-68917045232177 (READ-ONLY COPY).

The authoritative reference and input builder live on the scoring server;
editing this copy changes nothing except your own understanding.
"""

import jax, jax.numpy as jnp
import numpy as np

BATCH = 4096
SEQ_LEN = 200
VOCAB = 100000
EMBED_DIM = 64

def setup_inputs(seed: int = 0) -> dict:
    key = jax.random.key(seed)
    k1, k2, k3 = jax.random.split(key, 3)
    inputs = jax.random.randint(k1, (BATCH, SEQ_LEN), 0, VOCAB, dtype=jnp.int64 if jax.config.jax_enable_x64 else jnp.int32)
    token_table = jax.random.normal(k2, (VOCAB, EMBED_DIM), dtype=jnp.float32) * 0.02
    pos_table = jax.random.normal(k3, (SEQ_LEN, EMBED_DIM), dtype=jnp.float32) * 0.02
    return {"inputs": inputs, "token_table": token_table, "pos_table": pos_table}

def reference(inputs, token_table, pos_table):
    # length = tf.shape(inputs)[-1]
    length = inputs.shape[-1]
    positions = jnp.arange(0, length, 1)
    # embedded_tokens = self.token_embeddings(inputs)  -> gather rows
    embedded_tokens = jnp.take(token_table, inputs, axis=0)
    # embedded_positions = self.position_embeddings(positions)
    embedded_positions = jnp.take(pos_table, positions, axis=0)
    return embedded_tokens + embedded_positions

if __name__ == "__main__":
    import jax
    _d = setup_inputs()
    print(jax.jit(kernel)(*tuple(_d.values())))

</pallas_src>

<mosaic_0001>
#map = affine_map<(d0, d1) -> (0)>
#map1 = affine_map<(d0, d1) -> (0, 0)>
#map2 = affine_map<(d0, d1) -> (0, 0, 0, 0, 0)>
module attributes {stable_mosaic.version = 14 : i64} {
  func.func @_body(%arg0: i32, %arg1: i32, %arg2: memref<819200xi32, #tpu.memory_space<hbm>>, %arg3: memref<100000x64xf32, #tpu.memory_space<hbm>>, %arg4: memref<200x64xf32, #tpu.memory_space<hbm>>, %arg5: memref<200x8x32x8x128xf32, #tpu.memory_space<hbm>>, %arg6: memref<6400xi32, #tpu.memory_space<vmem>>, %arg7: memref<200x128xi32, #tpu.memory_space<vmem>>, %arg8: memref<200x64xf32, #tpu.memory_space<vmem>>, %arg9: memref<512x64xf32, #tpu.memory_space<vmem>>, %arg10: memref<32x8x128xf32, #tpu.memory_space<vmem>>, %arg11: memref<!tpu.dma_semaphore, #tpu.memory_space<semaphore_mem>>, %arg12: memref<!tpu.dma_semaphore, #tpu.memory_space<semaphore_mem>>, %arg13: memref<!tpu.dma_semaphore, #tpu.memory_space<semaphore_mem>>, %arg14: memref<!tpu.dma_semaphore, #tpu.memory_space<semaphore_mem>>, %arg15: memref<!tpu.dma_semaphore, #tpu.memory_space<semaphore_mem>>, %arg16: memref<!tpu.dma_semaphore, #tpu.memory_space<semaphore_mem>>, %arg17: memref<!tpu.dma_semaphore, #tpu.memory_space<semaphore_mem>>, %arg18: memref<!tpu.dma_semaphore, #tpu.memory_space<semaphore_mem>>) attributes {dimension_semantics = [#tpu.dimension_semantics<core_parallel>, #tpu.dimension_semantics<subcore_parallel>], iteration_bounds = array<i64: 2, 16>, scalar_prefetch = 0 : i64, scratch_operands = 13 : i64, tpu.core_type = #tpu.core_type<sc_vector_subcore>, window_params = [{transform_indices = #map}, {transform_indices = #map1}, {transform_indices = #map1}, {transform_indices = #map2}]} {
    %mul3A = arith.constant 2 : i32
    %mul3A_0 = arith.muli %arg1, %mul3A : i32
    %add3A = arith.addi %mul3A_0, %arg0 : i32
    %mul3A_1 = arith.constant 25600 : i32
    %mul3A_2 = arith.muli %add3A, %mul3A_1 : i32
    "tpu.region"() ({
      %run_scoped3A = tpu.sem_alloc : memref<!tpu.dma_semaphore, #tpu.memory_space<semaphore_mem>>
      tpu.enqueue_dma source(%arg4 : memref<200x64xf32, #tpu.memory_space<hbm>>) target(%arg8 : memref<200x64xf32, #tpu.memory_space<vmem>>) target_semaphore(%run_scoped3A : memref<!tpu.dma_semaphore, #tpu.memory_space<semaphore_mem>>)
      tpu.wait_dma2 semaphore(%run_scoped3A : memref<!tpu.dma_semaphore, #tpu.memory_space<semaphore_mem>>) src(%arg4 : memref<200x64xf32, #tpu.memory_space<hbm>>) dst(%arg8 : memref<200x64xf32, #tpu.memory_space<vmem>>)
      tpu.yield
    }) : () -> ()
    %iota3A = tpu.iota {dimensions = array<i32: 0>} : vector<16xi32>
    %mul3A_3 = arith.constant 200 : i32
    %mul3A_4 = vector.broadcast %mul3A_3 : i32 to vector<16xi32>
    %mul3A_5 = arith.muli %iota3A, %mul3A_4 : vector<16xi32>
    %add3A_6 = arith.constant 0 : i32
    %add3A_7 = arith.addi %mul3A_2, %add3A_6 : i32
    "tpu.region"() ({
      %run_scoped3A = tpu.sem_alloc : memref<!tpu.dma_semaphore, #tpu.memory_space<semaphore_mem>>
      %dma_start3A_142 = tpu.memref_slice %arg2[%add3A_7] : memref<819200xi32, #tpu.memory_space<hbm>> -> memref<6400xi32, #tpu.memory_space<hbm>>
      %dma_start3A_143 = tpu.memref_slice %arg2[%add3A_7] : memref<819200xi32, #tpu.memory_space<hbm>> -> memref<6400xi32, #tpu.memory_space<hbm>>
      tpu.enqueue_dma source(%dma_start3A_143 : memref<6400xi32, #tpu.memory_space<hbm>>) target(%arg6 : memref<6400xi32, #tpu.memory_space<vmem>>) target_semaphore(%run_scoped3A : memref<!tpu.dma_semaphore, #tpu.memory_space<semaphore_mem>>)
      %dma_wait3A_144 = tpu.memref_slice %arg2[%add3A_7] : memref<819200xi32, #tpu.memory_space<hbm>> -> memref<6400xi32, #tpu.memory_space<hbm>>
      %dma_wait3A_145 = tpu.memref_slice %arg2[%add3A_7] : memref<819200xi32, #tpu.memory_space<hbm>> -> memref<6400xi32, #tpu.memory_space<hbm>>
      tpu.wait_dma2 semaphore(%run_scoped3A : memref<!tpu.dma_semaphore, #tpu.memory_space<semaphore_mem>>) src(%dma_wait3A_145 : memref<6400xi32, #tpu.memory_space<hbm>>) dst(%arg6 : memref<6400xi32, #tpu.memory_space<vmem>>)
      tpu.yield
    }) : () -> ()
    %scan3A = arith.constant 0 : i32
    %scan3A_8 = arith.constant 200 : i32
    %scan3A_9 = arith.addi %scan3A, %scan3A_8 : i32
    %scan3A_10 = arith.constant 1 : i32
    scf.for %scan3A_142 = %scan3A to %scan3A_9 step %scan3A_10  : i32 {
      %mul3A_143 = arith.constant 1 : i32
      %mul3A_144 = arith.muli %scan3A_142, %mul3A_143 : i32
      %add3A_145 = arith.constant 0 : i32
      %add3A_146 = arith.addi %add3A_145, %mul3A_144 : i32
      %add3A_147 = arith.constant 0 : i32
      %add3A_148 = arith.addi %add3A_147, %add3A_146 : i32
      %add3A_149 = vector.broadcast %add3A_148 : i32 to vector<16xi32>
      %add3A_150 = arith.addi %mul3A_5, %add3A_149 : vector<16xi32>
      %gather3A = tpu.vector_load_idx %arg6[%add3A_150] : memref<6400xi32, #tpu.memory_space<vmem>>[vector<16xi32>], vector<16xi32>,
      %swap3A = arith.index_cast %add3A_146 : i32 to index
      %swap3A_151 = arith.constant 0 : index
      %swap3A_152 = tpu.vector_load %arg7[%swap3A, %swap3A_151] {strides = array<i32>} : memref<200x128xi32, #tpu.memory_space<vmem>>, vector<16xi32>,
      tpu.vector_store %arg7[%swap3A, %swap3A_151], %gather3A {strides = array<i32>} : memref<200x128xi32, #tpu.memory_space<vmem>>, vector<16xi32>,
      %add3A_153 = arith.constant 3200 : i32
      %add3A_154 = arith.addi %add3A_153, %add3A_146 : i32
      %add3A_155 = vector.broadcast %add3A_154 : i32 to vector<16xi32>
      %add3A_156 = arith.addi %mul3A_5, %add3A_155 : vector<16xi32>
      %gather3A_157 = tpu.vector_load_idx %arg6[%add3A_156] : memref<6400xi32, #tpu.memory_space<vmem>>[vector<16xi32>], vector<16xi32>,
      %swap3A_158 = arith.index_cast %add3A_146 : i32 to index
      %swap3A_159 = arith.constant 16 : index
      %swap3A_160 = tpu.vector_load %arg7[%swap3A_158, %swap3A_159] {strides = array<i32>} : memref<200x128xi32, #tpu.memory_space<vmem>>, vector<16xi32>,
      tpu.vector_store %arg7[%swap3A_158, %swap3A_159], %gather3A_157 {strides = array<i32>} : memref<200x128xi32, #tpu.memory_space<vmem>>, vector<16xi32>,
    }
    %scan3A_11 = arith.constant 200 : i32
    %add3A_12 = arith.constant 6400 : i32
    %add3A_13 = arith.addi %mul3A_2, %add3A_12 : i32
    "tpu.region"() ({
      %run_scoped3A = tpu.sem_alloc : memref<!tpu.dma_semaphore, #tpu.memory_space<semaphore_mem>>
      %dma_start3A_142 = tpu.memref_slice %arg2[%add3A_13] : memref<819200xi32, #tpu.memory_space<hbm>> -> memref<6400xi32, #tpu.memory_space<hbm>>
      %dma_start3A_143 = tpu.memref_slice %arg2[%add3A_13] : memref<819200xi32, #tpu.memory_space<hbm>> -> memref<6400xi32, #tpu.memory_space<hbm>>
      tpu.enqueue_dma source(%dma_start3A_143 : memref<6400xi32, #tpu.memory_space<hbm>>) target(%arg6 : memref<6400xi32, #tpu.memory_space<vmem>>) target_semaphore(%run_scoped3A : memref<!tpu.dma_semaphore, #tpu.memory_space<semaphore_mem>>)
      %dma_wait3A_144 = tpu.memref_slice %arg2[%add3A_13] : memref<819200xi32, #tpu.memory_space<hbm>> -> memref<6400xi32, #tpu.memory_space<hbm>>
      %dma_wait3A_145 = tpu.memref_slice %arg2[%add3A_13] : memref<819200xi32, #tpu.memory_space<hbm>> -> memref<6400xi32, #tpu.memory_space<hbm>>
      tpu.wait_dma2 semaphore(%run_scoped3A : memref<!tpu.dma_semaphore, #tpu.memory_space<semaphore_mem>>) src(%dma_wait3A_145 : memref<6400xi32, #tpu.memory_space<hbm>>) dst(%arg6 : memref<6400xi32, #tpu.memory_space<vmem>>)
      tpu.yield
    }) : () -> ()
    %scan3A_14 = arith.constant 0 : i32
    %scan3A_15 = arith.constant 200 : i32
    %scan3A_16 = arith.addi %scan3A_14, %scan3A_15 : i32
    %scan3A_17 = arith.constant 1 : i32
    scf.for %scan3A_142 = %scan3A_14 to %scan3A_16 step %scan3A_17  : i32 {
      %mul3A_143 = arith.constant 1 : i32
      %mul3A_144 = arith.muli %scan3A_142, %mul3A_143 : i32
      %add3A_145 = arith.constant 0 : i32
      %add3A_146 = arith.addi %add3A_145, %mul3A_144 : i32
      %add3A_147 = arith.constant 0 : i32
      %add3A_148 = arith.addi %add3A_147, %add3A_146 : i32
      %add3A_149 = vector.broadcast %add3A_148 : i32 to vector<16xi32>
      %add3A_150 = arith.addi %mul3A_5, %add3A_149 : vector<16xi32>
      %gather3A = tpu.vector_load_idx %arg6[%add3A_150] : memref<6400xi32, #tpu.memory_space<vmem>>[vector<16xi32>], vector<16xi32>,
      %swap3A = arith.index_cast %add3A_146 : i32 to index
      %swap3A_151 = arith.constant 32 : index
      %swap3A_152 = tpu.vector_load %arg7[%swap3A, %swap3A_151] {strides = array<i32>} : memref<200x128xi32, #tpu.memory_space<vmem>>, vector<16xi32>,
      tpu.vector_store %arg7[%swap3A, %swap3A_151], %gather3A {strides = array<i32>} : memref<200x128xi32, #tpu.memory_space<vmem>>, vector<16xi32>,
      %add3A_153 = arith.constant 3200 : i32
      %add3A_154 = arith.addi %add3A_153, %add3A_146 : i32
      %add3A_155 = vector.broadcast %add3A_154 : i32 to vector<16xi32>
      %add3A_156 = arith.addi %mul3A_5, %add3A_155 : vector<16xi32>
      %gather3A_157 = tpu.vector_load_idx %arg6[%add3A_156] : memref<6400xi32, #tpu.memory_space<vmem>>[vector<16xi32>], vector<16xi32>,
      %swap3A_158 = arith.index_cast %add3A_146 : i32 to index
      %swap3A_159 = arith.constant 48 : index
      %swap3A_160 = tpu.vector_load %arg7[%swap3A_158, %swap3A_159] {strides = array<i32>} : memref<200x128xi32, #tpu.memory_space<vmem>>, vector<16xi32>,
      tpu.vector_store %arg7[%swap3A_158, %swap3A_159], %gather3A_157 {strides = array<i32>} : memref<200x128xi32, #tpu.memory_space<vmem>>, vector<16xi32>,
    }
    %scan3A_18 = arith.constant 200 : i32
    %add3A_19 = arith.constant 12800 : i32
    %add3A_20 = arith.addi %mul3A_2, %add3A_19 : i32
    "tpu.region"() ({
      %run_scoped3A = tpu.sem_alloc : memref<!tpu.dma_semaphore, #tpu.memory_space<semaphore_mem>>
      %dma_start3A_142 = tpu.memref_slice %arg2[%add3A_20] : memref<819200xi32, #tpu.memory_space<hbm>> -> memref<6400xi32, #tpu.memory_space<hbm>>
      %dma_start3A_143 = tpu.memref_slice %arg2[%add3A_20] : memref<819200xi32, #tpu.memory_space<hbm>> -> memref<6400xi32, #tpu.memory_space<hbm>>
      tpu.enqueue_dma source(%dma_start3A_143 : memref<6400xi32, #tpu.memory_space<hbm>>) target(%arg6 : memref<6400xi32, #tpu.memory_space<vmem>>) target_semaphore(%run_scoped3A : memref<!tpu.dma_semaphore, #tpu.memory_space<semaphore_mem>>)
      %dma_wait3A_144 = tpu.memref_slice %arg2[%add3A_20] : memref<819200xi32, #tpu.memory_space<hbm>> -> memref<6400xi32, #tpu.memory_space<hbm>>
      %dma_wait3A_145 = tpu.memref_slice %arg2[%add3A_20] : memref<819200xi32, #tpu.memory_space<hbm>> -> memref<6400xi32, #tpu.memory_space<hbm>>
      tpu.wait_dma2 semaphore(%run_scoped3A : memref<!tpu.dma_semaphore, #tpu.memory_space<semaphore_mem>>) src(%dma_wait3A_145 : memref<6400xi32, #tpu.memory_space<hbm>>) dst(%arg6 : memref<6400xi32, #tpu.memory_space<vmem>>)
      tpu.yield
    }) : () -> ()
    %scan3A_21 = arith.constant 0 : i32
    %scan3A_22 = arith.constant 200 : i32
    %scan3A_23 = arith.addi %scan3A_21, %scan3A_22 : i32
    %scan3A_24 = arith.constant 1 : i32
    scf.for %scan3A_142 = %scan3A_21 to %scan3A_23 step %scan3A_24  : i32 {
      %mul3A_143 = arith.constant 1 : i32
      %mul3A_144 = arith.muli %scan3A_142, %mul3A_143 : i32
      %add3A_145 = arith.constant 0 : i32
      %add3A_146 = arith.addi %add3A_145, %mul3A_144 : i32
      %add3A_147 = arith.constant 0 : i32
      %add3A_148 = arith.addi %add3A_147, %add3A_146 : i32
      %add3A_149 = vector.broadcast %add3A_148 : i32 to vector<16xi32>
      %add3A_150 = arith.addi %mul3A_5, %add3A_149 : vector<16xi32>
      %gather3A = tpu.vector_load_idx %arg6[%add3A_150] : memref<6400xi32, #tpu.memory_space<vmem>>[vector<16xi32>], vector<16xi32>,
      %swap3A = arith.index_cast %add3A_146 : i32 to index
      %swap3A_151 = arith.constant 64 : index
      %swap3A_152 = tpu.vector_load %arg7[%swap3A, %swap3A_151] {strides = array<i32>} : memref<200x128xi32, #tpu.memory_space<vmem>>, vector<16xi32>,
      tpu.vector_store %arg7[%swap3A, %swap3A_151], %gather3A {strides = array<i32>} : memref<200x128xi32, #tpu.memory_space<vmem>>, vector<16xi32>,
      %add3A_153 = arith.constant 3200 : i32
      %add3A_154 = arith.addi %add3A_153, %add3A_146 : i32
      %add3A_155 = vector.broadcast %add3A_154 : i32 to vector<16xi32>
      %add3A_156 = arith.addi %mul3A_5, %add3A_155 : vector<16xi32>
      %gather3A_157 = tpu.vector_load_idx %arg6[%add3A_156] : memref<6400xi32, #tpu.memory_space<vmem>>[vector<16xi32>], vector<16xi32>,
      %swap3A_158 = arith.index_cast %add3A_146 : i32 to index
      %swap3A_159 = arith.constant 80 : index
      %swap3A_160 = tpu.vector_load %arg7[%swap3A_158, %swap3A_159] {strides = array<i32>} : memref<200x128xi32, #tpu.memory_space<vmem>>, vector<16xi32>,
      tpu.vector_store %arg7[%swap3A_158, %swap3A_159], %gather3A_157 {strides = array<i32>} : memref<200x128xi32, #tpu.memory_space<vmem>>, vector<16xi32>,
    }
    %scan3A_25 = arith.constant 200 : i32
    %add3A_26 = arith.constant 19200 : i32
    %add3A_27 = arith.addi %mul3A_2, %add3A_26 : i32
    "tpu.region"() ({
      %run_scoped3A = tpu.sem_alloc : memref<!tpu.dma_semaphore, #tpu.memory_space<semaphore_mem>>
      %dma_start3A_142 = tpu.memref_slice %arg2[%add3A_27] : memref<819200xi32, #tpu.memory_space<hbm>> -> memref<6400xi32, #tpu.memory_space<hbm>>
      %dma_start3A_143 = tpu.memref_slice %arg2[%add3A_27] : memref<819200xi32, #tpu.memory_space<hbm>> -> memref<6400xi32, #tpu.memory_space<hbm>>
      tpu.enqueue_dma source(%dma_start3A_143 : memref<6400xi32, #tpu.memory_space<hbm>>) target(%arg6 : memref<6400xi32, #tpu.memory_space<vmem>>) target_semaphore(%run_scoped3A : memref<!tpu.dma_semaphore, #tpu.memory_space<semaphore_mem>>)
      %dma_wait3A_144 = tpu.memref_slice %arg2[%add3A_27] : memref<819200xi32, #tpu.memory_space<hbm>> -> memref<6400xi32, #tpu.memory_space<hbm>>
      %dma_wait3A_145 = tpu.memref_slice %arg2[%add3A_27] : memref<819200xi32, #tpu.memory_space<hbm>> -> memref<6400xi32, #tpu.memory_space<hbm>>
      tpu.wait_dma2 semaphore(%run_scoped3A : memref<!tpu.dma_semaphore, #tpu.memory_space<semaphore_mem>>) src(%dma_wait3A_145 : memref<6400xi32, #tpu.memory_space<hbm>>) dst(%arg6 : memref<6400xi32, #tpu.memory_space<vmem>>)
      tpu.yield
    }) : () -> ()
    %scan3A_28 = arith.constant 0 : i32
    %scan3A_29 = arith.constant 200 : i32
    %scan3A_30 = arith.addi %scan3A_28, %scan3A_29 : i32
    %scan3A_31 = arith.constant 1 : i32
    scf.for %scan3A_142 = %scan3A_28 to %scan3A_30 step %scan3A_31  : i32 {
      %mul3A_143 = arith.constant 1 : i32
      %mul3A_144 = arith.muli %scan3A_142, %mul3A_143 : i32
      %add3A_145 = arith.constant 0 : i32
      %add3A_146 = arith.addi %add3A_145, %mul3A_144 : i32
      %add3A_147 = arith.constant 0 : i32
      %add3A_148 = arith.addi %add3A_147, %add3A_146 : i32
      %add3A_149 = vector.broadcast %add3A_148 : i32 to vector<16xi32>
      %add3A_150 = arith.addi %mul3A_5, %add3A_149 : vector<16xi32>
      %gather3A = tpu.vector_load_idx %arg6[%add3A_150] : memref<6400xi32, #tpu.memory_space<vmem>>[vector<16xi32>], vector<16xi32>,
      %swap3A = arith.index_cast %add3A_146 : i32 to index
      %swap3A_151 = arith.constant 96 : index
      %swap3A_152 = tpu.vector_load %arg7[%swap3A, %swap3A_151] {strides = array<i32>} : memref<200x128xi32, #tpu.memory_space<vmem>>, vector<16xi32>,
      tpu.vector_store %arg7[%swap3A, %swap3A_151], %gather3A {strides = array<i32>} : memref<200x128xi32, #tpu.memory_space<vmem>>, vector<16xi32>,
      %add3A_153 = arith.constant 3200 : i32
      %add3A_154 = arith.addi %add3A_153, %add3A_146 : i32
      %add3A_155 = vector.broadcast %add3A_154 : i32 to vector<16xi32>
      %add3A_156 = arith.addi %mul3A_5, %add3A_155 : vector<16xi32>
      %gather3A_157 = tpu.vector_load_idx %arg6[%add3A_156] : memref<6400xi32, #tpu.memory_space<vmem>>[vector<16xi32>], vector<16xi32>,
      %swap3A_158 = arith.index_cast %add3A_146 : i32 to index
      %swap3A_159 = arith.constant 112 : index
      %swap3A_160 = tpu.vector_load %arg7[%swap3A_158, %swap3A_159] {strides = array<i32>} : memref<200x128xi32, #tpu.memory_space<vmem>>, vector<16xi32>,
      tpu.vector_store %arg7[%swap3A_158, %swap3A_159], %gather3A_157 {strides = array<i32>} : memref<200x128xi32, #tpu.memory_space<vmem>>, vector<16xi32>,
    }
    %scan3A_32 = arith.constant 200 : i32
    %dma_start3A = arith.constant 0 : i32
    %dma_start3A_33 = arith.constant 0 : i32
    %dma_start3A_34 = arith.constant 0 : i32
    %dma_start3A_35 = tpu.memref_slice %arg9[%dma_start3A_33, %dma_start3A_34] : memref<512x64xf32, #tpu.memory_space<vmem>> -> memref<128x64xf32, #tpu.memory_space<vmem>>
    %dma_start3A_36 = arith.constant 0 : i32
    %dma_start3A_37 = tpu.memref_slice %arg7[%dma_start3A, %dma_start3A_36] : memref<200x128xi32, #tpu.memory_space<vmem>> -> memref<1x128xi32, #tpu.memory_space<vmem>>
    %dma_start3A_38 = tpu.memref_squeeze %dma_start3A_37 : memref<1x128xi32, #tpu.memory_space<vmem>> -> memref<128xi32, #tpu.memory_space<vmem>>
    %dma_start3A_39 = arith.constant 0 : i32
    %dma_start3A_40 = arith.constant 0 : i32
    %dma_start3A_41 = tpu.memref_slice %arg3[%dma_start3A_39, %dma_start3A_40] : memref<100000x64xf32, #tpu.memory_space<hbm>> -> memref<100000x64xf32, #tpu.memory_space<hbm>>
    tpu.enqueue_indirect_dma source(%dma_start3A_41 : memref<100000x64xf32, #tpu.memory_space<hbm>>) target(%dma_start3A_35 : memref<128x64xf32, #tpu.memory_space<vmem>>) offsets(%dma_start3A_38 : memref<128xi32, #tpu.memory_space<vmem>>) semaphore(%arg11 : memref<!tpu.dma_semaphore, #tpu.memory_space<semaphore_mem>>)
    %dma_start3A_42 = arith.constant 1 : i32
    %dma_start3A_43 = arith.constant 128 : i32
    %dma_start3A_44 = arith.constant 0 : i32
    %dma_start3A_45 = tpu.memref_slice %arg9[%dma_start3A_43, %dma_start3A_44] : memref<512x64xf32, #tpu.memory_space<vmem>> -> memref<128x64xf32, #tpu.memory_space<vmem>>
    %dma_start3A_46 = arith.constant 0 : i32
    %dma_start3A_47 = tpu.memref_slice %arg7[%dma_start3A_42, %dma_start3A_46] : memref<200x128xi32, #tpu.memory_space<vmem>> -> memref<1x128xi32, #tpu.memory_space<vmem>>
    %dma_start3A_48 = tpu.memref_squeeze %dma_start3A_47 : memref<1x128xi32, #tpu.memory_space<vmem>> -> memref<128xi32, #tpu.memory_space<vmem>>
    %dma_start3A_49 = arith.constant 0 : i32
    %dma_start3A_50 = arith.constant 0 : i32
    %dma_start3A_51 = tpu.memref_slice %arg3[%dma_start3A_49, %dma_start3A_50] : memref<100000x64xf32, #tpu.memory_space<hbm>> -> memref<100000x64xf32, #tpu.memory_space<hbm>>
    tpu.enqueue_indirect_dma source(%dma_start3A_51 : memref<100000x64xf32, #tpu.memory_space<hbm>>) target(%dma_start3A_45 : memref<128x64xf32, #tpu.memory_space<vmem>>) offsets(%dma_start3A_48 : memref<128xi32, #tpu.memory_space<vmem>>) semaphore(%arg12 : memref<!tpu.dma_semaphore, #tpu.memory_space<semaphore_mem>>)
    %dma_start3A_52 = arith.constant 2 : i32
    %dma_start3A_53 = arith.constant 256 : i32
    %dma_start3A_54 = arith.constant 0 : i32
    %dma_start3A_55 = tpu.memref_slice %arg9[%dma_start3A_53, %dma_start3A_54] : memref<512x64xf32, #tpu.memory_space<vmem>> -> memref<128x64xf32, #tpu.memory_space<vmem>>
    %dma_start3A_56 = arith.constant 0 : i32
    %dma_start3A_57 = tpu.memref_slice %arg7[%dma_start3A_52, %dma_start3A_56] : memref<200x128xi32, #tpu.memory_space<vmem>> -> memref<1x128xi32, #tpu.memory_space<vmem>>
    %dma_start3A_58 = tpu.memref_squeeze %dma_start3A_57 : memref<1x128xi32, #tpu.memory_space<vmem>> -> memref<128xi32, #tpu.memory_space<vmem>>
    %dma_start3A_59 = arith.constant 0 : i32
    %dma_start3A_60 = arith.constant 0 : i32
    %dma_start3A_61 = tpu.memref_slice %arg3[%dma_start3A_59, %dma_start3A_60] : memref<100000x64xf32, #tpu.memory_space<hbm>> -> memref<100000x64xf32, #tpu.memory_space<hbm>>
    tpu.enqueue_indirect_dma source(%dma_start3A_61 : memref<100000x64xf32, #tpu.memory_space<hbm>>) target(%dma_start3A_55 : memref<128x64xf32, #tpu.memory_space<vmem>>) offsets(%dma_start3A_58 : memref<128xi32, #tpu.memory_space<vmem>>) semaphore(%arg13 : memref<!tpu.dma_semaphore, #tpu.memory_space<semaphore_mem>>)
    %scan3A_62 = arith.constant 0 : i32
    %scan3A_63 = arith.constant 50 : i32
    %scan3A_64 = arith.addi %scan3A_62, %scan3A_63 : i32
    %scan3A_65 = arith.constant 1 : i32
    scf.for %scan3A_142 = %scan3A_62 to %scan3A_64 step %scan3A_65  : i32 {
      %mul3A_143 = arith.constant 4 : i32
      %mul3A_144 = arith.muli %scan3A_142, %mul3A_143 : i32
      %add3A_145 = arith.constant 0 : i32
      %add3A_146 = arith.addi %add3A_145, %mul3A_144 : i32
      %add3A_147 = arith.constant 0 : i32
      %add3A_148 = arith.addi %add3A_146, %add3A_147 : i32
      %dma_wait3A_149 = arith.constant 0 : i32
      %dma_wait3A_150 = arith.constant 0 : i32
      %dma_wait3A_151 = tpu.memref_slice %arg9[%dma_wait3A_149, %dma_wait3A_150] : memref<512x64xf32, #tpu.memory_space<vmem>> -> memref<128x64xf32, #tpu.memory_space<vmem>>
      %dma_wait3A_152 = arith.constant 0 : i32
      %dma_wait3A_153 = tpu.memref_slice %arg7[%add3A_148, %dma_wait3A_152] : memref<200x128xi32, #tpu.memory_space<vmem>> -> memref<1x128xi32, #tpu.memory_space<vmem>>
      %dma_wait3A_154 = tpu.memref_squeeze %dma_wait3A_153 : memref<1x128xi32, #tpu.memory_space<vmem>> -> memref<128xi32, #tpu.memory_space<vmem>>
      %dma_wait3A_155 = arith.constant 0 : i32
      %dma_wait3A_156 = arith.constant 0 : i32
      %dma_wait3A_157 = tpu.memref_slice %arg3[%dma_wait3A_155, %dma_wait3A_156] : memref<100000x64xf32, #tpu.memory_space<hbm>> -> memref<100000x64xf32, #tpu.memory_space<hbm>>
      tpu.wait_indirect_dma semaphore(%arg11 : memref<!tpu.dma_semaphore, #tpu.memory_space<semaphore_mem>>) src(%dma_wait3A_157 : memref<100000x64xf32, #tpu.memory_space<hbm>>) dst(%dma_wait3A_151 : memref<128x64xf32, #tpu.memory_space<vmem>>)
      %add3A_158 = arith.constant 4 : i32
      %add3A_159 = arith.addi %add3A_148, %add3A_158 : i32
      %sub3A = arith.constant 1 : i32
      %sub3A_160 = arith.subi %add3A_159, %sub3A : i32
      %lt3A = arith.constant 200 : i32
      %lt3A_161 = arith.cmpi slt, %sub3A_160, %lt3A : i32
      %convert_element_type3A = arith.extui %lt3A_161 : i1 to i32
      %cond3A = arith.constant 0 : i32
      %cond3A_162 = arith.cmpi ne, %convert_element_type3A, %cond3A : i32
      scf.if %cond3A_162 {
        %add3A_349 = arith.constant 4 : i32
        %add3A_350 = arith.addi %add3A_148, %add3A_349 : i32
        %sub3A_351 = arith.constant 1 : i32
        %sub3A_352 = arith.subi %add3A_350, %sub3A_351 : i32
        %dma_start3A_353 = arith.constant 384 : i32
        %dma_start3A_354 = arith.constant 0 : i32
        %dma_start3A_355 = tpu.memref_slice %arg9[%dma_start3A_353, %dma_start3A_354] : memref<512x64xf32, #tpu.memory_space<vmem>> -> memref<128x64xf32, #tpu.memory_space<vmem>>
        %dma_start3A_356 = arith.constant 0 : i32
        %dma_start3A_357 = tpu.memref_slice %arg7[%sub3A_352, %dma_start3A_356] : memref<200x128xi32, #tpu.memory_space<vmem>> -> memref<1x128xi32, #tpu.memory_space<vmem>>
        %dma_start3A_358 = tpu.memref_squeeze %dma_start3A_357 : memref<1x128xi32, #tpu.memory_space<vmem>> -> memref<128xi32, #tpu.memory_space<vmem>>
        %dma_start3A_359 = arith.constant 0 : i32
        %dma_start3A_360 = arith.constant 0 : i32
        %dma_start3A_361 = tpu.memref_slice %arg3[%dma_start3A_359, %dma_start3A_360] : memref<100000x64xf32, #tpu.memory_space<hbm>> -> memref<100000x64xf32, #tpu.memory_space<hbm>>
        tpu.enqueue_indirect_dma source(%dma_start3A_361 : memref<100000x64xf32, #tpu.memory_space<hbm>>) target(%dma_start3A_355 : memref<128x64xf32, #tpu.memory_space<vmem>>) offsets(%dma_start3A_358 : memref<128xi32, #tpu.memory_space<vmem>>) semaphore(%arg14 : memref<!tpu.dma_semaphore, #tpu.memory_space<semaphore_mem>>)
      } else {
      }
      %ge3A = arith.constant 4 : i32
      %ge3A_163 = arith.cmpi sge, %add3A_148, %ge3A : i32
      %convert_element_type3A_164 = arith.extui %ge3A_163 : i1 to i32
      %cond3A_165 = arith.constant 0 : i32
      %cond3A_166 = arith.cmpi ne, %convert_element_type3A_164, %cond3A_165 : i32
      scf.if %cond3A_166 {
        %sub3A_349 = arith.constant 4 : i32
        %sub3A_350 = arith.subi %add3A_148, %sub3A_349 : i32
        %dma_wait3A_351 = arith.constant 0 : i32
        %dma_wait3A_352 = arith.constant 0 : i32
        %dma_wait3A_353 = arith.constant 0 : i32
        %dma_wait3A_354 = tpu.memref_slice %arg10[%dma_wait3A_351, %dma_wait3A_352, %dma_wait3A_353] : memref<32x8x128xf32, #tpu.memory_space<vmem>> -> memref<8x8x128xf32, #tpu.memory_space<vmem>>
        %dma_wait3A_355 = arith.constant 0 : i32
        %dma_wait3A_356 = arith.constant 0 : i32
        %dma_wait3A_357 = arith.constant 0 : i32
        %dma_wait3A_358 = tpu.memref_slice %arg5[%sub3A_350, %dma_wait3A_355, %add3A, %dma_wait3A_356, %dma_wait3A_357] : memref<200x8x32x8x128xf32, #tpu.memory_space<hbm>> -> memref<1x8x1x8x128xf32, #tpu.memory_space<hbm>>
        %dma_wait3A_359 = tpu.memref_squeeze %dma_wait3A_358 : memref<1x8x1x8x128xf32, #tpu.memory_space<hbm>> -> memref<8x8x128xf32, #tpu.memory_space<hbm>>
        %dma_wait3A_360 = arith.constant 0 : i32
        %dma_wait3A_361 = arith.constant 0 : i32
        %dma_wait3A_362 = arith.constant 0 : i32
        %dma_wait3A_363 = tpu.memref_slice %arg5[%sub3A_350, %dma_wait3A_360, %add3A, %dma_wait3A_361, %dma_wait3A_362] : memref<200x8x32x8x128xf32, #tpu.memory_space<hbm>> -> memref<1x8x1x8x128xf32, #tpu.memory_space<hbm>>
        %dma_wait3A_364 = tpu.memref_squeeze %dma_wait3A_363 : memref<1x8x1x8x128xf32, #tpu.memory_space<hbm>> -> memref<8x8x128xf32, #tpu.memory_space<hbm>>
        %dma_wait3A_365 = arith.constant 0 : i32
        %dma_wait3A_366 = arith.constant 0 : i32
        %dma_wait3A_367 = arith.constant 0 : i32
        %dma_wait3A_368 = tpu.memref_slice %arg10[%dma_wait3A_365, %dma_wait3A_366, %dma_wait3A_367] : memref<32x8x128xf32, #tpu.memory_space<vmem>> -> memref<8x8x128xf32, #tpu.memory_space<vmem>>
        tpu.wait_dma2 semaphore(%arg15 : memref<!tpu.dma_semaphore, #tpu.memory_space<semaphore_mem>>) src(%dma_wait3A_368 : memref<8x8x128xf32, #tpu.memory_space<vmem>>) dst(%dma_wait3A_364 : memref<8x8x128xf32, #tpu.memory_space<hbm>>)
      } else {
      }
      %broadcast_in_dim3A = arith.constant 0 : i32
      %broadcast_in_dim3A_167 = vector.broadcast %broadcast_in_dim3A : i32 to vector<16xi32>
      %add3A_168 = vector.broadcast %add3A_148 : i32 to vector<16xi32>
      %add3A_169 = arith.addi %broadcast_in_dim3A_167, %add3A_168 : vector<16xi32>
      %scan3A_170 = arith.constant 0 : i32
      %scan3A_171 = arith.constant 16 : i32
      %scan3A_172 = arith.addi %scan3A_170, %scan3A_171 : i32
      %scan3A_173 = arith.constant 2 : i32
      scf.for %scan3A_349 = %scan3A_170 to %scan3A_172 step %scan3A_173  : i32 {
        %mul3A_350 = arith.constant 1 : i32
        %mul3A_351 = arith.muli %scan3A_349, %mul3A_350 : i32
        %add3A_352 = arith.constant 0 : i32
        %add3A_353 = arith.addi %add3A_352, %mul3A_351 : i32
        %add3A_354 = vector.broadcast %add3A_353 : i32 to vector<16xi32>
        %add3A_355 = arith.addi %iota3A, %add3A_354 : vector<16xi32>
        %and3A = arith.constant 15 : i32
        %and3A_356 = vector.broadcast %and3A : i32 to vector<16xi32>
        %and3A_357 = arith.andi %add3A_355, %and3A_356 : vector<16xi32>
        %add3A_358 = arith.constant 0 : i32
        %add3A_359 = vector.broadcast %add3A_358 : i32 to vector<16xi32>
        %add3A_360 = arith.addi %add3A_359, %and3A_357 : vector<16xi32>
        %gather3A = tpu.vector_load_idx %arg8[%add3A_169, %add3A_360] : memref<200x64xf32, #tpu.memory_space<vmem>>[vector<16xi32>, vector<16xi32>], vector<16xf32>,
        %jit3A = arith.constant 8 : i32
        %div3A = vector.broadcast %jit3A : i32 to vector<16xi32>
        %div3A_361 = arith.divsi %add3A_360, %div3A : vector<16xi32>
        %sign3A = arith.constant 0 : i32
        %sign3A_362 = vector.broadcast %sign3A : i32 to vector<16xi32>
        %sign3A_363 = arith.cmpi sgt, %add3A_360, %sign3A_362 : vector<16xi32>
        %sign3A_364 = arith.extui %sign3A_363 : vector<16xi1> to vector<16xi32>
        %sign3A_365 = arith.constant 0 : i32
        %sign3A_366 = vector.broadcast %sign3A_365 : i32 to vector<16xi32>
        %sign3A_367 = arith.cmpi slt, %add3A_360, %sign3A_366 : vector<16xi32>
        %sign3A_368 = arith.extui %sign3A_367 : vector<16xi1> to vector<16xi32>
        %sign3A_369 = arith.subi %sign3A_364, %sign3A_368 : vector<16xi32>
        %sign3A_370 = arith.constant 0 : i32
        %sign3A_371 = arith.cmpi sgt, %jit3A, %sign3A_370 : i32
        %sign3A_372 = arith.extui %sign3A_371 : i1 to i32
        %sign3A_373 = arith.constant 0 : i32
        %sign3A_374 = arith.cmpi slt, %jit3A, %sign3A_373 : i32
        %sign3A_375 = arith.extui %sign3A_374 : i1 to i32
        %sign3A_376 = arith.subi %sign3A_372, %sign3A_375 : i32
        %ne3A = vector.broadcast %sign3A_376 : i32 to vector<16xi32>
        %ne3A_377 = arith.cmpi ne, %sign3A_369, %ne3A : vector<16xi32>
        %rem3A = vector.broadcast %jit3A : i32 to vector<16xi32>
        %rem3A_378 = arith.remsi %add3A_360, %rem3A : vector<16xi32>
        %ne3A_379 = arith.constant 0 : i32
        %ne3A_380 = vector.broadcast %ne3A_379 : i32 to vector<16xi32>
        %ne3A_381 = arith.cmpi ne, %rem3A_378, %ne3A_380 : vector<16xi32>
        %and3A_382 = arith.andi %ne3A_377, %ne3A_381 : vector<16xi1>
        %sub3A_383 = arith.constant 1 : i32
        %sub3A_384 = vector.broadcast %sub3A_383 : i32 to vector<16xi32>
        %sub3A_385 = arith.subi %div3A_361, %sub3A_384 : vector<16xi32>
        %select_n3A = arith.select %and3A_382, %sub3A_385, %div3A_361 : vector<16xi1>, vector<16xi32>
        %add3A_386 = arith.constant 0 : i32
        %add3A_387 = vector.broadcast %add3A_386 : i32 to vector<16xi32>
        %add3A_388 = arith.addi %add3A_387, %select_n3A : vector<16xi32>
        %jit3A_389 = arith.constant 8 : i32
        %eq3A = arith.constant 0 : i32
        %eq3A_390 = arith.cmpi eq, %jit3A_389, %eq3A : i32
        %jit3A_391 = arith.constant 1 : i32
        %select_n3A_392 = arith.select %eq3A_390, %jit3A_391, %jit3A_389 : i32
        %rem3A_393 = vector.broadcast %select_n3A_392 : i32 to vector<16xi32>
        %rem3A_394 = arith.remsi %add3A_360, %rem3A_393 : vector<16xi32>
        %ne3A_395 = arith.constant 0 : i32
        %ne3A_396 = vector.broadcast %ne3A_395 : i32 to vector<16xi32>
        %ne3A_397 = arith.cmpi ne, %rem3A_394, %ne3A_396 : vector<16xi32>
        %lt3A_398 = arith.constant 0 : i32
        %lt3A_399 = vector.broadcast %lt3A_398 : i32 to vector<16xi32>
        %lt3A_400 = arith.cmpi slt, %rem3A_394, %lt3A_399 : vector<16xi32>
        %lt3A_401 = arith.constant 0 : i32
        %lt3A_402 = arith.cmpi slt, %select_n3A_392, %lt3A_401 : i32
        %ne3A_403 = vector.broadcast %lt3A_402 : i1 to vector<16xi1>
        %ne3A_404 = vector.broadcast %ne3A_403 : vector<16xi1> to vector<16xi1>
        %ne3A_405 = arith.xori %lt3A_400, %ne3A_404 : vector<16xi1>
        %and3A_406 = arith.andi %ne3A_405, %ne3A_397 : vector<16xi1>
        %add3A_407 = vector.broadcast %select_n3A_392 : i32 to vector<16xi32>
        %add3A_408 = arith.addi %rem3A_394, %add3A_407 : vector<16xi32>
        %select_n3A_409 = arith.select %and3A_406, %add3A_408, %rem3A_394 : vector<16xi1>, vector<16xi32>
        %add3A_410 = arith.constant 0 : i32
        %add3A_411 = vector.broadcast %add3A_410 : i32 to vector<16xi32>
        %add3A_412 = arith.addi %iota3A, %add3A_411 : vector<16xi32>
        %add3A_413 = arith.constant 0 : i32
        %add3A_414 = vector.broadcast %add3A_413 : i32 to vector<16xi32>
        %add3A_415 = arith.addi %iota3A, %add3A_414 : vector<16xi32>
        %gather3A_416 = tpu.vector_load_idx %arg9[%add3A_412, %add3A_360] : memref<512x64xf32, #tpu.memory_space<vmem>>[vector<16xi32>, vector<16xi32>], vector<16xf32>,
        %add3A_417 = arith.addf %gather3A_416, %gather3A : vector<16xf32>
        tpu.vector_store_idx %arg10[%add3A_388, %select_n3A_409, %add3A_415], %add3A_417 : memref<32x8x128xf32, #tpu.memory_space<vmem>>[vector<16xi32>, vector<16xi32>, vector<16xi32>], vector<16xf32>,
        %add3A_418 = arith.constant 16 : i32
        %add3A_419 = vector.broadcast %add3A_418 : i32 to vector<16xi32>
        %add3A_420 = arith.addi %iota3A, %add3A_419 : vector<16xi32>
        %add3A_421 = arith.constant 16 : i32
        %add3A_422 = vector.broadcast %add3A_421 : i32 to vector<16xi32>
        %add3A_423 = arith.addi %iota3A, %add3A_422 : vector<16xi32>
        %gather3A_424 = tpu.vector_load_idx %arg9[%add3A_420, %add3A_360] : memref<512x64xf32, #tpu.memory_space<vmem>>[vector<16xi32>, vector<16xi32>], vector<16xf32>,
        %add3A_425 = arith.addf %gather3A_424, %gather3A : vector<16xf32>
        tpu.vector_store_idx %arg10[%add3A_388, %select_n3A_409, %add3A_423], %add3A_425 : memref<32x8x128xf32, #tpu.memory_space<vmem>>[vector<16xi32>, vector<16xi32>, vector<16xi32>], vector<16xf32>,
        %add3A_426 = arith.constant 32 : i32
        %add3A_427 = vector.broadcast %add3A_426 : i32 to vector<16xi32>
        %add3A_428 = arith.addi %iota3A, %add3A_427 : vector<16xi32>
        %add3A_429 = arith.constant 32 : i32
        %add3A_430 = vector.broadcast %add3A_429 : i32 to vector<16xi32>
        %add3A_431 = arith.addi %iota3A, %add3A_430 : vector<16xi32>
        %gather3A_432 = tpu.vector_load_idx %arg9[%add3A_428, %add3A_360] : memref<512x64xf32, #tpu.memory_space<vmem>>[vector<16xi32>, vector<16xi32>], vector<16xf32>,
        %add3A_433 = arith.addf %gather3A_432, %gather3A : vector<16xf32>
        tpu.vector_store_idx %arg10[%add3A_388, %select_n3A_409, %add3A_431], %add3A_433 : memref<32x8x128xf32, #tpu.memory_space<vmem>>[vector<16xi32>, vector<16xi32>, vector<16xi32>], vector<16xf32>,
        %add3A_434 = arith.constant 48 : i32
        %add3A_435 = vector.broadcast %add3A_434 : i32 to vector<16xi32>
        %add3A_436 = arith.addi %iota3A, %add3A_435 : vector<16xi32>
        %add3A_437 = arith.constant 48 : i32
        %add3A_438 = vector.broadcast %add3A_437 : i32 to vector<16xi32>
        %add3A_439 = arith.addi %iota3A, %add3A_438 : vector<16xi32>
        %gather3A_440 = tpu.vector_load_idx %arg9[%add3A_436, %add3A_360] : memref<512x64xf32, #tpu.memory_space<vmem>>[vector<16xi32>, vector<16xi32>], vector<16xf32>,
        %add3A_441 = arith.addf %gather3A_440, %gather3A : vector<16xf32>
        tpu.vector_store_idx %arg10[%add3A_388, %select_n3A_409, %add3A_439], %add3A_441 : memref<32x8x128xf32, #tpu.memory_space<vmem>>[vector<16xi32>, vector<16xi32>, vector<16xi32>], vector<16xf32>,
        %add3A_442 = arith.constant 64 : i32
        %add3A_443 = vector.broadcast %add3A_442 : i32 to vector<16xi32>
        %add3A_444 = arith.addi %iota3A, %add3A_443 : vector<16xi32>
        %add3A_445 = arith.constant 64 : i32
        %add3A_446 = vector.broadcast %add3A_445 : i32 to vector<16xi32>
        %add3A_447 = arith.addi %iota3A, %add3A_446 : vector<16xi32>
        %gather3A_448 = tpu.vector_load_idx %arg9[%add3A_444, %add3A_360] : memref<512x64xf32, #tpu.memory_space<vmem>>[vector<16xi32>, vector<16xi32>], vector<16xf32>,
        %add3A_449 = arith.addf %gather3A_448, %gather3A : vector<16xf32>
        tpu.vector_store_idx %arg10[%add3A_388, %select_n3A_409, %add3A_447], %add3A_449 : memref<32x8x128xf32, #tpu.memory_space<vmem>>[vector<16xi32>, vector<16xi32>, vector<16xi32>], vector<16xf32>,
        %add3A_450 = arith.constant 80 : i32
        %add3A_451 = vector.broadcast %add3A_450 : i32 to vector<16xi32>
        %add3A_452 = arith.addi %iota3A, %add3A_451 : vector<16xi32>
        %add3A_453 = arith.constant 80 : i32
        %add3A_454 = vector.broadcast %add3A_453 : i32 to vector<16xi32>
        %add3A_455 = arith.addi %iota3A, %add3A_454 : vector<16xi32>
        %gather3A_456 = tpu.vector_load_idx %arg9[%add3A_452, %add3A_360] : memref<512x64xf32, #tpu.memory_space<vmem>>[vector<16xi32>, vector<16xi32>], vector<16xf32>,
        %add3A_457 = arith.addf %gather3A_456, %gather3A : vector<16xf32>
        tpu.vector_store_idx %arg10[%add3A_388, %select_n3A_409, %add3A_455], %add3A_457 : memref<32x8x128xf32, #tpu.memory_space<vmem>>[vector<16xi32>, vector<16xi32>, vector<16xi32>], vector<16xf32>,
        %add3A_458 = arith.constant 96 : i32
        %add3A_459 = vector.broadcast %add3A_458 : i32 to vector<16xi32>
        %add3A_460 = arith.addi %iota3A, %add3A_459 : vector<16xi32>
        %add3A_461 = arith.constant 96 : i32
        %add3A_462 = vector.broadcast %add3A_461 : i32 to vector<16xi32>
        %add3A_463 = arith.addi %iota3A, %add3A_462 : vector<16xi32>
        %gather3A_464 = tpu.vector_load_idx %arg9[%add3A_460, %add3A_360] : memref<512x64xf32, #tpu.memory_space<vmem>>[vector<16xi32>, vector<16xi32>], vector<16xf32>,
        %add3A_465 = arith.addf %gather3A_464, %gather3A : vector<16xf32>
        tpu.vector_store_idx %arg10[%add3A_388, %select_n3A_409, %add3A_463], %add3A_465 : memref<32x8x128xf32, #tpu.memory_space<vmem>>[vector<16xi32>, vector<16xi32>, vector<16xi32>], vector<16xf32>,
        %add3A_466 = arith.constant 112 : i32
        %add3A_467 = vector.broadcast %add3A_466 : i32 to vector<16xi32>
        %add3A_468 = arith.addi %iota3A, %add3A_467 : vector<16xi32>
        %add3A_469 = arith.constant 112 : i32
        %add3A_470 = vector.broadcast %add3A_469 : i32 to vector<16xi32>
        %add3A_471 = arith.addi %iota3A, %add3A_470 : vector<16xi32>
        %gather3A_472 = tpu.vector_load_idx %arg9[%add3A_468, %add3A_360] : memref<512x64xf32, #tpu.memory_space<vmem>>[vector<16xi32>, vector<16xi32>], vector<16xf32>,
        %add3A_473 = arith.addf %gather3A_472, %gather3A : vector<16xf32>
        tpu.vector_store_idx %arg10[%add3A_388, %select_n3A_409, %add3A_471], %add3A_473 : memref<32x8x128xf32, #tpu.memory_space<vmem>>[vector<16xi32>, vector<16xi32>, vector<16xi32>], vector<16xf32>,
        %add3A_474 = arith.constant 16 : i32
        %add3A_475 = vector.broadcast %add3A_474 : i32 to vector<16xi32>
        %add3A_476 = arith.addi %add3A_475, %and3A_357 : vector<16xi32>
        %gather3A_477 = tpu.vector_load_idx %arg8[%add3A_169, %add3A_476] : memref<200x64xf32, #tpu.memory_space<vmem>>[vector<16xi32>, vector<16xi32>], vector<16xf32>,
        %jit3A_478 = arith.constant 8 : i32
        %div3A_479 = vector.broadcast %jit3A_478 : i32 to vector<16xi32>
        %div3A_480 = arith.divsi %add3A_476, %div3A_479 : vector<16xi32>
        %sign3A_481 = arith.constant 0 : i32
        %sign3A_482 = vector.broadcast %sign3A_481 : i32 to vector<16xi32>
        %sign3A_483 = arith.cmpi sgt, %add3A_476, %sign3A_482 : vector<16xi32>
        %sign3A_484 = arith.extui %sign3A_483 : vector<16xi1> to vector<16xi32>
        %sign3A_485 = arith.constant 0 : i32
        %sign3A_486 = vector.broadcast %sign3A_485 : i32 to vector<16xi32>
        %sign3A_487 = arith.cmpi slt, %add3A_476, %sign3A_486 : vector<16xi32>
        %sign3A_488 = arith.extui %sign3A_487 : vector<16xi1> to vector<16xi32>
        %sign3A_489 = arith.subi %sign3A_484, %sign3A_488 : vector<16xi32>
        %sign3A_490 = arith.constant 0 : i32
        %sign3A_491 = arith.cmpi sgt, %jit3A_478, %sign3A_490 : i32
        %sign3A_492 = arith.extui %sign3A_491 : i1 to i32
        %sign3A_493 = arith.constant 0 : i32
        %sign3A_494 = arith.cmpi slt, %jit3A_478, %sign3A_493 : i32
        %sign3A_495 = arith.extui %sign3A_494 : i1 to i32
        %sign3A_496 = arith.subi %sign3A_492, %sign3A_495 : i32
        %ne3A_497 = vector.broadcast %sign3A_496 : i32 to vector<16xi32>
        %ne3A_498 = arith.cmpi ne, %sign3A_489, %ne3A_497 : vector<16xi32>
        %rem3A_499 = vector.broadcast %jit3A_478 : i32 to vector<16xi32>
        %rem3A_500 = arith.remsi %add3A_476, %rem3A_499 : vector<16xi32>
        %ne3A_501 = arith.constant 0 : i32
        %ne3A_502 = vector.broadcast %ne3A_501 : i32 to vector<16xi32>
        %ne3A_503 = arith.cmpi ne, %rem3A_500, %ne3A_502 : vector<16xi32>
        %and3A_504 = arith.andi %ne3A_498, %ne3A_503 : vector<16xi1>
        %sub3A_505 = arith.constant 1 : i32
        %sub3A_506 = vector.broadcast %sub3A_505 : i32 to vector<16xi32>
        %sub3A_507 = arith.subi %div3A_480, %sub3A_506 : vector<16xi32>
        %select_n3A_508 = arith.select %and3A_504, %sub3A_507, %div3A_480 : vector<16xi1>, vector<16xi32>
        %add3A_509 = arith.constant 0 : i32
        %add3A_510 = vector.broadcast %add3A_509 : i32 to vector<16xi32>
        %add3A_511 = arith.addi %add3A_510, %select_n3A_508 : vector<16xi32>
        %jit3A_512 = arith.constant 8 : i32
        %eq3A_513 = arith.constant 0 : i32
        %eq3A_514 = arith.cmpi eq, %jit3A_512, %eq3A_513 : i32
        %jit3A_515 = arith.constant 1 : i32
        %select_n3A_516 = arith.select %eq3A_514, %jit3A_515, %jit3A_512 : i32
        %rem3A_517 = vector.broadcast %select_n3A_516 : i32 to vector<16xi32>
        %rem3A_518 = arith.remsi %add3A_476, %rem3A_517 : vector<16xi32>
        %ne3A_519 = arith.constant 0 : i32
        %ne3A_520 = vector.broadcast %ne3A_519 : i32 to vector<16xi32>
        %ne3A_521 = arith.cmpi ne, %rem3A_518, %ne3A_520 : vector<16xi32>
        %lt3A_522 = arith.constant 0 : i32
        %lt3A_523 = vector.broadcast %lt3A_522 : i32 to vector<16xi32>
        %lt3A_524 = arith.cmpi slt, %rem3A_518, %lt3A_523 : vector<16xi32>
        %lt3A_525 = arith.constant 0 : i32
        %lt3A_526 = arith.cmpi slt, %select_n3A_516, %lt3A_525 : i32
        %ne3A_527 = vector.broadcast %lt3A_526 : i1 to vector<16xi1>
        %ne3A_528 = vector.broadcast %ne3A_527 : vector<16xi1> to vector<16xi1>
        %ne3A_529 = arith.xori %lt3A_524, %ne3A_528 : vector<16xi1>
        %and3A_530 = arith.andi %ne3A_529, %ne3A_521 : vector<16xi1>
        %add3A_531 = vector.broadcast %select_n3A_516 : i32 to vector<16xi32>
        %add3A_532 = arith.addi %rem3A_518, %add3A_531 : vector<16xi32>
        %select_n3A_533 = arith.select %and3A_530, %add3A_532, %rem3A_518 : vector<16xi1>, vector<16xi32>
        %add3A_534 = arith.constant 0 : i32
        %add3A_535 = vector.broadcast %add3A_534 : i32 to vector<16xi32>
        %add3A_536 = arith.addi %iota3A, %add3A_535 : vector<16xi32>
        %add3A_537 = arith.constant 0 : i32
        %add3A_538 = vector.broadcast %add3A_537 : i32 to vector<16xi32>
        %add3A_539 = arith.addi %iota3A, %add3A_538 : vector<16xi32>
        %gather3A_540 = tpu.vector_load_idx %arg9[%add3A_536, %add3A_476] : memref<512x64xf32, #tpu.memory_space<vmem>>[vector<16xi32>, vector<16xi32>], vector<16xf32>,
        %add3A_541 = arith.addf %gather3A_540, %gather3A_477 : vector<16xf32>
        tpu.vector_store_idx %arg10[%add3A_511, %select_n3A_533, %add3A_539], %add3A_541 : memref<32x8x128xf32, #tpu.memory_space<vmem>>[vector<16xi32>, vector<16xi32>, vector<16xi32>], vector<16xf32>,
        %add3A_542 = arith.constant 16 : i32
        %add3A_543 = vector.broadcast %add3A_542 : i32 to vector<16xi32>
        %add3A_544 = arith.addi %iota3A, %add3A_543 : vector<16xi32>
        %add3A_545 = arith.constant 16 : i32
        %add3A_546 = vector.broadcast %add3A_545 : i32 to vector<16xi32>
        %add3A_547 = arith.addi %iota3A, %add3A_546 : vector<16xi32>
        %gather3A_548 = tpu.vector_load_idx %arg9[%add3A_544, %add3A_476] : memref<512x64xf32, #tpu.memory_space<vmem>>[vector<16xi32>, vector<16xi32>], vector<16xf32>,
        %add3A_549 = arith.addf %gather3A_548, %gather3A_477 : vector<16xf32>
        tpu.vector_store_idx %arg10[%add3A_511, %select_n3A_533, %add3A_547], %add3A_549 : memref<32x8x128xf32, #tpu.memory_space<vmem>>[vector<16xi32>, vector<16xi32>, vector<16xi32>], vector<16xf32>,
        %add3A_550 = arith.constant 32 : i32
        %add3A_551 = vector.broadcast %add3A_550 : i32 to vector<16xi32>
        %add3A_552 = arith.addi %iota3A, %add3A_551 : vector<16xi32>
        %add3A_553 = arith.constant 32 : i32
        %add3A_554 = vector.broadcast %add3A_553 : i32 to vector<16xi32>
        %add3A_555 = arith.addi %iota3A, %add3A_554 : vector<16xi32>
        %gather3A_556 = tpu.vector_load_idx %arg9[%add3A_552, %add3A_476] : memref<512x64xf32, #tpu.memory_space<vmem>>[vector<16xi32>, vector<16xi32>], vector<16xf32>,
        %add3A_557 = arith.addf %gather3A_556, %gather3A_477 : vector<16xf32>
        tpu.vector_store_idx %arg10[%add3A_511, %select_n3A_533, %add3A_555], %add3A_557 : memref<32x8x128xf32, #tpu.memory_space<vmem>>[vector<16xi32>, vector<16xi32>, vector<16xi32>], vector<16xf32>,
        %add3A_558 = arith.constant 48 : i32
        %add3A_559 = vector.broadcast %add3A_558 : i32 to vector<16xi32>
        %add3A_560 = arith.addi %iota3A, %add3A_559 : vector<16xi32>
        %add3A_561 = arith.constant 48 : i32
        %add3A_562 = vector.broadcast %add3A_561 : i32 to vector<16xi32>
        %add3A_563 = arith.addi %iota3A, %add3A_562 : vector<16xi32>
        %gather3A_564 = tpu.vector_load_idx %arg9[%add3A_560, %add3A_476] : memref<512x64xf32, #tpu.memory_space<vmem>>[vector<16xi32>, vector<16xi32>], vector<16xf32>,
        %add3A_565 = arith.addf %gather3A_564, %gather3A_477 : vector<16xf32>
        tpu.vector_store_idx %arg10[%add3A_511, %select_n3A_533, %add3A_563], %add3A_565 : memref<32x8x128xf32, #tpu.memory_space<vmem>>[vector<16xi32>, vector<16xi32>, vector<16xi32>], vector<16xf32>,
        %add3A_566 = arith.constant 64 : i32
        %add3A_567 = vector.broadcast %add3A_566 : i32 to vector<16xi32>
        %add3A_568 = arith.addi %iota3A, %add3A_567 : vector<16xi32>
        %add3A_569 = arith.constant 64 : i32
        %add3A_570 = vector.broadcast %add3A_569 : i32 to vector<16xi32>
        %add3A_571 = arith.addi %iota3A, %add3A_570 : vector<16xi32>
        %gather3A_572 = tpu.vector_load_idx %arg9[%add3A_568, %add3A_476] : memref<512x64xf32, #tpu.memory_space<vmem>>[vector<16xi32>, vector<16xi32>], vector<16xf32>,
        %add3A_573 = arith.addf %gather3A_572, %gather3A_477 : vector<16xf32>
        tpu.vector_store_idx %arg10[%add3A_511, %select_n3A_533, %add3A_571], %add3A_573 : memref<32x8x128xf32, #tpu.memory_space<vmem>>[vector<16xi32>, vector<16xi32>, vector<16xi32>], vector<16xf32>,
        %add3A_574 = arith.constant 80 : i32
        %add3A_575 = vector.broadcast %add3A_574 : i32 to vector<16xi32>
        %add3A_576 = arith.addi %iota3A, %add3A_575 : vector<16xi32>
        %add3A_577 = arith.constant 80 : i32
        %add3A_578 = vector.broadcast %add3A_577 : i32 to vector<16xi32>
        %add3A_579 = arith.addi %iota3A, %add3A_578 : vector<16xi32>
        %gather3A_580 = tpu.vector_load_idx %arg9[%add3A_576, %add3A_476] : memref<512x64xf32, #tpu.memory_space<vmem>>[vector<16xi32>, vector<16xi32>], vector<16xf32>,
        %add3A_581 = arith.addf %gather3A_580, %gather3A_477 : vector<16xf32>
        tpu.vector_store_idx %arg10[%add3A_511, %select_n3A_533, %add3A_579], %add3A_581 : memref<32x8x128xf32, #tpu.memory_space<vmem>>[vector<16xi32>, vector<16xi32>, vector<16xi32>], vector<16xf32>,
        %add3A_582 = arith.constant 96 : i32
        %add3A_583 = vector.broadcast %add3A_582 : i32 to vector<16xi32>
        %add3A_584 = arith.addi %iota3A, %add3A_583 : vector<16xi32>
        %add3A_585 = arith.constant 96 : i32
        %add3A_586 = vector.broadcast %add3A_585 : i32 to vector<16xi32>
        %add3A_587 = arith.addi %iota3A, %add3A_586 : vector<16xi32>
        %gather3A_588 = tpu.vector_load_idx %arg9[%add3A_584, %add3A_476] : memref<512x64xf32, #tpu.memory_space<vmem>>[vector<16xi32>, vector<16xi32>], vector<16xf32>,
        %add3A_589 = arith.addf %gather3A_588, %gather3A_477 : vector<16xf32>
        tpu.vector_store_idx %arg10[%add3A_511, %select_n3A_533, %add3A_587], %add3A_589 : memref<32x8x128xf32, #tpu.memory_space<vmem>>[vector<16xi32>, vector<16xi32>, vector<16xi32>], vector<16xf32>,
        %add3A_590 = arith.constant 112 : i32
        %add3A_591 = vector.broadcast %add3A_590 : i32 to vector<16xi32>
        %add3A_592 = arith.addi %iota3A, %add3A_591 : vector<16xi32>
        %add3A_593 = arith.constant 112 : i32
        %add3A_594 = vector.broadcast %add3A_593 : i32 to vector<16xi32>
        %add3A_595 = arith.addi %iota3A, %add3A_594 : vector<16xi32>
        %gather3A_596 = tpu.vector_load_idx %arg9[%add3A_592, %add3A_476] : memref<512x64xf32, #tpu.memory_space<vmem>>[vector<16xi32>, vector<16xi32>], vector<16xf32>,
        %add3A_597 = arith.addf %gather3A_596, %gather3A_477 : vector<16xf32>
        tpu.vector_store_idx %arg10[%add3A_511, %select_n3A_533, %add3A_595], %add3A_597 : memref<32x8x128xf32, #tpu.memory_space<vmem>>[vector<16xi32>, vector<16xi32>, vector<16xi32>], vector<16xf32>,
        %add3A_598 = arith.constant 32 : i32
        %add3A_599 = vector.broadcast %add3A_598 : i32 to vector<16xi32>
        %add3A_600 = arith.addi %add3A_599, %and3A_357 : vector<16xi32>
        %gather3A_601 = tpu.vector_load_idx %arg8[%add3A_169, %add3A_600] : memref<200x64xf32, #tpu.memory_space<vmem>>[vector<16xi32>, vector<16xi32>], vector<16xf32>,
        %jit3A_602 = arith.constant 8 : i32
        %div3A_603 = vector.broadcast %jit3A_602 : i32 to vector<16xi32>
        %div3A_604 = arith.divsi %add3A_600, %div3A_603 : vector<16xi32>
        %sign3A_605 = arith.constant 0 : i32
        %sign3A_606 = vector.broadcast %sign3A_605 : i32 to vector<16xi32>
        %sign3A_607 = arith.cmpi sgt, %add3A_600, %sign3A_606 : vector<16xi32>
        %sign3A_608 = arith.extui %sign3A_607 : vector<16xi1> to vector<16xi32>
        %sign3A_609 = arith.constant 0 : i32
        %sign3A_610 = vector.broadcast %sign3A_609 : i32 to vector<16xi32>
        %sign3A_611 = arith.cmpi slt, %add3A_600, %sign3A_610 : vector<16xi32>
        %sign3A_612 = arith.extui %sign3A_611 : vector<16xi1> to vector<16xi32>
        %sign3A_613 = arith.subi %sign3A_608, %sign3A_612 : vector<16xi32>
        %sign3A_614 = arith.constant 0 : i32
        %sign3A_615 = arith.cmpi sgt, %jit3A_602, %sign3A_614 : i32
        %sign3A_616 = arith.extui %sign3A_615 : i1 to i32
        %sign3A_617 = arith.constant 0 : i32
        %sign3A_618 = arith.cmpi slt, %jit3A_602, %sign3A_617 : i32
        %sign3A_619 = arith.extui %sign3A_618 : i1 to i32
        %sign3A_620 = arith.subi %sign3A_616, %sign3A_619 : i32
        %ne3A_621 = vector.broadcast %sign3A_620 : i32 to vector<16xi32>
        %ne3A_622 = arith.cmpi ne, %sign3A_613, %ne3A_621 : vector<16xi32>
        %rem3A_623 = vector.broadcast %jit3A_602 : i32 to vector<16xi32>
        %rem3A_624 = arith.remsi %add3A_600, %rem3A_623 : vector<16xi32>
        %ne3A_625 = arith.constant 0 : i32
        %ne3A_626 = vector.broadcast %ne3A_625 : i32 to vector<16xi32>
        %ne3A_627 = arith.cmpi ne, %rem3A_624, %ne3A_626 : vector<16xi32>
        %and3A_628 = arith.andi %ne3A_622, %ne3A_627 : vector<16xi1>
        %sub3A_629 = arith.constant 1 : i32
        %sub3A_630 = vector.broadcast %sub3A_629 : i32 to vector<16xi32>
        %sub3A_631 = arith.subi %div3A_604, %sub3A_630 : vector<16xi32>
        %select_n3A_632 = arith.select %and3A_628, %sub3A_631, %div3A_604 : vector<16xi1>, vector<16xi32>
        %add3A_633 = arith.constant 0 : i32
        %add3A_634 = vector.broadcast %add3A_633 : i32 to vector<16xi32>
        %add3A_635 = arith.addi %add3A_634, %select_n3A_632 : vector<16xi32>
        %jit3A_636 = arith.constant 8 : i32
        %eq3A_637 = arith.constant 0 : i32
        %eq3A_638 = arith.cmpi eq, %jit3A_636, %eq3A_637 : i32
        %jit3A_639 = arith.constant 1 : i32
        %select_n3A_640 = arith.select %eq3A_638, %jit3A_639, %jit3A_636 : i32
        %rem3A_641 = vector.broadcast %select_n3A_640 : i32 to vector<16xi32>
        %rem3A_642 = arith.remsi %add3A_600, %rem3A_641 : vector<16xi32>
        %ne3A_643 = arith.constant 0 : i32
        %ne3A_644 = vector.broadcast %ne3A_643 : i32 to vector<16xi32>
        %ne3A_645 = arith.cmpi ne, %rem3A_642, %ne3A_644 : vector<16xi32>
        %lt3A_646 = arith.constant 0 : i32
        %lt3A_647 = vector.broadcast %lt3A_646 : i32 to vector<16xi32>
        %lt3A_648 = arith.cmpi slt, %rem3A_642, %lt3A_647 : vector<16xi32>
        %lt3A_649 = arith.constant 0 : i32
        %lt3A_650 = arith.cmpi slt, %select_n3A_640, %lt3A_649 : i32
        %ne3A_651 = vector.broadcast %lt3A_650 : i1 to vector<16xi1>
        %ne3A_652 = vector.broadcast %ne3A_651 : vector<16xi1> to vector<16xi1>
        %ne3A_653 = arith.xori %lt3A_648, %ne3A_652 : vector<16xi1>
        %and3A_654 = arith.andi %ne3A_653, %ne3A_645 : vector<16xi1>
        %add3A_655 = vector.broadcast %select_n3A_640 : i32 to vector<16xi32>
        %add3A_656 = arith.addi %rem3A_642, %add3A_655 : vector<16xi32>
        %select_n3A_657 = arith.select %and3A_654, %add3A_656, %rem3A_642 : vector<16xi1>, vector<16xi32>
        %add3A_658 = arith.constant 0 : i32
        %add3A_659 = vector.broadcast %add3A_658 : i32 to vector<16xi32>
        %add3A_660 = arith.addi %iota3A, %add3A_659 : vector<16xi32>
        %add3A_661 = arith.constant 0 : i32
        %add3A_662 = vector.broadcast %add3A_661 : i32 to vector<16xi32>
        %add3A_663 = arith.addi %iota3A, %add3A_662 : vector<16xi32>
        %gather3A_664 = tpu.vector_load_idx %arg9[%add3A_660, %add3A_600] : memref<512x64xf32, #tpu.memory_space<vmem>>[vector<16xi32>, vector<16xi32>], vector<16xf32>,
        %add3A_665 = arith.addf %gather3A_664, %gather3A_601 : vector<16xf32>
        tpu.vector_store_idx %arg10[%add3A_635, %select_n3A_657, %add3A_663], %add3A_665 : memref<32x8x128xf32, #tpu.memory_space<vmem>>[vector<16xi32>, vector<16xi32>, vector<16xi32>], vector<16xf32>,
        %add3A_666 = arith.constant 16 : i32
        %add3A_667 = vector.broadcast %add3A_666 : i32 to vector<16xi32>
        %add3A_668 = arith.addi %iota3A, %add3A_667 : vector<16xi32>
        %add3A_669 = arith.constant 16 : i32
        %add3A_670 = vector.broadcast %add3A_669 : i32 to vector<16xi32>
        %add3A_671 = arith.addi %iota3A, %add3A_670 : vector<16xi32>
        %gather3A_672 = tpu.vector_load_idx %arg9[%add3A_668, %add3A_600] : memref<512x64xf32, #tpu.memory_space<vmem>>[vector<16xi32>, vector<16xi32>], vector<16xf32>,
        %add3A_673 = arith.addf %gather3A_672, %gather3A_601 : vector<16xf32>
        tpu.vector_store_idx %arg10[%add3A_635, %select_n3A_657, %add3A_671], %add3A_673 : memref<32x8x128xf32, #tpu.memory_space<vmem>>[vector<16xi32>, vector<16xi32>, vector<16xi32>], vector<16xf32>,
        %add3A_674 = arith.constant 32 : i32
        %add3A_675 = vector.broadcast %add3A_674 : i32 to vector<16xi32>
        %add3A_676 = arith.addi %iota3A, %add3A_675 : vector<16xi32>
        %add3A_677 = arith.constant 32 : i32
        %add3A_678 = vector.broadcast %add3A_677 : i32 to vector<16xi32>
        %add3A_679 = arith.addi %iota3A, %add3A_678 : vector<16xi32>
        %gather3A_680 = tpu.vector_load_idx %arg9[%add3A_676, %add3A_600] : memref<512x64xf32, #tpu.memory_space<vmem>>[vector<16xi32>, vector<16xi32>], vector<16xf32>,
        %add3A_681 = arith.addf %gather3A_680, %gather3A_601 : vector<16xf32>
        tpu.vector_store_idx %arg10[%add3A_635, %select_n3A_657, %add3A_679], %add3A_681 : memref<32x8x128xf32, #tpu.memory_space<vmem>>[vector<16xi32>, vector<16xi32>, vector<16xi32>], vector<16xf32>,
        %add3A_682 = arith.constant 48 : i32
        %add3A_683 = vector.broadcast %add3A_682 : i32 to vector<16xi32>
        %add3A_684 = arith.addi %iota3A, %add3A_683 : vector<16xi32>
        %add3A_685 = arith.constant 48 : i32
        %add3A_686 = vector.broadcast %add3A_685 : i32 to vector<16xi32>
        %add3A_687 = arith.addi %iota3A, %add3A_686 : vector<16xi32>
        %gather3A_688 = tpu.vector_load_idx %arg9[%add3A_684, %add3A_600] : memref<512x64xf32, #tpu.memory_space<vmem>>[vector<16xi32>, vector<16xi32>], vector<16xf32>,
        %add3A_689 = arith.addf %gather3A_688, %gather3A_601 : vector<16xf32>
        tpu.vector_store_idx %arg10[%add3A_635, %select_n3A_657, %add3A_687], %add3A_689 : memref<32x8x128xf32, #tpu.memory_space<vmem>>[vector<16xi32>, vector<16xi32>, vector<16xi32>], vector<16xf32>,
        %add3A_690 = arith.constant 64 : i32
        %add3A_691 = vector.broadcast %add3A_690 : i32 to vector<16xi32>
        %add3A_692 = arith.addi %iota3A, %add3A_691 : vector<16xi32>
        %add3A_693 = arith.constant 64 : i32
        %add3A_694 = vector.broadcast %add3A_693 : i32 to vector<16xi32>
        %add3A_695 = arith.addi %iota3A, %add3A_694 : vector<16xi32>
        %gather3A_696 = tpu.vector_load_idx %arg9[%add3A_692, %add3A_600] : memref<512x64xf32, #tpu.memory_space<vmem>>[vector<16xi32>, vector<16xi32>], vector<16xf32>,
        %add3A_697 = arith.addf %gather3A_696, %gather3A_601 : vector<16xf32>
        tpu.vector_store_idx %arg10[%add3A_635, %select_n3A_657, %add3A_695], %add3A_697 : memref<32x8x128xf32, #tpu.memory_space<vmem>>[vector<16xi32>, vector<16xi32>, vector<16xi32>], vector<16xf32>,
        %add3A_698 = arith.constant 80 : i32
        %add3A_699 = vector.broadcast %add3A_698 : i32 to vector<16xi32>
        %add3A_700 = arith.addi %iota3A, %add3A_699 : vector<16xi32>
        %add3A_701 = arith.constant 80 : i32
        %add3A_702 = vector.broadcast %add3A_701 : i32 to vector<16xi32>
        %add3A_703 = arith.addi %iota3A, %add3A_702 : vector<16xi32>
        %gather3A_704 = tpu.vector_load_idx %arg9[%add3A_700, %add3A_600] : memref<512x64xf32, #tpu.memory_space<vmem>>[vector<16xi32>, vector<16xi32>], vector<16xf32>,
        %add3A_705 = arith.addf %gather3A_704, %gather3A_601 : vector<16xf32>
        tpu.vector_store_idx %arg10[%add3A_635, %select_n3A_657, %add3A_703], %add3A_705 : memref<32x8x128xf32, #tpu.memory_space<vmem>>[vector<16xi32>, vector<16xi32>, vector<16xi32>], vector<16xf32>,
        %add3A_706 = arith.constant 96 : i32
        %add3A_707 = vector.broadcast %add3A_706 : i32 to vector<16xi32>
        %add3A_708 = arith.addi %iota3A, %add3A_707 : vector<16xi32>
        %add3A_709 = arith.constant 96 : i32
        %add3A_710 = vector.broadcast %add3A_709 : i32 to vector<16xi32>
        %add3A_711 = arith.addi %iota3A, %add3A_710 : vector<16xi32>
        %gather3A_712 = tpu.vector_load_idx %arg9[%add3A_708, %add3A_600] : memref<512x64xf32, #tpu.memory_space<vmem>>[vector<16xi32>, vector<16xi32>], vector<16xf32>,
        %add3A_713 = arith.addf %gather3A_712, %gather3A_601 : vector<16xf32>
        tpu.vector_store_idx %arg10[%add3A_635, %select_n3A_657, %add3A_711], %add3A_713 : memref<32x8x128xf32, #tpu.memory_space<vmem>>[vector<16xi32>, vector<16xi32>, vector<16xi32>], vector<16xf32>,
        %add3A_714 = arith.constant 112 : i32
        %add3A_715 = vector.broadcast %add3A_714 : i32 to vector<16xi32>
        %add3A_716 = arith.addi %iota3A, %add3A_715 : vector<16xi32>
        %add3A_717 = arith.constant 112 : i32
        %add3A_718 = vector.broadcast %add3A_717 : i32 to vector<16xi32>
        %add3A_719 = arith.addi %iota3A, %add3A_718 : vector<16xi32>
        %gather3A_720 = tpu.vector_load_idx %arg9[%add3A_716, %add3A_600] : memref<512x64xf32, #tpu.memory_space<vmem>>[vector<16xi32>, vector<16xi32>], vector<16xf32>,
        %add3A_721 = arith.addf %gather3A_720, %gather3A_601 : vector<16xf32>
        tpu.vector_store_idx %arg10[%add3A_635, %select_n3A_657, %add3A_719], %add3A_721 : memref<32x8x128xf32, #tpu.memory_space<vmem>>[vector<16xi32>, vector<16xi32>, vector<16xi32>], vector<16xf32>,
        %add3A_722 = arith.constant 48 : i32
        %add3A_723 = vector.broadcast %add3A_722 : i32 to vector<16xi32>
        %add3A_724 = arith.addi %add3A_723, %and3A_357 : vector<16xi32>
        %gather3A_725 = tpu.vector_load_idx %arg8[%add3A_169, %add3A_724] : memref<200x64xf32, #tpu.memory_space<vmem>>[vector<16xi32>, vector<16xi32>], vector<16xf32>,
        %jit3A_726 = arith.constant 8 : i32
        %div3A_727 = vector.broadcast %jit3A_726 : i32 to vector<16xi32>
        %div3A_728 = arith.divsi %add3A_724, %div3A_727 : vector<16xi32>
        %sign3A_729 = arith.constant 0 : i32
        %sign3A_730 = vector.broadcast %sign3A_729 : i32 to vector<16xi32>
        %sign3A_731 = arith.cmpi sgt, %add3A_724, %sign3A_730 : vector<16xi32>
        %sign3A_732 = arith.extui %sign3A_731 : vector<16xi1> to vector<16xi32>
        %sign3A_733 = arith.constant 0 : i32
        %sign3A_734 = vector.broadcast %sign3A_733 : i32 to vector<16xi32>
        %sign3A_735 = arith.cmpi slt, %add3A_724, %sign3A_734 : vector<16xi32>
        %sign3A_736 = arith.extui %sign3A_735 : vector<16xi1> to vector<16xi32>
        %sign3A_737 = arith.subi %sign3A_732, %sign3A_736 : vector<16xi32>
        %sign3A_738 = arith.constant 0 : i32
        %sign3A_739 = arith.cmpi sgt, %jit3A_726, %sign3A_738 : i32
        %sign3A_740 = arith.extui %sign3A_739 : i1 to i32
        %sign3A_741 = arith.constant 0 : i32
        %sign3A_742 = arith.cmpi slt, %jit3A_726, %sign3A_741 : i32
        %sign3A_743 = arith.extui %sign3A_742 : i1 to i32
        %sign3A_744 = arith.subi %sign3A_740, %sign3A_743 : i32
        %ne3A_745 = vector.broadcast %sign3A_744 : i32 to vector<16xi32>
        %ne3A_746 = arith.cmpi ne, %sign3A_737, %ne3A_745 : vector<16xi32>
        %rem3A_747 = vector.broadcast %jit3A_726 : i32 to vector<16xi32>
        %rem3A_748 = arith.remsi %add3A_724, %rem3A_747 : vector<16xi32>
        %ne3A_749 = arith.constant 0 : i32
        %ne3A_750 = vector.broadcast %ne3A_749 : i32 to vector<16xi32>
        %ne3A_751 = arith.cmpi ne, %rem3A_748, %ne3A_750 : vector<16xi32>
        %and3A_752 = arith.andi %ne3A_746, %ne3A_751 : vector<16xi1>
        %sub3A_753 = arith.constant 1 : i32
        %sub3A_754 = vector.broadcast %sub3A_753 : i32 to vector<16xi32>
        %sub3A_755 = arith.subi %div3A_728, %sub3A_754 : vector<16xi32>
        %select_n3A_756 = arith.select %and3A_752, %sub3A_755, %div3A_728 : vector<16xi1>, vector<16xi32>
        %add3A_757 = arith.constant 0 : i32
        %add3A_758 = vector.broadcast %add3A_757 : i32 to vector<16xi32>
        %add3A_759 = arith.addi %add3A_758, %select_n3A_756 : vector<16xi32>
        %jit3A_760 = arith.constant 8 : i32
        %eq3A_761 = arith.constant 0 : i32
        %eq3A_762 = arith.cmpi eq, %jit3A_760, %eq3A_761 : i32
        %jit3A_763 = arith.constant 1 : i32
        %select_n3A_764 = arith.select %eq3A_762, %jit3A_763, %jit3A_760 : i32
        %rem3A_765 = vector.broadcast %select_n3A_764 : i32 to vector<16xi32>
        %rem3A_766 = arith.remsi %add3A_724, %rem3A_765 : vector<16xi32>
        %ne3A_767 = arith.constant 0 : i32
        %ne3A_768 = vector.broadcast %ne3A_767 : i32 to vector<16xi32>
        %ne3A_769 = arith.cmpi ne, %rem3A_766, %ne3A_768 : vector<16xi32>
        %lt3A_770 = arith.constant 0 : i32
        %lt3A_771 = vector.broadcast %lt3A_770 : i32 to vector<16xi32>
        %lt3A_772 = arith.cmpi slt, %rem3A_766, %lt3A_771 : vector<16xi32>
        %lt3A_773 = arith.constant 0 : i32
        %lt3A_774 = arith.cmpi slt, %select_n3A_764, %lt3A_773 : i32
        %ne3A_775 = vector.broadcast %lt3A_774 : i1 to vector<16xi1>
        %ne3A_776 = vector.broadcast %ne3A_775 : vector<16xi1> to vector<16xi1>
        %ne3A_777 = arith.xori %lt3A_772, %ne3A_776 : vector<16xi1>
        %and3A_778 = arith.andi %ne3A_777, %ne3A_769 : vector<16xi1>
        %add3A_779 = vector.broadcast %select_n3A_764 : i32 to vector<16xi32>
        %add3A_780 = arith.addi %rem3A_766, %add3A_779 : vector<16xi32>
        %select_n3A_781 = arith.select %and3A_778, %add3A_780, %rem3A_766 : vector<16xi1>, vector<16xi32>
        %add3A_782 = arith.constant 0 : i32
        %add3A_783 = vector.broadcast %add3A_782 : i32 to vector<16xi32>
        %add3A_784 = arith.addi %iota3A, %add3A_783 : vector<16xi32>
        %add3A_785 = arith.constant 0 : i32
        %add3A_786 = vector.broadcast %add3A_785 : i32 to vector<16xi32>
        %add3A_787 = arith.addi %iota3A, %add3A_786 : vector<16xi32>
        %gather3A_788 = tpu.vector_load_idx %arg9[%add3A_784, %add3A_724] : memref<512x64xf32, #tpu.memory_space<vmem>>[vector<16xi32>, vector<16xi32>], vector<16xf32>,
        %add3A_789 = arith.addf %gather3A_788, %gather3A_725 : vector<16xf32>
        tpu.vector_store_idx %arg10[%add3A_759, %select_n3A_781, %add3A_787], %add3A_789 : memref<32x8x128xf32, #tpu.memory_space<vmem>>[vector<16xi32>, vector<16xi32>, vector<16xi32>], vector<16xf32>,
        %add3A_790 = arith.constant 16 : i32
        %add3A_791 = vector.broadcast %add3A_790 : i32 to vector<16xi32>
        %add3A_792 = arith.addi %iota3A, %add3A_791 : vector<16xi32>
        %add3A_793 = arith.constant 16 : i32
        %add3A_794 = vector.broadcast %add3A_793 : i32 to vector<16xi32>
        %add3A_795 = arith.addi %iota3A, %add3A_794 : vector<16xi32>
        %gather3A_796 = tpu.vector_load_idx %arg9[%add3A_792, %add3A_724] : memref<512x64xf32, #tpu.memory_space<vmem>>[vector<16xi32>, vector<16xi32>], vector<16xf32>,
        %add3A_797 = arith.addf %gather3A_796, %gather3A_725 : vector<16xf32>
        tpu.vector_store_idx %arg10[%add3A_759, %select_n3A_781, %add3A_795], %add3A_797 : memref<32x8x128xf32, #tpu.memory_space<vmem>>[vector<16xi32>, vector<16xi32>, vector<16xi32>], vector<16xf32>,
        %add3A_798 = arith.constant 32 : i32
        %add3A_799 = vector.broadcast %add3A_798 : i32 to vector<16xi32>
        %add3A_800 = arith.addi %iota3A, %add3A_799 : vector<16xi32>
        %add3A_801 = arith.constant 32 : i32
        %add3A_802 = vector.broadcast %add3A_801 : i32 to vector<16xi32>
        %add3A_803 = arith.addi %iota3A, %add3A_802 : vector<16xi32>
        %gather3A_804 = tpu.vector_load_idx %arg9[%add3A_800, %add3A_724] : memref<512x64xf32, #tpu.memory_space<vmem>>[vector<16xi32>, vector<16xi32>], vector<16xf32>,
        %add3A_805 = arith.addf %gather3A_804, %gather3A_725 : vector<16xf32>
        tpu.vector_store_idx %arg10[%add3A_759, %select_n3A_781, %add3A_803], %add3A_805 : memref<32x8x128xf32, #tpu.memory_space<vmem>>[vector<16xi32>, vector<16xi32>, vector<16xi32>], vector<16xf32>,
        %add3A_806 = arith.constant 48 : i32
        %add3A_807 = vector.broadcast %add3A_806 : i32 to vector<16xi32>
        %add3A_808 = arith.addi %iota3A, %add3A_807 : vector<16xi32>
        %add3A_809 = arith.constant 48 : i32
        %add3A_810 = vector.broadcast %add3A_809 : i32 to vector<16xi32>
        %add3A_811 = arith.addi %iota3A, %add3A_810 : vector<16xi32>
        %gather3A_812 = tpu.vector_load_idx %arg9[%add3A_808, %add3A_724] : memref<512x64xf32, #tpu.memory_space<vmem>>[vector<16xi32>, vector<16xi32>], vector<16xf32>,
        %add3A_813 = arith.addf %gather3A_812, %gather3A_725 : vector<16xf32>
        tpu.vector_store_idx %arg10[%add3A_759, %select_n3A_781, %add3A_811], %add3A_813 : memref<32x8x128xf32, #tpu.memory_space<vmem>>[vector<16xi32>, vector<16xi32>, vector<16xi32>], vector<16xf32>,
        %add3A_814 = arith.constant 64 : i32
        %add3A_815 = vector.broadcast %add3A_814 : i32 to vector<16xi32>
        %add3A_816 = arith.addi %iota3A, %add3A_815 : vector<16xi32>
        %add3A_817 = arith.constant 64 : i32
        %add3A_818 = vector.broadcast %add3A_817 : i32 to vector<16xi32>
        %add3A_819 = arith.addi %iota3A, %add3A_818 : vector<16xi32>
        %gather3A_820 = tpu.vector_load_idx %arg9[%add3A_816, %add3A_724] : memref<512x64xf32, #tpu.memory_space<vmem>>[vector<16xi32>, vector<16xi32>], vector<16xf32>,
        %add3A_821 = arith.addf %gather3A_820, %gather3A_725 : vector<16xf32>
        tpu.vector_store_idx %arg10[%add3A_759, %select_n3A_781, %add3A_819], %add3A_821 : memref<32x8x128xf32, #tpu.memory_space<vmem>>[vector<16xi32>, vector<16xi32>, vector<16xi32>], vector<16xf32>,
        %add3A_822 = arith.constant 80 : i32
        %add3A_823 = vector.broadcast %add3A_822 : i32 to vector<16xi32>
        %add3A_824 = arith.addi %iota3A, %add3A_823 : vector<16xi32>
        %add3A_825 = arith.constant 80 : i32
        %add3A_826 = vector.broadcast %add3A_825 : i32 to vector<16xi32>
        %add3A_827 = arith.addi %iota3A, %add3A_826 : vector<16xi32>
        %gather3A_828 = tpu.vector_load_idx %arg9[%add3A_824, %add3A_724] : memref<512x64xf32, #tpu.memory_space<vmem>>[vector<16xi32>, vector<16xi32>], vector<16xf32>,
        %add3A_829 = arith.addf %gather3A_828, %gather3A_725 : vector<16xf32>
        tpu.vector_store_idx %arg10[%add3A_759, %select_n3A_781, %add3A_827], %add3A_829 : memref<32x8x128xf32, #tpu.memory_space<vmem>>[vector<16xi32>, vector<16xi32>, vector<16xi32>], vector<16xf32>,
        %add3A_830 = arith.constant 96 : i32
        %add3A_831 = vector.broadcast %add3A_830 : i32 to vector<16xi32>
        %add3A_832 = arith.addi %iota3A, %add3A_831 : vector<16xi32>
        %add3A_833 = arith.constant 96 : i32
        %add3A_834 = vector.broadcast %add3A_833 : i32 to vector<16xi32>
        %add3A_835 = arith.addi %iota3A, %add3A_834 : vector<16xi32>
        %gather3A_836 = tpu.vector_load_idx %arg9[%add3A_832, %add3A_724] : memref<512x64xf32, #tpu.memory_space<vmem>>[vector<16xi32>, vector<16xi32>], vector<16xf32>,
        %add3A_837 = arith.addf %gather3A_836, %gather3A_725 : vector<16xf32>
        tpu.vector_store_idx %arg10[%add3A_759, %select_n3A_781, %add3A_835], %add3A_837 : memref<32x8x128xf32, #tpu.memory_space<vmem>>[vector<16xi32>, vector<16xi32>, vector<16xi32>], vector<16xf32>,
        %add3A_838 = arith.constant 112 : i32
        %add3A_839 = vector.broadcast %add3A_838 : i32 to vector<16xi32>
        %add3A_840 = arith.addi %iota3A, %add3A_839 : vector<16xi32>
        %add3A_841 = arith.constant 112 : i32
        %add3A_842 = vector.broadcast %add3A_841 : i32 to vector<16xi32>
        %add3A_843 = arith.addi %iota3A, %add3A_842 : vector<16xi32>
        %gather3A_844 = tpu.vector_load_idx %arg9[%add3A_840, %add3A_724] : memref<512x64xf32, #tpu.memory_space<vmem>>[vector<16xi32>, vector<16xi32>], vector<16xf32>,
        %add3A_845 = arith.addf %gather3A_844, %gather3A_725 : vector<16xf32>
        tpu.vector_store_idx %arg10[%add3A_759, %select_n3A_781, %add3A_843], %add3A_845 : memref<32x8x128xf32, #tpu.memory_space<vmem>>[vector<16xi32>, vector<16xi32>, vector<16xi32>], vector<16xf32>,
        %scan3A_846 = arith.constant 1 : i32
        %scan3A_847 = arith.addi %scan3A_349, %scan3A_846 : i32
        %mul3A_848 = arith.constant 1 : i32
        %mul3A_849 = arith.muli %scan3A_847, %mul3A_848 : i32
        %add3A_850 = arith.constant 0 : i32
        %add3A_851 = arith.addi %add3A_850, %mul3A_849 : i32
        %add3A_852 = vector.broadcast %add3A_851 : i32 to vector<16xi32>
        %add3A_853 = arith.addi %iota3A, %add3A_852 : vector<16xi32>
        %and3A_854 = arith.constant 15 : i32
        %and3A_855 = vector.broadcast %and3A_854 : i32 to vector<16xi32>
        %and3A_856 = arith.andi %add3A_853, %and3A_855 : vector<16xi32>
        %add3A_857 = arith.constant 0 : i32
        %add3A_858 = vector.broadcast %add3A_857 : i32 to vector<16xi32>
        %add3A_859 = arith.addi %add3A_858, %and3A_856 : vector<16xi32>
        %gather3A_860 = tpu.vector_load_idx %arg8[%add3A_169, %add3A_859] : memref<200x64xf32, #tpu.memory_space<vmem>>[vector<16xi32>, vector<16xi32>], vector<16xf32>,
        %jit3A_861 = arith.constant 8 : i32
        %div3A_862 = vector.broadcast %jit3A_861 : i32 to vector<16xi32>
        %div3A_863 = arith.divsi %add3A_859, %div3A_862 : vector<16xi32>
        %sign3A_864 = arith.constant 0 : i32
        %sign3A_865 = vector.broadcast %sign3A_864 : i32 to vector<16xi32>
        %sign3A_866 = arith.cmpi sgt, %add3A_859, %sign3A_865 : vector<16xi32>
        %sign3A_867 = arith.extui %sign3A_866 : vector<16xi1> to vector<16xi32>
        %sign3A_868 = arith.constant 0 : i32
        %sign3A_869 = vector.broadcast %sign3A_868 : i32 to vector<16xi32>
        %sign3A_870 = arith.cmpi slt, %add3A_859, %sign3A_869 : vector<16xi32>
        %sign3A_871 = arith.extui %sign3A_870 : vector<16xi1> to vector<16xi32>
        %sign3A_872 = arith.subi %sign3A_867, %sign3A_871 : vector<16xi32>
        %sign3A_873 = arith.constant 0 : i32
        %sign3A_874 = arith.cmpi sgt, %jit3A_861, %sign3A_873 : i32
        %sign3A_875 = arith.extui %sign3A_874 : i1 to i32
        %sign3A_876 = arith.constant 0 : i32
        %sign3A_877 = arith.cmpi slt, %jit3A_861, %sign3A_876 : i32
        %sign3A_878 = arith.extui %sign3A_877 : i1 to i32
        %sign3A_879 = arith.subi %sign3A_875, %sign3A_878 : i32
        %ne3A_880 = vector.broadcast %sign3A_879 : i32 to vector<16xi32>
        %ne3A_881 = arith.cmpi ne, %sign3A_872, %ne3A_880 : vector<16xi32>
        %rem3A_882 = vector.broadcast %jit3A_861 : i32 to vector<16xi32>
        %rem3A_883 = arith.remsi %add3A_859, %rem3A_882 : vector<16xi32>
        %ne3A_884 = arith.constant 0 : i32
        %ne3A_885 = vector.broadcast %ne3A_884 : i32 to vector<16xi32>
        %ne3A_886 = arith.cmpi ne, %rem3A_883, %ne3A_885 : vector<16xi32>
        %and3A_887 = arith.andi %ne3A_881, %ne3A_886 : vector<16xi1>
        %sub3A_888 = arith.constant 1 : i32
        %sub3A_889 = vector.broadcast %sub3A_888 : i32 to vector<16xi32>
        %sub3A_890 = arith.subi %div3A_863, %sub3A_889 : vector<16xi32>
        %select_n3A_891 = arith.select %and3A_887, %sub3A_890, %div3A_863 : vector<16xi1>, vector<16xi32>
        %add3A_892 = arith.constant 0 : i32
        %add3A_893 = vector.broadcast %add3A_892 : i32 to vector<16xi32>
        %add3A_894 = arith.addi %add3A_893, %select_n3A_891 : vector<16xi32>
        %jit3A_895 = arith.constant 8 : i32
        %eq3A_896 = arith.constant 0 : i32
        %eq3A_897 = arith.cmpi eq, %jit3A_895, %eq3A_896 : i32
        %jit3A_898 = arith.constant 1 : i32
        %select_n3A_899 = arith.select %eq3A_897, %jit3A_898, %jit3A_895 : i32
        %rem3A_900 = vector.broadcast %select_n3A_899 : i32 to vector<16xi32>
        %rem3A_901 = arith.remsi %add3A_859, %rem3A_900 : vector<16xi32>
        %ne3A_902 = arith.constant 0 : i32
        %ne3A_903 = vector.broadcast %ne3A_902 : i32 to vector<16xi32>
        %ne3A_904 = arith.cmpi ne, %rem3A_901, %ne3A_903 : vector<16xi32>
        %lt3A_905 = arith.constant 0 : i32
        %lt3A_906 = vector.broadcast %lt3A_905 : i32 to vector<16xi32>
        %lt3A_907 = arith.cmpi slt, %rem3A_901, %lt3A_906 : vector<16xi32>
        %lt3A_908 = arith.constant 0 : i32
        %lt3A_909 = arith.cmpi slt, %select_n3A_899, %lt3A_908 : i32
        %ne3A_910 = vector.broadcast %lt3A_909 : i1 to vector<16xi1>
        %ne3A_911 = vector.broadcast %ne3A_910 : vector<16xi1> to vector<16xi1>
        %ne3A_912 = arith.xori %lt3A_907, %ne3A_911 : vector<16xi1>
        %and3A_913 = arith.andi %ne3A_912, %ne3A_904 : vector<16xi1>
        %add3A_914 = vector.broadcast %select_n3A_899 : i32 to vector<16xi32>
        %add3A_915 = arith.addi %rem3A_901, %add3A_914 : vector<16xi32>
        %select_n3A_916 = arith.select %and3A_913, %add3A_915, %rem3A_901 : vector<16xi1>, vector<16xi32>
        %add3A_917 = arith.constant 0 : i32
        %add3A_918 = vector.broadcast %add3A_917 : i32 to vector<16xi32>
        %add3A_919 = arith.addi %iota3A, %add3A_918 : vector<16xi32>
        %add3A_920 = arith.constant 0 : i32
        %add3A_921 = vector.broadcast %add3A_920 : i32 to vector<16xi32>
        %add3A_922 = arith.addi %iota3A, %add3A_921 : vector<16xi32>
        %gather3A_923 = tpu.vector_load_idx %arg9[%add3A_919, %add3A_859] : memref<512x64xf32, #tpu.memory_space<vmem>>[vector<16xi32>, vector<16xi32>], vector<16xf32>,
        %add3A_924 = arith.addf %gather3A_923, %gather3A_860 : vector<16xf32>
        tpu.vector_store_idx %arg10[%add3A_894, %select_n3A_916, %add3A_922], %add3A_924 : memref<32x8x128xf32, #tpu.memory_space<vmem>>[vector<16xi32>, vector<16xi32>, vector<16xi32>], vector<16xf32>,
        %add3A_925 = arith.constant 16 : i32
        %add3A_926 = vector.broadcast %add3A_925 : i32 to vector<16xi32>
        %add3A_927 = arith.addi %iota3A, %add3A_926 : vector<16xi32>
        %add3A_928 = arith.constant 16 : i32
        %add3A_929 = vector.broadcast %add3A_928 : i32 to vector<16xi32>
        %add3A_930 = arith.addi %iota3A, %add3A_929 : vector<16xi32>
        %gather3A_931 = tpu.vector_load_idx %arg9[%add3A_927, %add3A_859] : memref<512x64xf32, #tpu.memory_space<vmem>>[vector<16xi32>, vector<16xi32>], vector<16xf32>,
        %add3A_932 = arith.addf %gather3A_931, %gather3A_860 : vector<16xf32>
        tpu.vector_store_idx %arg10[%add3A_894, %select_n3A_916, %add3A_930], %add3A_932 : memref<32x8x128xf32, #tpu.memory_space<vmem>>[vector<16xi32>, vector<16xi32>, vector<16xi32>], vector<16xf32>,
        %add3A_933 = arith.constant 32 : i32
        %add3A_934 = vector.broadcast %add3A_933 : i32 to vector<16xi32>
        %add3A_935 = arith.addi %iota3A, %add3A_934 : vector<16xi32>
        %add3A_936 = arith.constant 32 : i32
        %add3A_937 = vector.broadcast %add3A_936 : i32 to vector<16xi32>
        %add3A_938 = arith.addi %iota3A, %add3A_937 : vector<16xi32>
        %gather3A_939 = tpu.vector_load_idx %arg9[%add3A_935, %add3A_859] : memref<512x64xf32, #tpu.memory_space<vmem>>[vector<16xi32>, vector<16xi32>], vector<16xf32>,
        %add3A_940 = arith.addf %gather3A_939, %gather3A_860 : vector<16xf32>
        tpu.vector_store_idx %arg10[%add3A_894, %select_n3A_916, %add3A_938], %add3A_940 : memref<32x8x128xf32, #tpu.memory_space<vmem>>[vector<16xi32>, vector<16xi32>, vector<16xi32>], vector<16xf32>,
        %add3A_941 = arith.constant 48 : i32
        %add3A_942 = vector.broadcast %add3A_941 : i32 to vector<16xi32>
        %add3A_943 = arith.addi %iota3A, %add3A_942 : vector<16xi32>
        %add3A_944 = arith.constant 48 : i32
        %add3A_945 = vector.broadcast %add3A_944 : i32 to vector<16xi32>
        %add3A_946 = arith.addi %iota3A, %add3A_945 : vector<16xi32>
        %gather3A_947 = tpu.vector_load_idx %arg9[%add3A_943, %add3A_859] : memref<512x64xf32, #tpu.memory_space<vmem>>[vector<16xi32>, vector<16xi32>], vector<16xf32>,
        %add3A_948 = arith.addf %gather3A_947, %gather3A_860 : vector<16xf32>
        tpu.vector_store_idx %arg10[%add3A_894, %select_n3A_916, %add3A_946], %add3A_948 : memref<32x8x128xf32, #tpu.memory_space<vmem>>[vector<16xi32>, vector<16xi32>, vector<16xi32>], vector<16xf32>,
        %add3A_949 = arith.constant 64 : i32
        %add3A_950 = vector.broadcast %add3A_949 : i32 to vector<16xi32>
        %add3A_951 = arith.addi %iota3A, %add3A_950 : vector<16xi32>
        %add3A_952 = arith.constant 64 : i32
        %add3A_953 = vector.broadcast %add3A_952 : i32 to vector<16xi32>
        %add3A_954 = arith.addi %iota3A, %add3A_953 : vector<16xi32>
        %gather3A_955 = tpu.vector_load_idx %arg9[%add3A_951, %add3A_859] : memref<512x64xf32, #tpu.memory_space<vmem>>[vector<16xi32>, vector<16xi32>], vector<16xf32>,
        %add3A_956 = arith.addf %gather3A_955, %gather3A_860 : vector<16xf32>
        tpu.vector_store_idx %arg10[%add3A_894, %select_n3A_916, %add3A_954], %add3A_956 : memref<32x8x128xf32, #tpu.memory_space<vmem>>[vector<16xi32>, vector<16xi32>, vector<16xi32>], vector<16xf32>,
        %add3A_957 = arith.constant 80 : i32
        %add3A_958 = vector.broadcast %add3A_957 : i32 to vector<16xi32>
        %add3A_959 = arith.addi %iota3A, %add3A_958 : vector<16xi32>
        %add3A_960 = arith.constant 80 : i32
        %add3A_961 = vector.broadcast %add3A_960 : i32 to vector<16xi32>
        %add3A_962 = arith.addi %iota3A, %add3A_961 : vector<16xi32>
        %gather3A_963 = tpu.vector_load_idx %arg9[%add3A_959, %add3A_859] : memref<512x64xf32, #tpu.memory_space<vmem>>[vector<16xi32>, vector<16xi32>], vector<16xf32>,
        %add3A_964 = arith.addf %gather3A_963, %gather3A_860 : vector<16xf32>
        tpu.vector_store_idx %arg10[%add3A_894, %select_n3A_916, %add3A_962], %add3A_964 : memref<32x8x128xf32, #tpu.memory_space<vmem>>[vector<16xi32>, vector<16xi32>, vector<16xi32>], vector<16xf32>,
        %add3A_965 = arith.constant 96 : i32
        %add3A_966 = vector.broadcast %add3A_965 : i32 to vector<16xi32>
        %add3A_967 = arith.addi %iota3A, %add3A_966 : vector<16xi32>
        %add3A_968 = arith.constant 96 : i32
        %add3A_969 = vector.broadcast %add3A_968 : i32 to vector<16xi32>
        %add3A_970 = arith.addi %iota3A, %add3A_969 : vector<16xi32>
        %gather3A_971 = tpu.vector_load_idx %arg9[%add3A_967, %add3A_859] : memref<512x64xf32, #tpu.memory_space<vmem>>[vector<16xi32>, vector<16xi32>], vector<16xf32>,
        %add3A_972 = arith.addf %gather3A_971, %gather3A_860 : vector<16xf32>
        tpu.vector_store_idx %arg10[%add3A_894, %select_n3A_916, %add3A_970], %add3A_972 : memref<32x8x128xf32, #tpu.memory_space<vmem>>[vector<16xi32>, vector<16xi32>, vector<16xi32>], vector<16xf32>,
        %add3A_973 = arith.constant 112 : i32
        %add3A_974 = vector.broadcast %add3A_973 : i32 to vector<16xi32>
        %add3A_975 = arith.addi %iota3A, %add3A_974 : vector<16xi32>
        %add3A_976 = arith.constant 112 : i32
        %add3A_977 = vector.broadcast %add3A_976 : i32 to vector<16xi32>
        %add3A_978 = arith.addi %iota3A, %add3A_977 : vector<16xi32>
        %gather3A_979 = tpu.vector_load_idx %arg9[%add3A_975, %add3A_859] : memref<512x64xf32, #tpu.memory_space<vmem>>[vector<16xi32>, vector<16xi32>], vector<16xf32>,
        %add3A_980 = arith.addf %gather3A_979, %gather3A_860 : vector<16xf32>
        tpu.vector_store_idx %arg10[%add3A_894, %select_n3A_916, %add3A_978], %add3A_980 : memref<32x8x128xf32, #tpu.memory_space<vmem>>[vector<16xi32>, vector<16xi32>, vector<16xi32>], vector<16xf32>,
        %add3A_981 = arith.constant 16 : i32
        %add3A_982 = vector.broadcast %add3A_981 : i32 to vector<16xi32>
        %add3A_983 = arith.addi %add3A_982, %and3A_856 : vector<16xi32>
        %gather3A_984 = tpu.vector_load_idx %arg8[%add3A_169, %add3A_983] : memref<200x64xf32, #tpu.memory_space<vmem>>[vector<16xi32>, vector<16xi32>], vector<16xf32>,
        %jit3A_985 = arith.constant 8 : i32
        %div3A_986 = vector.broadcast %jit3A_985 : i32 to vector<16xi32>
        %div3A_987 = arith.divsi %add3A_983, %div3A_986 : vector<16xi32>
        %sign3A_988 = arith.constant 0 : i32
        %sign3A_989 = vector.broadcast %sign3A_988 : i32 to vector<16xi32>
        %sign3A_990 = arith.cmpi sgt, %add3A_983, %sign3A_989 : vector<16xi32>
        %sign3A_991 = arith.extui %sign3A_990 : vector<16xi1> to vector<16xi32>
        %sign3A_992 = arith.constant 0 : i32
        %sign3A_993 = vector.broadcast %sign3A_992 : i32 to vector<16xi32>
        %sign3A_994 = arith.cmpi slt, %add3A_983, %sign3A_993 : vector<16xi32>
        %sign3A_995 = arith.extui %sign3A_994 : vector<16xi1> to vector<16xi32>
        %sign3A_996 = arith.subi %sign3A_991, %sign3A_995 : vector<16xi32>
        %sign3A_997 = arith.constant 0 : i32
        %sign3A_998 = arith.cmpi sgt, %jit3A_985, %sign3A_997 : i32
        %sign3A_999 = arith.extui %sign3A_998 : i1 to i32
        %sign3A_1000 = arith.constant 0 : i32
        %sign3A_1001 = arith.cmpi slt, %jit3A_985, %sign3A_1000 : i32
        %sign3A_1002 = arith.extui %sign3A_1001 : i1 to i32
        %sign3A_1003 = arith.subi %sign3A_999, %sign3A_1002 : i32
        %ne3A_1004 = vector.broadcast %sign3A_1003 : i32 to vector<16xi32>
        %ne3A_1005 = arith.cmpi ne, %sign3A_996, %ne3A_1004 : vector<16xi32>
        %rem3A_1006 = vector.broadcast %jit3A_985 : i32 to vector<16xi32>
        %rem3A_1007 = arith.remsi %add3A_983, %rem3A_1006 : vector<16xi32>
        %ne3A_1008 = arith.constant 0 : i32
        %ne3A_1009 = vector.broadcast %ne3A_1008 : i32 to vector<16xi32>
        %ne3A_1010 = arith.cmpi ne, %rem3A_1007, %ne3A_1009 : vector<16xi32>
        %and3A_1011 = arith.andi %ne3A_1005, %ne3A_1010 : vector<16xi1>
        %sub3A_1012 = arith.constant 1 : i32
        %sub3A_1013 = vector.broadcast %sub3A_1012 : i32 to vector<16xi32>
        %sub3A_1014 = arith.subi %div3A_987, %sub3A_1013 : vector<16xi32>
        %select_n3A_1015 = arith.select %and3A_1011, %sub3A_1014, %div3A_987 : vector<16xi1>, vector<16xi32>
        %add3A_1016 = arith.constant 0 : i32
        %add3A_1017 = vector.broadcast %add3A_1016 : i32 to vector<16xi32>
        %add3A_1018 = arith.addi %add3A_1017, %select_n3A_1015 : vector<16xi32>
        %jit3A_1019 = arith.constant 8 : i32
        %eq3A_1020 = arith.constant 0 : i32
        %eq3A_1021 = arith.cmpi eq, %jit3A_1019, %eq3A_1020 : i32
        %jit3A_1022 = arith.constant 1 : i32
        %select_n3A_1023 = arith.select %eq3A_1021, %jit3A_1022, %jit3A_1019 : i32
        %rem3A_1024 = vector.broadcast %select_n3A_1023 : i32 to vector<16xi32>
        %rem3A_1025 = arith.remsi %add3A_983, %rem3A_1024 : vector<16xi32>
        %ne3A_1026 = arith.constant 0 : i32
        %ne3A_1027 = vector.broadcast %ne3A_1026 : i32 to vector<16xi32>
        %ne3A_1028 = arith.cmpi ne, %rem3A_1025, %ne3A_1027 : vector<16xi32>
        %lt3A_1029 = arith.constant 0 : i32
        %lt3A_1030 = vector.broadcast %lt3A_1029 : i32 to vector<16xi32>
        %lt3A_1031 = arith.cmpi slt, %rem3A_1025, %lt3A_1030 : vector<16xi32>
        %lt3A_1032 = arith.constant 0 : i32
        %lt3A_1033 = arith.cmpi slt, %select_n3A_1023, %lt3A_1032 : i32
        %ne3A_1034 = vector.broadcast %lt3A_1033 : i1 to vector<16xi1>
        %ne3A_1035 = vector.broadcast %ne3A_1034 : vector<16xi1> to vector<16xi1>
        %ne3A_1036 = arith.xori %lt3A_1031, %ne3A_1035 : vector<16xi1>
        %and3A_1037 = arith.andi %ne3A_1036, %ne3A_1028 : vector<16xi1>
        %add3A_1038 = vector.broadcast %select_n3A_1023 : i32 to vector<16xi32>
        %add3A_1039 = arith.addi %rem3A_1025, %add3A_1038 : vector<16xi32>
        %select_n3A_1040 = arith.select %and3A_1037, %add3A_1039, %rem3A_1025 : vector<16xi1>, vector<16xi32>
        %add3A_1041 = arith.constant 0 : i32
        %add3A_1042 = vector.broadcast %add3A_1041 : i32 to vector<16xi32>
        %add3A_1043 = arith.addi %iota3A, %add3A_1042 : vector<16xi32>
        %add3A_1044 = arith.constant 0 : i32
        %add3A_1045 = vector.broadcast %add3A_1044 : i32 to vector<16xi32>
        %add3A_1046 = arith.addi %iota3A, %add3A_1045 : vector<16xi32>
        %gather3A_1047 = tpu.vector_load_idx %arg9[%add3A_1043, %add3A_983] : memref<512x64xf32, #tpu.memory_space<vmem>>[vector<16xi32>, vector<16xi32>], vector<16xf32>,
        %add3A_1048 = arith.addf %gather3A_1047, %gather3A_984 : vector<16xf32>
        tpu.vector_store_idx %arg10[%add3A_1018, %select_n3A_1040, %add3A_1046], %add3A_1048 : memref<32x8x128xf32, #tpu.memory_space<vmem>>[vector<16xi32>, vector<16xi32>, vector<16xi32>], vector<16xf32>,
        %add3A_1049 = arith.constant 16 : i32
        %add3A_1050 = vector.broadcast %add3A_1049 : i32 to vector<16xi32>
        %add3A_1051 = arith.addi %iota3A, %add3A_1050 : vector<16xi32>
        %add3A_1052 = arith.constant 16 : i32
        %add3A_1053 = vector.broadcast %add3A_1052 : i32 to vector<16xi32>
        %add3A_1054 = arith.addi %iota3A, %add3A_1053 : vector<16xi32>
        %gather3A_1055 = tpu.vector_load_idx %arg9[%add3A_1051, %add3A_983] : memref<512x64xf32, #tpu.memory_space<vmem>>[vector<16xi32>, vector<16xi32>], vector<16xf32>,
        %add3A_1056 = arith.addf %gather3A_1055, %gather3A_984 : vector<16xf32>
        tpu.vector_store_idx %arg10[%add3A_1018, %select_n3A_1040, %add3A_1054], %add3A_1056 : memref<32x8x128xf32, #tpu.memory_space<vmem>>[vector<16xi32>, vector<16xi32>, vector<16xi32>], vector<16xf32>,
        %add3A_1057 = arith.constant 32 : i32
        %add3A_1058 = vector.broadcast %add3A_1057 : i32 to vector<16xi32>
        %add3A_1059 = arith.addi %iota3A, %add3A_1058 : vector<16xi32>
        %add3A_1060 = arith.constant 32 : i32
        %add3A_1061 = vector.broadcast %add3A_1060 : i32 to vector<16xi32>
        %add3A_1062 = arith.addi %iota3A, %add3A_1061 : vector<16xi32>
        %gather3A_1063 = tpu.vector_load_idx %arg9[%add3A_1059, %add3A_983] : memref<512x64xf32, #tpu.memory_space<vmem>>[vector<16xi32>, vector<16xi32>], vector<16xf32>,
        %add3A_1064 = arith.addf %gather3A_1063, %gather3A_984 : vector<16xf32>
        tpu.vector_store_idx %arg10[%add3A_1018, %select_n3A_1040, %add3A_1062], %add3A_1064 : memref<32x8x128xf32, #tpu.memory_space<vmem>>[vector<16xi32>, vector<16xi32>, vector<16xi32>], vector<16xf32>,
        %add3A_1065 = arith.constant 48 : i32
        %add3A_1066 = vector.broadcast %add3A_1065 : i32 to vector<16xi32>
        %add3A_1067 = arith.addi %iota3A, %add3A_1066 : vector<16xi32>
        %add3A_1068 = arith.constant 48 : i32
        %add3A_1069 = vector.broadcast %add3A_1068 : i32 to vector<16xi32>
        %add3A_1070 = arith.addi %iota3A, %add3A_1069 : vector<16xi32>
        %gather3A_1071 = tpu.vector_load_idx %arg9[%add3A_1067, %add3A_983] : memref<512x64xf32, #tpu.memory_space<vmem>>[vector<16xi32>, vector<16xi32>], vector<16xf32>,
        %add3A_1072 = arith.addf %gather3A_1071, %gather3A_984 : vector<16xf32>
        tpu.vector_store_idx %arg10[%add3A_1018, %select_n3A_1040, %add3A_1070], %add3A_1072 : memref<32x8x128xf32, #tpu.memory_space<vmem>>[vector<16xi32>, vector<16xi32>, vector<16xi32>], vector<16xf32>,
        %add3A_1073 = arith.constant 64 : i32
        %add3A_1074 = vector.broadcast %add3A_1073 : i32 to vector<16xi32>
        %add3A_1075 = arith.addi %iota3A, %add3A_1074 : vector<16xi32>
        %add3A_1076 = arith.constant 64 : i32
        %add3A_1077 = vector.broadcast %add3A_1076 : i32 to vector<16xi32>
        %add3A_1078 = arith.addi %iota3A, %add3A_1077 : vector<16xi32>
        %gather3A_1079 = tpu.vector_load_idx %arg9[%add3A_1075, %add3A_983] : memref<512x64xf32, #tpu.memory_space<vmem>>[vector<16xi32>, vector<16xi32>], vector<16xf32>,
        %add3A_1080 = arith.addf %gather3A_1079, %gather3A_984 : vector<16xf32>
        tpu.vector_store_idx %arg10[%add3A_1018, %select_n3A_1040, %add3A_1078], %add3A_1080 : memref<32x8x128xf32, #tpu.memory_space<vmem>>[vector<16xi32>, vector<16xi32>, vector<16xi32>], vector<16xf32>,
        %add3A_1081 = arith.constant 80 : i32
        %add3A_1082 = vector.broadcast %add3A_1081 : i32 to vector<16xi32>
        %add3A_1083 = arith.addi %iota3A, %add3A_1082 : vector<16xi32>
        %add3A_1084 = arith.constant 80 : i32
        %add3A_1085 = vector.broadcast %add3A_1084 : i32 to vector<16xi32>
        %add3A_1086 = arith.addi %iota3A, %add3A_1085 : vector<16xi32>
        %gather3A_1087 = tpu.vector_load_idx %arg9[%add3A_1083, %add3A_983] : memref<512x64xf32, #tpu.memory_space<vmem>>[vector<16xi32>, vector<16xi32>], vector<16xf32>,
        %add3A_1088 = arith.addf %gather3A_1087, %gather3A_984 : vector<16xf32>
        tpu.vector_store_idx %arg10[%add3A_1018, %select_n3A_1040, %add3A_1086], %add3A_1088 : memref<32x8x128xf32, #tpu.memory_space<vmem>>[vector<16xi32>, vector<16xi32>, vector<16xi32>], vector<16xf32>,
        %add3A_1089 = arith.constant 96 : i32
        %add3A_1090 = vector.broadcast %add3A_1089 : i32 to vector<16xi32>
        %add3A_1091 = arith.addi %iota3A, %add3A_1090 : vector<16xi32>
        %add3A_1092 = arith.constant 96 : i32
        %add3A_1093 = vector.broadcast %add3A_1092 : i32 to vector<16xi32>
        %add3A_1094 = arith.addi %iota3A, %add3A_1093 : vector<16xi32>
        %gather3A_1095 = tpu.vector_load_idx %arg9[%add3A_1091, %add3A_983] : memref<512x64xf32, #tpu.memory_space<vmem>>[vector<16xi32>, vector<16xi32>], vector<16xf32>,
        %add3A_1096 = arith.addf %gather3A_1095, %gather3A_984 : vector<16xf32>
        tpu.vector_store_idx %arg10[%add3A_1018, %select_n3A_1040, %add3A_1094], %add3A_1096 : memref<32x8x128xf32, #tpu.memory_space<vmem>>[vector<16xi32>, vector<16xi32>, vector<16xi32>], vector<16xf32>,
        %add3A_1097 = arith.constant 112 : i32
        %add3A_1098 = vector.broadcast %add3A_1097 : i32 to vector<16xi32>
        %add3A_1099 = arith.addi %iota3A, %add3A_1098 : vector<16xi32>
        %add3A_1100 = arith.constant 112 : i32
        %add3A_1101 = vector.broadcast %add3A_1100 : i32 to vector<16xi32>
        %add3A_1102 = arith.addi %iota3A, %add3A_1101 : vector<16xi32>
        %gather3A_1103 = tpu.vector_load_idx %arg9[%add3A_1099, %add3A_983] : memref<512x64xf32, #tpu.memory_space<vmem>>[vector<16xi32>, vector<16xi32>], vector<16xf32>,
        %add3A_1104 = arith.addf %gather3A_1103, %gather3A_984 : vector<16xf32>
        tpu.vector_store_idx %arg10[%add3A_1018, %select_n3A_1040, %add3A_1102], %add3A_1104 : memref<32x8x128xf32, #tpu.memory_space<vmem>>[vector<16xi32>, vector<16xi32>, vector<16xi32>], vector<16xf32>,
        %add3A_1105 = arith.constant 32 : i32
        %add3A_1106 = vector.broadcast %add3A_1105 : i32 to vector<16xi32>
        %add3A_1107 = arith.addi %add3A_1106, %and3A_856 : vector<16xi32>
        %gather3A_1108 = tpu.vector_load_idx %arg8[%add3A_169, %add3A_1107] : memref<200x64xf32, #tpu.memory_space<vmem>>[vector<16xi32>, vector<16xi32>], vector<16xf32>,
        %jit3A_1109 = arith.constant 8 : i32
        %div3A_1110 = vector.broadcast %jit3A_1109 : i32 to vector<16xi32>
        %div3A_1111 = arith.divsi %add3A_1107, %div3A_1110 : vector<16xi32>
        %sign3A_1112 = arith.constant 0 : i32
        %sign3A_1113 = vector.broadcast %sign3A_1112 : i32 to vector<16xi32>
        %sign3A_1114 = arith.cmpi sgt, %add3A_1107, %sign3A_1113 : vector<16xi32>
        %sign3A_1115 = arith.extui %sign3A_1114 : vector<16xi1> to vector<16xi32>
        %sign3A_1116 = arith.constant 0 : i32
        %sign3A_1117 = vector.broadcast %sign3A_1116 : i32 to vector<16xi32>
        %sign3A_1118 = arith.cmpi slt, %add3A_1107, %sign3A_1117 : vector<16xi32>
        %sign3A_1119 = arith.extui %sign3A_1118 : vector<16xi1> to vector<16xi32>
        %sign3A_1120 = arith.subi %sign3A_1115, %sign3A_1119 : vector<16xi32>
        %sign3A_1121 = arith.constant 0 : i32
        %sign3A_1122 = arith.cmpi sgt, %jit3A_1109, %sign3A_1121 : i32
        %sign3A_1123 = arith.extui %sign3A_1122 : i1 to i32
        %sign3A_1124 = arith.constant 0 : i32
        %sign3A_1125 = arith.cmpi slt, %jit3A_1109, %sign3A_1124 : i32
        %sign3A_1126 = arith.extui %sign3A_1125 : i1 to i32
        %sign3A_1127 = arith.subi %sign3A_1123, %sign3A_1126 : i32
        %ne3A_1128 = vector.broadcast %sign3A_1127 : i32 to vector<16xi32>
        %ne3A_1129 = arith.cmpi ne, %sign3A_1120, %ne3A_1128 : vector<16xi32>
        %rem3A_1130 = vector.broadcast %jit3A_1109 : i32 to vector<16xi32>
        %rem3A_1131 = arith.remsi %add3A_1107, %rem3A_1130 : vector<16xi32>
        %ne3A_1132 = arith.constant 0 : i32
        %ne3A_1133 = vector.broadcast %ne3A_1132 : i32 to vector<16xi32>
        %ne3A_1134 = arith.cmpi ne, %rem3A_1131, %ne3A_1133 : vector<16xi32>
        %and3A_1135 = arith.andi %ne3A_1129, %ne3A_1134 : vector<16xi1>
        %sub3A_1136 = arith.constant 1 : i32
        %sub3A_1137 = vector.broadcast %sub3A_1136 : i32 to vector<16xi32>
        %sub3A_1138 = arith.subi %div3A_1111, %sub3A_1137 : vector<16xi32>
        %select_n3A_1139 = arith.select %and3A_1135, %sub3A_1138, %div3A_1111 : vector<16xi1>, vector<16xi32>
        %add3A_1140 = arith.constant 0 : i32
        %add3A_1141 = vector.broadcast %add3A_1140 : i32 to vector<16xi32>
        %add3A_1142 = arith.addi %add3A_1141, %select_n3A_1139 : vector<16xi32>
        %jit3A_1143 = arith.constant 8 : i32
        %eq3A_1144 = arith.constant 0 : i32
        %eq3A_1145 = arith.cmpi eq, %jit3A_1143, %eq3A_1144 : i32
        %jit3A_1146 = arith.constant 1 : i32
        %select_n3A_1147 = arith.select %eq3A_1145, %jit3A_1146, %jit3A_1143 : i32
        %rem3A_1148 = vector.broadcast %select_n3A_1147 : i32 to vector<16xi32>
        %rem3A_1149 = arith.remsi %add3A_1107, %rem3A_1148 : vector<16xi32>
        %ne3A_1150 = arith.constant 0 : i32
        %ne3A_1151 = vector.broadcast %ne3A_1150 : i32 to vector<16xi32>
        %ne3A_1152 = arith.cmpi ne, %rem3A_1149, %ne3A_1151 : vector<16xi32>
        %lt3A_1153 = arith.constant 0 : i32
        %lt3A_1154 = vector.broadcast %lt3A_1153 : i32 to vector<16xi32>
        %lt3A_1155 = arith.cmpi slt, %rem3A_1149, %lt3A_1154 : vector<16xi32>
        %lt3A_1156 = arith.constant 0 : i32
        %lt3A_1157 = arith.cmpi slt, %select_n3A_1147, %lt3A_1156 : i32
        %ne3A_1158 = vector.broadcast %lt3A_1157 : i1 to vector<16xi1>
        %ne3A_1159 = vector.broadcast %ne3A_1158 : vector<16xi1> to vector<16xi1>
        %ne3A_1160 = arith.xori %lt3A_1155, %ne3A_1159 : vector<16xi1>
        %and3A_1161 = arith.andi %ne3A_1160, %ne3A_1152 : vector<16xi1>
        %add3A_1162 = vector.broadcast %select_n3A_1147 : i32 to vector<16xi32>
        %add3A_1163 = arith.addi %rem3A_1149, %add3A_1162 : vector<16xi32>
        %select_n3A_1164 = arith.select %and3A_1161, %add3A_1163, %rem3A_1149 : vector<16xi1>, vector<16xi32>
        %add3A_1165 = arith.constant 0 : i32
        %add3A_1166 = vector.broadcast %add3A_1165 : i32 to vector<16xi32>
        %add3A_1167 = arith.addi %iota3A, %add3A_1166 : vector<16xi32>
        %add3A_1168 = arith.constant 0 : i32
        %add3A_1169 = vector.broadcast %add3A_1168 : i32 to vector<16xi32>
        %add3A_1170 = arith.addi %iota3A, %add3A_1169 : vector<16xi32>
        %gather3A_1171 = tpu.vector_load_idx %arg9[%add3A_1167, %add3A_1107] : memref<512x64xf32, #tpu.memory_space<vmem>>[vector<16xi32>, vector<16xi32>], vector<16xf32>,
        %add3A_1172 = arith.addf %gather3A_1171, %gather3A_1108 : vector<16xf32>
        tpu.vector_store_idx %arg10[%add3A_1142, %select_n3A_1164, %add3A_1170], %add3A_1172 : memref<32x8x128xf32, #tpu.memory_space<vmem>>[vector<16xi32>, vector<16xi32>, vector<16xi32>], vector<16xf32>,
        %add3A_1173 = arith.constant 16 : i32
        %add3A_1174 = vector.broadcast %add3A_1173 : i32 to vector<16xi32>
        %add3A_1175 = arith.addi %iota3A, %add3A_1174 : vector<16xi32>
        %add3A_1176 = arith.constant 16 : i32
        %add3A_1177 = vector.broadcast %add3A_1176 : i32 to vector<16xi32>
        %add3A_1178 = arith.addi %iota3A, %add3A_1177 : vector<16xi32>
        %gather3A_1179 = tpu.vector_load_idx %arg9[%add3A_1175, %add3A_1107] : memref<512x64xf32, #tpu.memory_space<vmem>>[vector<16xi32>, vector<16xi32>], vector<16xf32>,
        %add3A_1180 = arith.addf %gather3A_1179, %gather3A_1108 : vector<16xf32>
        tpu.vector_store_idx %arg10[%add3A_1142, %select_n3A_1164, %add3A_1178], %add3A_1180 : memref<32x8x128xf32, #tpu.memory_space<vmem>>[vector<16xi32>, vector<16xi32>, vector<16xi32>], vector<16xf32>,
        %add3A_1181 = arith.constant 32 : i32
        %add3A_1182 = vector.broadcast %add3A_1181 : i32 to vector<16xi32>
        %add3A_1183 = arith.addi %iota3A, %add3A_1182 : vector<16xi32>
        %add3A_1184 = arith.constant 32 : i32
        %add3A_1185 = vector.broadcast %add3A_1184 : i32 to vector<16xi32>
        %add3A_1186 = arith.addi %iota3A, %add3A_1185 : vector<16xi32>
        %gather3A_1187 = tpu.vector_load_idx %arg9[%add3A_1183, %add3A_1107] : memref<512x64xf32, #tpu.memory_space<vmem>>[vector<16xi32>, vector<16xi32>], vector<16xf32>,
        %add3A_1188 = arith.addf %gather3A_1187, %gather3A_1108 : vector<16xf32>
        tpu.vector_store_idx %arg10[%add3A_1142, %select_n3A_1164, %add3A_1186], %add3A_1188 : memref<32x8x128xf32, #tpu.memory_space<vmem>>[vector<16xi32>, vector<16xi32>, vector<16xi32>], vector<16xf32>,
        %add3A_1189 = arith.constant 48 : i32
        %add3A_1190 = vector.broadcast %add3A_1189 : i32 to vector<16xi32>
        %add3A_1191 = arith.addi %iota3A, %add3A_1190 : vector<16xi32>
        %add3A_1192 = arith.constant 48 : i32
        %add3A_1193 = vector.broadcast %add3A_1192 : i32 to vector<16xi32>
        %add3A_1194 = arith.addi %iota3A, %add3A_1193 : vector<16xi32>
        %gather3A_1195 = tpu.vector_load_idx %arg9[%add3A_1191, %add3A_1107] : memref<512x64xf32, #tpu.memory_space<vmem>>[vector<16xi32>, vector<16xi32>], vector<16xf32>,
        %add3A_1196 = arith.addf %gather3A_1195, %gather3A_1108 : vector<16xf32>
        tpu.vector_store_idx %arg10[%add3A_1142, %select_n3A_1164, %add3A_1194], %add3A_1196 : memref<32x8x128xf32, #tpu.memory_space<vmem>>[vector<16xi32>, vector<16xi32>, vector<16xi32>], vector<16xf32>,
        %add3A_1197 = arith.constant 64 : i32
        %add3A_1198 = vector.broadcast %add3A_1197 : i32 to vector<16xi32>
        %add3A_1199 = arith.addi %iota3A, %add3A_1198 : vector<16xi32>
        %add3A_1200 = arith.constant 64 : i32
        %add3A_1201 = vector.broadcast %add3A_1200 : i32 to vector<16xi32>
        %add3A_1202 = arith.addi %iota3A, %add3A_1201 : vector<16xi32>
        %gather3A_1203 = tpu.vector_load_idx %arg9[%add3A_1199, %add3A_1107] : memref<512x64xf32, #tpu.memory_space<vmem>>[vector<16xi32>, vector<16xi32>], vector<16xf32>,
        %add3A_1204 = arith.addf %gather3A_1203, %gather3A_1108 : vector<16xf32>
        tpu.vector_store_idx %arg10[%add3A_1142, %select_n3A_1164, %add3A_1202], %add3A_1204 : memref<32x8x128xf32, #tpu.memory_space<vmem>>[vector<16xi32>, vector<16xi32>, vector<16xi32>], vector<16xf32>,
        %add3A_1205 = arith.constant 80 : i32
        %add3A_1206 = vector.broadcast %add3A_1205 : i32 to vector<16xi32>
        %add3A_1207 = arith.addi %iota3A, %add3A_1206 : vector<16xi32>
        %add3A_1208 = arith.constant 80 : i32
        %add3A_1209 = vector.broadcast %add3A_1208 : i32 to vector<16xi32>
        %add3A_1210 = arith.addi %iota3A, %add3A_1209 : vector<16xi32>
        %gather3A_1211 = tpu.vector_load_idx %arg9[%add3A_1207, %add3A_1107] : memref<512x64xf32, #tpu.memory_space<vmem>>[vector<16xi32>, vector<16xi32>], vector<16xf32>,
        %add3A_1212 = arith.addf %gather3A_1211, %gather3A_1108 : vector<16xf32>
        tpu.vector_store_idx %arg10[%add3A_1142, %select_n3A_1164, %add3A_1210], %add3A_1212 : memref<32x8x128xf32, #tpu.memory_space<vmem>>[vector<16xi32>, vector<16xi32>, vector<16xi32>], vector<16xf32>,
        %add3A_1213 = arith.constant 96 : i32
        %add3A_1214 = vector.broadcast %add3A_1213 : i32 to vector<16xi32>
        %add3A_1215 = arith.addi %iota3A, %add3A_1214 : vector<16xi32>
        %add3A_1216 = arith.constant 96 : i32
        %add3A_1217 = vector.broadcast %add3A_1216 : i32 to vector<16xi32>
        %add3A_1218 = arith.addi %iota3A, %add3A_1217 : vector<16xi32>
        %gather3A_1219 = tpu.vector_load_idx %arg9[%add3A_1215, %add3A_1107] : memref<512x64xf32, #tpu.memory_space<vmem>>[vector<16xi32>, vector<16xi32>], vector<16xf32>,
        %add3A_1220 = arith.addf %gather3A_1219, %gather3A_1108 : vector<16xf32>
        tpu.vector_store_idx %arg10[%add3A_1142, %select_n3A_1164, %add3A_1218], %add3A_1220 : memref<32x8x128xf32, #tpu.memory_space<vmem>>[vector<16xi32>, vector<16xi32>, vector<16xi32>], vector<16xf32>,
        %add3A_1221 = arith.constant 112 : i32
        %add3A_1222 = vector.broadcast %add3A_1221 : i32 to vector<16xi32>
        %add3A_1223 = arith.addi %iota3A, %add3A_1222 : vector<16xi32>
        %add3A_1224 = arith.constant 112 : i32
        %add3A_1225 = vector.broadcast %add3A_1224 : i32 to vector<16xi32>
        %add3A_1226 = arith.addi %iota3A, %add3A_1225 : vector<16xi32>
        %gather3A_1227 = tpu.vector_load_idx %arg9[%add3A_1223, %add3A_1107] : memref<512x64xf32, #tpu.memory_space<vmem>>[vector<16xi32>, vector<16xi32>], vector<16xf32>,
        %add3A_1228 = arith.addf %gather3A_1227, %gather3A_1108 : vector<16xf32>
        tpu.vector_store_idx %arg10[%add3A_1142, %select_n3A_1164, %add3A_1226], %add3A_1228 : memref<32x8x128xf32, #tpu.memory_space<vmem>>[vector<16xi32>, vector<16xi32>, vector<16xi32>], vector<16xf32>,
        %add3A_1229 = arith.constant 48 : i32
        %add3A_1230 = vector.broadcast %add3A_1229 : i32 to vector<16xi32>
        %add3A_1231 = arith.addi %add3A_1230, %and3A_856 : vector<16xi32>
        %gather3A_1232 = tpu.vector_load_idx %arg8[%add3A_169, %add3A_1231] : memref<200x64xf32, #tpu.memory_space<vmem>>[vector<16xi32>, vector<16xi32>], vector<16xf32>,
        %jit3A_1233 = arith.constant 8 : i32
        %div3A_1234 = vector.broadcast %jit3A_1233 : i32 to vector<16xi32>
        %div3A_1235 = arith.divsi %add3A_1231, %div3A_1234 : vector<16xi32>
        %sign3A_1236 = arith.constant 0 : i32
        %sign3A_1237 = vector.broadcast %sign3A_1236 : i32 to vector<16xi32>
        %sign3A_1238 = arith.cmpi sgt, %add3A_1231, %sign3A_1237 : vector<16xi32>
        %sign3A_1239 = arith.extui %sign3A_1238 : vector<16xi1> to vector<16xi32>
        %sign3A_1240 = arith.constant 0 : i32
        %sign3A_1241 = vector.broadcast %sign3A_1240 : i32 to vector<16xi32>
        %sign3A_1242 = arith.cmpi slt, %add3A_1231, %sign3A_1241 : vector<16xi32>
        %sign3A_1243 = arith.extui %sign3A_1242 : vector<16xi1> to vector<16xi32>
        %sign3A_1244 = arith.subi %sign3A_1239, %sign3A_1243 : vector<16xi32>
        %sign3A_1245 = arith.constant 0 : i32
        %sign3A_1246 = arith.cmpi sgt, %jit3A_1233, %sign3A_1245 : i32
        %sign3A_1247 = arith.extui %sign3A_1246 : i1 to i32
        %sign3A_1248 = arith.constant 0 : i32
        %sign3A_1249 = arith.cmpi slt, %jit3A_1233, %sign3A_1248 : i32
        %sign3A_1250 = arith.extui %sign3A_1249 : i1 to i32
        %sign3A_1251 = arith.subi %sign3A_1247, %sign3A_1250 : i32
        %ne3A_1252 = vector.broadcast %sign3A_1251 : i32 to vector<16xi32>
        %ne3A_1253 = arith.cmpi ne, %sign3A_1244, %ne3A_1252 : vector<16xi32>
        %rem3A_1254 = vector.broadcast %jit3A_1233 : i32 to vector<16xi32>
        %rem3A_1255 = arith.remsi %add3A_1231, %rem3A_1254 : vector<16xi32>
        %ne3A_1256 = arith.constant 0 : i32
        %ne3A_1257 = vector.broadcast %ne3A_1256 : i32 to vector<16xi32>
        %ne3A_1258 = arith.cmpi ne, %rem3A_1255, %ne3A_1257 : vector<16xi32>
        %and3A_1259 = arith.andi %ne3A_1253, %ne3A_1258 : vector<16xi1>
        %sub3A_1260 = arith.constant 1 : i32
        %sub3A_1261 = vector.broadcast %sub3A_1260 : i32 to vector<16xi32>
        %sub3A_1262 = arith.subi %div3A_1235, %sub3A_1261 : vector<16xi32>
        %select_n3A_1263 = arith.select %and3A_1259, %sub3A_1262, %div3A_1235 : vector<16xi1>, vector<16xi32>
        %add3A_1264 = arith.constant 0 : i32
        %add3A_1265 = vector.broadcast %add3A_1264 : i32 to vector<16xi32>
        %add3A_1266 = arith.addi %add3A_1265, %select_n3A_1263 : vector<16xi32>
        %jit3A_1267 = arith.constant 8 : i32
        %eq3A_1268 = arith.constant 0 : i32
        %eq3A_1269 = arith.cmpi eq, %jit3A_1267, %eq3A_1268 : i32
        %jit3A_1270 = arith.constant 1 : i32
        %select_n3A_1271 = arith.select %eq3A_1269, %jit3A_1270, %jit3A_1267 : i32
        %rem3A_1272 = vector.broadcast %select_n3A_1271 : i32 to vector<16xi32>
        %rem3A_1273 = arith.remsi %add3A_1231, %rem3A_1272 : vector<16xi32>
        %ne3A_1274 = arith.constant 0 : i32
        %ne3A_1275 = vector.broadcast %ne3A_1274 : i32 to vector<16xi32>
        %ne3A_1276 = arith.cmpi ne, %rem3A_1273, %ne3A_1275 : vector<16xi32>
        %lt3A_1277 = arith.constant 0 : i32
        %lt3A_1278 = vector.broadcast %lt3A_1277 : i32 to vector<16xi32>
        %lt3A_1279 = arith.cmpi slt, %rem3A_1273, %lt3A_1278 : vector<16xi32>
        %lt3A_1280 = arith.constant 0 : i32
        %lt3A_1281 = arith.cmpi slt, %select_n3A_1271, %lt3A_1280 : i32
        %ne3A_1282 = vector.broadcast %lt3A_1281 : i1 to vector<16xi1>
        %ne3A_1283 = vector.broadcast %ne3A_1282 : vector<16xi1> to vector<16xi1>
        %ne3A_1284 = arith.xori %lt3A_1279, %ne3A_1283 : vector<16xi1>
        %and3A_1285 = arith.andi %ne3A_1284, %ne3A_1276 : vector<16xi1>
        %add3A_1286 = vector.broadcast %select_n3A_1271 : i32 to vector<16xi32>
        %add3A_1287 = arith.addi %rem3A_1273, %add3A_1286 : vector<16xi32>
        %select_n3A_1288 = arith.select %and3A_1285, %add3A_1287, %rem3A_1273 : vector<16xi1>, vector<16xi32>
        %add3A_1289 = arith.constant 0 : i32
        %add3A_1290 = vector.broadcast %add3A_1289 : i32 to vector<16xi32>
        %add3A_1291 = arith.addi %iota3A, %add3A_1290 : vector<16xi32>
        %add3A_1292 = arith.constant 0 : i32
        %add3A_1293 = vector.broadcast %add3A_1292 : i32 to vector<16xi32>
        %add3A_1294 = arith.addi %iota3A, %add3A_1293 : vector<16xi32>
        %gather3A_1295 = tpu.vector_load_idx %arg9[%add3A_1291, %add3A_1231] : memref<512x64xf32, #tpu.memory_space<vmem>>[vector<16xi32>, vector<16xi32>], vector<16xf32>,
        %add3A_1296 = arith.addf %gather3A_1295, %gather3A_1232 : vector<16xf32>
        tpu.vector_store_idx %arg10[%add3A_1266, %select_n3A_1288, %add3A_1294], %add3A_1296 : memref<32x8x128xf32, #tpu.memory_space<vmem>>[vector<16xi32>, vector<16xi32>, vector<16xi32>], vector<16xf32>,
        %add3A_1297 = arith.constant 16 : i32
        %add3A_1298 = vector.broadcast %add3A_1297 : i32 to vector<16xi32>
        %add3A_1299 = arith.addi %iota3A, %add3A_1298 : vector<16xi32>
        %add3A_1300 = arith.constant 16 : i32
        %add3A_1301 = vector.broadcast %add3A_1300 : i32 to vector<16xi32>
        %add3A_1302 = arith.addi %iota3A, %add3A_1301 : vector<16xi32>
        %gather3A_1303 = tpu.vector_load_idx %arg9[%add3A_1299, %add3A_1231] : memref<512x64xf32, #tpu.memory_space<vmem>>[vector<16xi32>, vector<16xi32>], vector<16xf32>,
        %add3A_1304 = arith.addf %gather3A_1303, %gather3A_1232 : vector<16xf32>
        tpu.vector_store_idx %arg10[%add3A_1266, %select_n3A_1288, %add3A_1302], %add3A_1304 : memref<32x8x128xf32, #tpu.memory_space<vmem>>[vector<16xi32>, vector<16xi32>, vector<16xi32>], vector<16xf32>,
        %add3A_1305 = arith.constant 32 : i32
        %add3A_1306 = vector.broadcast %add3A_1305 : i32 to vector<16xi32>
        %add3A_1307 = arith.addi %iota3A, %add3A_1306 : vector<16xi32>
        %add3A_1308 = arith.constant 32 : i32
        %add3A_1309 = vector.broadcast %add3A_1308 : i32 to vector<16xi32>
        %add3A_1310 = arith.addi %iota3A, %add3A_1309 : vector<16xi32>
        %gather3A_1311 = tpu.vector_load_idx %arg9[%add3A_1307, %add3A_1231] : memref<512x64xf32, #tpu.memory_space<vmem>>[vector<16xi32>, vector<16xi32>], vector<16xf32>,
        %add3A_1312 = arith.addf %gather3A_1311, %gather3A_1232 : vector<16xf32>
        tpu.vector_store_idx %arg10[%add3A_1266, %select_n3A_1288, %add3A_1310], %add3A_1312 : memref<32x8x128xf32, #tpu.memory_space<vmem>>[vector<16xi32>, vector<16xi32>, vector<16xi32>], vector<16xf32>,
        %add3A_1313 = arith.constant 48 : i32
        %add3A_1314 = vector.broadcast %add3A_1313 : i32 to vector<16xi32>
        %add3A_1315 = arith.addi %iota3A, %add3A_1314 : vector<16xi32>
        %add3A_1316 = arith.constant 48 : i32
        %add3A_1317 = vector.broadcast %add3A_1316 : i32 to vector<16xi32>
        %add3A_1318 = arith.addi %iota3A, %add3A_1317 : vector<16xi32>
        %gather3A_1319 = tpu.vector_load_idx %arg9[%add3A_1315, %add3A_1231] : memref<512x64xf32, #tpu.memory_space<vmem>>[vector<16xi32>, vector<16xi32>], vector<16xf32>,
        %add3A_1320 = arith.addf %gather3A_1319, %gather3A_1232 : vector<16xf32>
        tpu.vector_store_idx %arg10[%add3A_1266, %select_n3A_1288, %add3A_1318], %add3A_1320 : memref<32x8x128xf32, #tpu.memory_space<vmem>>[vector<16xi32>, vector<16xi32>, vector<16xi32>], vector<16xf32>,
        %add3A_1321 = arith.constant 64 : i32
        %add3A_1322 = vector.broadcast %add3A_1321 : i32 to vector<16xi32>
        %add3A_1323 = arith.addi %iota3A, %add3A_1322 : vector<16xi32>
        %add3A_1324 = arith.constant 64 : i32
        %add3A_1325 = vector.broadcast %add3A_1324 : i32 to vector<16xi32>
        %add3A_1326 = arith.addi %iota3A, %add3A_1325 : vector<16xi32>
        %gather3A_1327 = tpu.vector_load_idx %arg9[%add3A_1323, %add3A_1231] : memref<512x64xf32, #tpu.memory_space<vmem>>[vector<16xi32>, vector<16xi32>], vector<16xf32>,
        %add3A_1328 = arith.addf %gather3A_1327, %gather3A_1232 : vector<16xf32>
        tpu.vector_store_idx %arg10[%add3A_1266, %select_n3A_1288, %add3A_1326], %add3A_1328 : memref<32x8x128xf32, #tpu.memory_space<vmem>>[vector<16xi32>, vector<16xi32>, vector<16xi32>], vector<16xf32>,
        %add3A_1329 = arith.constant 80 : i32
        %add3A_1330 = vector.broadcast %add3A_1329 : i32 to vector<16xi32>
        %add3A_1331 = arith.addi %iota3A, %add3A_1330 : vector<16xi32>
        %add3A_1332 = arith.constant 80 : i32
        %add3A_1333 = vector.broadcast %add3A_1332 : i32 to vector<16xi32>
        %add3A_1334 = arith.addi %iota3A, %add3A_1333 : vector<16xi32>
        %gather3A_1335 = tpu.vector_load_idx %arg9[%add3A_1331, %add3A_1231] : memref<512x64xf32, #tpu.memory_space<vmem>>[vector<16xi32>, vector<16xi32>], vector<16xf32>,
        %add3A_1336 = arith.addf %gather3A_1335, %gather3A_1232 : vector<16xf32>
        tpu.vector_store_idx %arg10[%add3A_1266, %select_n3A_1288, %add3A_1334], %add3A_1336 : memref<32x8x128xf32, #tpu.memory_space<vmem>>[vector<16xi32>, vector<16xi32>, vector<16xi32>], vector<16xf32>,
        %add3A_1337 = arith.constant 96 : i32
        %add3A_1338 = vector.broadcast %add3A_1337 : i32 to vector<16xi32>
        %add3A_1339 = arith.addi %iota3A, %add3A_1338 : vector<16xi32>
        %add3A_1340 = arith.constant 96 : i32
        %add3A_1341 = vector.broadcast %add3A_1340 : i32 to vector<16xi32>
        %add3A_1342 = arith.addi %iota3A, %add3A_1341 : vector<16xi32>
        %gather3A_1343 = tpu.vector_load_idx %arg9[%add3A_1339, %add3A_1231] : memref<512x64xf32, #tpu.memory_space<vmem>>[vector<16xi32>, vector<16xi32>], vector<16xf32>,
        %add3A_1344 = arith.addf %gather3A_1343, %gather3A_1232 : vector<16xf32>
        tpu.vector_store_idx %arg10[%add3A_1266, %select_n3A_1288, %add3A_1342], %add3A_1344 : memref<32x8x128xf32, #tpu.memory_space<vmem>>[vector<16xi32>, vector<16xi32>, vector<16xi32>], vector<16xf32>,
        %add3A_1345 = arith.constant 112 : i32
        %add3A_1346 = vector.broadcast %add3A_1345 : i32 to vector<16xi32>
        %add3A_1347 = arith.addi %iota3A, %add3A_1346 : vector<16xi32>
        %add3A_1348 = arith.constant 112 : i32
        %add3A_1349 = vector.broadcast %add3A_1348 : i32 to vector<16xi32>
        %add3A_1350 = arith.addi %iota3A, %add3A_1349 : vector<16xi32>
        %gather3A_1351 = tpu.vector_load_idx %arg9[%add3A_1347, %add3A_1231] : memref<512x64xf32, #tpu.memory_space<vmem>>[vector<16xi32>, vector<16xi32>], vector<16xf32>,
        %add3A_1352 = arith.addf %gather3A_1351, %gather3A_1232 : vector<16xf32>
        tpu.vector_store_idx %arg10[%add3A_1266, %select_n3A_1288, %add3A_1350], %add3A_1352 : memref<32x8x128xf32, #tpu.memory_space<vmem>>[vector<16xi32>, vector<16xi32>, vector<16xi32>], vector<16xf32>,
      }
      %scan3A_174 = arith.constant 16 : i32
      %dma_start3A_175 = arith.constant 0 : i32
      %dma_start3A_176 = arith.constant 0 : i32
      %dma_start3A_177 = arith.constant 0 : i32
      %dma_start3A_178 = tpu.memref_slice %arg10[%dma_start3A_175, %dma_start3A_176, %dma_start3A_177] : memref<32x8x128xf32, #tpu.memory_space<vmem>> -> memref<8x8x128xf32, #tpu.memory_space<vmem>>
      %dma_start3A_179 = arith.constant 0 : i32
      %dma_start3A_180 = arith.constant 0 : i32
      %dma_start3A_181 = arith.constant 0 : i32
      %dma_start3A_182 = tpu.memref_slice %arg5[%add3A_148, %dma_start3A_179, %add3A, %dma_start3A_180, %dma_start3A_181] : memref<200x8x32x8x128xf32, #tpu.memory_space<hbm>> -> memref<1x8x1x8x128xf32, #tpu.memory_space<hbm>>
      %dma_start3A_183 = tpu.memref_squeeze %dma_start3A_182 : memref<1x8x1x8x128xf32, #tpu.memory_space<hbm>> -> memref<8x8x128xf32, #tpu.memory_space<hbm>>
      %dma_start3A_184 = arith.constant 0 : i32
      %dma_start3A_185 = arith.constant 0 : i32
      %dma_start3A_186 = arith.constant 0 : i32
      %dma_start3A_187 = tpu.memref_slice %arg5[%add3A_148, %dma_start3A_184, %add3A, %dma_start3A_185, %dma_start3A_186] : memref<200x8x32x8x128xf32, #tpu.memory_space<hbm>> -> memref<1x8x1x8x128xf32, #tpu.memory_space<hbm>>
      %dma_start3A_188 = tpu.memref_squeeze %dma_start3A_187 : memref<1x8x1x8x128xf32, #tpu.memory_space<hbm>> -> memref<8x8x128xf32, #tpu.memory_space<hbm>>
      %dma_start3A_189 = arith.constant 0 : i32
      %dma_start3A_190 = arith.constant 0 : i32
      %dma_start3A_191 = arith.constant 0 : i32
      %dma_start3A_192 = tpu.memref_slice %arg10[%dma_start3A_189, %dma_start3A_190, %dma_start3A_191] : memref<32x8x128xf32, #tpu.memory_space<vmem>> -> memref<8x8x128xf32, #tpu.memory_space<vmem>>
      tpu.enqueue_dma source(%dma_start3A_192 : memref<8x8x128xf32, #tpu.memory_space<vmem>>) target(%dma_start3A_188 : memref<8x8x128xf32, #tpu.memory_space<hbm>>) target_semaphore(%arg15 : memref<!tpu.dma_semaphore, #tpu.memory_space<semaphore_mem>>)
      %add3A_193 = arith.constant 1 : i32
      %add3A_194 = arith.addi %add3A_146, %add3A_193 : i32
      %dma_wait3A_195 = arith.constant 128 : i32
      %dma_wait3A_196 = arith.constant 0 : i32
      %dma_wait3A_197 = tpu.memref_slice %arg9[%dma_wait3A_195, %dma_wait3A_196] : memref<512x64xf32, #tpu.memory_space<vmem>> -> memref<128x64xf32, #tpu.memory_space<vmem>>
      %dma_wait3A_198 = arith.constant 0 : i32
      %dma_wait3A_199 = tpu.memref_slice %arg7[%add3A_194, %dma_wait3A_198] : memref<200x128xi32, #tpu.memory_space<vmem>> -> memref<1x128xi32, #tpu.memory_space<vmem>>
      %dma_wait3A_200 = tpu.memref_squeeze %dma_wait3A_199 : memref<1x128xi32, #tpu.memory_space<vmem>> -> memref<128xi32, #tpu.memory_space<vmem>>
      %dma_wait3A_201 = arith.constant 0 : i32
      %dma_wait3A_202 = arith.constant 0 : i32
      %dma_wait3A_203 = tpu.memref_slice %arg3[%dma_wait3A_201, %dma_wait3A_202] : memref<100000x64xf32, #tpu.memory_space<hbm>> -> memref<100000x64xf32, #tpu.memory_space<hbm>>
      tpu.wait_indirect_dma semaphore(%arg12 : memref<!tpu.dma_semaphore, #tpu.memory_space<semaphore_mem>>) src(%dma_wait3A_203 : memref<100000x64xf32, #tpu.memory_space<hbm>>) dst(%dma_wait3A_197 : memref<128x64xf32, #tpu.memory_space<vmem>>)
      %add3A_204 = arith.constant 4 : i32
      %add3A_205 = arith.addi %add3A_194, %add3A_204 : i32
      %sub3A_206 = arith.constant 1 : i32
      %sub3A_207 = arith.subi %add3A_205, %sub3A_206 : i32
      %lt3A_208 = arith.constant 200 : i32
      %lt3A_209 = arith.cmpi slt, %sub3A_207, %lt3A_208 : i32
      %convert_element_type3A_210 = arith.extui %lt3A_209 : i1 to i32
      %cond3A_211 = arith.constant 0 : i32
      %cond3A_212 = arith.cmpi ne, %convert_element_type3A_210, %cond3A_211 : i32
      scf.if %cond3A_212 {
        %add3A_349 = arith.constant 4 : i32
        %add3A_350 = arith.addi %add3A_194, %add3A_349 : i32
        %sub3A_351 = arith.constant 1 : i32
        %sub3A_352 = arith.subi %add3A_350, %sub3A_351 : i32
        %dma_start3A_353 = arith.constant 0 : i32
        %dma_start3A_354 = arith.constant 0 : i32
        %dma_start3A_355 = tpu.memref_slice %arg9[%dma_start3A_353, %dma_start3A_354] : memref<512x64xf32, #tpu.memory_space<vmem>> -> memref<128x64xf32, #tpu.memory_space<vmem>>
        %dma_start3A_356 = arith.constant 0 : i32
        %dma_start3A_357 = tpu.memref_slice %arg7[%sub3A_352, %dma_start3A_356] : memref<200x128xi32, #tpu.memory_space<vmem>> -> memref<1x128xi32, #tpu.memory_space<vmem>>
        %dma_start3A_358 = tpu.memref_squeeze %dma_start3A_357 : memref<1x128xi32, #tpu.memory_space<vmem>> -> memref<128xi32, #tpu.memory_space<vmem>>
        %dma_start3A_359 = arith.constant 0 : i32
        %dma_start3A_360 = arith.constant 0 : i32
        %dma_start3A_361 = tpu.memref_slice %arg3[%dma_start3A_359, %dma_start3A_360] : memref<100000x64xf32, #tpu.memory_space<hbm>> -> memref<100000x64xf32, #tpu.memory_space<hbm>>
        tpu.enqueue_indirect_dma source(%dma_start3A_361 : memref<100000x64xf32, #tpu.memory_space<hbm>>) target(%dma_start3A_355 : memref<128x64xf32, #tpu.memory_space<vmem>>) offsets(%dma_start3A_358 : memref<128xi32, #tpu.memory_space<vmem>>) semaphore(%arg11 : memref<!tpu.dma_semaphore, #tpu.memory_space<semaphore_mem>>)
      } else {
      }
      %ge3A_213 = arith.constant 4 : i32
      %ge3A_214 = arith.cmpi sge, %add3A_194, %ge3A_213 : i32
      %convert_element_type3A_215 = arith.extui %ge3A_214 : i1 to i32
      %cond3A_216 = arith.constant 0 : i32
      %cond3A_217 = arith.cmpi ne, %convert_element_type3A_215, %cond3A_216 : i32
      scf.if %cond3A_217 {
        %sub3A_349 = arith.constant 4 : i32
        %sub3A_350 = arith.subi %add3A_194, %sub3A_349 : i32
        %dma_wait3A_351 = arith.constant 8 : i32
        %dma_wait3A_352 = arith.constant 0 : i32
        %dma_wait3A_353 = arith.constant 0 : i32
        %dma_wait3A_354 = tpu.memref_slice %arg10[%dma_wait3A_351, %dma_wait3A_352, %dma_wait3A_353] : memref<32x8x128xf32, #tpu.memory_space<vmem>> -> memref<8x8x128xf32, #tpu.memory_space<vmem>>
        %dma_wait3A_355 = arith.constant 0 : i32
        %dma_wait3A_356 = arith.constant 0 : i32
        %dma_wait3A_357 = arith.constant 0 : i32
        %dma_wait3A_358 = tpu.memref_slice %arg5[%sub3A_350, %dma_wait3A_355, %add3A, %dma_wait3A_356, %dma_wait3A_357] : memref<200x8x32x8x128xf32, #tpu.memory_space<hbm>> -> memref<1x8x1x8x128xf32, #tpu.memory_space<hbm>>
        %dma_wait3A_359 = tpu.memref_squeeze %dma_wait3A_358 : memref<1x8x1x8x128xf32, #tpu.memory_space<hbm>> -> memref<8x8x128xf32, #tpu.memory_space<hbm>>
        %dma_wait3A_360 = arith.constant 0 : i32
        %dma_wait3A_361 = arith.constant 0 : i32
        %dma_wait3A_362 = arith.constant 0 : i32
        %dma_wait3A_363 = tpu.memref_slice %arg5[%sub3A_350, %dma_wait3A_360, %add3A, %dma_wait3A_361, %dma_wait3A_362] : memref<200x8x32x8x128xf32, #tpu.memory_space<hbm>> -> memref<1x8x1x8x128xf32, #tpu.memory_space<hbm>>
        %dma_wait3A_364 = tpu.memref_squeeze %dma_wait3A_363 : memref<1x8x1x8x128xf32, #tpu.memory_space<hbm>> -> memref<8x8x128xf32, #tpu.memory_space<hbm>>
        %dma_wait3A_365 = arith.constant 8 : i32
        %dma_wait3A_366 = arith.constant 0 : i32
        %dma_wait3A_367 = arith.constant 0 : i32
        %dma_wait3A_368 = tpu.memref_slice %arg10[%dma_wait3A_365, %dma_wait3A_366, %dma_wait3A_367] : memref<32x8x128xf32, #tpu.memory_space<vmem>> -> memref<8x8x128xf32, #tpu.memory_space<vmem>>
        tpu.wait_dma2 semaphore(%arg16 : memref<!tpu.dma_semaphore, #tpu.memory_space<semaphore_mem>>) src(%dma_wait3A_368 : memref<8x8x128xf32, #tpu.memory_space<vmem>>) dst(%dma_wait3A_364 : memref<8x8x128xf32, #tpu.memory_space<hbm>>)
      } else {
      }
      %broadcast_in_dim3A_218 = arith.constant 0 : i32
      %broadcast_in_dim3A_219 = vector.broadcast %broadcast_in_dim3A_218 : i32 to vector<16xi32>
      %add3A_220 = vector.broadcast %add3A_194 : i32 to vector<16xi32>
      %add3A_221 = arith.addi %broadcast_in_dim3A_219, %add3A_220 : vector<16xi32>
      %scan3A_222 = arith.constant 0 : i32
      %scan3A_223 = arith.constant 16 : i32
      %scan3A_224 = arith.addi %scan3A_222, %scan3A_223 : i32
      %scan3A_225 = arith.constant 2 : i32
      scf.for %scan3A_349 = %scan3A_222 to %scan3A_224 step %scan3A_225  : i32 {
        %mul3A_350 = arith.constant 1 : i32
        %mul3A_351 = arith.muli %scan3A_349, %mul3A_350 : i32
        %add3A_352 = arith.constant 0 : i32
        %add3A_353 = arith.addi %add3A_352, %mul3A_351 : i32
        %add3A_354 = vector.broadcast %add3A_353 : i32 to vector<16xi32>
        %add3A_355 = arith.addi %iota3A, %add3A_354 : vector<16xi32>
        %and3A = arith.constant 15 : i32
        %and3A_356 = vector.broadcast %and3A : i32 to vector<16xi32>
        %and3A_357 = arith.andi %add3A_355, %and3A_356 : vector<16xi32>
        %add3A_358 = arith.constant 0 : i32
        %add3A_359 = vector.broadcast %add3A_358 : i32 to vector<16xi32>
        %add3A_360 = arith.addi %add3A_359, %and3A_357 : vector<16xi32>
        %gather3A = tpu.vector_load_idx %arg8[%add3A_221, %add3A_360] : memref<200x64xf32, #tpu.memory_space<vmem>>[vector<16xi32>, vector<16xi32>], vector<16xf32>,
        %jit3A = arith.constant 8 : i32
        %div3A = vector.broadcast %jit3A : i32 to vector<16xi32>
        %div3A_361 = arith.divsi %add3A_360, %div3A : vector<16xi32>
        %sign3A = arith.constant 0 : i32
        %sign3A_362 = vector.broadcast %sign3A : i32 to vector<16xi32>
        %sign3A_363 = arith.cmpi sgt, %add3A_360, %sign3A_362 : vector<16xi32>
        %sign3A_364 = arith.extui %sign3A_363 : vector<16xi1> to vector<16xi32>
        %sign3A_365 = arith.constant 0 : i32
        %sign3A_366 = vector.broadcast %sign3A_365 : i32 to vector<16xi32>
        %sign3A_367 = arith.cmpi slt, %add3A_360, %sign3A_366 : vector<16xi32>
        %sign3A_368 = arith.extui %sign3A_367 : vector<16xi1> to vector<16xi32>
        %sign3A_369 = arith.subi %sign3A_364, %sign3A_368 : vector<16xi32>
        %sign3A_370 = arith.constant 0 : i32
        %sign3A_371 = arith.cmpi sgt, %jit3A, %sign3A_370 : i32
        %sign3A_372 = arith.extui %sign3A_371 : i1 to i32
        %sign3A_373 = arith.constant 0 : i32
        %sign3A_374 = arith.cmpi slt, %jit3A, %sign3A_373 : i32
        %sign3A_375 = arith.extui %sign3A_374 : i1 to i32
        %sign3A_376 = arith.subi %sign3A_372, %sign3A_375 : i32
        %ne3A = vector.broadcast %sign3A_376 : i32 to vector<16xi32>
        %ne3A_377 = arith.cmpi ne, %sign3A_369, %ne3A : vector<16xi32>
        %rem3A = vector.broadcast %jit3A : i32 to vector<16xi32>
        %rem3A_378 = arith.remsi %add3A_360, %rem3A : vector<16xi32>
        %ne3A_379 = arith.constant 0 : i32
        %ne3A_380 = vector.broadcast %ne3A_379 : i32 to vector<16xi32>
        %ne3A_381 = arith.cmpi ne, %rem3A_378, %ne3A_380 : vector<16xi32>
        %and3A_382 = arith.andi %ne3A_377, %ne3A_381 : vector<16xi1>
        %sub3A_383 = arith.constant 1 : i32
        %sub3A_384 = vector.broadcast %sub3A_383 : i32 to vector<16xi32>
        %sub3A_385 = arith.subi %div3A_361, %sub3A_384 : vector<16xi32>
        %select_n3A = arith.select %and3A_382, %sub3A_385, %div3A_361 : vector<16xi1>, vector<16xi32>
        %add3A_386 = arith.constant 8 : i32
        %add3A_387 = vector.broadcast %add3A_386 : i32 to vector<16xi32>
        %add3A_388 = arith.addi %add3A_387, %select_n3A : vector<16xi32>
        %jit3A_389 = arith.constant 8 : i32
        %eq3A = arith.constant 0 : i32
        %eq3A_390 = arith.cmpi eq, %jit3A_389, %eq3A : i32
        %jit3A_391 = arith.constant 1 : i32
        %select_n3A_392 = arith.select %eq3A_390, %jit3A_391, %jit3A_389 : i32
        %rem3A_393 = vector.broadcast %select_n3A_392 : i32 to vector<16xi32>
        %rem3A_394 = arith.remsi %add3A_360, %rem3A_393 : vector<16xi32>
        %ne3A_395 = arith.constant 0 : i32
        %ne3A_396 = vector.broadcast %ne3A_395 : i32 to vector<16xi32>
        %ne3A_397 = arith.cmpi ne, %rem3A_394, %ne3A_396 : vector<16xi32>
        %lt3A_398 = arith.constant 0 : i32
        %lt3A_399 = vector.broadcast %lt3A_398 : i32 to vector<16xi32>
        %lt3A_400 = arith.cmpi slt, %rem3A_394, %lt3A_399 : vector<16xi32>
        %lt3A_401 = arith.constant 0 : i32
        %lt3A_402 = arith.cmpi slt, %select_n3A_392, %lt3A_401 : i32
        %ne3A_403 = vector.broadcast %lt3A_402 : i1 to vector<16xi1>
        %ne3A_404 = vector.broadcast %ne3A_403 : vector<16xi1> to vector<16xi1>
        %ne3A_405 = arith.xori %lt3A_400, %ne3A_404 : vector<16xi1>
        %and3A_406 = arith.andi %ne3A_405, %ne3A_397 : vector<16xi1>
        %add3A_407 = vector.broadcast %select_n3A_392 : i32 to vector<16xi32>
        %add3A_408 = arith.addi %rem3A_394, %add3A_407 : vector<16xi32>
        %select_n3A_409 = arith.select %and3A_406, %add3A_408, %rem3A_394 : vector<16xi1>, vector<16xi32>
        %add3A_410 = arith.constant 128 : i32
        %add3A_411 = vector.broadcast %add3A_410 : i32 to vector<16xi32>
        %add3A_412 = arith.addi %iota3A, %add3A_411 : vector<16xi32>
        %add3A_413 = arith.constant 0 : i32
        %add3A_414 = vector.broadcast %add3A_413 : i32 to vector<16xi32>
        %add3A_415 = arith.addi %iota3A, %add3A_414 : vector<16xi32>
        %gather3A_416 = tpu.vector_load_idx %arg9[%add3A_412, %add3A_360] : memref<512x64xf32, #tpu.memory_space<vmem>>[vector<16xi32>, vector<16xi32>], vector<16xf32>,
        %add3A_417 = arith.addf %gather3A_416, %gather3A : vector<16xf32>
        tpu.vector_store_idx %arg10[%add3A_388, %select_n3A_409, %add3A_415], %add3A_417 : memref<32x8x128xf32, #tpu.memory_space<vmem>>[vector<16xi32>, vector<16xi32>, vector<16xi32>], vector<16xf32>,
        %add3A_418 = arith.constant 144 : i32
        %add3A_419 = vector.broadcast %add3A_418 : i32 to vector<16xi32>
        %add3A_420 = arith.addi %iota3A, %add3A_419 : vector<16xi32>
        %add3A_421 = arith.constant 16 : i32
        %add3A_422 = vector.broadcast %add3A_421 : i32 to vector<16xi32>
        %add3A_423 = arith.addi %iota3A, %add3A_422 : vector<16xi32>
        %gather3A_424 = tpu.vector_load_idx %arg9[%add3A_420, %add3A_360] : memref<512x64xf32, #tpu.memory_space<vmem>>[vector<16xi32>, vector<16xi32>], vector<16xf32>,
        %add3A_425 = arith.addf %gather3A_424, %gather3A : vector<16xf32>
        tpu.vector_store_idx %arg10[%add3A_388, %select_n3A_409, %add3A_423], %add3A_425 : memref<32x8x128xf32, #tpu.memory_space<vmem>>[vector<16xi32>, vector<16xi32>, vector<16xi32>], vector<16xf32>,
        %add3A_426 = arith.constant 160 : i32
        %add3A_427 = vector.broadcast %add3A_426 : i32 to vector<16xi32>
        %add3A_428 = arith.addi %iota3A, %add3A_427 : vector<16xi32>
        %add3A_429 = arith.constant 32 : i32
        %add3A_430 = vector.broadcast %add3A_429 : i32 to vector<16xi32>
        %add3A_431 = arith.addi %iota3A, %add3A_430 : vector<16xi32>
        %gather3A_432 = tpu.vector_load_idx %arg9[%add3A_428, %add3A_360] : memref<512x64xf32, #tpu.memory_space<vmem>>[vector<16xi32>, vector<16xi32>], vector<16xf32>,
        %add3A_433 = arith.addf %gather3A_432, %gather3A : vector<16xf32>
        tpu.vector_store_idx %arg10[%add3A_388, %select_n3A_409, %add3A_431], %add3A_433 : memref<32x8x128xf32, #tpu.memory_space<vmem>>[vector<16xi32>, vector<16xi32>, vector<16xi32>], vector<16xf32>,
        %add3A_434 = arith.constant 176 : i32
        %add3A_435 = vector.broadcast %add3A_434 : i32 to vector<16xi32>
        %add3A_436 = arith.addi %iota3A, %add3A_435 : vector<16xi32>
        %add3A_437 = arith.constant 48 : i32
        %add3A_438 = vector.broadcast %add3A_437 : i32 to vector<16xi32>
        %add3A_439 = arith.addi %iota3A, %add3A_438 : vector<16xi32>
        %gather3A_440 = tpu.vector_load_idx %arg9[%add3A_436, %add3A_360] : memref<512x64xf32, #tpu.memory_space<vmem>>[vector<16xi32>, vector<16xi32>], vector<16xf32>,
        %add3A_441 = arith.addf %gather3A_440, %gather3A : vector<16xf32>
        tpu.vector_store_idx %arg10[%add3A_388, %select_n3A_409, %add3A_439], %add3A_441 : memref<32x8x128xf32, #tpu.memory_space<vmem>>[vector<16xi32>, vector<16xi32>, vector<16xi32>], vector<16xf32>,
        %add3A_442 = arith.constant 192 : i32
        %add3A_443 = vector.broadcast %add3A_442 : i32 to vector<16xi32>
        %add3A_444 = arith.addi %iota3A, %add3A_443 : vector<16xi32>
        %add3A_445 = arith.constant 64 : i32
        %add3A_446 = vector.broadcast %add3A_445 : i32 to vector<16xi32>
        %add3A_447 = arith.addi %iota3A, %add3A_446 : vector<16xi32>
        %gather3A_448 = tpu.vector_load_idx %arg9[%add3A_444, %add3A_360] : memref<512x64xf32, #tpu.memory_space<vmem>>[vector<16xi32>, vector<16xi32>], vector<16xf32>,
        %add3A_449 = arith.addf %gather3A_448, %gather3A : vector<16xf32>
        tpu.vector_store_idx %arg10[%add3A_388, %select_n3A_409, %add3A_447], %add3A_449 : memref<32x8x128xf32, #tpu.memory_space<vmem>>[vector<16xi32>, vector<16xi32>, vector<16xi32>], vector<16xf32>,
        %add3A_450 = arith.constant 208 : i32
        %add3A_451 = vector.broadcast %add3A_450 : i32 to vector<16xi32>
        %add3A_452 = arith.addi %iota3A, %add3A_451 : vector<16xi32>
        %add3A_453 = arith.constant 80 : i32
        %add3A_454 = vector.broadcast %add3A_453 : i32 to vector<16xi32>
        %add3A_455 = arith.addi %iota3A, %add3A_454 : vector<16xi32>
        %gather3A_456 = tpu.vector_load_idx %arg9[%add3A_452, %add3A_360] : memref<512x64xf32, #tpu.memory_space<vmem>>[vector<16xi32>, vector<16xi32>], vector<16xf32>,
        %add3A_457 = arith.addf %gather3A_456, %gather3A : vector<16xf32>
        tpu.vector_store_idx %arg10[%add3A_388, %select_n3A_409, %add3A_455], %add3A_457 : memref<32x8x128xf32, #tpu.memory_space<vmem>>[vector<16xi32>, vector<16xi32>, vector<16xi32>], vector<16xf32>,
        %add3A_458 = arith.constant 224 : i32
        %add3A_459 = vector.broadcast %add3A_458 : i32 to vector<16xi32>
        %add3A_460 = arith.addi %iota3A, %add3A_459 : vector<16xi32>
        %add3A_461 = arith.constant 96 : i32
        %add3A_462 = vector.broadcast %add3A_461 : i32 to vector<16xi32>
        %add3A_463 = arith.addi %iota3A, %add3A_462 : vector<16xi32>
        %gather3A_464 = tpu.vector_load_idx %arg9[%add3A_460, %add3A_360] : memref<512x64xf32, #tpu.memory_space<vmem>>[vector<16xi32>, vector<16xi32>], vector<16xf32>,
        %add3A_465 = arith.addf %gather3A_464, %gather3A : vector<16xf32>
        tpu.vector_store_idx %arg10[%add3A_388, %select_n3A_409, %add3A_463], %add3A_465 : memref<32x8x128xf32, #tpu.memory_space<vmem>>[vector<16xi32>, vector<16xi32>, vector<16xi32>], vector<16xf32>,
        %add3A_466 = arith.constant 240 : i32
        %add3A_467 = vector.broadcast %add3A_466 : i32 to vector<16xi32>
        %add3A_468 = arith.addi %iota3A, %add3A_467 : vector<16xi32>
        %add3A_469 = arith.constant 112 : i32
        %add3A_470 = vector.broadcast %add3A_469 : i32 to vector<16xi32>
        %add3A_471 = arith.addi %iota3A, %add3A_470 : vector<16xi32>
        %gather3A_472 = tpu.vector_load_idx %arg9[%add3A_468, %add3A_360] : memref<512x64xf32, #tpu.memory_space<vmem>>[vector<16xi32>, vector<16xi32>], vector<16xf32>,
        %add3A_473 = arith.addf %gather3A_472, %gather3A : vector<16xf32>
        tpu.vector_store_idx %arg10[%add3A_388, %select_n3A_409, %add3A_471], %add3A_473 : memref<32x8x128xf32, #tpu.memory_space<vmem>>[vector<16xi32>, vector<16xi32>, vector<16xi32>], vector<16xf32>,
        %add3A_474 = arith.constant 16 : i32
        %add3A_475 = vector.broadcast %add3A_474 : i32 to vector<16xi32>
        %add3A_476 = arith.addi %add3A_475, %and3A_357 : vector<16xi32>
        %gather3A_477 = tpu.vector_load_idx %arg8[%add3A_221, %add3A_476] : memref<200x64xf32, #tpu.memory_space<vmem>>[vector<16xi32>, vector<16xi32>], vector<16xf32>,
        %jit3A_478 = arith.constant 8 : i32
        %div3A_479 = vector.broadcast %jit3A_478 : i32 to vector<16xi32>
        %div3A_480 = arith.divsi %add3A_476, %div3A_479 : vector<16xi32>
        %sign3A_481 = arith.constant 0 : i32
        %sign3A_482 = vector.broadcast %sign3A_481 : i32 to vector<16xi32>
        %sign3A_483 = arith.cmpi sgt, %add3A_476, %sign3A_482 : vector<16xi32>
        %sign3A_484 = arith.extui %sign3A_483 : vector<16xi1> to vector<16xi32>
        %sign3A_485 = arith.constant 0 : i32
        %sign3A_486 = vector.broadcast %sign3A_485 : i32 to vector<16xi32>
        %sign3A_487 = arith.cmpi slt, %add3A_476, %sign3A_486 : vector<16xi32>
        %sign3A_488 = arith.extui %sign3A_487 : vector<16xi1> to vector<16xi32>
        %sign3A_489 = arith.subi %sign3A_484, %sign3A_488 : vector<16xi32>
        %sign3A_490 = arith.constant 0 : i32
        %sign3A_491 = arith.cmpi sgt, %jit3A_478, %sign3A_490 : i32
        %sign3A_492 = arith.extui %sign3A_491 : i1 to i32
        %sign3A_493 = arith.constant 0 : i32
        %sign3A_494 = arith.cmpi slt, %jit3A_478, %sign3A_493 : i32
        %sign3A_495 = arith.extui %sign3A_494 : i1 to i32
        %sign3A_496 = arith.subi %sign3A_492, %sign3A_495 : i32
        %ne3A_497 = vector.broadcast %sign3A_496 : i32 to vector<16xi32>
        %ne3A_498 = arith.cmpi ne, %sign3A_489, %ne3A_497 : vector<16xi32>
        %rem3A_499 = vector.broadcast %jit3A_478 : i32 to vector<16xi32>
        %rem3A_500 = arith.remsi %add3A_476, %rem3A_499 : vector<16xi32>
        %ne3A_501 = arith.constant 0 : i32
        %ne3A_502 = vector.broadcast %ne3A_501 : i32 to vector<16xi32>
        %ne3A_503 = arith.cmpi ne, %rem3A_500, %ne3A_502 : vector<16xi32>
        %and3A_504 = arith.andi %ne3A_498, %ne3A_503 : vector<16xi1>
        %sub3A_505 = arith.constant 1 : i32
        %sub3A_506 = vector.broadcast %sub3A_505 : i32 to vector<16xi32>
        %sub3A_507 = arith.subi %div3A_480, %sub3A_506 : vector<16xi32>
        %select_n3A_508 = arith.select %and3A_504, %sub3A_507, %div3A_480 : vector<16xi1>, vector<16xi32>
        %add3A_509 = arith.constant 8 : i32
        %add3A_510 = vector.broadcast %add3A_509 : i32 to vector<16xi32>
        %add3A_511 = arith.addi %add3A_510, %select_n3A_508 : vector<16xi32>
        %jit3A_512 = arith.constant 8 : i32
        %eq3A_513 = arith.constant 0 : i32
        %eq3A_514 = arith.cmpi eq, %jit3A_512, %eq3A_513 : i32
        %jit3A_515 = arith.constant 1 : i32
        %select_n3A_516 = arith.select %eq3A_514, %jit3A_515, %jit3A_512 : i32
        %rem3A_517 = vector.broadcast %select_n3A_516 : i32 to vector<16xi32>
        %rem3A_518 = arith.remsi %add3A_476, %rem3A_517 : vector<16xi32>
        %ne3A_519 = arith.constant 0 : i32
        %ne3A_520 = vector.broadcast %ne3A_519 : i32 to vector<16xi32>
        %ne3A_521 = arith.cmpi ne, %rem3A_518, %ne3A_520 : vector<16xi32>
        %lt3A_522 = arith.constant 0 : i32
        %lt3A_523 = vector.broadcast %lt3A_522 : i32 to vector<16xi32>
        %lt3A_524 = arith.cmpi slt, %rem3A_518, %lt3A_523 : vector<16xi32>
        %lt3A_525 = arith.constant 0 : i32
        %lt3A_526 = arith.cmpi slt, %select_n3A_516, %lt3A_525 : i32
        %ne3A_527 = vector.broadcast %lt3A_526 : i1 to vector<16xi1>
        %ne3A_528 = vector.broadcast %ne3A_527 : vector<16xi1> to vector<16xi1>
        %ne3A_529 = arith.xori %lt3A_524, %ne3A_528 : vector<16xi1>
        %and3A_530 = arith.andi %ne3A_529, %ne3A_521 : vector<16xi1>
        %add3A_531 = vector.broadcast %select_n3A_516 : i32 to vector<16xi32>
        %add3A_532 = arith.addi %rem3A_518, %add3A_531 : vector<16xi32>
        %select_n3A_533 = arith.select %and3A_530, %add3A_532, %rem3A_518 : vector<16xi1>, vector<16xi32>
        %add3A_534 = arith.constant 128 : i32
        %add3A_535 = vector.broadcast %add3A_534 : i32 to vector<16xi32>
        %add3A_536 = arith.addi %iota3A, %add3A_535 : vector<16xi32>
        %add3A_537 = arith.constant 0 : i32
        %add3A_538 = vector.broadcast %add3A_537 : i32 to vector<16xi32>
        %add3A_539 = arith.addi %iota3A, %add3A_538 : vector<16xi32>
        %gather3A_540 = tpu.vector_load_idx %arg9[%add3A_536, %add3A_476] : memref<512x64xf32, #tpu.memory_space<vmem>>[vector<16xi32>, vector<16xi32>], vector<16xf32>,
        %add3A_541 = arith.addf %gather3A_540, %gather3A_477 : vector<16xf32>
        tpu.vector_store_idx %arg10[%add3A_511, %select_n3A_533, %add3A_539], %add3A_541 : memref<32x8x128xf32, #tpu.memory_space<vmem>>[vector<16xi32>, vector<16xi32>, vector<16xi32>], vector<16xf32>,
        %add3A_542 = arith.constant 144 : i32
        %add3A_543 = vector.broadcast %add3A_542 : i32 to vector<16xi32>
        %add3A_544 = arith.addi %iota3A, %add3A_543 : vector<16xi32>
        %add3A_545 = arith.constant 16 : i32
        %add3A_546 = vector.broadcast %add3A_545 : i32 to vector<16xi32>
        %add3A_547 = arith.addi %iota3A, %add3A_546 : vector<16xi32>
        %gather3A_548 = tpu.vector_load_idx %arg9[%add3A_544, %add3A_476] : memref<512x64xf32, #tpu.memory_space<vmem>>[vector<16xi32>, vector<16xi32>], vector<16xf32>,
        %add3A_549 = arith.addf %gather3A_548, %gather3A_477 : vector<16xf32>
        tpu.vector_store_idx %arg10[%add3A_511, %select_n3A_533, %add3A_547], %add3A_549 : memref<32x8x128xf32, #tpu.memory_space<vmem>>[vector<16xi32>, vector<16xi32>, vector<16xi32>], vector<16xf32>,
        %add3A_550 = arith.constant 160 : i32
        %add3A_551 = vector.broadcast %add3A_550 : i32 to vector<16xi32>
        %add3A_552 = arith.addi %iota3A, %add3A_551 : vector<16xi32>
        %add3A_553 = arith.constant 32 : i32
        %add3A_554 = vector.broadcast %add3A_553 : i32 to vector<16xi32>
        %add3A_555 = arith.addi %iota3A, %add3A_554 : vector<16xi32>
        %gather3A_556 = tpu.vector_load_idx %arg9[%add3A_552, %add3A_476] : memref<512x64xf32, #tpu.memory_space<vmem>>[vector<16xi32>, vector<16xi32>], vector<16xf32>,
        %add3A_557 = arith.addf %gather3A_556, %gather3A_477 : vector<16xf32>
        tpu.vector_store_idx %arg10[%add3A_511, %select_n3A_533, %add3A_555], %add3A_557 : memref<32x8x128xf32, #tpu.memory_space<vmem>>[vector<16xi32>, vector<16xi32>, vector<16xi32>], vector<16xf32>,
        %add3A_558 = arith.constant 176 : i32
        %add3A_559 = vector.broadcast %add3A_558 : i32 to vector<16xi32>
        %add3A_560 = arith.addi %iota3A, %add3A_559 : vector<16xi32>
        %add3A_561 = arith.constant 48 : i32
        %add3A_562 = vector.broadcast %add3A_561 : i32 to vector<16xi32>
        %add3A_563 = arith.addi %iota3A, %add3A_562 : vector<16xi32>
        %gather3A_564 = tpu.vector_load_idx %arg9[%add3A_560, %add3A_476] : memref<512x64xf32, #tpu.memory_space<vmem>>[vector<16xi32>, vector<16xi32>], vector<16xf32>,
        %add3A_565 = arith.addf %gather3A_564, %gather3A_477 : vector<16xf32>
        tpu.vector_store_idx %arg10[%add3A_511, %select_n3A_533, %add3A_563], %add3A_565 : memref<32x8x128xf32, #tpu.memory_space<vmem>>[vector<16xi32>, vector<16xi32>, vector<16xi32>], vector<16xf32>,
        %add3A_566 = arith.constant 192 : i32
        %add3A_567 = vector.broadcast %add3A_566 : i32 to vector<16xi32>
        %add3A_568 = arith.addi %iota3A, %add3A_567 : vector<16xi32>
        %add3A_569 = arith.constant 64 : i32
        %add3A_570 = vector.broadcast %add3A_569 : i32 to vector<16xi32>
        %add3A_571 = arith.addi %iota3A, %add3A_570 : vector<16xi32>
        %gather3A_572 = tpu.vector_load_idx %arg9[%add3A_568, %add3A_476] : memref<512x64xf32, #tpu.memory_space<vmem>>[vector<16xi32>, vector<16xi32>], vector<16xf32>,
        %add3A_573 = arith.addf %gather3A_572, %gather3A_477 : vector<16xf32>
        tpu.vector_store_idx %arg10[%add3A_511, %select_n3A_533, %add3A_571], %add3A_573 : memref<32x8x128xf32, #tpu.memory_space<vmem>>[vector<16xi32>, vector<16xi32>, vector<16xi32>], vector<16xf32>,
        %add3A_574 = arith.constant 208 : i32
        %add3A_575 = vector.broadcast %add3A_574 : i32 to vector<16xi32>
        %add3A_576 = arith.addi %iota3A, %add3A_575 : vector<16xi32>
        %add3A_577 = arith.constant 80 : i32
        %add3A_578 = vector.broadcast %add3A_577 : i32 to vector<16xi32>
        %add3A_579 = arith.addi %iota3A, %add3A_578 : vector<16xi32>
        %gather3A_580 = tpu.vector_load_idx %arg9[%add3A_576, %add3A_476] : memref<512x64xf32, #tpu.memory_space<vmem>>[vector<16xi32>, vector<16xi32>], vector<16xf32>,
        %add3A_581 = arith.addf %gather3A_580, %gather3A_477 : vector<16xf32>
        tpu.vector_store_idx %arg10[%add3A_511, %select_n3A_533, %add3A_579], %add3A_581 : memref<32x8x128xf32, #tpu.memory_space<vmem>>[vector<16xi32>, vector<16xi32>, vector<16xi32>], vector<16xf32>,
        %add3A_582 = arith.constant 224 : i32
        %add3A_583 = vector.broadcast %add3A_582 : i32 to vector<16xi32>
        %add3A_584 = arith.addi %iota3A, %add3A_583 : vector<16xi32>
        %add3A_585 = arith.constant 96 : i32
        %add3A_586 = vector.broadcast %add3A_585 : i32 to vector<16xi32>
        %add3A_587 = arith.addi %iota3A, %add3A_586 : vector<16xi32>
        %gather3A_588 = tpu.vector_load_idx %arg9[%add3A_584, %add3A_476] : memref<512x64xf32, #tpu.memory_space<vmem>>[vector<16xi32>, vector<16xi32>], vector<16xf32>,
        %add3A_589 = arith.addf %gather3A_588, %gather3A_477 : vector<16xf32>
        tpu.vector_store_idx %arg10[%add3A_511, %select_n3A_533, %add3A_587], %add3A_589 : memref<32x8x128xf32, #tpu.memory_space<vmem>>[vector<16xi32>, vector<16xi32>, vector<16xi32>], vector<16xf32>,
        %add3A_590 = arith.constant 240 : i32
        %add3A_591 = vector.broadcast %add3A_590 : i32 to vector<16xi32>
        %add3A_592 = arith.addi %iota3A, %add3A_591 : vector<16xi32>
        %add3A_593 = arith.constant 112 : i32
        %add3A_594 = vector.broadcast %add3A_593 : i32 to vector<16xi32>
        %add3A_595 = arith.addi %iota3A, %add3A_594 : vector<16xi32>
        %gather3A_596 = tpu.vector_load_idx %arg9[%add3A_592, %add3A_476] : memref<512x64xf32, #tpu.memory_space<vmem>>[vector<16xi32>, vector<16xi32>], vector<16xf32>,
        %add3A_597 = arith.addf %gather3A_596, %gather3A_477 : vector<16xf32>
        tpu.vector_store_idx %arg10[%add3A_511, %select_n3A_533, %add3A_595], %add3A_597 : memref<32x8x128xf32, #tpu.memory_space<vmem>>[vector<16xi32>, vector<16xi32>, vector<16xi32>], vector<16xf32>,
        %add3A_598 = arith.constant 32 : i32
        %add3A_599 = vector.broadcast %add3A_598 : i32 to vector<16xi32>
        %add3A_600 = arith.addi %add3A_599, %and3A_357 : vector<16xi32>
        %gather3A_601 = tpu.vector_load_idx %arg8[%add3A_221, %add3A_600] : memref<200x64xf32, #tpu.memory_space<vmem>>[vector<16xi32>, vector<16xi32>], vector<16xf32>,
        %jit3A_602 = arith.constant 8 : i32
        %div3A_603 = vector.broadcast %jit3A_602 : i32 to vector<16xi32>
        %div3A_604 = arith.divsi %add3A_600, %div3A_603 : vector<16xi32>
        %sign3A_605 = arith.constant 0 : i32
        %sign3A_606 = vector.broadcast %sign3A_605 : i32 to vector<16xi32>
        %sign3A_607 = arith.cmpi sgt, %add3A_600, %sign3A_606 : vector<16xi32>
        %sign3A_608 = arith.extui %sign3A_607 : vector<16xi1> to vector<16xi32>
        %sign3A_609 = arith.constant 0 : i32
        %sign3A_610 = vector.broadcast %sign3A_609 : i32 to vector<16xi32>
        %sign3A_611 = arith.cmpi slt, %add3A_600, %sign3A_610 : vector<16xi32>
        %sign3A_612 = arith.extui %sign3A_611 : vector<16xi1> to vector<16xi32>
        %sign3A_613 = arith.subi %sign3A_608, %sign3A_612 : vector<16xi32>
        %sign3A_614 = arith.constant 0 : i32
        %sign3A_615 = arith.cmpi sgt, %jit3A_602, %sign3A_614 : i32
        %sign3A_616 = arith.extui %sign3A_615 : i1 to i32
        %sign3A_617 = arith.constant 0 : i32
        %sign3A_618 = arith.cmpi slt, %jit3A_602, %sign3A_617 : i32
        %sign3A_619 = arith.extui %sign3A_618 : i1 to i32
        %sign3A_620 = arith.subi %sign3A_616, %sign3A_619 : i32
        %ne3A_621 = vector.broadcast %sign3A_620 : i32 to vector<16xi32>
        %ne3A_622 = arith.cmpi ne, %sign3A_613, %ne3A_621 : vector<16xi32>
        %rem3A_623 = vector.broadcast %jit3A_602 : i32 to vector<16xi32>
        %rem3A_624 = arith.remsi %add3A_600, %rem3A_623 : vector<16xi32>
        %ne3A_625 = arith.constant 0 : i32
        %ne3A_626 = vector.broadcast %ne3A_625 : i32 to vector<16xi32>
        %ne3A_627 = arith.cmpi ne, %rem3A_624, %ne3A_626 : vector<16xi32>
        %and3A_628 = arith.andi %ne3A_622, %ne3A_627 : vector<16xi1>
        %sub3A_629 = arith.constant 1 : i32
        %sub3A_630 = vector.broadcast %sub3A_629 : i32 to vector<16xi32>
        %sub3A_631 = arith.subi %div3A_604, %sub3A_630 : vector<16xi32>
        %select_n3A_632 = arith.select %and3A_628, %sub3A_631, %div3A_604 : vector<16xi1>, vector<16xi32>
        %add3A_633 = arith.constant 8 : i32
        %add3A_634 = vector.broadcast %add3A_633 : i32 to vector<16xi32>
        %add3A_635 = arith.addi %add3A_634, %select_n3A_632 : vector<16xi32>
        %jit3A_636 = arith.constant 8 : i32
        %eq3A_637 = arith.constant 0 : i32
        %eq3A_638 = arith.cmpi eq, %jit3A_636, %eq3A_637 : i32
        %jit3A_639 = arith.constant 1 : i32
        %select_n3A_640 = arith.select %eq3A_638, %jit3A_639, %jit3A_636 : i32
        %rem3A_641 = vector.broadcast %select_n3A_640 : i32 to vector<16xi32>
        %rem3A_642 = arith.remsi %add3A_600, %rem3A_641 : vector<16xi32>
        %ne3A_643 = arith.constant 0 : i32
        %ne3A_644 = vector.broadcast %ne3A_643 : i32 to vector<16xi32>
        %ne3A_645 = arith.cmpi ne, %rem3A_642, %ne3A_644 : vector<16xi32>
        %lt3A_646 = arith.constant 0 : i32
        %lt3A_647 = vector.broadcast %lt3A_646 : i32 to vector<16xi32>
        %lt3A_648 = arith.cmpi slt, %rem3A_642, %lt3A_647 : vector<16xi32>
        %lt3A_649 = arith.constant 0 : i32
        %lt3A_650 = arith.cmpi slt, %select_n3A_640, %lt3A_649 : i32
        %ne3A_651 = vector.broadcast %lt3A_650 : i1 to vector<16xi1>
        %ne3A_652 = vector.broadcast %ne3A_651 : vector<16xi1> to vector<16xi1>
        %ne3A_653 = arith.xori %lt3A_648, %ne3A_652 : vector<16xi1>
        %and3A_654 = arith.andi %ne3A_653, %ne3A_645 : vector<16xi1>
        %add3A_655 = vector.broadcast %select_n3A_640 : i32 to vector<16xi32>
        %add3A_656 = arith.addi %rem3A_642, %add3A_655 : vector<16xi32>
        %select_n3A_657 = arith.select %and3A_654, %add3A_656, %rem3A_642 : vector<16xi1>, vector<16xi32>
        %add3A_658 = arith.constant 128 : i32
        %add3A_659 = vector.broadcast %add3A_658 : i32 to vector<16xi32>
        %add3A_660 = arith.addi %iota3A, %add3A_659 : vector<16xi32>
        %add3A_661 = arith.constant 0 : i32
        %add3A_662 = vector.broadcast %add3A_661 : i32 to vector<16xi32>
        %add3A_663 = arith.addi %iota3A, %add3A_662 : vector<16xi32>
        %gather3A_664 = tpu.vector_load_idx %arg9[%add3A_660, %add3A_600] : memref<512x64xf32, #tpu.memory_space<vmem>>[vector<16xi32>, vector<16xi32>], vector<16xf32>,
        %add3A_665 = arith.addf %gather3A_664, %gather3A_601 : vector<16xf32>
        tpu.vector_store_idx %arg10[%add3A_635, %select_n3A_657, %add3A_663], %add3A_665 : memref<32x8x128xf32, #tpu.memory_space<vmem>>[vector<16xi32>, vector<16xi32>, vector<16xi32>], vector<16xf32>,
        %add3A_666 = arith.constant 144 : i32
        %add3A_667 = vector.broadcast %add3A_666 : i32 to vector<16xi32>
        %add3A_668 = arith.addi %iota3A, %add3A_667 : vector<16xi32>
        %add3A_669 = arith.constant 16 : i32
        %add3A_670 = vector.broadcast %add3A_669 : i32 to vector<16xi32>
        %add3A_671 = arith.addi %iota3A, %add3A_670 : vector<16xi32>
        %gather3A_672 = tpu.vector_load_idx %arg9[%add3A_668, %add3A_600] : memref<512x64xf32, #tpu.memory_space<vmem>>[vector<16xi32>, vector<16xi32>], vector<16xf32>,
        %add3A_673 = arith.addf %gather3A_672, %gather3A_601 : vector<16xf32>
        tpu.vector_store_idx %arg10[%add3A_635, %select_n3A_657, %add3A_671], %add3A_673 : memref<32x8x128xf32, #tpu.memory_space<vmem>>[vector<16xi32>, vector<16xi32>, vector<16xi32>], vector<16xf32>,
        %add3A_674 = arith.constant 160 : i32
        %add3A_675 = vector.broadcast %add3A_674 : i32 to vector<16xi32>
        %add3A_676 = arith.addi %iota3A, %add3A_675 : vector<16xi32>
        %add3A_677 = arith.constant 32 : i32
        %add3A_678 = vector.broadcast %add3A_677 : i32 to vector<16xi32>
        %add3A_679 = arith.addi %iota3A, %add3A_678 : vector<16xi32>
        %gather3A_680 = tpu.vector_load_idx %arg9[%add3A_676, %add3A_600] : memref<512x64xf32, #tpu.memory_space<vmem>>[vector<16xi32>, vector<16xi32>], vector<16xf32>,
        %add3A_681 = arith.addf %gather3A_680, %gather3A_601 : vector<16xf32>
        tpu.vector_store_idx %arg10[%add3A_635, %select_n3A_657, %add3A_679], %add3A_681 : memref<32x8x128xf32, #tpu.memory_space<vmem>>[vector<16xi32>, vector<16xi32>, vector<16xi32>], vector<16xf32>,
        %add3A_682 = arith.constant 176 : i32
        %add3A_683 = vector.broadcast %add3A_682 : i32 to vector<16xi32>
        %add3A_684 = arith.addi %iota3A, %add3A_683 : vector<16xi32>
        %add3A_685 = arith.constant 48 : i32
        %add3A_686 = vector.broadcast %add3A_685 : i32 to vector<16xi32>
        %add3A_687 = arith.addi %iota3A, %add3A_686 : vector<16xi32>
        %gather3A_688 = tpu.vector_load_idx %arg9[%add3A_684, %add3A_600] : memref<512x64xf32, #tpu.memory_space<vmem>>[vector<16xi32>, vector<16xi32>], vector<16xf32>,
        %add3A_689 = arith.addf %gather3A_688, %gather3A_601 : vector<16xf32>
        tpu.vector_store_idx %arg10[%add3A_635, %select_n3A_657, %add3A_687], %add3A_689 : memref<32x8x128xf32, #tpu.memory_space<vmem>>[vector<16xi32>, vector<16xi32>, vector<16xi32>], vector<16xf32>,
        %add3A_690 = arith.constant 192 : i32
        %add3A_691 = vector.broadcast %add3A_690 : i32 to vector<16xi32>
        %add3A_692 = arith.addi %iota3A, %add3A_691 : vector<16xi32>
        %add3A_693 = arith.constant 64 : i32
        %add3A_694 = vector.broadcast %add3A_693 : i32 to vector<16xi32>
        %add3A_695 = arith.addi %iota3A, %add3A_694 : vector<16xi32>
        %gather3A_696 = tpu.vector_load_idx %arg9[%add3A_692, %add3A_600] : memref<512x64xf32, #tpu.memory_space<vmem>>[vector<16xi32>, vector<16xi32>], vector<16xf32>,
        %add3A_697 = arith.addf %gather3A_696, %gather3A_601 : vector<16xf32>
        tpu.vector_store_idx %arg10[%add3A_635, %select_n3A_657, %add3A_695], %add3A_697 : memref<32x8x128xf32, #tpu.memory_space<vmem>>[vector<16xi32>, vector<16xi32>, vector<16xi32>], vector<16xf32>,
        %add3A_698 = arith.constant 208 : i32
        %add3A_699 = vector.broadcast %add3A_698 : i32 to vector<16xi32>
        %add3A_700 = arith.addi %iota3A, %add3A_699 : vector<16xi32>
        %add3A_701 = arith.constant 80 : i32
        %add3A_702 = vector.broadcast %add3A_701 : i32 to vector<16xi32>
        %add3A_703 = arith.addi %iota3A, %add3A_702 : vector<16xi32>
        %gather3A_704 = tpu.vector_load_idx %arg9[%add3A_700, %add3A_600] : memref<512x64xf32, #tpu.memory_space<vmem>>[vector<16xi32>, vector<16xi32>], vector<16xf32>,
        %add3A_705 = arith.addf %gather3A_704, %gather3A_601 : vector<16xf32>
        tpu.vector_store_idx %arg10[%add3A_635, %select_n3A_657, %add3A_703], %add3A_705 : memref<32x8x128xf32, #tpu.memory_space<vmem>>[vector<16xi32>, vector<16xi32>, vector<16xi32>], vector<16xf32>,
        %add3A_706 = arith.constant 224 : i32
        %add3A_707 = vector.broadcast %add3A_706 : i32 to vector<16xi32>
        %add3A_708 = arith.addi %iota3A, %add3A_707 : vector<16xi32>
        %add3A_709 = arith.constant 96 : i32
        %add3A_710 = vector.broadcast %add3A_709 : i32 to vector<16xi32>
        %add3A_711 = arith.addi %iota3A, %add3A_710 : vector<16xi32>
        %gather3A_712 = tpu.vector_load_idx %arg9[%add3A_708, %add3A_600] : memref<512x64xf32, #tpu.memory_space<vmem>>[vector<16xi32>, vector<16xi32>], vector<16xf32>,
        %add3A_713 = arith.addf %gather3A_712, %gather3A_601 : vector<16xf32>
        tpu.vector_store_idx %arg10[%add3A_635, %select_n3A_657, %add3A_711], %add3A_713 : memref<32x8x128xf32, #tpu.memory_space<vmem>>[vector<16xi32>, vector<16xi32>, vector<16xi32>], vector<16xf32>,
        %add3A_714 = arith.constant 240 : i32
        %add3A_715 = vector.broadcast %add3A_714 : i32 to vector<16xi32>
        %add3A_716 = arith.addi %iota3A, %add3A_715 : vector<16xi32>
        %add3A_717 = arith.constant 112 : i32
        %add3A_718 = vector.broadcast %add3A_717 : i32 to vector<16xi32>
        %add3A_719 = arith.addi %iota3A, %add3A_718 : vector<16xi32>
        %gather3A_720 = tpu.vector_load_idx %arg9[%add3A_716, %add3A_600] : memref<512x64xf32, #tpu.memory_space<vmem>>[vector<16xi32>, vector<16xi32>], vector<16xf32>,
        %add3A_721 = arith.addf %gather3A_720, %gather3A_601 : vector<16xf32>
        tpu.vector_store_idx %arg10[%add3A_635, %select_n3A_657, %add3A_719], %add3A_721 : memref<32x8x128xf32, #tpu.memory_space<vmem>>[vector<16xi32>, vector<16xi32>, vector<16xi32>], vector<16xf32>,
        %add3A_722 = arith.constant 48 : i32
        %add3A_723 = vector.broadcast %add3A_722 : i32 to vector<16xi32>
        %add3A_724 = arith.addi %add3A_723, %and3A_357 : vector<16xi32>
        %gather3A_725 = tpu.vector_load_idx %arg8[%add3A_221, %add3A_724] : memref<200x64xf32, #tpu.memory_space<vmem>>[vector<16xi32>, vector<16xi32>], vector<16xf32>,
        %jit3A_726 = arith.constant 8 : i32
        %div3A_727 = vector.broadcast %jit3A_726 : i32 to vector<16xi32>
        %div3A_728 = arith.divsi %add3A_724, %div3A_727 : vector<16xi32>
        %sign3A_729 = arith.constant 0 : i32
        %sign3A_730 = vector.broadcast %sign3A_729 : i32 to vector<16xi32>
        %sign3A_731 = arith.cmpi sgt, %add3A_724, %sign3A_730 : vector<16xi32>
        %sign3A_732 = arith.extui %sign3A_731 : vector<16xi1> to vector<16xi32>
        %sign3A_733 = arith.constant 0 : i32
        %sign3A_734 = vector.broadcast %sign3A_733 : i32 to vector<16xi32>
        %sign3A_735 = arith.cmpi slt, %add3A_724, %sign3A_734 : vector<16xi32>
        %sign3A_736 = arith.extui %sign3A_735 : vector<16xi1> to vector<16xi32>
        %sign3A_737 = arith.subi %sign3A_732, %sign3A_736 : vector<16xi32>
        %sign3A_738 = arith.constant 0 : i32
        %sign3A_739 = arith.cmpi sgt, %jit3A_726, %sign3A_738 : i32
        %sign3A_740 = arith.extui %sign3A_739 : i1 to i32
        %sign3A_741 = arith.constant 0 : i32
        %sign3A_742 = arith.cmpi slt, %jit3A_726, %sign3A_741 : i32
        %sign3A_743 = arith.extui %sign3A_742 : i1 to i32
        %sign3A_744 = arith.subi %sign3A_740, %sign3A_743 : i32
        %ne3A_745 = vector.broadcast %sign3A_744 : i32 to vector<16xi32>
        %ne3A_746 = arith.cmpi ne, %sign3A_737, %ne3A_745 : vector<16xi32>
        %rem3A_747 = vector.broadcast %jit3A_726 : i32 to vector<16xi32>
        %rem3A_748 = arith.remsi %add3A_724, %rem3A_747 : vector<16xi32>
        %ne3A_749 = arith.constant 0 : i32
        %ne3A_750 = vector.broadcast %ne3A_749 : i32 to vector<16xi32>
        %ne3A_751 = arith.cmpi ne, %rem3A_748, %ne3A_750 : vector<16xi32>
        %and3A_752 = arith.andi %ne3A_746, %ne3A_751 : vector<16xi1>
        %sub3A_753 = arith.constant 1 : i32
        %sub3A_754 = vector.broadcast %sub3A_753 : i32 to vector<16xi32>
        %sub3A_755 = arith.subi %div3A_728, %sub3A_754 : vector<16xi32>
        %select_n3A_756 = arith.select %and3A_752, %sub3A_755, %div3A_728 : vector<16xi1>, vector<16xi32>
        %add3A_757 = arith.constant 8 : i32
        %add3A_758 = vector.broadcast %add3A_757 : i32 to vector<16xi32>
        %add3A_759 = arith.addi %add3A_758, %select_n3A_756 : vector<16xi32>
        %jit3A_760 = arith.constant 8 : i32
        %eq3A_761 = arith.constant 0 : i32
        %eq3A_762 = arith.cmpi eq, %jit3A_760, %eq3A_761 : i32
        %jit3A_763 = arith.constant 1 : i32
        %select_n3A_764 = arith.select %eq3A_762, %jit3A_763, %jit3A_760 : i32
        %rem3A_765 = vector.broadcast %select_n3A_764 : i32 to vector<16xi32>
        %rem3A_766 = arith.remsi %add3A_724, %rem3A_765 : vector<16xi32>
        %ne3A_767 = arith.constant 0 : i32
        %ne3A_768 = vector.broadcast %ne3A_767 : i32 to vector<16xi32>
        %ne3A_769 = arith.cmpi ne, %rem3A_766, %ne3A_768 : vector<16xi32>
        %lt3A_770 = arith.constant 0 : i32
        %lt3A_771 = vector.broadcast %lt3A_770 : i32 to vector<16xi32>
        %lt3A_772 = arith.cmpi slt, %rem3A_766, %lt3A_771 : vector<16xi32>
        %lt3A_773 = arith.constant 0 : i32
        %lt3A_774 = arith.cmpi slt, %select_n3A_764, %lt3A_773 : i32
        %ne3A_775 = vector.broadcast %lt3A_774 : i1 to vector<16xi1>
        %ne3A_776 = vector.broadcast %ne3A_775 : vector<16xi1> to vector<16xi1>
        %ne3A_777 = arith.xori %lt3A_772, %ne3A_776 : vector<16xi1>
        %and3A_778 = arith.andi %ne3A_777, %ne3A_769 : vector<16xi1>
        %add3A_779 = vector.broadcast %select_n3A_764 : i32 to vector<16xi32>
        %add3A_780 = arith.addi %rem3A_766, %add3A_779 : vector<16xi32>
        %select_n3A_781 = arith.select %and3A_778, %add3A_780, %rem3A_766 : vector<16xi1>, vector<16xi32>
        %add3A_782 = arith.constant 128 : i32
        %add3A_783 = vector.broadcast %add3A_782 : i32 to vector<16xi32>
        %add3A_784 = arith.addi %iota3A, %add3A_783 : vector<16xi32>
        %add3A_785 = arith.constant 0 : i32
        %add3A_786 = vector.broadcast %add3A_785 : i32 to vector<16xi32>
        %add3A_787 = arith.addi %iota3A, %add3A_786 : vector<16xi32>
        %gather3A_788 = tpu.vector_load_idx %arg9[%add3A_784, %add3A_724] : memref<512x64xf32, #tpu.memory_space<vmem>>[vector<16xi32>, vector<16xi32>], vector<16xf32>,
        %add3A_789 = arith.addf %gather3A_788, %gather3A_725 : vector<16xf32>
        tpu.vector_store_idx %arg10[%add3A_759, %select_n3A_781, %add3A_787], %add3A_789 : memref<32x8x128xf32, #tpu.memory_space<vmem>>[vector<16xi32>, vector<16xi32>, vector<16xi32>], vector<16xf32>,
        %add3A_790 = arith.constant 144 : i32
        %add3A_791 = vector.broadcast %add3A_790 : i32 to vector<16xi32>
        %add3A_792 = arith.addi %iota3A, %add3A_791 : vector<16xi32>
        %add3A_793 = arith.constant 16 : i32
        %add3A_794 = vector.broadcast %add3A_793 : i32 to vector<16xi32>
        %add3A_795 = arith.addi %iota3A, %add3A_794 : vector<16xi32>
        %gather3A_796 = tpu.vector_load_idx %arg9[%add3A_792, %add3A_724] : memref<512x64xf32, #tpu.memory_space<vmem>>[vector<16xi32>, vector<16xi32>], vector<16xf32>,
        %add3A_797 = arith.addf %gather3A_796, %gather3A_725 : vector<16xf32>
        tpu.vector_store_idx %arg10[%add3A_759, %select_n3A_781, %add3A_795], %add3A_797 : memref<32x8x128xf32, #tpu.memory_space<vmem>>[vector<16xi32>, vector<16xi32>, vector<16xi32>], vector<16xf32>,
        %add3A_798 = arith.constant 160 : i32
        %add3A_799 = vector.broadcast %add3A_798 : i32 to vector<16xi32>
        %add3A_800 = arith.addi %iota3A, %add3A_799 : vector<16xi32>
        %add3A_801 = arith.constant 32 : i32
        %add3A_802 = vector.broadcast %add3A_801 : i32 to vector<16xi32>
        %add3A_803 = arith.addi %iota3A, %add3A_802 : vector<16xi32>
        %gather3A_804 = tpu.vector_load_idx %arg9[%add3A_800, %add3A_724] : memref<512x64xf32, #tpu.memory_space<vmem>>[vector<16xi32>, vector<16xi32>], vector<16xf32>,
        %add3A_805 = arith.addf %gather3A_804, %gather3A_725 : vector<16xf32>
        tpu.vector_store_idx %arg10[%add3A_759, %select_n3A_781, %add3A_803], %add3A_805 : memref<32x8x128xf32, #tpu.memory_space<vmem>>[vector<16xi32>, vector<16xi32>, vector<16xi32>], vector<16xf32>,
        %add3A_806 = arith.constant 176 : i32
        %add3A_807 = vector.broadcast %add3A_806 : i32 to vector<16xi32>
        %add3A_808 = arith.addi %iota3A, %add3A_807 : vector<16xi32>
        %add3A_809 = arith.constant 48 : i32
        %add3A_810 = vector.broadcast %add3A_809 : i32 to vector<16xi32>
        %add3A_811 = arith.addi %iota3A, %add3A_810 : vector<16xi32>
        %gather3A_812 = tpu.vector_load_idx %arg9[%add3A_808, %add3A_724] : memref<512x64xf32, #tpu.memory_space<vmem>>[vector<16xi32>, vector<16xi32>], vector<16xf32>,
        %add3A_813 = arith.addf %gather3A_812, %gather3A_725 : vector<16xf32>
        tpu.vector_store_idx %arg10[%add3A_759, %select_n3A_781, %add3A_811], %add3A_813 : memref<32x8x128xf32, #tpu.memory_space<vmem>>[vector<16xi32>, vector<16xi32>, vector<16xi32>], vector<16xf32>,
        %add3A_814 = arith.constant 192 : i32
        %add3A_815 = vector.broadcast %add3A_814 : i32 to vector<16xi32>
        %add3A_816 = arith.addi %iota3A, %add3A_815 : vector<16xi32>
        %add3A_817 = arith.constant 64 : i32
        %add3A_818 = vector.broadcast %add3A_817 : i32 to vector<16xi32>
        %add3A_819 = arith.addi %iota3A, %add3A_818 : vector<16xi32>
        %gather3A_820 = tpu.vector_load_idx %arg9[%add3A_816, %add3A_724] : memref<512x64xf32, #tpu.memory_space<vmem>>[vector<16xi32>, vector<16xi32>], vector<16xf32>,
        %add3A_821 = arith.addf %gather3A_820, %gather3A_725 : vector<16xf32>
        tpu.vector_store_idx %arg10[%add3A_759, %select_n3A_781, %add3A_819], %add3A_821 : memref<32x8x128xf32, #tpu.memory_space<vmem>>[vector<16xi32>, vector<16xi32>, vector<16xi32>], vector<16xf32>,
        %add3A_822 = arith.constant 208 : i32
        %add3A_823 = vector.broadcast %add3A_822 : i32 to vector<16xi32>
        %add3A_824 = arith.addi %iota3A, %add3A_823 : vector<16xi32>
        %add3A_825 = arith.constant 80 : i32
        %add3A_826 = vector.broadcast %add3A_825 : i32 to vector<16xi32>
        %add3A_827 = arith.addi %iota3A, %add3A_826 : vector<16xi32>
        %gather3A_828 = tpu.vector_load_idx %arg9[%add3A_824, %add3A_724] : memref<512x64xf32, #tpu.memory_space<vmem>>[vector<16xi32>, vector<16xi32>], vector<16xf32>,
        %add3A_829 = arith.addf %gather3A_828, %gather3A_725 : vector<16xf32>
        tpu.vector_store_idx %arg10[%add3A_759, %select_n3A_781, %add3A_827], %add3A_829 : memref<32x8x128xf32, #tpu.memory_space<vmem>>[vector<16xi32>, vector<16xi32>, vector<16xi32>], vector<16xf32>,
        %add3A_830 = arith.constant 224 : i32
        %add3A_831 = vector.broadcast %add3A_830 : i32 to vector<16xi32>
        %add3A_832 = arith.addi %iota3A, %add3A_831 : vector<16xi32>
        %add3A_833 = arith.constant 96 : i32
        %add3A_834 = vector.broadcast %add3A_833 : i32 to vector<16xi32>
        %add3A_835 = arith.addi %iota3A, %add3A_834 : vector<16xi32>
        %gather3A_836 = tpu.vector_load_idx %arg9[%add3A_832, %add3A_724] : memref<512x64xf32, #tpu.memory_space<vmem>>[vector<16xi32>, vector<16xi32>], vector<16xf32>,
        %add3A_837 = arith.addf %gather3A_836, %gather3A_725 : vector<16xf32>
        tpu.vector_store_idx %arg10[%add3A_759, %select_n3A_781, %add3A_835], %add3A_837 : memref<32x8x128xf32, #tpu.memory_space<vmem>>[vector<16xi32>, vector<16xi32>, vector<16xi32>], vector<16xf32>,
        %add3A_838 = arith.constant 240 : i32
        %add3A_839 = vector.broadcast %add3A_838 : i32 to vector<16xi32>
        %add3A_840 = arith.addi %iota3A, %add3A_839 : vector<16xi32>
        %add3A_841 = arith.constant 112 : i32
        %add3A_842 = vector.broadcast %add3A_841 : i32 to vector<16xi32>
        %add3A_843 = arith.addi %iota3A, %add3A_842 : vector<16xi32>
        %gather3A_844 = tpu.vector_load_idx %arg9[%add3A_840, %add3A_724] : memref<512x64xf32, #tpu.memory_space<vmem>>[vector<16xi32>, vector<16xi32>], vector<16xf32>,
        %add3A_845 = arith.addf %gather3A_844, %gather3A_725 : vector<16xf32>
        tpu.vector_store_idx %arg10[%add3A_759, %select_n3A_781, %add3A_843], %add3A_845 : memref<32x8x128xf32, #tpu.memory_space<vmem>>[vector<16xi32>, vector<16xi32>, vector<16xi32>], vector<16xf32>,
        %scan3A_846 = arith.constant 1 : i32
        %scan3A_847 = arith.addi %scan3A_349, %scan3A_846 : i32
        %mul3A_848 = arith.constant 1 : i32
        %mul3A_849 = arith.muli %scan3A_847, %mul3A_848 : i32
        %add3A_850 = arith.constant 0 : i32
        %add3A_851 = arith.addi %add3A_850, %mul3A_849 : i32
        %add3A_852 = vector.broadcast %add3A_851 : i32 to vector<16xi32>
        %add3A_853 = arith.addi %iota3A, %add3A_852 : vector<16xi32>
        %and3A_854 = arith.constant 15 : i32
        %and3A_855 = vector.broadcast %and3A_854 : i32 to vector<16xi32>
        %and3A_856 = arith.andi %add3A_853, %and3A_855 : vector<16xi32>
        %add3A_857 = arith.constant 0 : i32
        %add3A_858 = vector.broadcast %add3A_857 : i32 to vector<16xi32>
        %add3A_859 = arith.addi %add3A_858, %and3A_856 : vector<16xi32>
        %gather3A_860 = tpu.vector_load_idx %arg8[%add3A_221, %add3A_859] : memref<200x64xf32, #tpu.memory_space<vmem>>[vector<16xi32>, vector<16xi32>], vector<16xf32>,
        %jit3A_861 = arith.constant 8 : i32
        %div3A_862 = vector.broadcast %jit3A_861 : i32 to vector<16xi32>
        %div3A_863 = arith.divsi %add3A_859, %div3A_862 : vector<16xi32>
        %sign3A_864 = arith.constant 0 : i32
        %sign3A_865 = vector.broadcast %sign3A_864 : i32 to vector<16xi32>
        %sign3A_866 = arith.cmpi sgt, %add3A_859, %sign3A_865 : vector<16xi32>
        %sign3A_867 = arith.extui %sign3A_866 : vector<16xi1> to vector<16xi32>
        %sign3A_868 = arith.constant 0 : i32
        %sign3A_869 = vector.broadcast %sign3A_868 : i32 to vector<16xi32>
        %sign3A_870 = arith.cmpi slt, %add3A_859, %sign3A_869 : vector<16xi32>
        %sign3A_871 = arith.extui %sign3A_870 : vector<16xi1> to vector<16xi32>
        %sign3A_872 = arith.subi %sign3A_867, %sign3A_871 : vector<16xi32>
        %sign3A_873 = arith.constant 0 : i32
        %sign3A_874 = arith.cmpi sgt, %jit3A_861, %sign3A_873 : i32
        %sign3A_875 = arith.extui %sign3A_874 : i1 to i32
        %sign3A_876 = arith.constant 0 : i32
        %sign3A_877 = arith.cmpi slt, %jit3A_861, %sign3A_876 : i32
        %sign3A_878 = arith.extui %sign3A_877 : i1 to i32
        %sign3A_879 = arith.subi %sign3A_875, %sign3A_878 : i32
        %ne3A_880 = vector.broadcast %sign3A_879 : i32 to vector<16xi32>
        %ne3A_881 = arith.cmpi ne, %sign3A_872, %ne3A_880 : vector<16xi32>
        %rem3A_882 = vector.broadcast %jit3A_861 : i32 to vector<16xi32>
        %rem3A_883 = arith.remsi %add3A_859, %rem3A_882 : vector<16xi32>
        %ne3A_884 = arith.constant 0 : i32
        %ne3A_885 = vector.broadcast %ne3A_884 : i32 to vector<16xi32>
        %ne3A_886 = arith.cmpi ne, %rem3A_883, %ne3A_885 : vector<16xi32>
        %and3A_887 = arith.andi %ne3A_881, %ne3A_886 : vector<16xi1>
        %sub3A_888 = arith.constant 1 : i32
        %sub3A_889 = vector.broadcast %sub3A_888 : i32 to vector<16xi32>
        %sub3A_890 = arith.subi %div3A_863, %sub3A_889 : vector<16xi32>
        %select_n3A_891 = arith.select %and3A_887, %sub3A_890, %div3A_863 : vector<16xi1>, vector<16xi32>
        %add3A_892 = arith.constant 8 : i32
        %add3A_893 = vector.broadcast %add3A_892 : i32 to vector<16xi32>
        %add3A_894 = arith.addi %add3A_893, %select_n3A_891 : vector<16xi32>
        %jit3A_895 = arith.constant 8 : i32
        %eq3A_896 = arith.constant 0 : i32
        %eq3A_897 = arith.cmpi eq, %jit3A_895, %eq3A_896 : i32
        %jit3A_898 = arith.constant 1 : i32
        %select_n3A_899 = arith.select %eq3A_897, %jit3A_898, %jit3A_895 : i32
        %rem3A_900 = vector.broadcast %select_n3A_899 : i32 to vector<16xi32>
        %rem3A_901 = arith.remsi %add3A_859, %rem3A_900 : vector<16xi32>
        %ne3A_902 = arith.constant 0 : i32
        %ne3A_903 = vector.broadcast %ne3A_902 : i32 to vector<16xi32>
        %ne3A_904 = arith.cmpi ne, %rem3A_901, %ne3A_903 : vector<16xi32>
        %lt3A_905 = arith.constant 0 : i32
        %lt3A_906 = vector.broadcast %lt3A_905 : i32 to vector<16xi32>
        %lt3A_907 = arith.cmpi slt, %rem3A_901, %lt3A_906 : vector<16xi32>
        %lt3A_908 = arith.constant 0 : i32
        %lt3A_909 = arith.cmpi slt, %select_n3A_899, %lt3A_908 : i32
        %ne3A_910 = vector.broadcast %lt3A_909 : i1 to vector<16xi1>
        %ne3A_911 = vector.broadcast %ne3A_910 : vector<16xi1> to vector<16xi1>
        %ne3A_912 = arith.xori %lt3A_907, %ne3A_911 : vector<16xi1>
        %and3A_913 = arith.andi %ne3A_912, %ne3A_904 : vector<16xi1>
        %add3A_914 = vector.broadcast %select_n3A_899 : i32 to vector<16xi32>
        %add3A_915 = arith.addi %rem3A_901, %add3A_914 : vector<16xi32>
        %select_n3A_916 = arith.select %and3A_913, %add3A_915, %rem3A_901 : vector<16xi1>, vector<16xi32>
        %add3A_917 = arith.constant 128 : i32
        %add3A_918 = vector.broadcast %add3A_917 : i32 to vector<16xi32>
        %add3A_919 = arith.addi %iota3A, %add3A_918 : vector<16xi32>
        %add3A_920 = arith.constant 0 : i32
        %add3A_921 = vector.broadcast %add3A_920 : i32 to vector<16xi32>
        %add3A_922 = arith.addi %iota3A, %add3A_921 : vector<16xi32>
        %gather3A_923 = tpu.vector_load_idx %arg9[%add3A_919, %add3A_859] : memref<512x64xf32, #tpu.memory_space<vmem>>[vector<16xi32>, vector<16xi32>], vector<16xf32>,
        %add3A_924 = arith.addf %gather3A_923, %gather3A_860 : vector<16xf32>
        tpu.vector_store_idx %arg10[%add3A_894, %select_n3A_916, %add3A_922], %add3A_924 : memref<32x8x128xf32, #tpu.memory_space<vmem>>[vector<16xi32>, vector<16xi32>, vector<16xi32>], vector<16xf32>,
        %add3A_925 = arith.constant 144 : i32
        %add3A_926 = vector.broadcast %add3A_925 : i32 to vector<16xi32>
        %add3A_927 = arith.addi %iota3A, %add3A_926 : vector<16xi32>
        %add3A_928 = arith.constant 16 : i32
        %add3A_929 = vector.broadcast %add3A_928 : i32 to vector<16xi32>
        %add3A_930 = arith.addi %iota3A, %add3A_929 : vector<16xi32>
        %gather3A_931 = tpu.vector_load_idx %arg9[%add3A_927, %add3A_859] : memref<512x64xf32, #tpu.memory_space<vmem>>[vector<16xi32>, vector<16xi32>], vector<16xf32>,
        %add3A_932 = arith.addf %gather3A_931, %gather3A_860 : vector<16xf32>
        tpu.vector_store_idx %arg10[%add3A_894, %select_n3A_916, %add3A_930], %add3A_932 : memref<32x8x128xf32, #tpu.memory_space<vmem>>[vector<16xi32>, vector<16xi32>, vector<16xi32>], vector<16xf32>,
        %add3A_933 = arith.constant 160 : i32
        %add3A_934 = vector.broadcast %add3A_933 : i32 to vector<16xi32>
        %add3A_935 = arith.addi %iota3A, %add3A_934 : vector<16xi32>
        %add3A_936 = arith.constant 32 : i32
        %add3A_937 = vector.broadcast %add3A_936 : i32 to vector<16xi32>
        %add3A_938 = arith.addi %iota3A, %add3A_937 : vector<16xi32>
        %gather3A_939 = tpu.vector_load_idx %arg9[%add3A_935, %add3A_859] : memref<512x64xf32, #tpu.memory_space<vmem>>[vector<16xi32>, vector<16xi32>], vector<16xf32>,
        %add3A_940 = arith.addf %gather3A_939, %gather3A_860 : vector<16xf32>
        tpu.vector_store_idx %arg10[%add3A_894, %select_n3A_916, %add3A_938], %add3A_940 : memref<32x8x128xf32, #tpu.memory_space<vmem>>[vector<16xi32>, vector<16xi32>, vector<16xi32>], vector<16xf32>,
        %add3A_941 = arith.constant 176 : i32
        %add3A_942 = vector.broadcast %add3A_941 : i32 to vector<16xi32>
        %add3A_943 = arith.addi %iota3A, %add3A_942 : vector<16xi32>
        %add3A_944 = arith.constant 48 : i32
        %add3A_945 = vector.broadcast %add3A_944 : i32 to vector<16xi32>
        %add3A_946 = arith.addi %iota3A, %add3A_945 : vector<16xi32>
        %gather3A_947 = tpu.vector_load_idx %arg9[%add3A_943, %add3A_859] : memref<512x64xf32, #tpu.memory_space<vmem>>[vector<16xi32>, vector<16xi32>], vector<16xf32>,
        %add3A_948 = arith.addf %gather3A_947, %gather3A_860 : vector<16xf32>
        tpu.vector_store_idx %arg10[%add3A_894, %select_n3A_916, %add3A_946], %add3A_948 : memref<32x8x128xf32, #tpu.memory_space<vmem>>[vector<16xi32>, vector<16xi32>, vector<16xi32>], vector<16xf32>,
        %add3A_949 = arith.constant 192 : i32
        %add3A_950 = vector.broadcast %add3A_949 : i32 to vector<16xi32>
        %add3A_951 = arith.addi %iota3A, %add3A_950 : vector<16xi32>
        %add3A_952 = arith.constant 64 : i32
        %add3A_953 = vector.broadcast %add3A_952 : i32 to vector<16xi32>
        %add3A_954 = arith.addi %iota3A, %add3A_953 : vector<16xi32>
        %gather3A_955 = tpu.vector_load_idx %arg9[%add3A_951, %add3A_859] : memref<512x64xf32, #tpu.memory_space<vmem>>[vector<16xi32>, vector<16xi32>], vector<16xf32>,
        %add3A_956 = arith.addf %gather3A_955, %gather3A_860 : vector<16xf32>
        tpu.vector_store_idx %arg10[%add3A_894, %select_n3A_916, %add3A_954], %add3A_956 : memref<32x8x128xf32, #tpu.memory_space<vmem>>[vector<16xi32>, vector<16xi32>, vector<16xi32>], vector<16xf32>,
        %add3A_957 = arith.constant 208 : i32
        %add3A_958 = vector.broadcast %add3A_957 : i32 to vector<16xi32>
        %add3A_959 = arith.addi %iota3A, %add3A_958 : vector<16xi32>
        %add3A_960 = arith.constant 80 : i32
        %add3A_961 = vector.broadcast %add3A_960 : i32 to vector<16xi32>
        %add3A_962 = arith.addi %iota3A, %add3A_961 : vector<16xi32>
        %gather3A_963 = tpu.vector_load_idx %arg9[%add3A_959, %add3A_859] : memref<512x64xf32, #tpu.memory_space<vmem>>[vector<16xi32>, vector<16xi32>], vector<16xf32>,
        %add3A_964 = arith.addf %gather3A_963, %gather3A_860 : vector<16xf32>
        tpu.vector_store_idx %arg10[%add3A_894, %select_n3A_916, %add3A_962], %add3A_964 : memref<32x8x128xf32, #tpu.memory_space<vmem>>[vector<16xi32>, vector<16xi32>, vector<16xi32>], vector<16xf32>,
        %add3A_965 = arith.constant 224 : i32
        %add3A_966 = vector.broadcast %add3A_965 : i32 to vector<16xi32>
        %add3A_967 = arith.addi %iota3A, %add3A_966 : vector<16xi32>
        %add3A_968 = arith.constant 96 : i32
        %add3A_969 = vector.broadcast %add3A_968 : i32 to vector<16xi32>
        %add3A_970 = arith.addi %iota3A, %add3A_969 : vector<16xi32>
        %gather3A_971 = tpu.vector_load_idx %arg9[%add3A_967, %add3A_859] : memref<512x64xf32, #tpu.memory_space<vmem>>[vector<16xi32>, vector<16xi32>], vector<16xf32>,
        %add3A_972 = arith.addf %gather3A_971, %gather3A_860 : vector<16xf32>
        tpu.vector_store_idx %arg10[%add3A_894, %select_n3A_916, %add3A_970], %add3A_972 : memref<32x8x128xf32, #tpu.memory_space<vmem>>[vector<16xi32>, vector<16xi32>, vector<16xi32>], vector<16xf32>,
        %add3A_973 = arith.constant 240 : i32
        %add3A_974 = vector.broadcast %add3A_973 : i32 to vector<16xi32>
        %add3A_975 = arith.addi %iota3A, %add3A_974 : vector<16xi32>
        %add3A_976 = arith.constant 112 : i32
        %add3A_977 = vector.broadcast %add3A_976 : i32 to vector<16xi32>
        %add3A_978 = arith.addi %iota3A, %add3A_977 : vector<16xi32>
        %gather3A_979 = tpu.vector_load_idx %arg9[%add3A_975, %add3A_859] : memref<512x64xf32, #tpu.memory_space<vmem>>[vector<16xi32>, vector<16xi32>], vector<16xf32>,
        %add3A_980 = arith.addf %gather3A_979, %gather3A_860 : vector<16xf32>
        tpu.vector_store_idx %arg10[%add3A_894, %select_n3A_916, %add3A_978], %add3A_980 : memref<32x8x128xf32, #tpu.memory_space<vmem>>[vector<16xi32>, vector<16xi32>, vector<16xi32>], vector<16xf32>,
        %add3A_981 = arith.constant 16 : i32
        %add3A_982 = vector.broadcast %add3A_981 : i32 to vector<16xi32>
        %add3A_983 = arith.addi %add3A_982, %and3A_856 : vector<16xi32>
        %gather3A_984 = tpu.vector_load_idx %arg8[%add3A_221, %add3A_983] : memref<200x64xf32, #tpu.memory_space<vmem>>[vector<16xi32>, vector<16xi32>], vector<16xf32>,
        %jit3A_985 = arith.constant 8 : i32
        %div3A_986 = vector.broadcast %jit3A_985 : i32 to vector<16xi32>
        %div3A_987 = arith.divsi %add3A_983, %div3A_986 : vector<16xi32>
        %sign3A_988 = arith.constant 0 : i32
        %sign3A_989 = vector.broadcast %sign3A_988 : i32 to vector<16xi32>
        %sign3A_990 = arith.cmpi sgt, %add3A_983, %sign3A_989 : vector<16xi32>
        %sign3A_991 = arith.extui %sign3A_990 : vector<16xi1> to vector<16xi32>
        %sign3A_992 = arith.constant 0 : i32
        %sign3A_993 = vector.broadcast %sign3A_992 : i32 to vector<16xi32>
        %sign3A_994 = arith.cmpi slt, %add3A_983, %sign3A_993 : vector<16xi32>
        %sign3A_995 = arith.extui %sign3A_994 : vector<16xi1> to vector<16xi32>
        %sign3A_996 = arith.subi %sign3A_991, %sign3A_995 : vector<16xi32>
        %sign3A_997 = arith.constant 0 : i32
        %sign3A_998 = arith.cmpi sgt, %jit3A_985, %sign3A_997 : i32
        %sign3A_999 = arith.extui %sign3A_998 : i1 to i32
        %sign3A_1000 = arith.constant 0 : i32
        %sign3A_1001 = arith.cmpi slt, %jit3A_985, %sign3A_1000 : i32
        %sign3A_1002 = arith.extui %sign3A_1001 : i1 to i32
        %sign3A_1003 = arith.subi %sign3A_999, %sign3A_1002 : i32
        %ne3A_1004 = vector.broadcast %sign3A_1003 : i32 to vector<16xi32>
        %ne3A_1005 = arith.cmpi ne, %sign3A_996, %ne3A_1004 : vector<16xi32>
        %rem3A_1006 = vector.broadcast %jit3A_985 : i32 to vector<16xi32>
        %rem3A_1007 = arith.remsi %add3A_983, %rem3A_1006 : vector<16xi32>
        %ne3A_1008 = arith.constant 0 : i32
        %ne3A_1009 = vector.broadcast %ne3A_1008 : i32 to vector<16xi32>
        %ne3A_1010 = arith.cmpi ne, %rem3A_1007, %ne3A_1009 : vector<16xi32>
        %and3A_1011 = arith.andi %ne3A_1005, %ne3A_1010 : vector<16xi1>
        %sub3A_1012 = arith.constant 1 : i32
        %sub3A_1013 = vector.broadcast %sub3A_1012 : i32 to vector<16xi32>
        %sub3A_1014 = arith.subi %div3A_987, %sub3A_1013 : vector<16xi32>
        %select_n3A_1015 = arith.select %and3A_1011, %sub3A_1014, %div3A_987 : vector<16xi1>, vector<16xi32>
        %add3A_1016 = arith.constant 8 : i32
        %add3A_1017 = vector.broadcast %add3A_1016 : i32 to vector<16xi32>
        %add3A_1018 = arith.addi %add3A_1017, %select_n3A_1015 : vector<16xi32>
        %jit3A_1019 = arith.constant 8 : i32
        %eq3A_1020 = arith.constant 0 : i32
        %eq3A_1021 = arith.cmpi eq, %jit3A_1019, %eq3A_1020 : i32
        %jit3A_1022 = arith.constant 1 : i32
        %select_n3A_1023 = arith.select %eq3A_1021, %jit3A_1022, %jit3A_1019 : i32
        %rem3A_1024 = vector.broadcast %select_n3A_1023 : i32 to vector<16xi32>
        %rem3A_1025 = arith.remsi %add3A_983, %rem3A_1024 : vector<16xi32>
        %ne3A_1026 = arith.constant 0 : i32
        %ne3A_1027 = vector.broadcast %ne3A_1026 : i32 to vector<16xi32>
        %ne3A_1028 = arith.cmpi ne, %rem3A_1025, %ne3A_1027 : vector<16xi32>
        %lt3A_1029 = arith.constant 0 : i32
        %lt3A_1030 = vector.broadcast %lt3A_1029 : i32 to vector<16xi32>
        %lt3A_1031 = arith.cmpi slt, %rem3A_1025, %lt3A_1030 : vector<16xi32>
        %lt3A_1032 = arith.constant 0 : i32
        %lt3A_1033 = arith.cmpi slt, %select_n3A_1023, %lt3A_1032 : i32
        %ne3A_1034 = vector.broadcast %lt3A_1033 : i1 to vector<16xi1>
        %ne3A_1035 = vector.broadcast %ne3A_1034 : vector<16xi1> to vector<16xi1>
        %ne3A_1036 = arith.xori %lt3A_1031, %ne3A_1035 : vector<16xi1>
        %and3A_1037 = arith.andi %ne3A_1036, %ne3A_1028 : vector<16xi1>
        %add3A_1038 = vector.broadcast %select_n3A_1023 : i32 to vector<16xi32>
        %add3A_1039 = arith.addi %rem3A_1025, %add3A_1038 : vector<16xi32>
        %select_n3A_1040 = arith.select %and3A_1037, %add3A_1039, %rem3A_1025 : vector<16xi1>, vector<16xi32>
        %add3A_1041 = arith.constant 128 : i32
        %add3A_1042 = vector.broadcast %add3A_1041 : i32 to vector<16xi32>
        %add3A_1043 = arith.addi %iota3A, %add3A_1042 : vector<16xi32>
        %add3A_1044 = arith.constant 0 : i32
        %add3A_1045 = vector.broadcast %add3A_1044 : i32 to vector<16xi32>
        %add3A_1046 = arith.addi %iota3A, %add3A_1045 : vector<16xi32>
        %gather3A_1047 = tpu.vector_load_idx %arg9[%add3A_1043, %add3A_983] : memref<512x64xf32, #tpu.memory_space<vmem>>[vector<16xi32>, vector<16xi32>], vector<16xf32>,
        %add3A_1048 = arith.addf %gather3A_1047, %gather3A_984 : vector<16xf32>
        tpu.vector_store_idx %arg10[%add3A_1018, %select_n3A_1040, %add3A_1046], %add3A_1048 : memref<32x8x128xf32, #tpu.memory_space<vmem>>[vector<16xi32>, vector<16xi32>, vector<16xi32>], vector<16xf32>,
        %add3A_1049 = arith.constant 144 : i32
        %add3A_1050 = vector.broadcast %add3A_1049 : i32 to vector<16xi32>
        %add3A_1051 = arith.addi %iota3A, %add3A_1050 : vector<16xi32>
        %add3A_1052 = arith.constant 16 : i32
        %add3A_1053 = vector.broadcast %add3A_1052 : i32 to vector<16xi32>
        %add3A_1054 = arith.addi %iota3A, %add3A_1053 : vector<16xi32>
        %gather3A_1055 = tpu.vector_load_idx %arg9[%add3A_1051, %add3A_983] : memref<512x64xf32, #tpu.memory_space<vmem>>[vector<16xi32>, vector<16xi32>], vector<16xf32>,
        %add3A_1056 = arith.addf %gather3A_1055, %gather3A_984 : vector<16xf32>
        tpu.vector_store_idx %arg10[%add3A_1018, %select_n3A_1040, %add3A_1054], %add3A_1056 : memref<32x8x128xf32, #tpu.memory_space<vmem>>[vector<16xi32>, vector<16xi32>, vector<16xi32>], vector<16xf32>,
        %add3A_1057 = arith.constant 160 : i32
        %add3A_1058 = vector.broadcast %add3A_1057 : i32 to vector<16xi32>
        %add3A_1059 = arith.addi %iota3A, %add3A_1058 : vector<16xi32>
        %add3A_1060 = arith.constant 32 : i32
        %add3A_1061 = vector.broadcast %add3A_1060 : i32 to vector<16xi32>
        %add3A_1062 = arith.addi %iota3A, %add3A_1061 : vector<16xi32>
        %gather3A_1063 = tpu.vector_load_idx %arg9[%add3A_1059, %add3A_983] : memref<512x64xf32, #tpu.memory_space<vmem>>[vector<16xi32>, vector<16xi32>], vector<16xf32>,
        %add3A_1064 = arith.addf %gather3A_1063, %gather3A_984 : vector<16xf32>
        tpu.vector_store_idx %arg10[%add3A_1018, %select_n3A_1040, %add3A_1062], %add3A_1064 : memref<32x8x128xf32, #tpu.memory_space<vmem>>[vector<16xi32>, vector<16xi32>, vector<16xi32>], vector<16xf32>,
        %add3A_1065 = arith.constant 176 : i32
        %add3A_1066 = vector.broadcast %add3A_1065 : i32 to vector<16xi32>
        %add3A_1067 = arith.addi %iota3A, %add3A_1066 : vector<16xi32>
        %add3A_1068 = arith.constant 48 : i32
        %add3A_1069 = vector.broadcast %add3A_1068 : i32 to vector<16xi32>
        %add3A_1070 = arith.addi %iota3A, %add3A_1069 : vector<16xi32>
        %gather3A_1071 = tpu.vector_load_idx %arg9[%add3A_1067, %add3A_983] : memref<512x64xf32, #tpu.memory_space<vmem>>[vector<16xi32>, vector<16xi32>], vector<16xf32>,
        %add3A_1072 = arith.addf %gather3A_1071, %gather3A_984 : vector<16xf32>
        tpu.vector_store_idx %arg10[%add3A_1018, %select_n3A_1040, %add3A_1070], %add3A_1072 : memref<32x8x128xf32, #tpu.memory_space<vmem>>[vector<16xi32>, vector<16xi32>, vector<16xi32>], vector<16xf32>,
        %add3A_1073 = arith.constant 192 : i32
        %add3A_1074 = vector.broadcast %add3A_1073 : i32 to vector<16xi32>
        %add3A_1075 = arith.addi %iota3A, %add3A_1074 : vector<16xi32>
        %add3A_1076 = arith.constant 64 : i32
        %add3A_1077 = vector.broadcast %add3A_1076 : i32 to vector<16xi32>
        %add3A_1078 = arith.addi %iota3A, %add3A_1077 : vector<16xi32>
        %gather3A_1079 = tpu.vector_load_idx %arg9[%add3A_1075, %add3A_983] : memref<512x64xf32, #tpu.memory_space<vmem>>[vector<16xi32>, vector<16xi32>], vector<16xf32>,
        %add3A_1080 = arith.addf %gather3A_1079, %gather3A_984 : vector<16xf32>
        tpu.vector_store_idx %arg10[%add3A_1018, %select_n3A_1040, %add3A_1078], %add3A_1080 : memref<32x8x128xf32, #tpu.memory_space<vmem>>[vector<16xi32>, vector<16xi32>, vector<16xi32>], vector<16xf32>,
        %add3A_1081 = arith.constant 208 : i32
        %add3A_1082 = vector.broadcast %add3A_1081 : i32 to vector<16xi32>
        %add3A_1083 = arith.addi %iota3A, %add3A_1082 : vector<16xi32>
        %add3A_1084 = arith.constant 80 : i32
        %add3A_1085 = vector.broadcast %add3A_1084 : i32 to vector<16xi32>
        %add3A_1086 = arith.addi %iota3A, %add3A_1085 : vector<16xi32>
        %gather3A_1087 = tpu.vector_load_idx %arg9[%add3A_1083, %add3A_983] : memref<512x64xf32, #tpu.memory_space<vmem>>[vector<16xi32>, vector<16xi32>], vector<16xf32>,
        %add3A_1088 = arith.addf %gather3A_1087, %gather3A_984 : vector<16xf32>
        tpu.vector_store_idx %arg10[%add3A_1018, %select_n3A_1040, %add3A_1086], %add3A_1088 : memref<32x8x128xf32, #tpu.memory_space<vmem>>[vector<16xi32>, vector<16xi32>, vector<16xi32>], vector<16xf32>,
        %add3A_1089 = arith.constant 224 : i32
        %add3A_1090 = vector.broadcast %add3A_1089 : i32 to vector<16xi32>
        %add3A_1091 = arith.addi %iota3A, %add3A_1090 : vector<16xi32>
        %add3A_1092 = arith.constant 96 : i32
        %add3A_1093 = vector.broadcast %add3A_1092 : i32 to vector<16xi32>
        %add3A_1094 = arith.addi %iota3A, %add3A_1093 : vector<16xi32>
        %gather3A_1095 = tpu.vector_load_idx %arg9[%add3A_1091, %add3A_983] : memref<512x64xf32, #tpu.memory_space<vmem>>[vector<16xi32>, vector<16xi32>], vector<16xf32>,
        %add3A_1096 = arith.addf %gather3A_1095, %gather3A_984 : vector<16xf32>
        tpu.vector_store_idx %arg10[%add3A_1018, %select_n3A_1040, %add3A_1094], %add3A_1096 : memref<32x8x128xf32, #tpu.memory_space<vmem>>[vector<16xi32>, vector<16xi32>, vector<16xi32>], vector<16xf32>,
        %add3A_1097 = arith.constant 240 : i32
        %add3A_1098 = vector.broadcast %add3A_1097 : i32 to vector<16xi32>
        %add3A_1099 = arith.addi %iota3A, %add3A_1098 : vector<16xi32>
        %add3A_1100 = arith.constant 112 : i32
        %add3A_1101 = vector.broadcast %add3A_1100 : i32 to vector<16xi32>
        %add3A_1102 = arith.addi %iota3A, %add3A_1101 : vector<16xi32>
        %gather3A_1103 = tpu.vector_load_idx %arg9[%add3A_1099, %add3A_983] : memref<512x64xf32, #tpu.memory_space<vmem>>[vector<16xi32>, vector<16xi32>], vector<16xf32>,
        %add3A_1104 = arith.addf %gather3A_1103, %gather3A_984 : vector<16xf32>
        tpu.vector_store_idx %arg10[%add3A_1018, %select_n3A_1040, %add3A_1102], %add3A_1104 : memref<32x8x128xf32, #tpu.memory_space<vmem>>[vector<16xi32>, vector<16xi32>, vector<16xi32>], vector<16xf32>,
        %add3A_1105 = arith.constant 32 : i32
        %add3A_1106 = vector.broadcast %add3A_1105 : i32 to vector<16xi32>
        %add3A_1107 = arith.addi %add3A_1106, %and3A_856 : vector<16xi32>
        %gather3A_1108 = tpu.vector_load_idx %arg8[%add3A_221, %add3A_1107] : memref<200x64xf32, #tpu.memory_space<vmem>>[vector<16xi32>, vector<16xi32>], vector<16xf32>,
        %jit3A_1109 = arith.constant 8 : i32
        %div3A_1110 = vector.broadcast %jit3A_1109 : i32 to vector<16xi32>
        %div3A_1111 = arith.divsi %add3A_1107, %div3A_1110 : vector<16xi32>
        %sign3A_1112 = arith.constant 0 : i32
        %sign3A_1113 = vector.broadcast %sign3A_1112 : i32 to vector<16xi32>
        %sign3A_1114 = arith.cmpi sgt, %add3A_1107, %sign3A_1113 : vector<16xi32>
        %sign3A_1115 = arith.extui %sign3A_1114 : vector<16xi1> to vector<16xi32>
        %sign3A_1116 = arith.constant 0 : i32
        %sign3A_1117 = vector.broadcast %sign3A_1116 : i32 to vector<16xi32>
        %sign3A_1118 = arith.cmpi slt, %add3A_1107, %sign3A_1117 : vector<16xi32>
        %sign3A_1119 = arith.extui %sign3A_1118 : vector<16xi1> to vector<16xi32>
        %sign3A_1120 = arith.subi %sign3A_1115, %sign3A_1119 : vector<16xi32>
        %sign3A_1121 = arith.constant 0 : i32
        %sign3A_1122 = arith.cmpi sgt, %jit3A_1109, %sign3A_1121 : i32
        %sign3A_1123 = arith.extui %sign3A_1122 : i1 to i32
        %sign3A_1124 = arith.constant 0 : i32
        %sign3A_1125 = arith.cmpi slt, %jit3A_1109, %sign3A_1124 : i32
        %sign3A_1126 = arith.extui %sign3A_1125 : i1 to i32
        %sign3A_1127 = arith.subi %sign3A_1123, %sign3A_1126 : i32
        %ne3A_1128 = vector.broadcast %sign3A_1127 : i32 to vector<16xi32>
        %ne3A_1129 = arith.cmpi ne, %sign3A_1120, %ne3A_1128 : vector<16xi32>
        %rem3A_1130 = vector.broadcast %jit3A_1109 : i32 to vector<16xi32>
        %rem3A_1131 = arith.remsi %add3A_1107, %rem3A_1130 : vector<16xi32>
        %ne3A_1132 = arith.constant 0 : i32
        %ne3A_1133 = vector.broadcast %ne3A_1132 : i32 to vector<16xi32>
        %ne3A_1134 = arith.cmpi ne, %rem3A_1131, %ne3A_1133 : vector<16xi32>
        %and3A_1135 = arith.andi %ne3A_1129, %ne3A_1134 : vector<16xi1>
        %sub3A_1136 = arith.constant 1 : i32
        %sub3A_1137 = vector.broadcast %sub3A_1136 : i32 to vector<16xi32>
        %sub3A_1138 = arith.subi %div3A_1111, %sub3A_1137 : vector<16xi32>
        %select_n3A_1139 = arith.select %and3A_1135, %sub3A_1138, %div3A_1111 : vector<16xi1>, vector<16xi32>
        %add3A_1140 = arith.constant 8 : i32
        %add3A_1141 = vector.broadcast %add3A_1140 : i32 to vector<16xi32>
        %add3A_1142 = arith.addi %add3A_1141, %select_n3A_1139 : vector<16xi32>
        %jit3A_1143 = arith.constant 8 : i32
        %eq3A_1144 = arith.constant 0 : i32
        %eq3A_1145 = arith.cmpi eq, %jit3A_1143, %eq3A_1144 : i32
        %jit3A_1146 = arith.constant 1 : i32
        %select_n3A_1147 = arith.select %eq3A_1145, %jit3A_1146, %jit3A_1143 : i32
        %rem3A_1148 = vector.broadcast %select_n3A_1147 : i32 to vector<16xi32>
        %rem3A_1149 = arith.remsi %add3A_1107, %rem3A_1148 : vector<16xi32>
        %ne3A_1150 = arith.constant 0 : i32
        %ne3A_1151 = vector.broadcast %ne3A_1150 : i32 to vector<16xi32>
        %ne3A_1152 = arith.cmpi ne, %rem3A_1149, %ne3A_1151 : vector<16xi32>
        %lt3A_1153 = arith.constant 0 : i32
        %lt3A_1154 = vector.broadcast %lt3A_1153 : i32 to vector<16xi32>
        %lt3A_1155 = arith.cmpi slt, %rem3A_1149, %lt3A_1154 : vector<16xi32>
        %lt3A_1156 = arith.constant 0 : i32
        %lt3A_1157 = arith.cmpi slt, %select_n3A_1147, %lt3A_1156 : i32
        %ne3A_1158 = vector.broadcast %lt3A_1157 : i1 to vector<16xi1>
        %ne3A_1159 = vector.broadcast %ne3A_1158 : vector<16xi1> to vector<16xi1>
        %ne3A_1160 = arith.xori %lt3A_1155, %ne3A_1159 : vector<16xi1>
        %and3A_1161 = arith.andi %ne3A_1160, %ne3A_1152 : vector<16xi1>
        %add3A_1162 = vector.broadcast %select_n3A_1147 : i32 to vector<16xi32>
        %add3A_1163 = arith.addi %rem3A_1149, %add3A_1162 : vector<16xi32>
        %select_n3A_1164 = arith.select %and3A_1161, %add3A_1163, %rem3A_1149 : vector<16xi1>, vector<16xi32>
        %add3A_1165 = arith.constant 128 : i32
        %add3A_1166 = vector.broadcast %add3A_1165 : i32 to vector<16xi32>
        %add3A_1167 = arith.addi %iota3A, %add3A_1166 : vector<16xi32>
        %add3A_1168 = arith.constant 0 : i32
        %add3A_1169 = vector.broadcast %add3A_1168 : i32 to vector<16xi32>
        %add3A_1170 = arith.addi %iota3A, %add3A_1169 : vector<16xi32>
        %gather3A_1171 = tpu.vector_load_idx %arg9[%add3A_1167, %add3A_1107] : memref<512x64xf32, #tpu.memory_space<vmem>>[vector<16xi32>, vector<16xi32>], vector<16xf32>,
        %add3A_1172 = arith.addf %gather3A_1171, %gather3A_1108 : vector<16xf32>
        tpu.vector_store_idx %arg10[%add3A_1142, %select_n3A_1164, %add3A_1170], %add3A_1172 : memref<32x8x128xf32, #tpu.memory_space<vmem>>[vector<16xi32>, vector<16xi32>, vector<16xi32>], vector<16xf32>,
        %add3A_1173 = arith.constant 144 : i32
        %add3A_1174 = vector.broadcast %add3A_1173 : i32 to vector<16xi32>
        %add3A_1175 = arith.addi %iota3A, %add3A_1174 : vector<16xi32>
        %add3A_1176 = arith.constant 16 : i32
        %add3A_1177 = vector.broadcast %add3A_1176 : i32 to vector<16xi32>
        %add3A_1178 = arith.addi %iota3A, %add3A_1177 : vector<16xi32>
        %gather3A_1179 = tpu.vector_load_idx %arg9[%add3A_1175, %add3A_1107] : memref<512x64xf32, #tpu.memory_space<vmem>>[vector<16xi32>, vector<16xi32>], vector<16xf32>,
        %add3A_1180 = arith.addf %gather3A_1179, %gather3A_1108 : vector<16xf32>
        tpu.vector_store_idx %arg10[%add3A_1142, %select_n3A_1164, %add3A_1178], %add3A_1180 : memref<32x8x128xf32, #tpu.memory_space<vmem>>[vector<16xi32>, vector<16xi32>, vector<16xi32>], vector<16xf32>,
        %add3A_1181 = arith.constant 160 : i32
        %add3A_1182 = vector.broadcast %add3A_1181 : i32 to vector<16xi32>
        %add3A_1183 = arith.addi %iota3A, %add3A_1182 : vector<16xi32>
        %add3A_1184 = arith.constant 32 : i32
        %add3A_1185 = vector.broadcast %add3A_1184 : i32 to vector<16xi32>
        %add3A_1186 = arith.addi %iota3A, %add3A_1185 : vector<16xi32>
        %gather3A_1187 = tpu.vector_load_idx %arg9[%add3A_1183, %add3A_1107] : memref<512x64xf32, #tpu.memory_space<vmem>>[vector<16xi32>, vector<16xi32>], vector<16xf32>,
        %add3A_1188 = arith.addf %gather3A_1187, %gather3A_1108 : vector<16xf32>
        tpu.vector_store_idx %arg10[%add3A_1142, %select_n3A_1164, %add3A_1186], %add3A_1188 : memref<32x8x128xf32, #tpu.memory_space<vmem>>[vector<16xi32>, vector<16xi32>, vector<16xi32>], vector<16xf32>,
        %add3A_1189 = arith.constant 176 : i32
        %add3A_1190 = vector.broadcast %add3A_1189 : i32 to vector<16xi32>
        %add3A_1191 = arith.addi %iota3A, %add3A_1190 : vector<16xi32>
        %add3A_1192 = arith.constant 48 : i32
        %add3A_1193 = vector.broadcast %add3A_1192 : i32 to vector<16xi32>
        %add3A_1194 = arith.addi %iota3A, %add3A_1193 : vector<16xi32>
        %gather3A_1195 = tpu.vector_load_idx %arg9[%add3A_1191, %add3A_1107] : memref<512x64xf32, #tpu.memory_space<vmem>>[vector<16xi32>, vector<16xi32>], vector<16xf32>,
        %add3A_1196 = arith.addf %gather3A_1195, %gather3A_1108 : vector<16xf32>
        tpu.vector_store_idx %arg10[%add3A_1142, %select_n3A_1164, %add3A_1194], %add3A_1196 : memref<32x8x128xf32, #tpu.memory_space<vmem>>[vector<16xi32>, vector<16xi32>, vector<16xi32>], vector<16xf32>,
        %add3A_1197 = arith.constant 192 : i32
        %add3A_1198 = vector.broadcast %add3A_1197 : i32 to vector<16xi32>
        %add3A_1199 = arith.addi %iota3A, %add3A_1198 : vector<16xi32>
        %add3A_1200 = arith.constant 64 : i32
        %add3A_1201 = vector.broadcast %add3A_1200 : i32 to vector<16xi32>
        %add3A_1202 = arith.addi %iota3A, %add3A_1201 : vector<16xi32>
        %gather3A_1203 = tpu.vector_load_idx %arg9[%add3A_1199, %add3A_1107] : memref<512x64xf32, #tpu.memory_space<vmem>>[vector<16xi32>, vector<16xi32>], vector<16xf32>,
        %add3A_1204 = arith.addf %gather3A_1203, %gather3A_1108 : vector<16xf32>
        tpu.vector_store_idx %arg10[%add3A_1142, %select_n3A_1164, %add3A_1202], %add3A_1204 : memref<32x8x128xf32, #tpu.memory_space<vmem>>[vector<16xi32>, vector<16xi32>, vector<16xi32>], vector<16xf32>,
        %add3A_1205 = arith.constant 208 : i32
        %add3A_1206 = vector.broadcast %add3A_1205 : i32 to vector<16xi32>
        %add3A_1207 = arith.addi %iota3A, %add3A_1206 : vector<16xi32>
        %add3A_1208 = arith.constant 80 : i32
        %add3A_1209 = vector.broadcast %add3A_1208 : i32 to vector<16xi32>
        %add3A_1210 = arith.addi %iota3A, %add3A_1209 : vector<16xi32>
        %gather3A_1211 = tpu.vector_load_idx %arg9[%add3A_1207, %add3A_1107] : memref<512x64xf32, #tpu.memory_space<vmem>>[vector<16xi32>, vector<16xi32>], vector<16xf32>,
        %add3A_1212 = arith.addf %gather3A_1211, %gather3A_1108 : vector<16xf32>
        tpu.vector_store_idx %arg10[%add3A_1142, %select_n3A_1164, %add3A_1210], %add3A_1212 : memref<32x8x128xf32, #tpu.memory_space<vmem>>[vector<16xi32>, vector<16xi32>, vector<16xi32>], vector<16xf32>,
        %add3A_1213 = arith.constant 224 : i32
        %add3A_1214 = vector.broadcast %add3A_1213 : i32 to vector<16xi32>
        %add3A_1215 = arith.addi %iota3A, %add3A_1214 : vector<16xi32>
        %add3A_1216 = arith.constant 96 : i32
        %add3A_1217 = vector.broadcast %add3A_1216 : i32 to vector<16xi32>
        %add3A_1218 = arith.addi %iota3A, %add3A_1217 : vector<16xi32>
        %gather3A_1219 = tpu.vector_load_idx %arg9[%add3A_1215, %add3A_1107] : memref<512x64xf32, #tpu.memory_space<vmem>>[vector<16xi32>, vector<16xi32>], vector<16xf32>,
        %add3A_1220 = arith.addf %gather3A_1219, %gather3A_1108 : vector<16xf32>
        tpu.vector_store_idx %arg10[%add3A_1142, %select_n3A_1164, %add3A_1218], %add3A_1220 : memref<32x8x128xf32, #tpu.memory_space<vmem>>[vector<16xi32>, vector<16xi32>, vector<16xi32>], vector<16xf32>,
        %add3A_1221 = arith.constant 240 : i32
        %add3A_1222 = vector.broadcast %add3A_1221 : i32 to vector<16xi32>
        %add3A_1223 = arith.addi %iota3A, %add3A_1222 : vector<16xi32>
        %add3A_1224 = arith.constant 112 : i32
        %add3A_1225 = vector.broadcast %add3A_1224 : i32 to vector<16xi32>
        %add3A_1226 = arith.addi %iota3A, %add3A_1225 : vector<16xi32>
        %gather3A_1227 = tpu.vector_load_idx %arg9[%add3A_1223, %add3A_1107] : memref<512x64xf32, #tpu.memory_space<vmem>>[vector<16xi32>, vector<16xi32>], vector<16xf32>,
        %add3A_1228 = arith.addf %gather3A_1227, %gather3A_1108 : vector<16xf32>
        tpu.vector_store_idx %arg10[%add3A_1142, %select_n3A_1164, %add3A_1226], %add3A_1228 : memref<32x8x128xf32, #tpu.memory_space<vmem>>[vector<16xi32>, vector<16xi32>, vector<16xi32>], vector<16xf32>,
        %add3A_1229 = arith.constant 48 : i32
        %add3A_1230 = vector.broadcast %add3A_1229 : i32 to vector<16xi32>
        %add3A_1231 = arith.addi %add3A_1230, %and3A_856 : vector<16xi32>
        %gather3A_1232 = tpu.vector_load_idx %arg8[%add3A_221, %add3A_1231] : memref<200x64xf32, #tpu.memory_space<vmem>>[vector<16xi32>, vector<16xi32>], vector<16xf32>,
        %jit3A_1233 = arith.constant 8 : i32
        %div3A_1234 = vector.broadcast %jit3A_1233 : i32 to vector<16xi32>
        %div3A_1235 = arith.divsi %add3A_1231, %div3A_1234 : vector<16xi32>
        %sign3A_1236 = arith.constant 0 : i32
        %sign3A_1237 = vector.broadcast %sign3A_1236 : i32 to vector<16xi32>
        %sign3A_1238 = arith.cmpi sgt, %add3A_1231, %sign3A_1237 : vector<16xi32>
        %sign3A_1239 = arith.extui %sign3A_1238 : vector<16xi1> to vector<16xi32>
        %sign3A_1240 = arith.constant 0 : i32
        %sign3A_1241 = vector.broadcast %sign3A_1240 : i32 to vector<16xi32>
        %sign3A_1242 = arith.cmpi slt, %add3A_1231, %sign3A_1241 : vector<16xi32>
        %sign3A_1243 = arith.extui %sign3A_1242 : vector<16xi1> to vector<16xi32>
        %sign3A_1244 = arith.subi %sign3A_1239, %sign3A_1243 : vector<16xi32>
        %sign3A_1245 = arith.constant 0 : i32
        %sign3A_1246 = arith.cmpi sgt, %jit3A_1233, %sign3A_1245 : i32
        %sign3A_1247 = arith.extui %sign3A_1246 : i1 to i32
        %sign3A_1248 = arith.constant 0 : i32
        %sign3A_1249 = arith.cmpi slt, %jit3A_1233, %sign3A_1248 : i32
        %sign3A_1250 = arith.extui %sign3A_1249 : i1 to i32
        %sign3A_1251 = arith.subi %sign3A_1247, %sign3A_1250 : i32
        %ne3A_1252 = vector.broadcast %sign3A_1251 : i32 to vector<16xi32>
        %ne3A_1253 = arith.cmpi ne, %sign3A_1244, %ne3A_1252 : vector<16xi32>
        %rem3A_1254 = vector.broadcast %jit3A_1233 : i32 to vector<16xi32>
        %rem3A_1255 = arith.remsi %add3A_1231, %rem3A_1254 : vector<16xi32>
        %ne3A_1256 = arith.constant 0 : i32
        %ne3A_1257 = vector.broadcast %ne3A_1256 : i32 to vector<16xi32>
        %ne3A_1258 = arith.cmpi ne, %rem3A_1255, %ne3A_1257 : vector<16xi32>
        %and3A_1259 = arith.andi %ne3A_1253, %ne3A_1258 : vector<16xi1>
        %sub3A_1260 = arith.constant 1 : i32
        %sub3A_1261 = vector.broadcast %sub3A_1260 : i32 to vector<16xi32>
        %sub3A_1262 = arith.subi %div3A_1235, %sub3A_1261 : vector<16xi32>
        %select_n3A_1263 = arith.select %and3A_1259, %sub3A_1262, %div3A_1235 : vector<16xi1>, vector<16xi32>
        %add3A_1264 = arith.constant 8 : i32
        %add3A_1265 = vector.broadcast %add3A_1264 : i32 to vector<16xi32>
        %add3A_1266 = arith.addi %add3A_1265, %select_n3A_1263 : vector<16xi32>
        %jit3A_1267 = arith.constant 8 : i32
        %eq3A_1268 = arith.constant 0 : i32
        %eq3A_1269 = arith.cmpi eq, %jit3A_1267, %eq3A_1268 : i32
        %jit3A_1270 = arith.constant 1 : i32
        %select_n3A_1271 = arith.select %eq3A_1269, %jit3A_1270, %jit3A_1267 : i32
        %rem3A_1272 = vector.broadcast %select_n3A_1271 : i32 to vector<16xi32>
        %rem3A_1273 = arith.remsi %add3A_1231, %rem3A_1272 : vector<16xi32>
        %ne3A_1274 = arith.constant 0 : i32
        %ne3A_1275 = vector.broadcast %ne3A_1274 : i32 to vector<16xi32>
        %ne3A_1276 = arith.cmpi ne, %rem3A_1273, %ne3A_1275 : vector<16xi32>
        %lt3A_1277 = arith.constant 0 : i32
        %lt3A_1278 = vector.broadcast %lt3A_1277 : i32 to vector<16xi32>
        %lt3A_1279 = arith.cmpi slt, %rem3A_1273, %lt3A_1278 : vector<16xi32>
        %lt3A_1280 = arith.constant 0 : i32
        %lt3A_1281 = arith.cmpi slt, %select_n3A_1271, %lt3A_1280 : i32
        %ne3A_1282 = vector.broadcast %lt3A_1281 : i1 to vector<16xi1>
        %ne3A_1283 = vector.broadcast %ne3A_1282 : vector<16xi1> to vector<16xi1>
        %ne3A_1284 = arith.xori %lt3A_1279, %ne3A_1283 : vector<16xi1>
        %and3A_1285 = arith.andi %ne3A_1284, %ne3A_1276 : vector<16xi1>
        %add3A_1286 = vector.broadcast %select_n3A_1271 : i32 to vector<16xi32>
        %add3A_1287 = arith.addi %rem3A_1273, %add3A_1286 : vector<16xi32>
        %select_n3A_1288 = arith.select %and3A_1285, %add3A_1287, %rem3A_1273 : vector<16xi1>, vector<16xi32>
        %add3A_1289 = arith.constant 128 : i32
        %add3A_1290 = vector.broadcast %add3A_1289 : i32 to vector<16xi32>
        %add3A_1291 = arith.addi %iota3A, %add3A_1290 : vector<16xi32>
        %add3A_1292 = arith.constant 0 : i32
        %add3A_1293 = vector.broadcast %add3A_1292 : i32 to vector<16xi32>
        %add3A_1294 = arith.addi %iota3A, %add3A_1293 : vector<16xi32>
        %gather3A_1295 = tpu.vector_load_idx %arg9[%add3A_1291, %add3A_1231] : memref<512x64xf32, #tpu.memory_space<vmem>>[vector<16xi32>, vector<16xi32>], vector<16xf32>,
        %add3A_1296 = arith.addf %gather3A_1295, %gather3A_1232 : vector<16xf32>
        tpu.vector_store_idx %arg10[%add3A_1266, %select_n3A_1288, %add3A_1294], %add3A_1296 : memref<32x8x128xf32, #tpu.memory_space<vmem>>[vector<16xi32>, vector<16xi32>, vector<16xi32>], vector<16xf32>,
        %add3A_1297 = arith.constant 144 : i32
        %add3A_1298 = vector.broadcast %add3A_1297 : i32 to vector<16xi32>
        %add3A_1299 = arith.addi %iota3A, %add3A_1298 : vector<16xi32>
        %add3A_1300 = arith.constant 16 : i32
        %add3A_1301 = vector.broadcast %add3A_1300 : i32 to vector<16xi32>
        %add3A_1302 = arith.addi %iota3A, %add3A_1301 : vector<16xi32>
        %gather3A_1303 = tpu.vector_load_idx %arg9[%add3A_1299, %add3A_1231] : memref<512x64xf32, #tpu.memory_space<vmem>>[vector<16xi32>, vector<16xi32>], vector<16xf32>,
        %add3A_1304 = arith.addf %gather3A_1303, %gather3A_1232 : vector<16xf32>
        tpu.vector_store_idx %arg10[%add3A_1266, %select_n3A_1288, %add3A_1302], %add3A_1304 : memref<32x8x128xf32, #tpu.memory_space<vmem>>[vector<16xi32>, vector<16xi32>, vector<16xi32>], vector<16xf32>,
        %add3A_1305 = arith.constant 160 : i32
        %add3A_1306 = vector.broadcast %add3A_1305 : i32 to vector<16xi32>
        %add3A_1307 = arith.addi %iota3A, %add3A_1306 : vector<16xi32>
        %add3A_1308 = arith.constant 32 : i32
        %add3A_1309 = vector.broadcast %add3A_1308 : i32 to vector<16xi32>
        %add3A_1310 = arith.addi %iota3A, %add3A_1309 : vector<16xi32>
        %gather3A_1311 = tpu.vector_load_idx %arg9[%add3A_1307, %add3A_1231] : memref<512x64xf32, #tpu.memory_space<vmem>>[vector<16xi32>, vector<16xi32>], vector<16xf32>,
        %add3A_1312 = arith.addf %gather3A_1311, %gather3A_1232 : vector<16xf32>
        tpu.vector_store_idx %arg10[%add3A_1266, %select_n3A_1288, %add3A_1310], %add3A_1312 : memref<32x8x128xf32, #tpu.memory_space<vmem>>[vector<16xi32>, vector<16xi32>, vector<16xi32>], vector<16xf32>,
        %add3A_1313 = arith.constant 176 : i32
        %add3A_1314 = vector.broadcast %add3A_1313 : i32 to vector<16xi32>
        %add3A_1315 = arith.addi %iota3A, %add3A_1314 : vector<16xi32>
        %add3A_1316 = arith.constant 48 : i32
        %add3A_1317 = vector.broadcast %add3A_1316 : i32 to vector<16xi32>
        %add3A_1318 = arith.addi %iota3A, %add3A_1317 : vector<16xi32>
        %gather3A_1319 = tpu.vector_load_idx %arg9[%add3A_1315, %add3A_1231] : memref<512x64xf32, #tpu.memory_space<vmem>>[vector<16xi32>, vector<16xi32>], vector<16xf32>,
        %add3A_1320 = arith.addf %gather3A_1319, %gather3A_1232 : vector<16xf32>
        tpu.vector_store_idx %arg10[%add3A_1266, %select_n3A_1288, %add3A_1318], %add3A_1320 : memref<32x8x128xf32, #tpu.memory_space<vmem>>[vector<16xi32>, vector<16xi32>, vector<16xi32>], vector<16xf32>,
        %add3A_1321 = arith.constant 192 : i32
        %add3A_1322 = vector.broadcast %add3A_1321 : i32 to vector<16xi32>
        %add3A_1323 = arith.addi %iota3A, %add3A_1322 : vector<16xi32>
        %add3A_1324 = arith.constant 64 : i32
        %add3A_1325 = vector.broadcast %add3A_1324 : i32 to vector<16xi32>
        %add3A_1326 = arith.addi %iota3A, %add3A_1325 : vector<16xi32>
        %gather3A_1327 = tpu.vector_load_idx %arg9[%add3A_1323, %add3A_1231] : memref<512x64xf32, #tpu.memory_space<vmem>>[vector<16xi32>, vector<16xi32>], vector<16xf32>,
        %add3A_1328 = arith.addf %gather3A_1327, %gather3A_1232 : vector<16xf32>
        tpu.vector_store_idx %arg10[%add3A_1266, %select_n3A_1288, %add3A_1326], %add3A_1328 : memref<32x8x128xf32, #tpu.memory_space<vmem>>[vector<16xi32>, vector<16xi32>, vector<16xi32>], vector<16xf32>,
        %add3A_1329 = arith.constant 208 : i32
        %add3A_1330 = vector.broadcast %add3A_1329 : i32 to vector<16xi32>
        %add3A_1331 = arith.addi %iota3A, %add3A_1330 : vector<16xi32>
        %add3A_1332 = arith.constant 80 : i32
        %add3A_1333 = vector.broadcast %add3A_1332 : i32 to vector<16xi32>
        %add3A_1334 = arith.addi %iota3A, %add3A_1333 : vector<16xi32>
        %gather3A_1335 = tpu.vector_load_idx %arg9[%add3A_1331, %add3A_1231] : memref<512x64xf32, #tpu.memory_space<vmem>>[vector<16xi32>, vector<16xi32>], vector<16xf32>,
        %add3A_1336 = arith.addf %gather3A_1335, %gather3A_1232 : vector<16xf32>
        tpu.vector_store_idx %arg10[%add3A_1266, %select_n3A_1288, %add3A_1334], %add3A_1336 : memref<32x8x128xf32, #tpu.memory_space<vmem>>[vector<16xi32>, vector<16xi32>, vector<16xi32>], vector<16xf32>,
        %add3A_1337 = arith.constant 224 : i32
        %add3A_1338 = vector.broadcast %add3A_1337 : i32 to vector<16xi32>
        %add3A_1339 = arith.addi %iota3A, %add3A_1338 : vector<16xi32>
        %add3A_1340 = arith.constant 96 : i32
        %add3A_1341 = vector.broadcast %add3A_1340 : i32 to vector<16xi32>
        %add3A_1342 = arith.addi %iota3A, %add3A_1341 : vector<16xi32>
        %gather3A_1343 = tpu.vector_load_idx %arg9[%add3A_1339, %add3A_1231] : memref<512x64xf32, #tpu.memory_space<vmem>>[vector<16xi32>, vector<16xi32>], vector<16xf32>,
        %add3A_1344 = arith.addf %gather3A_1343, %gather3A_1232 : vector<16xf32>
        tpu.vector_store_idx %arg10[%add3A_1266, %select_n3A_1288, %add3A_1342], %add3A_1344 : memref<32x8x128xf32, #tpu.memory_space<vmem>>[vector<16xi32>, vector<16xi32>, vector<16xi32>], vector<16xf32>,
        %add3A_1345 = arith.constant 240 : i32
        %add3A_1346 = vector.broadcast %add3A_1345 : i32 to vector<16xi32>
        %add3A_1347 = arith.addi %iota3A, %add3A_1346 : vector<16xi32>
        %add3A_1348 = arith.constant 112 : i32
        %add3A_1349 = vector.broadcast %add3A_1348 : i32 to vector<16xi32>
        %add3A_1350 = arith.addi %iota3A, %add3A_1349 : vector<16xi32>
        %gather3A_1351 = tpu.vector_load_idx %arg9[%add3A_1347, %add3A_1231] : memref<512x64xf32, #tpu.memory_space<vmem>>[vector<16xi32>, vector<16xi32>], vector<16xf32>,
        %add3A_1352 = arith.addf %gather3A_1351, %gather3A_1232 : vector<16xf32>
        tpu.vector_store_idx %arg10[%add3A_1266, %select_n3A_1288, %add3A_1350], %add3A_1352 : memref<32x8x128xf32, #tpu.memory_space<vmem>>[vector<16xi32>, vector<16xi32>, vector<16xi32>], vector<16xf32>,
      }
      %scan3A_226 = arith.constant 16 : i32
      %dma_start3A_227 = arith.constant 8 : i32
      %dma_start3A_228 = arith.constant 0 : i32
      %dma_start3A_229 = arith.constant 0 : i32
      %dma_start3A_230 = tpu.memref_slice %arg10[%dma_start3A_227, %dma_start3A_228, %dma_start3A_229] : memref<32x8x128xf32, #tpu.memory_space<vmem>> -> memref<8x8x128xf32, #tpu.memory_space<vmem>>
      %dma_start3A_231 = arith.constant 0 : i32
      %dma_start3A_232 = arith.constant 0 : i32
      %dma_start3A_233 = arith.constant 0 : i32
      %dma_start3A_234 = tpu.memref_slice %arg5[%add3A_194, %dma_start3A_231, %add3A, %dma_start3A_232, %dma_start3A_233] : memref<200x8x32x8x128xf32, #tpu.memory_space<hbm>> -> memref<1x8x1x8x128xf32, #tpu.memory_space<hbm>>
      %dma_start3A_235 = tpu.memref_squeeze %dma_start3A_234 : memref<1x8x1x8x128xf32, #tpu.memory_space<hbm>> -> memref<8x8x128xf32, #tpu.memory_space<hbm>>
      %dma_start3A_236 = arith.constant 0 : i32
      %dma_start3A_237 = arith.constant 0 : i32
      %dma_start3A_238 = arith.constant 0 : i32
      %dma_start3A_239 = tpu.memref_slice %arg5[%add3A_194, %dma_start3A_236, %add3A, %dma_start3A_237, %dma_start3A_238] : memref<200x8x32x8x128xf32, #tpu.memory_space<hbm>> -> memref<1x8x1x8x128xf32, #tpu.memory_space<hbm>>
      %dma_start3A_240 = tpu.memref_squeeze %dma_start3A_239 : memref<1x8x1x8x128xf32, #tpu.memory_space<hbm>> -> memref<8x8x128xf32, #tpu.memory_space<hbm>>
      %dma_start3A_241 = arith.constant 8 : i32
      %dma_start3A_242 = arith.constant 0 : i32
      %dma_start3A_243 = arith.constant 0 : i32
      %dma_start3A_244 = tpu.memref_slice %arg10[%dma_start3A_241, %dma_start3A_242, %dma_start3A_243] : memref<32x8x128xf32, #tpu.memory_space<vmem>> -> memref<8x8x128xf32, #tpu.memory_space<vmem>>
      tpu.enqueue_dma source(%dma_start3A_244 : memref<8x8x128xf32, #tpu.memory_space<vmem>>) target(%dma_start3A_240 : memref<8x8x128xf32, #tpu.memory_space<hbm>>) target_semaphore(%arg16 : memref<!tpu.dma_semaphore, #tpu.memory_space<semaphore_mem>>)
      %add3A_245 = arith.constant 2 : i32
      %add3A_246 = arith.addi %add3A_146, %add3A_245 : i32
      %dma_wait3A_247 = arith.constant 256 : i32
      %dma_wait3A_248 = arith.constant 0 : i32
      %dma_wait3A_249 = tpu.memref_slice %arg9[%dma_wait3A_247, %dma_wait3A_248] : memref<512x64xf32, #tpu.memory_space<vmem>> -> memref<128x64xf32, #tpu.memory_space<vmem>>
      %dma_wait3A_250 = arith.constant 0 : i32
      %dma_wait3A_251 = tpu.memref_slice %arg7[%add3A_246, %dma_wait3A_250] : memref<200x128xi32, #tpu.memory_space<vmem>> -> memref<1x128xi32, #tpu.memory_space<vmem>>
      %dma_wait3A_252 = tpu.memref_squeeze %dma_wait3A_251 : memref<1x128xi32, #tpu.memory_space<vmem>> -> memref<128xi32, #tpu.memory_space<vmem>>
      %dma_wait3A_253 = arith.constant 0 : i32
      %dma_wait3A_254 = arith.constant 0 : i32
      %dma_wait3A_255 = tpu.memref_slice %arg3[%dma_wait3A_253, %dma_wait3A_254] : memref<100000x64xf32, #tpu.memory_space<hbm>> -> memref<100000x64xf32, #tpu.memory_space<hbm>>
      tpu.wait_indirect_dma semaphore(%arg13 : memref<!tpu.dma_semaphore, #tpu.memory_space<semaphore_mem>>) src(%dma_wait3A_255 : memref<100000x64xf32, #tpu.memory_space<hbm>>) dst(%dma_wait3A_249 : memref<128x64xf32, #tpu.memory_space<vmem>>)
      %add3A_256 = arith.constant 4 : i32
      %add3A_257 = arith.addi %add3A_246, %add3A_256 : i32
      %sub3A_258 = arith.constant 1 : i32
      %sub3A_259 = arith.subi %add3A_257, %sub3A_258 : i32
      %lt3A_260 = arith.constant 200 : i32
      %lt3A_261 = arith.cmpi slt, %sub3A_259, %lt3A_260 : i32
      %convert_element_type3A_262 = arith.extui %lt3A_261 : i1 to i32
      %cond3A_263 = arith.constant 0 : i32
      %cond3A_264 = arith.cmpi ne, %convert_element_type3A_262, %cond3A_263 : i32
      scf.if %cond3A_264 {
        %add3A_349 = arith.constant 4 : i32
        %add3A_350 = arith.addi %add3A_246, %add3A_349 : i32
        %sub3A_351 = arith.constant 1 : i32
        %sub3A_352 = arith.subi %add3A_350, %sub3A_351 : i32
        %dma_start3A_353 = arith.constant 128 : i32
        %dma_start3A_354 = arith.constant 0 : i32
        %dma_start3A_355 = tpu.memref_slice %arg9[%dma_start3A_353, %dma_start3A_354] : memref<512x64xf32, #tpu.memory_space<vmem>> -> memref<128x64xf32, #tpu.memory_space<vmem>>
        %dma_start3A_356 = arith.constant 0 : i32
        %dma_start3A_357 = tpu.memref_slice %arg7[%sub3A_352, %dma_start3A_356] : memref<200x128xi32, #tpu.memory_space<vmem>> -> memref<1x128xi32, #tpu.memory_space<vmem>>
        %dma_start3A_358 = tpu.memref_squeeze %dma_start3A_357 : memref<1x128xi32, #tpu.memory_space<vmem>> -> memref<128xi32, #tpu.memory_space<vmem>>
        %dma_start3A_359 = arith.constant 0 : i32
        %dma_start3A_360 = arith.constant 0 : i32
        %dma_start3A_361 = tpu.memref_slice %arg3[%dma_start3A_359, %dma_start3A_360] : memref<100000x64xf32, #tpu.memory_space<hbm>> -> memref<100000x64xf32, #tpu.memory_space<hbm>>
        tpu.enqueue_indirect_dma source(%dma_start3A_361 : memref<100000x64xf32, #tpu.memory_space<hbm>>) target(%dma_start3A_355 : memref<128x64xf32, #tpu.memory_space<vmem>>) offsets(%dma_start3A_358 : memref<128xi32, #tpu.memory_space<vmem>>) semaphore(%arg12 : memref<!tpu.dma_semaphore, #tpu.memory_space<semaphore_mem>>)
      } else {
      }
      %ge3A_265 = arith.constant 4 : i32
      %ge3A_266 = arith.cmpi sge, %add3A_246, %ge3A_265 : i32
      %convert_element_type3A_267 = arith.extui %ge3A_266 : i1 to i32
      %cond3A_268 = arith.constant 0 : i32
      %cond3A_269 = arith.cmpi ne, %convert_element_type3A_267, %cond3A_268 : i32
      scf.if %cond3A_269 {
        %sub3A_349 = arith.constant 4 : i32
        %sub3A_350 = arith.subi %add3A_246, %sub3A_349 : i32
        %dma_wait3A_351 = arith.constant 16 : i32
        %dma_wait3A_352 = arith.constant 0 : i32
        %dma_wait3A_353 = arith.constant 0 : i32
        %dma_wait3A_354 = tpu.memref_slice %arg10[%dma_wait3A_351, %dma_wait3A_352, %dma_wait3A_353] : memref<32x8x128xf32, #tpu.memory_space<vmem>> -> memref<8x8x128xf32, #tpu.memory_space<vmem>>
        %dma_wait3A_355 = arith.constant 0 : i32
        %dma_wait3A_356 = arith.constant 0 : i32
        %dma_wait3A_357 = arith.constant 0 : i32
        %dma_wait3A_358 = tpu.memref_slice %arg5[%sub3A_350, %dma_wait3A_355, %add3A, %dma_wait3A_356, %dma_wait3A_357] : memref<200x8x32x8x128xf32, #tpu.memory_space<hbm>> -> memref<1x8x1x8x128xf32, #tpu.memory_space<hbm>>
        %dma_wait3A_359 = tpu.memref_squeeze %dma_wait3A_358 : memref<1x8x1x8x128xf32, #tpu.memory_space<hbm>> -> memref<8x8x128xf32, #tpu.memory_space<hbm>>
        %dma_wait3A_360 = arith.constant 0 : i32
        %dma_wait3A_361 = arith.constant 0 : i32
        %dma_wait3A_362 = arith.constant 0 : i32
        %dma_wait3A_363 = tpu.memref_slice %arg5[%sub3A_350, %dma_wait3A_360, %add3A, %dma_wait3A_361, %dma_wait3A_362] : memref<200x8x32x8x128xf32, #tpu.memory_space<hbm>> -> memref<1x8x1x8x128xf32, #tpu.memory_space<hbm>>
        %dma_wait3A_364 = tpu.memref_squeeze %dma_wait3A_363 : memref<1x8x1x8x128xf32, #tpu.memory_space<hbm>> -> memref<8x8x128xf32, #tpu.memory_space<hbm>>
        %dma_wait3A_365 = arith.constant 16 : i32
        %dma_wait3A_366 = arith.constant 0 : i32
        %dma_wait3A_367 = arith.constant 0 : i32
        %dma_wait3A_368 = tpu.memref_slice %arg10[%dma_wait3A_365, %dma_wait3A_366, %dma_wait3A_367] : memref<32x8x128xf32, #tpu.memory_space<vmem>> -> memref<8x8x128xf32, #tpu.memory_space<vmem>>
        tpu.wait_dma2 semaphore(%arg17 : memref<!tpu.dma_semaphore, #tpu.memory_space<semaphore_mem>>) src(%dma_wait3A_368 : memref<8x8x128xf32, #tpu.memory_space<vmem>>) dst(%dma_wait3A_364 : memref<8x8x128xf32, #tpu.memory_space<hbm>>)
      } else {
      }
      %broadcast_in_dim3A_270 = arith.constant 0 : i32
      %broadcast_in_dim3A_271 = vector.broadcast %broadcast_in_dim3A_270 : i32 to vector<16xi32>
      %add3A_272 = vector.broadcast %add3A_246 : i32 to vector<16xi32>
      %add3A_273 = arith.addi %broadcast_in_dim3A_271, %add3A_272 : vector<16xi32>
      %scan3A_274 = arith.constant 0 : i32
      %scan3A_275 = arith.constant 16 : i32
      %scan3A_276 = arith.addi %scan3A_274, %scan3A_275 : i32
      %scan3A_277 = arith.constant 2 : i32
      scf.for %scan3A_349 = %scan3A_274 to %scan3A_276 step %scan3A_277  : i32 {
        %mul3A_350 = arith.constant 1 : i32
        %mul3A_351 = arith.muli %scan3A_349, %mul3A_350 : i32
        %add3A_352 = arith.constant 0 : i32
        %add3A_353 = arith.addi %add3A_352, %mul3A_351 : i32
        %add3A_354 = vector.broadcast %add3A_353 : i32 to vector<16xi32>
        %add3A_355 = arith.addi %iota3A, %add3A_354 : vector<16xi32>
        %and3A = arith.constant 15 : i32
        %and3A_356 = vector.broadcast %and3A : i32 to vector<16xi32>
        %and3A_357 = arith.andi %add3A_355, %and3A_356 : vector<16xi32>
        %add3A_358 = arith.constant 0 : i32
        %add3A_359 = vector.broadcast %add3A_358 : i32 to vector<16xi32>
        %add3A_360 = arith.addi %add3A_359, %and3A_357 : vector<16xi32>
        %gather3A = tpu.vector_load_idx %arg8[%add3A_273, %add3A_360] : memref<200x64xf32, #tpu.memory_space<vmem>>[vector<16xi32>, vector<16xi32>], vector<16xf32>,
        %jit3A = arith.constant 8 : i32
        %div3A = vector.broadcast %jit3A : i32 to vector<16xi32>
        %div3A_361 = arith.divsi %add3A_360, %div3A : vector<16xi32>
        %sign3A = arith.constant 0 : i32
        %sign3A_362 = vector.broadcast %sign3A : i32 to vector<16xi32>
        %sign3A_363 = arith.cmpi sgt, %add3A_360, %sign3A_362 : vector<16xi32>
        %sign3A_364 = arith.extui %sign3A_363 : vector<16xi1> to vector<16xi32>
        %sign3A_365 = arith.constant 0 : i32
        %sign3A_366 = vector.broadcast %sign3A_365 : i32 to vector<16xi32>
        %sign3A_367 = arith.cmpi slt, %add3A_360, %sign3A_366 : vector<16xi32>
        %sign3A_368 = arith.extui %sign3A_367 : vector<16xi1> to vector<16xi32>
        %sign3A_369 = arith.subi %sign3A_364, %sign3A_368 : vector<16xi32>
        %sign3A_370 = arith.constant 0 : i32
        %sign3A_371 = arith.cmpi sgt, %jit3A, %sign3A_370 : i32
        %sign3A_372 = arith.extui %sign3A_371 : i1 to i32
        %sign3A_373 = arith.constant 0 : i32
        %sign3A_374 = arith.cmpi slt, %jit3A, %sign3A_373 : i32
        %sign3A_375 = arith.extui %sign3A_374 : i1 to i32
        %sign3A_376 = arith.subi %sign3A_372, %sign3A_375 : i32
        %ne3A = vector.broadcast %sign3A_376 : i32 to vector<16xi32>
        %ne3A_377 = arith.cmpi ne, %sign3A_369, %ne3A : vector<16xi32>
        %rem3A = vector.broadcast %jit3A : i32 to vector<16xi32>
        %rem3A_378 = arith.remsi %add3A_360, %rem3A : vector<16xi32>
        %ne3A_379 = arith.constant 0 : i32
        %ne3A_380 = vector.broadcast %ne3A_379 : i32 to vector<16xi32>
        %ne3A_381 = arith.cmpi ne, %rem3A_378, %ne3A_380 : vector<16xi32>
        %and3A_382 = arith.andi %ne3A_377, %ne3A_381 : vector<16xi1>
        %sub3A_383 = arith.constant 1 : i32
        %sub3A_384 = vector.broadcast %sub3A_383 : i32 to vector<16xi32>
        %sub3A_385 = arith.subi %div3A_361, %sub3A_384 : vector<16xi32>
        %select_n3A = arith.select %and3A_382, %sub3A_385, %div3A_361 : vector<16xi1>, vector<16xi32>
        %add3A_386 = arith.constant 16 : i32
        %add3A_387 = vector.broadcast %add3A_386 : i32 to vector<16xi32>
        %add3A_388 = arith.addi %add3A_387, %select_n3A : vector<16xi32>
        %jit3A_389 = arith.constant 8 : i32
        %eq3A = arith.constant 0 : i32
        %eq3A_390 = arith.cmpi eq, %jit3A_389, %eq3A : i32
        %jit3A_391 = arith.constant 1 : i32
        %select_n3A_392 = arith.select %eq3A_390, %jit3A_391, %jit3A_389 : i32
        %rem3A_393 = vector.broadcast %select_n3A_392 : i32 to vector<16xi32>
        %rem3A_394 = arith.remsi %add3A_360, %rem3A_393 : vector<16xi32>
        %ne3A_395 = arith.constant 0 : i32
        %ne3A_396 = vector.broadcast %ne3A_395 : i32 to vector<16xi32>
        %ne3A_397 = arith.cmpi ne, %rem3A_394, %ne3A_396 : vector<16xi32>
        %lt3A_398 = arith.constant 0 : i32
        %lt3A_399 = vector.broadcast %lt3A_398 : i32 to vector<16xi32>
        %lt3A_400 = arith.cmpi slt, %rem3A_394, %lt3A_399 : vector<16xi32>
        %lt3A_401 = arith.constant 0 : i32
        %lt3A_402 = arith.cmpi slt, %select_n3A_392, %lt3A_401 : i32
        %ne3A_403 = vector.broadcast %lt3A_402 : i1 to vector<16xi1>
        %ne3A_404 = vector.broadcast %ne3A_403 : vector<16xi1> to vector<16xi1>
        %ne3A_405 = arith.xori %lt3A_400, %ne3A_404 : vector<16xi1>
        %and3A_406 = arith.andi %ne3A_405, %ne3A_397 : vector<16xi1>
        %add3A_407 = vector.broadcast %select_n3A_392 : i32 to vector<16xi32>
        %add3A_408 = arith.addi %rem3A_394, %add3A_407 : vector<16xi32>
        %select_n3A_409 = arith.select %and3A_406, %add3A_408, %rem3A_394 : vector<16xi1>, vector<16xi32>
        %add3A_410 = arith.constant 256 : i32
        %add3A_411 = vector.broadcast %add3A_410 : i32 to vector<16xi32>
        %add3A_412 = arith.addi %iota3A, %add3A_411 : vector<16xi32>
        %add3A_413 = arith.constant 0 : i32
        %add3A_414 = vector.broadcast %add3A_413 : i32 to vector<16xi32>
        %add3A_415 = arith.addi %iota3A, %add3A_414 : vector<16xi32>
        %gather3A_416 = tpu.vector_load_idx %arg9[%add3A_412, %add3A_360] : memref<512x64xf32, #tpu.memory_space<vmem>>[vector<16xi32>, vector<16xi32>], vector<16xf32>,
        %add3A_417 = arith.addf %gather3A_416, %gather3A : vector<16xf32>
        tpu.vector_store_idx %arg10[%add3A_388, %select_n3A_409, %add3A_415], %add3A_417 : memref<32x8x128xf32, #tpu.memory_space<vmem>>[vector<16xi32>, vector<16xi32>, vector<16xi32>], vector<16xf32>,
        %add3A_418 = arith.constant 272 : i32
        %add3A_419 = vector.broadcast %add3A_418 : i32 to vector<16xi32>
        %add3A_420 = arith.addi %iota3A, %add3A_419 : vector<16xi32>
        %add3A_421 = arith.constant 16 : i32
        %add3A_422 = vector.broadcast %add3A_421 : i32 to vector<16xi32>
        %add3A_423 = arith.addi %iota3A, %add3A_422 : vector<16xi32>
        %gather3A_424 = tpu.vector_load_idx %arg9[%add3A_420, %add3A_360] : memref<512x64xf32, #tpu.memory_space<vmem>>[vector<16xi32>, vector<16xi32>], vector<16xf32>,
        %add3A_425 = arith.addf %gather3A_424, %gather3A : vector<16xf32>
        tpu.vector_store_idx %arg10[%add3A_388, %select_n3A_409, %add3A_423], %add3A_425 : memref<32x8x128xf32, #tpu.memory_space<vmem>>[vector<16xi32>, vector<16xi32>, vector<16xi32>], vector<16xf32>,
        %add3A_426 = arith.constant 288 : i32
        %add3A_427 = vector.broadcast %add3A_426 : i32 to vector<16xi32>
        %add3A_428 = arith.addi %iota3A, %add3A_427 : vector<16xi32>
        %add3A_429 = arith.constant 32 : i32
        %add3A_430 = vector.broadcast %add3A_429 : i32 to vector<16xi32>
        %add3A_431 = arith.addi %iota3A, %add3A_430 : vector<16xi32>
        %gather3A_432 = tpu.vector_load_idx %arg9[%add3A_428, %add3A_360] : memref<512x64xf32, #tpu.memory_space<vmem>>[vector<16xi32>, vector<16xi32>], vector<16xf32>,
        %add3A_433 = arith.addf %gather3A_432, %gather3A : vector<16xf32>
        tpu.vector_store_idx %arg10[%add3A_388, %select_n3A_409, %add3A_431], %add3A_433 : memref<32x8x128xf32, #tpu.memory_space<vmem>>[vector<16xi32>, vector<16xi32>, vector<16xi32>], vector<16xf32>,
        %add3A_434 = arith.constant 304 : i32
        %add3A_435 = vector.broadcast %add3A_434 : i32 to vector<16xi32>
        %add3A_436 = arith.addi %iota3A, %add3A_435 : vector<16xi32>
        %add3A_437 = arith.constant 48 : i32
        %add3A_438 = vector.broadcast %add3A_437 : i32 to vector<16xi32>
        %add3A_439 = arith.addi %iota3A, %add3A_438 : vector<16xi32>
        %gather3A_440 = tpu.vector_load_idx %arg9[%add3A_436, %add3A_360] : memref<512x64xf32, #tpu.memory_space<vmem>>[vector<16xi32>, vector<16xi32>], vector<16xf32>,
        %add3A_441 = arith.addf %gather3A_440, %gather3A : vector<16xf32>
        tpu.vector_store_idx %arg10[%add3A_388, %select_n3A_409, %add3A_439], %add3A_441 : memref<32x8x128xf32, #tpu.memory_space<vmem>>[vector<16xi32>, vector<16xi32>, vector<16xi32>], vector<16xf32>,
        %add3A_442 = arith.constant 320 : i32
        %add3A_443 = vector.broadcast %add3A_442 : i32 to vector<16xi32>
        %add3A_444 = arith.addi %iota3A, %add3A_443 : vector<16xi32>
        %add3A_445 = arith.constant 64 : i32
        %add3A_446 = vector.broadcast %add3A_445 : i32 to vector<16xi32>
        %add3A_447 = arith.addi %iota3A, %add3A_446 : vector<16xi32>
        %gather3A_448 = tpu.vector_load_idx %arg9[%add3A_444, %add3A_360] : memref<512x64xf32, #tpu.memory_space<vmem>>[vector<16xi32>, vector<16xi32>], vector<16xf32>,
        %add3A_449 = arith.addf %gather3A_448, %gather3A : vector<16xf32>
        tpu.vector_store_idx %arg10[%add3A_388, %select_n3A_409, %add3A_447], %add3A_449 : memref<32x8x128xf32, #tpu.memory_space<vmem>>[vector<16xi32>, vector<16xi32>, vector<16xi32>], vector<16xf32>,
        %add3A_450 = arith.constant 336 : i32
        %add3A_451 = vector.broadcast %add3A_450 : i32 to vector<16xi32>
        %add3A_452 = arith.addi %iota3A, %add3A_451 : vector<16xi32>
        %add3A_453 = arith.constant 80 : i32
        %add3A_454 = vector.broadcast %add3A_453 : i32 to vector<16xi32>
        %add3A_455 = arith.addi %iota3A, %add3A_454 : vector<16xi32>
        %gather3A_456 = tpu.vector_load_idx %arg9[%add3A_452, %add3A_360] : memref<512x64xf32, #tpu.memory_space<vmem>>[vector<16xi32>, vector<16xi32>], vector<16xf32>,
        %add3A_457 = arith.addf %gather3A_456, %gather3A : vector<16xf32>
        tpu.vector_store_idx %arg10[%add3A_388, %select_n3A_409, %add3A_455], %add3A_457 : memref<32x8x128xf32, #tpu.memory_space<vmem>>[vector<16xi32>, vector<16xi32>, vector<16xi32>], vector<16xf32>,
        %add3A_458 = arith.constant 352 : i32
        %add3A_459 = vector.broadcast %add3A_458 : i32 to vector<16xi32>
        %add3A_460 = arith.addi %iota3A, %add3A_459 : vector<16xi32>
        %add3A_461 = arith.constant 96 : i32
        %add3A_462 = vector.broadcast %add3A_461 : i32 to vector<16xi32>
        %add3A_463 = arith.addi %iota3A, %add3A_462 : vector<16xi32>
        %gather3A_464 = tpu.vector_load_idx %arg9[%add3A_460, %add3A_360] : memref<512x64xf32, #tpu.memory_space<vmem>>[vector<16xi32>, vector<16xi32>], vector<16xf32>,
        %add3A_465 = arith.addf %gather3A_464, %gather3A : vector<16xf32>
        tpu.vector_store_idx %arg10[%add3A_388, %select_n3A_409, %add3A_463], %add3A_465 : memref<32x8x128xf32, #tpu.memory_space<vmem>>[vector<16xi32>, vector<16xi32>, vector<16xi32>], vector<16xf32>,
        %add3A_466 = arith.constant 368 : i32
        %add3A_467 = vector.broadcast %add3A_466 : i32 to vector<16xi32>
        %add3A_468 = arith.addi %iota3A, %add3A_467 : vector<16xi32>
        %add3A_469 = arith.constant 112 : i32
        %add3A_470 = vector.broadcast %add3A_469 : i32 to vector<16xi32>
        %add3A_471 = arith.addi %iota3A, %add3A_470 : vector<16xi32>
        %gather3A_472 = tpu.vector_load_idx %arg9[%add3A_468, %add3A_360] : memref<512x64xf32, #tpu.memory_space<vmem>>[vector<16xi32>, vector<16xi32>], vector<16xf32>,
        %add3A_473 = arith.addf %gather3A_472, %gather3A : vector<16xf32>
        tpu.vector_store_idx %arg10[%add3A_388, %select_n3A_409, %add3A_471], %add3A_473 : memref<32x8x128xf32, #tpu.memory_space<vmem>>[vector<16xi32>, vector<16xi32>, vector<16xi32>], vector<16xf32>,
        %add3A_474 = arith.constant 16 : i32
        %add3A_475 = vector.broadcast %add3A_474 : i32 to vector<16xi32>
        %add3A_476 = arith.addi %add3A_475, %and3A_357 : vector<16xi32>
        %gather3A_477 = tpu.vector_load_idx %arg8[%add3A_273, %add3A_476] : memref<200x64xf32, #tpu.memory_space<vmem>>[vector<16xi32>, vector<16xi32>], vector<16xf32>,
        %jit3A_478 = arith.constant 8 : i32
        %div3A_479 = vector.broadcast %jit3A_478 : i32 to vector<16xi32>
        %div3A_480 = arith.divsi %add3A_476, %div3A_479 : vector<16xi32>
        %sign3A_481 = arith.constant 0 : i32
        %sign3A_482 = vector.broadcast %sign3A_481 : i32 to vector<16xi32>
        %sign3A_483 = arith.cmpi sgt, %add3A_476, %sign3A_482 : vector<16xi32>
        %sign3A_484 = arith.extui %sign3A_483 : vector<16xi1> to vector<16xi32>
        %sign3A_485 = arith.constant 0 : i32
        %sign3A_486 = vector.broadcast %sign3A_485 : i32 to vector<16xi32>
        %sign3A_487 = arith.cmpi slt, %add3A_476, %sign3A_486 : vector<16xi32>
        %sign3A_488 = arith.extui %sign3A_487 : vector<16xi1> to vector<16xi32>
        %sign3A_489 = arith.subi %sign3A_484, %sign3A_488 : vector<16xi32>
        %sign3A_490 = arith.constant 0 : i32
        %sign3A_491 = arith.cmpi sgt, %jit3A_478, %sign3A_490 : i32
        %sign3A_492 = arith.extui %sign3A_491 : i1 to i32
        %sign3A_493 = arith.constant 0 : i32
        %sign3A_494 = arith.cmpi slt, %jit3A_478, %sign3A_493 : i32
        %sign3A_495 = arith.extui %sign3A_494 : i1 to i32
        %sign3A_496 = arith.subi %sign3A_492, %sign3A_495 : i32
        %ne3A_497 = vector.broadcast %sign3A_496 : i32 to vector<16xi32>
        %ne3A_498 = arith.cmpi ne, %sign3A_489, %ne3A_497 : vector<16xi32>
        %rem3A_499 = vector.broadcast %jit3A_478 : i32 to vector<16xi32>
        %rem3A_500 = arith.remsi %add3A_476, %rem3A_499 : vector<16xi32>
        %ne3A_501 = arith.constant 0 : i32
        %ne3A_502 = vector.broadcast %ne3A_501 : i32 to vector<16xi32>
        %ne3A_503 = arith.cmpi ne, %rem3A_500, %ne3A_502 : vector<16xi32>
        %and3A_504 = arith.andi %ne3A_498, %ne3A_503 : vector<16xi1>
        %sub3A_505 = arith.constant 1 : i32
        %sub3A_506 = vector.broadcast %sub3A_505 : i32 to vector<16xi32>
        %sub3A_507 = arith.subi %div3A_480, %sub3A_506 : vector<16xi32>
        %select_n3A_508 = arith.select %and3A_504, %sub3A_507, %div3A_480 : vector<16xi1>, vector<16xi32>
        %add3A_509 = arith.constant 16 : i32
        %add3A_510 = vector.broadcast %add3A_509 : i32 to vector<16xi32>
        %add3A_511 = arith.addi %add3A_510, %select_n3A_508 : vector<16xi32>
        %jit3A_512 = arith.constant 8 : i32
        %eq3A_513 = arith.constant 0 : i32
        %eq3A_514 = arith.cmpi eq, %jit3A_512, %eq3A_513 : i32
        %jit3A_515 = arith.constant 1 : i32
        %select_n3A_516 = arith.select %eq3A_514, %jit3A_515, %jit3A_512 : i32
        %rem3A_517 = vector.broadcast %select_n3A_516 : i32 to vector<16xi32>
        %rem3A_518 = arith.remsi %add3A_476, %rem3A_517 : vector<16xi32>
        %ne3A_519 = arith.constant 0 : i32
        %ne3A_520 = vector.broadcast %ne3A_519 : i32 to vector<16xi32>
        %ne3A_521 = arith.cmpi ne, %rem3A_518, %ne3A_520 : vector<16xi32>
        %lt3A_522 = arith.constant 0 : i32
        %lt3A_523 = vector.broadcast %lt3A_522 : i32 to vector<16xi32>
        %lt3A_524 = arith.cmpi slt, %rem3A_518, %lt3A_523 : vector<16xi32>
        %lt3A_525 = arith.constant 0 : i32
        %lt3A_526 = arith.cmpi slt, %select_n3A_516, %lt3A_525 : i32
        %ne3A_527 = vector.broadcast %lt3A_526 : i1 to vector<16xi1>
        %ne3A_528 = vector.broadcast %ne3A_527 : vector<16xi1> to vector<16xi1>
        %ne3A_529 = arith.xori %lt3A_524, %ne3A_528 : vector<16xi1>
        %and3A_530 = arith.andi %ne3A_529, %ne3A_521 : vector<16xi1>
        %add3A_531 = vector.broadcast %select_n3A_516 : i32 to vector<16xi32>
        %add3A_532 = arith.addi %rem3A_518, %add3A_531 : vector<16xi32>
        %select_n3A_533 = arith.select %and3A_530, %add3A_532, %rem3A_518 : vector<16xi1>, vector<16xi32>
        %add3A_534 = arith.constant 256 : i32
        %add3A_535 = vector.broadcast %add3A_534 : i32 to vector<16xi32>
        %add3A_536 = arith.addi %iota3A, %add3A_535 : vector<16xi32>
        %add3A_537 = arith.constant 0 : i32
        %add3A_538 = vector.broadcast %add3A_537 : i32 to vector<16xi32>
        %add3A_539 = arith.addi %iota3A, %add3A_538 : vector<16xi32>
        %gather3A_540 = tpu.vector_load_idx %arg9[%add3A_536, %add3A_476] : memref<512x64xf32, #tpu.memory_space<vmem>>[vector<16xi32>, vector<16xi32>], vector<16xf32>,
        %add3A_541 = arith.addf %gather3A_540, %gather3A_477 : vector<16xf32>
        tpu.vector_store_idx %arg10[%add3A_511, %select_n3A_533, %add3A_539], %add3A_541 : memref<32x8x128xf32, #tpu.memory_space<vmem>>[vector<16xi32>, vector<16xi32>, vector<16xi32>], vector<16xf32>,
        %add3A_542 = arith.constant 272 : i32
        %add3A_543 = vector.broadcast %add3A_542 : i32 to vector<16xi32>
        %add3A_544 = arith.addi %iota3A, %add3A_543 : vector<16xi32>
        %add3A_545 = arith.constant 16 : i32
        %add3A_546 = vector.broadcast %add3A_545 : i32 to vector<16xi32>
        %add3A_547 = arith.addi %iota3A, %add3A_546 : vector<16xi32>
        %gather3A_548 = tpu.vector_load_idx %arg9[%add3A_544, %add3A_476] : memref<512x64xf32, #tpu.memory_space<vmem>>[vector<16xi32>, vector<16xi32>], vector<16xf32>,
        %add3A_549 = arith.addf %gather3A_548, %gather3A_477 : vector<16xf32>
        tpu.vector_store_idx %arg10[%add3A_511, %select_n3A_533, %add3A_547], %add3A_549 : memref<32x8x128xf32, #tpu.memory_space<vmem>>[vector<16xi32>, vector<16xi32>, vector<16xi32>], vector<16xf32>,
        %add3A_550 = arith.constant 288 : i32
        %add3A_551 = vector.broadcast %add3A_550 : i32 to vector<16xi32>
        %add3A_552 = arith.addi %iota3A, %add3A_551 : vector<16xi32>
        %add3A_553 = arith.constant 32 : i32
        %add3A_554 = vector.broadcast %add3A_553 : i32 to vector<16xi32>
        %add3A_555 = arith.addi %iota3A, %add3A_554 : vector<16xi32>
        %gather3A_556 = tpu.vector_load_idx %arg9[%add3A_552, %add3A_476] : memref<512x64xf32, #tpu.memory_space<vmem>>[vector<16xi32>, vector<16xi32>], vector<16xf32>,
        %add3A_557 = arith.addf %gather3A_556, %gather3A_477 : vector<16xf32>
        tpu.vector_store_idx %arg10[%add3A_511, %select_n3A_533, %add3A_555], %add3A_557 : memref<32x8x128xf32, #tpu.memory_space<vmem>>[vector<16xi32>, vector<16xi32>, vector<16xi32>], vector<16xf32>,
        %add3A_558 = arith.constant 304 : i32
        %add3A_559 = vector.broadcast %add3A_558 : i32 to vector<16xi32>
        %add3A_560 = arith.addi %iota3A, %add3A_559 : vector<16xi32>
        %add3A_561 = arith.constant 48 : i32
        %add3A_562 = vector.broadcast %add3A_561 : i32 to vector<16xi32>
        %add3A_563 = arith.addi %iota3A, %add3A_562 : vector<16xi32>
        %gather3A_564 = tpu.vector_load_idx %arg9[%add3A_560, %add3A_476] : memref<512x64xf32, #tpu.memory_space<vmem>>[vector<16xi32>, vector<16xi32>], vector<16xf32>,
        %add3A_565 = arith.addf %gather3A_564, %gather3A_477 : vector<16xf32>
        tpu.vector_store_idx %arg10[%add3A_511, %select_n3A_533, %add3A_563], %add3A_565 : memref<32x8x128xf32, #tpu.memory_space<vmem>>[vector<16xi32>, vector<16xi32>, vector<16xi32>], vector<16xf32>,
        %add3A_566 = arith.constant 320 : i32
        %add3A_567 = vector.broadcast %add3A_566 : i32 to vector<16xi32>
        %add3A_568 = arith.addi %iota3A, %add3A_567 : vector<16xi32>
        %add3A_569 = arith.constant 64 : i32
        %add3A_570 = vector.broadcast %add3A_569 : i32 to vector<16xi32>
        %add3A_571 = arith.addi %iota3A, %add3A_570 : vector<16xi32>
        %gather3A_572 = tpu.vector_load_idx %arg9[%add3A_568, %add3A_476] : memref<512x64xf32, #tpu.memory_space<vmem>>[vector<16xi32>, vector<16xi32>], vector<16xf32>,
        %add3A_573 = arith.addf %gather3A_572, %gather3A_477 : vector<16xf32>
        tpu.vector_store_idx %arg10[%add3A_511, %select_n3A_533, %add3A_571], %add3A_573 : memref<32x8x128xf32, #tpu.memory_space<vmem>>[vector<16xi32>, vector<16xi32>, vector<16xi32>], vector<16xf32>,
        %add3A_574 = arith.constant 336 : i32
        %add3A_575 = vector.broadcast %add3A_574 : i32 to vector<16xi32>
        %add3A_576 = arith.addi %iota3A, %add3A_575 : vector<16xi32>
        %add3A_577 = arith.constant 80 : i32
        %add3A_578 = vector.broadcast %add3A_577 : i32 to vector<16xi32>
        %add3A_579 = arith.addi %iota3A, %add3A_578 : vector<16xi32>
        %gather3A_580 = tpu.vector_load_idx %arg9[%add3A_576, %add3A_476] : memref<512x64xf32, #tpu.memory_space<vmem>>[vector<16xi32>, vector<16xi32>], vector<16xf32>,
        %add3A_581 = arith.addf %gather3A_580, %gather3A_477 : vector<16xf32>
        tpu.vector_store_idx %arg10[%add3A_511, %select_n3A_533, %add3A_579], %add3A_581 : memref<32x8x128xf32, #tpu.memory_space<vmem>>[vector<16xi32>, vector<16xi32>, vector<16xi32>], vector<16xf32>,
        %add3A_582 = arith.constant 352 : i32
        %add3A_583 = vector.broadcast %add3A_582 : i32 to vector<16xi32>
        %add3A_584 = arith.addi %iota3A, %add3A_583 : vector<16xi32>
        %add3A_585 = arith.constant 96 : i32
        %add3A_586 = vector.broadcast %add3A_585 : i32 to vector<16xi32>
        %add3A_587 = arith.addi %iota3A, %add3A_586 : vector<16xi32>
        %gather3A_588 = tpu.vector_load_idx %arg9[%add3A_584, %add3A_476] : memref<512x64xf32, #tpu.memory_space<vmem>>[vector<16xi32>, vector<16xi32>], vector<16xf32>,
        %add3A_589 = arith.addf %gather3A_588, %gather3A_477 : vector<16xf32>
        tpu.vector_store_idx %arg10[%add3A_511, %select_n3A_533, %add3A_587], %add3A_589 : memref<32x8x128xf32, #tpu.memory_space<vmem>>[vector<16xi32>, vector<16xi32>, vector<16xi32>], vector<16xf32>,
        %add3A_590 = arith.constant 368 : i32
        %add3A_591 = vector.broadcast %add3A_590 : i32 to vector<16xi32>
        %add3A_592 = arith.addi %iota3A, %add3A_591 : vector<16xi32>
        %add3A_593 = arith.constant 112 : i32
        %add3A_594 = vector.broadcast %add3A_593 : i32 to vector<16xi32>
        %add3A_595 = arith.addi %iota3A, %add3A_594 : vector<16xi32>
        %gather3A_596 = tpu.vector_load_idx %arg9[%add3A_592, %add3A_476] : memref<512x64xf32, #tpu.memory_space<vmem>>[vector<16xi32>, vector<16xi32>], vector<16xf32>,
        %add3A_597 = arith.addf %gather3A_596, %gather3A_477 : vector<16xf32>
        tpu.vector_store_idx %arg10[%add3A_511, %select_n3A_533, %add3A_595], %add3A_597 : memref<32x8x128xf32, #tpu.memory_space<vmem>>[vector<16xi32>, vector<16xi32>, vector<16xi32>], vector<16xf32>,
        %add3A_598 = arith.constant 32 : i32
        %add3A_599 = vector.broadcast %add3A_598 : i32 to vector<16xi32>
        %add3A_600 = arith.addi %add3A_599, %and3A_357 : vector<16xi32>
        %gather3A_601 = tpu.vector_load_idx %arg8[%add3A_273, %add3A_600] : memref<200x64xf32, #tpu.memory_space<vmem>>[vector<16xi32>, vector<16xi32>], vector<16xf32>,
        %jit3A_602 = arith.constant 8 : i32
        %div3A_603 = vector.broadcast %jit3A_602 : i32 to vector<16xi32>
        %div3A_604 = arith.divsi %add3A_600, %div3A_603 : vector<16xi32>
        %sign3A_605 = arith.constant 0 : i32
        %sign3A_606 = vector.broadcast %sign3A_605 : i32 to vector<16xi32>
        %sign3A_607 = arith.cmpi sgt, %add3A_600, %sign3A_606 : vector<16xi32>
        %sign3A_608 = arith.extui %sign3A_607 : vector<16xi1> to vector<16xi32>
        %sign3A_609 = arith.constant 0 : i32
        %sign3A_610 = vector.broadcast %sign3A_609 : i32 to vector<16xi32>
        %sign3A_611 = arith.cmpi slt, %add3A_600, %sign3A_610 : vector<16xi32>
        %sign3A_612 = arith.extui %sign3A_611 : vector<16xi1> to vector<16xi32>
        %sign3A_613 = arith.subi %sign3A_608, %sign3A_612 : vector<16xi32>
        %sign3A_614 = arith.constant 0 : i32
        %sign3A_615 = arith.cmpi sgt, %jit3A_602, %sign3A_614 : i32
        %sign3A_616 = arith.extui %sign3A_615 : i1 to i32
        %sign3A_617 = arith.constant 0 : i32
        %sign3A_618 = arith.cmpi slt, %jit3A_602, %sign3A_617 : i32
        %sign3A_619 = arith.extui %sign3A_618 : i1 to i32
        %sign3A_620 = arith.subi %sign3A_616, %sign3A_619 : i32
        %ne3A_621 = vector.broadcast %sign3A_620 : i32 to vector<16xi32>
        %ne3A_622 = arith.cmpi ne, %sign3A_613, %ne3A_621 : vector<16xi32>
        %rem3A_623 = vector.broadcast %jit3A_602 : i32 to vector<16xi32>
        %rem3A_624 = arith.remsi %add3A_600, %rem3A_623 : vector<16xi32>
        %ne3A_625 = arith.constant 0 : i32
        %ne3A_626 = vector.broadcast %ne3A_625 : i32 to vector<16xi32>
        %ne3A_627 = arith.cmpi ne, %rem3A_624, %ne3A_626 : vector<16xi32>
        %and3A_628 = arith.andi %ne3A_622, %ne3A_627 : vector<16xi1>
        %sub3A_629 = arith.constant 1 : i32
        %sub3A_630 = vector.broadcast %sub3A_629 : i32 to vector<16xi32>
        %sub3A_631 = arith.subi %div3A_604, %sub3A_630 : vector<16xi32>
        %select_n3A_632 = arith.select %and3A_628, %sub3A_631, %div3A_604 : vector<16xi1>, vector<16xi32>
        %add3A_633 = arith.constant 16 : i32
        %add3A_634 = vector.broadcast %add3A_633 : i32 to vector<16xi32>
        %add3A_635 = arith.addi %add3A_634, %select_n3A_632 : vector<16xi32>
        %jit3A_636 = arith.constant 8 : i32
        %eq3A_637 = arith.constant 0 : i32
        %eq3A_638 = arith.cmpi eq, %jit3A_636, %eq3A_637 : i32
        %jit3A_639 = arith.constant 1 : i32
        %select_n3A_640 = arith.select %eq3A_638, %jit3A_639, %jit3A_636 : i32
        %rem3A_641 = vector.broadcast %select_n3A_640 : i32 to vector<16xi32>
        %rem3A_642 = arith.remsi %add3A_600, %rem3A_641 : vector<16xi32>
        %ne3A_643 = arith.constant 0 : i32
        %ne3A_644 = vector.broadcast %ne3A_643 : i32 to vector<16xi32>
        %ne3A_645 = arith.cmpi ne, %rem3A_642, %ne3A_644 : vector<16xi32>
        %lt3A_646 = arith.constant 0 : i32
        %lt3A_647 = vector.broadcast %lt3A_646 : i32 to vector<16xi32>
        %lt3A_648 = arith.cmpi slt, %rem3A_642, %lt3A_647 : vector<16xi32>
        %lt3A_649 = arith.constant 0 : i32
        %lt3A_650 = arith.cmpi slt, %select_n3A_640, %lt3A_649 : i32
        %ne3A_651 = vector.broadcast %lt3A_650 : i1 to vector<16xi1>
        %ne3A_652 = vector.broadcast %ne3A_651 : vector<16xi1> to vector<16xi1>
        %ne3A_653 = arith.xori %lt3A_648, %ne3A_652 : vector<16xi1>
        %and3A_654 = arith.andi %ne3A_653, %ne3A_645 : vector<16xi1>
        %add3A_655 = vector.broadcast %select_n3A_640 : i32 to vector<16xi32>
        %add3A_656 = arith.addi %rem3A_642, %add3A_655 : vector<16xi32>
        %select_n3A_657 = arith.select %and3A_654, %add3A_656, %rem3A_642 : vector<16xi1>, vector<16xi32>
        %add3A_658 = arith.constant 256 : i32
        %add3A_659 = vector.broadcast %add3A_658 : i32 to vector<16xi32>
        %add3A_660 = arith.addi %iota3A, %add3A_659 : vector<16xi32>
        %add3A_661 = arith.constant 0 : i32
        %add3A_662 = vector.broadcast %add3A_661 : i32 to vector<16xi32>
        %add3A_663 = arith.addi %iota3A, %add3A_662 : vector<16xi32>
        %gather3A_664 = tpu.vector_load_idx %arg9[%add3A_660, %add3A_600] : memref<512x64xf32, #tpu.memory_space<vmem>>[vector<16xi32>, vector<16xi32>], vector<16xf32>,
        %add3A_665 = arith.addf %gather3A_664, %gather3A_601 : vector<16xf32>
        tpu.vector_store_idx %arg10[%add3A_635, %select_n3A_657, %add3A_663], %add3A_665 : memref<32x8x128xf32, #tpu.memory_space<vmem>>[vector<16xi32>, vector<16xi32>, vector<16xi32>], vector<16xf32>,
        %add3A_666 = arith.constant 272 : i32
        %add3A_667 = vector.broadcast %add3A_666 : i32 to vector<16xi32>
        %add3A_668 = arith.addi %iota3A, %add3A_667 : vector<16xi32>
        %add3A_669 = arith.constant 16 : i32
        %add3A_670 = vector.broadcast %add3A_669 : i32 to vector<16xi32>
        %add3A_671 = arith.addi %iota3A, %add3A_670 : vector<16xi32>
        %gather3A_672 = tpu.vector_load_idx %arg9[%add3A_668, %add3A_600] : memref<512x64xf32, #tpu.memory_space<vmem>>[vector<16xi32>, vector<16xi32>], vector<16xf32>,
        %add3A_673 = arith.addf %gather3A_672, %gather3A_601 : vector<16xf32>
        tpu.vector_store_idx %arg10[%add3A_635, %select_n3A_657, %add3A_671], %add3A_673 : memref<32x8x128xf32, #tpu.memory_space<vmem>>[vector<16xi32>, vector<16xi32>, vector<16xi32>], vector<16xf32>,
        %add3A_674 = arith.constant 288 : i32
        %add3A_675 = vector.broadcast %add3A_674 : i32 to vector<16xi32>
        %add3A_676 = arith.addi %iota3A, %add3A_675 : vector<16xi32>
        %add3A_677 = arith.constant 32 : i32
        %add3A_678 = vector.broadcast %add3A_677 : i32 to vector<16xi32>
        %add3A_679 = arith.addi %iota3A, %add3A_678 : vector<16xi32>
        %gather3A_680 = tpu.vector_load_idx %arg9[%add3A_676, %add3A_600] : memref<512x64xf32, #tpu.memory_space<vmem>>[vector<16xi32>, vector<16xi32>], vector<16xf32>,
        %add3A_681 = arith.addf %gather3A_680, %gather3A_601 : vector<16xf32>
        tpu.vector_store_idx %arg10[%add3A_635, %select_n3A_657, %add3A_679], %add3A_681 : memref<32x8x128xf32, #tpu.memory_space<vmem>>[vector<16xi32>, vector<16xi32>, vector<16xi32>], vector<16xf32>,
        %add3A_682 = arith.constant 304 : i32
        %add3A_683 = vector.broadcast %add3A_682 : i32 to vector<16xi32>
        %add3A_684 = arith.addi %iota3A, %add3A_683 : vector<16xi32>
        %add3A_685 = arith.constant 48 : i32
        %add3A_686 = vector.broadcast %add3A_685 : i32 to vector<16xi32>
        %add3A_687 = arith.addi %iota3A, %add3A_686 : vector<16xi32>
        %gather3A_688 = tpu.vector_load_idx %arg9[%add3A_684, %add3A_600] : memref<512x64xf32, #tpu.memory_space<vmem>>[vector<16xi32>, vector<16xi32>], vector<16xf32>,
        %add3A_689 = arith.addf %gather3A_688, %gather3A_601 : vector<16xf32>
        tpu.vector_store_idx %arg10[%add3A_635, %select_n3A_657, %add3A_687], %add3A_689 : memref<32x8x128xf32, #tpu.memory_space<vmem>>[vector<16xi32>, vector<16xi32>, vector<16xi32>], vector<16xf32>,
        %add3A_690 = arith.constant 320 : i32
        %add3A_691 = vector.broadcast %add3A_690 : i32 to vector<16xi32>
        %add3A_692 = arith.addi %iota3A, %add3A_691 : vector<16xi32>
        %add3A_693 = arith.constant 64 : i32
        %add3A_694 = vector.broadcast %add3A_693 : i32 to vector<16xi32>
        %add3A_695 = arith.addi %iota3A, %add3A_694 : vector<16xi32>
        %gather3A_696 = tpu.vector_load_idx %arg9[%add3A_692, %add3A_600] : memref<512x64xf32, #tpu.memory_space<vmem>>[vector<16xi32>, vector<16xi32>], vector<16xf32>,
        %add3A_697 = arith.addf %gather3A_696, %gather3A_601 : vector<16xf32>
        tpu.vector_store_idx %arg10[%add3A_635, %select_n3A_657, %add3A_695], %add3A_697 : memref<32x8x128xf32, #tpu.memory_space<vmem>>[vector<16xi32>, vector<16xi32>, vector<16xi32>], vector<16xf32>,
        %add3A_698 = arith.constant 336 : i32
        %add3A_699 = vector.broadcast %add3A_698 : i32 to vector<16xi32>
        %add3A_700 = arith.addi %iota3A, %add3A_699 : vector<16xi32>
        %add3A_701 = arith.constant 80 : i32
        %add3A_702 = vector.broadcast %add3A_701 : i32 to vector<16xi32>
        %add3A_703 = arith.addi %iota3A, %add3A_702 : vector<16xi32>
        %gather3A_704 = tpu.vector_load_idx %arg9[%add3A_700, %add3A_600] : memref<512x64xf32, #tpu.memory_space<vmem>>[vector<16xi32>, vector<16xi32>], vector<16xf32>,
        %add3A_705 = arith.addf %gather3A_704, %gather3A_601 : vector<16xf32>
        tpu.vector_store_idx %arg10[%add3A_635, %select_n3A_657, %add3A_703], %add3A_705 : memref<32x8x128xf32, #tpu.memory_space<vmem>>[vector<16xi32>, vector<16xi32>, vector<16xi32>], vector<16xf32>,
        %add3A_706 = arith.constant 352 : i32
        %add3A_707 = vector.broadcast %add3A_706 : i32 to vector<16xi32>
        %add3A_708 = arith.addi %iota3A, %add3A_707 : vector<16xi32>
        %add3A_709 = arith.constant 96 : i32
        %add3A_710 = vector.broadcast %add3A_709 : i32 to vector<16xi32>
        %add3A_711 = arith.addi %iota3A, %add3A_710 : vector<16xi32>
        %gather3A_712 = tpu.vector_load_idx %arg9[%add3A_708, %add3A_600] : memref<512x64xf32, #tpu.memory_space<vmem>>[vector<16xi32>, vector<16xi32>], vector<16xf32>,
        %add3A_713 = arith.addf %gather3A_712, %gather3A_601 : vector<16xf32>
        tpu.vector_store_idx %arg10[%add3A_635, %select_n3A_657, %add3A_711], %add3A_713 : memref<32x8x128xf32, #tpu.memory_space<vmem>>[vector<16xi32>, vector<16xi32>, vector<16xi32>], vector<16xf32>,
        %add3A_714 = arith.constant 368 : i32
        %add3A_715 = vector.broadcast %add3A_714 : i32 to vector<16xi32>
        %add3A_716 = arith.addi %iota3A, %add3A_715 : vector<16xi32>
        %add3A_717 = arith.constant 112 : i32
        %add3A_718 = vector.broadcast %add3A_717 : i32 to vector<16xi32>
        %add3A_719 = arith.addi %iota3A, %add3A_718 : vector<16xi32>
        %gather3A_720 = tpu.vector_load_idx %arg9[%add3A_716, %add3A_600] : memref<512x64xf32, #tpu.memory_space<vmem>>[vector<16xi32>, vector<16xi32>], vector<16xf32>,
        %add3A_721 = arith.addf %gather3A_720, %gather3A_601 : vector<16xf32>
        tpu.vector_store_idx %arg10[%add3A_635, %select_n3A_657, %add3A_719], %add3A_721 : memref<32x8x128xf32, #tpu.memory_space<vmem>>[vector<16xi32>, vector<16xi32>, vector<16xi32>], vector<16xf32>,
        %add3A_722 = arith.constant 48 : i32
        %add3A_723 = vector.broadcast %add3A_722 : i32 to vector<16xi32>
        %add3A_724 = arith.addi %add3A_723, %and3A_357 : vector<16xi32>
        %gather3A_725 = tpu.vector_load_idx %arg8[%add3A_273, %add3A_724] : memref<200x64xf32, #tpu.memory_space<vmem>>[vector<16xi32>, vector<16xi32>], vector<16xf32>,
        %jit3A_726 = arith.constant 8 : i32
        %div3A_727 = vector.broadcast %jit3A_726 : i32 to vector<16xi32>
        %div3A_728 = arith.divsi %add3A_724, %div3A_727 : vector<16xi32>
        %sign3A_729 = arith.constant 0 : i32
        %sign3A_730 = vector.broadcast %sign3A_729 : i32 to vector<16xi32>
        %sign3A_731 = arith.cmpi sgt, %add3A_724, %sign3A_730 : vector<16xi32>
        %sign3A_732 = arith.extui %sign3A_731 : vector<16xi1> to vector<16xi32>
        %sign3A_733 = arith.constant 0 : i32
        %sign3A_734 = vector.broadcast %sign3A_733 : i32 to vector<16xi32>
        %sign3A_735 = arith.cmpi slt, %add3A_724, %sign3A_734 : vector<16xi32>
        %sign3A_736 = arith.extui %sign3A_735 : vector<16xi1> to vector<16xi32>
        %sign3A_737 = arith.subi %sign3A_732, %sign3A_736 : vector<16xi32>
        %sign3A_738 = arith.constant 0 : i32
        %sign3A_739 = arith.cmpi sgt, %jit3A_726, %sign3A_738 : i32
        %sign3A_740 = arith.extui %sign3A_739 : i1 to i32
        %sign3A_741 = arith.constant 0 : i32
        %sign3A_742 = arith.cmpi slt, %jit3A_726, %sign3A_741 : i32
        %sign3A_743 = arith.extui %sign3A_742 : i1 to i32
        %sign3A_744 = arith.subi %sign3A_740, %sign3A_743 : i32
        %ne3A_745 = vector.broadcast %sign3A_744 : i32 to vector<16xi32>
        %ne3A_746 = arith.cmpi ne, %sign3A_737, %ne3A_745 : vector<16xi32>
        %rem3A_747 = vector.broadcast %jit3A_726 : i32 to vector<16xi32>
        %rem3A_748 = arith.remsi %add3A_724, %rem3A_747 : vector<16xi32>
        %ne3A_749 = arith.constant 0 : i32
        %ne3A_750 = vector.broadcast %ne3A_749 : i32 to vector<16xi32>
        %ne3A_751 = arith.cmpi ne, %rem3A_748, %ne3A_750 : vector<16xi32>
        %and3A_752 = arith.andi %ne3A_746, %ne3A_751 : vector<16xi1>
        %sub3A_753 = arith.constant 1 : i32
        %sub3A_754 = vector.broadcast %sub3A_753 : i32 to vector<16xi32>
        %sub3A_755 = arith.subi %div3A_728, %sub3A_754 : vector<16xi32>
        %select_n3A_756 = arith.select %and3A_752, %sub3A_755, %div3A_728 : vector<16xi1>, vector<16xi32>
        %add3A_757 = arith.constant 16 : i32
        %add3A_758 = vector.broadcast %add3A_757 : i32 to vector<16xi32>
        %add3A_759 = arith.addi %add3A_758, %select_n3A_756 : vector<16xi32>
        %jit3A_760 = arith.constant 8 : i32
        %eq3A_761 = arith.constant 0 : i32
        %eq3A_762 = arith.cmpi eq, %jit3A_760, %eq3A_761 : i32
        %jit3A_763 = arith.constant 1 : i32
        %select_n3A_764 = arith.select %eq3A_762, %jit3A_763, %jit3A_760 : i32
        %rem3A_765 = vector.broadcast %select_n3A_764 : i32 to vector<16xi32>
        %rem3A_766 = arith.remsi %add3A_724, %rem3A_765 : vector<16xi32>
        %ne3A_767 = arith.constant 0 : i32
        %ne3A_768 = vector.broadcast %ne3A_767 : i32 to vector<16xi32>
        %ne3A_769 = arith.cmpi ne, %rem3A_766, %ne3A_768 : vector<16xi32>
        %lt3A_770 = arith.constant 0 : i32
        %lt3A_771 = vector.broadcast %lt3A_770 : i32 to vector<16xi32>
        %lt3A_772 = arith.cmpi slt, %rem3A_766, %lt3A_771 : vector<16xi32>
        %lt3A_773 = arith.constant 0 : i32
        %lt3A_774 = arith.cmpi slt, %select_n3A_764, %lt3A_773 : i32
        %ne3A_775 = vector.broadcast %lt3A_774 : i1 to vector<16xi1>
        %ne3A_776 = vector.broadcast %ne3A_775 : vector<16xi1> to vector<16xi1>
        %ne3A_777 = arith.xori %lt3A_772, %ne3A_776 : vector<16xi1>
        %and3A_778 = arith.andi %ne3A_777, %ne3A_769 : vector<16xi1>
        %add3A_779 = vector.broadcast %select_n3A_764 : i32 to vector<16xi32>
        %add3A_780 = arith.addi %rem3A_766, %add3A_779 : vector<16xi32>
        %select_n3A_781 = arith.select %and3A_778, %add3A_780, %rem3A_766 : vector<16xi1>, vector<16xi32>
        %add3A_782 = arith.constant 256 : i32
        %add3A_783 = vector.broadcast %add3A_782 : i32 to vector<16xi32>
        %add3A_784 = arith.addi %iota3A, %add3A_783 : vector<16xi32>
        %add3A_785 = arith.constant 0 : i32
        %add3A_786 = vector.broadcast %add3A_785 : i32 to vector<16xi32>
        %add3A_787 = arith.addi %iota3A, %add3A_786 : vector<16xi32>
        %gather3A_788 = tpu.vector_load_idx %arg9[%add3A_784, %add3A_724] : memref<512x64xf32, #tpu.memory_space<vmem>>[vector<16xi32>, vector<16xi32>], vector<16xf32>,
        %add3A_789 = arith.addf %gather3A_788, %gather3A_725 : vector<16xf32>
        tpu.vector_store_idx %arg10[%add3A_759, %select_n3A_781, %add3A_787], %add3A_789 : memref<32x8x128xf32, #tpu.memory_space<vmem>>[vector<16xi32>, vector<16xi32>, vector<16xi32>], vector<16xf32>,
        %add3A_790 = arith.constant 272 : i32
        %add3A_791 = vector.broadcast %add3A_790 : i32 to vector<16xi32>
        %add3A_792 = arith.addi %iota3A, %add3A_791 : vector<16xi32>
        %add3A_793 = arith.constant 16 : i32
        %add3A_794 = vector.broadcast %add3A_793 : i32 to vector<16xi32>
        %add3A_795 = arith.addi %iota3A, %add3A_794 : vector<16xi32>
        %gather3A_796 = tpu.vector_load_idx %arg9[%add3A_792, %add3A_724] : memref<512x64xf32, #tpu.memory_space<vmem>>[vector<16xi32>, vector<16xi32>], vector<16xf32>,
        %add3A_797 = arith.addf %gather3A_796, %gather3A_725 : vector<16xf32>
        tpu.vector_store_idx %arg10[%add3A_759, %select_n3A_781, %add3A_795], %add3A_797 : memref<32x8x128xf32, #tpu.memory_space<vmem>>[vector<16xi32>, vector<16xi32>, vector<16xi32>], vector<16xf32>,
        %add3A_798 = arith.constant 288 : i32
        %add3A_799 = vector.broadcast %add3A_798 : i32 to vector<16xi32>
        %add3A_800 = arith.addi %iota3A, %add3A_799 : vector<16xi32>
        %add3A_801 = arith.constant 32 : i32
        %add3A_802 = vector.broadcast %add3A_801 : i32 to vector<16xi32>
        %add3A_803 = arith.addi %iota3A, %add3A_802 : vector<16xi32>
        %gather3A_804 = tpu.vector_load_idx %arg9[%add3A_800, %add3A_724] : memref<512x64xf32, #tpu.memory_space<vmem>>[vector<16xi32>, vector<16xi32>], vector<16xf32>,
        %add3A_805 = arith.addf %gather3A_804, %gather3A_725 : vector<16xf32>
        tpu.vector_store_idx %arg10[%add3A_759, %select_n3A_781, %add3A_803], %add3A_805 : memref<32x8x128xf32, #tpu.memory_space<vmem>>[vector<16xi32>, vector<16xi32>, vector<16xi32>], vector<16xf32>,
        %add3A_806 = arith.constant 304 : i32
        %add3A_807 = vector.broadcast %add3A_806 : i32 to vector<16xi32>
        %add3A_808 = arith.addi %iota3A, %add3A_807 : vector<16xi32>
        %add3A_809 = arith.constant 48 : i32
        %add3A_810 = vector.broadcast %add3A_809 : i32 to vector<16xi32>
        %add3A_811 = arith.addi %iota3A, %add3A_810 : vector<16xi32>
        %gather3A_812 = tpu.vector_load_idx %arg9[%add3A_808, %add3A_724] : memref<512x64xf32, #tpu.memory_space<vmem>>[vector<16xi32>, vector<16xi32>], vector<16xf32>,
        %add3A_813 = arith.addf %gather3A_812, %gather3A_725 : vector<16xf32>
        tpu.vector_store_idx %arg10[%add3A_759, %select_n3A_781, %add3A_811], %add3A_813 : memref<32x8x128xf32, #tpu.memory_space<vmem>>[vector<16xi32>, vector<16xi32>, vector<16xi32>], vector<16xf32>,
        %add3A_814 = arith.constant 320 : i32
        %add3A_815 = vector.broadcast %add3A_814 : i32 to vector<16xi32>
        %add3A_816 = arith.addi %iota3A, %add3A_815 : vector<16xi32>
        %add3A_817 = arith.constant 64 : i32
        %add3A_818 = vector.broadcast %add3A_817 : i32 to vector<16xi32>
        %add3A_819 = arith.addi %iota3A, %add3A_818 : vector<16xi32>
        %gather3A_820 = tpu.vector_load_idx %arg9[%add3A_816, %add3A_724] : memref<512x64xf32, #tpu.memory_space<vmem>>[vector<16xi32>, vector<16xi32>], vector<16xf32>,
        %add3A_821 = arith.addf %gather3A_820, %gather3A_725 : vector<16xf32>
        tpu.vector_store_idx %arg10[%add3A_759, %select_n3A_781, %add3A_819], %add3A_821 : memref<32x8x128xf32, #tpu.memory_space<vmem>>[vector<16xi32>, vector<16xi32>, vector<16xi32>], vector<16xf32>,
        %add3A_822 = arith.constant 336 : i32
        %add3A_823 = vector.broadcast %add3A_822 : i32 to vector<16xi32>
        %add3A_824 = arith.addi %iota3A, %add3A_823 : vector<16xi32>
        %add3A_825 = arith.constant 80 : i32
        %add3A_826 = vector.broadcast %add3A_825 : i32 to vector<16xi32>
        %add3A_827 = arith.addi %iota3A, %add3A_826 : vector<16xi32>
        %gather3A_828 = tpu.vector_load_idx %arg9[%add3A_824, %add3A_724] : memref<512x64xf32, #tpu.memory_space<vmem>>[vector<16xi32>, vector<16xi32>], vector<16xf32>,
        %add3A_829 = arith.addf %gather3A_828, %gather3A_725 : vector<16xf32>
        tpu.vector_store_idx %arg10[%add3A_759, %select_n3A_781, %add3A_827], %add3A_829 : memref<32x8x128xf32, #tpu.memory_space<vmem>>[vector<16xi32>, vector<16xi32>, vector<16xi32>], vector<16xf32>,
        %add3A_830 = arith.constant 352 : i32
        %add3A_831 = vector.broadcast %add3A_830 : i32 to vector<16xi32>
        %add3A_832 = arith.addi %iota3A, %add3A_831 : vector<16xi32>
        %add3A_833 = arith.constant 96 : i32
        %add3A_834 = vector.broadcast %add3A_833 : i32 to vector<16xi32>
        %add3A_835 = arith.addi %iota3A, %add3A_834 : vector<16xi32>
        %gather3A_836 = tpu.vector_load_idx %arg9[%add3A_832, %add3A_724] : memref<512x64xf32, #tpu.memory_space<vmem>>[vector<16xi32>, vector<16xi32>], vector<16xf32>,
        %add3A_837 = arith.addf %gather3A_836, %gather3A_725 : vector<16xf32>
        tpu.vector_store_idx %arg10[%add3A_759, %select_n3A_781, %add3A_835], %add3A_837 : memref<32x8x128xf32, #tpu.memory_space<vmem>>[vector<16xi32>, vector<16xi32>, vector<16xi32>], vector<16xf32>,
        %add3A_838 = arith.constant 368 : i32
        %add3A_839 = vector.broadcast %add3A_838 : i32 to vector<16xi32>
        %add3A_840 = arith.addi %iota3A, %add3A_839 : vector<16xi32>
        %add3A_841 = arith.constant 112 : i32
        %add3A_842 = vector.broadcast %add3A_841 : i32 to vector<16xi32>
        %add3A_843 = arith.addi %iota3A, %add3A_842 : vector<16xi32>
        %gather3A_844 = tpu.vector_load_idx %arg9[%add3A_840, %add3A_724] : memref<512x64xf32, #tpu.memory_space<vmem>>[vector<16xi32>, vector<16xi32>], vector<16xf32>,
        %add3A_845 = arith.addf %gather3A_844, %gather3A_725 : vector<16xf32>
        tpu.vector_store_idx %arg10[%add3A_759, %select_n3A_781, %add3A_843], %add3A_845 : memref<32x8x128xf32, #tpu.memory_space<vmem>>[vector<16xi32>, vector<16xi32>, vector<16xi32>], vector<16xf32>,
        %scan3A_846 = arith.constant 1 : i32
        %scan3A_847 = arith.addi %scan3A_349, %scan3A_846 : i32
        %mul3A_848 = arith.constant 1 : i32
        %mul3A_849 = arith.muli %scan3A_847, %mul3A_848 : i32
        %add3A_850 = arith.constant 0 : i32
        %add3A_851 = arith.addi %add3A_850, %mul3A_849 : i32
        %add3A_852 = vector.broadcast %add3A_851 : i32 to vector<16xi32>
        %add3A_853 = arith.addi %iota3A, %add3A_852 : vector<16xi32>
        %and3A_854 = arith.constant 15 : i32
        %and3A_855 = vector.broadcast %and3A_854 : i32 to vector<16xi32>
        %and3A_856 = arith.andi %add3A_853, %and3A_855 : vector<16xi32>
        %add3A_857 = arith.constant 0 : i32
        %add3A_858 = vector.broadcast %add3A_857 : i32 to vector<16xi32>
        %add3A_859 = arith.addi %add3A_858, %and3A_856 : vector<16xi32>
        %gather3A_860 = tpu.vector_load_idx %arg8[%add3A_273, %add3A_859] : memref<200x64xf32, #tpu.memory_space<vmem>>[vector<16xi32>, vector<16xi32>], vector<16xf32>,
        %jit3A_861 = arith.constant 8 : i32
        %div3A_862 = vector.broadcast %jit3A_861 : i32 to vector<16xi32>
        %div3A_863 = arith.divsi %add3A_859, %div3A_862 : vector<16xi32>
        %sign3A_864 = arith.constant 0 : i32
        %sign3A_865 = vector.broadcast %sign3A_864 : i32 to vector<16xi32>
        %sign3A_866 = arith.cmpi sgt, %add3A_859, %sign3A_865 : vector<16xi32>
        %sign3A_867 = arith.extui %sign3A_866 : vector<16xi1> to vector<16xi32>
        %sign3A_868 = arith.constant 0 : i32
        %sign3A_869 = vector.broadcast %sign3A_868 : i32 to vector<16xi32>
        %sign3A_870 = arith.cmpi slt, %add3A_859, %sign3A_869 : vector<16xi32>
        %sign3A_871 = arith.extui %sign3A_870 : vector<16xi1> to vector<16xi32>
        %sign3A_872 = arith.subi %sign3A_867, %sign3A_871 : vector<16xi32>
        %sign3A_873 = arith.constant 0 : i32
        %sign3A_874 = arith.cmpi sgt, %jit3A_861, %sign3A_873 : i32
        %sign3A_875 = arith.extui %sign3A_874 : i1 to i32
        %sign3A_876 = arith.constant 0 : i32
        %sign3A_877 = arith.cmpi slt, %jit3A_861, %sign3A_876 : i32
        %sign3A_878 = arith.extui %sign3A_877 : i1 to i32
        %sign3A_879 = arith.subi %sign3A_875, %sign3A_878 : i32
        %ne3A_880 = vector.broadcast %sign3A_879 : i32 to vector<16xi32>
        %ne3A_881 = arith.cmpi ne, %sign3A_872, %ne3A_880 : vector<16xi32>
        %rem3A_882 = vector.broadcast %jit3A_861 : i32 to vector<16xi32>
        %rem3A_883 = arith.remsi %add3A_859, %rem3A_882 : vector<16xi32>
        %ne3A_884 = arith.constant 0 : i32
        %ne3A_885 = vector.broadcast %ne3A_884 : i32 to vector<16xi32>
        %ne3A_886 = arith.cmpi ne, %rem3A_883, %ne3A_885 : vector<16xi32>
        %and3A_887 = arith.andi %ne3A_881, %ne3A_886 : vector<16xi1>
        %sub3A_888 = arith.constant 1 : i32
        %sub3A_889 = vector.broadcast %sub3A_888 : i32 to vector<16xi32>
        %sub3A_890 = arith.subi %div3A_863, %sub3A_889 : vector<16xi32>
        %select_n3A_891 = arith.select %and3A_887, %sub3A_890, %div3A_863 : vector<16xi1>, vector<16xi32>
        %add3A_892 = arith.constant 16 : i32
        %add3A_893 = vector.broadcast %add3A_892 : i32 to vector<16xi32>
        %add3A_894 = arith.addi %add3A_893, %select_n3A_891 : vector<16xi32>
        %jit3A_895 = arith.constant 8 : i32
        %eq3A_896 = arith.constant 0 : i32
        %eq3A_897 = arith.cmpi eq, %jit3A_895, %eq3A_896 : i32
        %jit3A_898 = arith.constant 1 : i32
        %select_n3A_899 = arith.select %eq3A_897, %jit3A_898, %jit3A_895 : i32
        %rem3A_900 = vector.broadcast %select_n3A_899 : i32 to vector<16xi32>
        %rem3A_901 = arith.remsi %add3A_859, %rem3A_900 : vector<16xi32>
        %ne3A_902 = arith.constant 0 : i32
        %ne3A_903 = vector.broadcast %ne3A_902 : i32 to vector<16xi32>
        %ne3A_904 = arith.cmpi ne, %rem3A_901, %ne3A_903 : vector<16xi32>
        %lt3A_905 = arith.constant 0 : i32
        %lt3A_906 = vector.broadcast %lt3A_905 : i32 to vector<16xi32>
        %lt3A_907 = arith.cmpi slt, %rem3A_901, %lt3A_906 : vector<16xi32>
        %lt3A_908 = arith.constant 0 : i32
        %lt3A_909 = arith.cmpi slt, %select_n3A_899, %lt3A_908 : i32
        %ne3A_910 = vector.broadcast %lt3A_909 : i1 to vector<16xi1>
        %ne3A_911 = vector.broadcast %ne3A_910 : vector<16xi1> to vector<16xi1>
        %ne3A_912 = arith.xori %lt3A_907, %ne3A_911 : vector<16xi1>
        %and3A_913 = arith.andi %ne3A_912, %ne3A_904 : vector<16xi1>
        %add3A_914 = vector.broadcast %select_n3A_899 : i32 to vector<16xi32>
        %add3A_915 = arith.addi %rem3A_901, %add3A_914 : vector<16xi32>
        %select_n3A_916 = arith.select %and3A_913, %add3A_915, %rem3A_901 : vector<16xi1>, vector<16xi32>
        %add3A_917 = arith.constant 256 : i32
        %add3A_918 = vector.broadcast %add3A_917 : i32 to vector<16xi32>
        %add3A_919 = arith.addi %iota3A, %add3A_918 : vector<16xi32>
        %add3A_920 = arith.constant 0 : i32
        %add3A_921 = vector.broadcast %add3A_920 : i32 to vector<16xi32>
        %add3A_922 = arith.addi %iota3A, %add3A_921 : vector<16xi32>
        %gather3A_923 = tpu.vector_load_idx %arg9[%add3A_919, %add3A_859] : memref<512x64xf32, #tpu.memory_space<vmem>>[vector<16xi32>, vector<16xi32>], vector<16xf32>,
        %add3A_924 = arith.addf %gather3A_923, %gather3A_860 : vector<16xf32>
        tpu.vector_store_idx %arg10[%add3A_894, %select_n3A_916, %add3A_922], %add3A_924 : memref<32x8x128xf32, #tpu.memory_space<vmem>>[vector<16xi32>, vector<16xi32>, vector<16xi32>], vector<16xf32>,
        %add3A_925 = arith.constant 272 : i32
        %add3A_926 = vector.broadcast %add3A_925 : i32 to vector<16xi32>
        %add3A_927 = arith.addi %iota3A, %add3A_926 : vector<16xi32>
        %add3A_928 = arith.constant 16 : i32
        %add3A_929 = vector.broadcast %add3A_928 : i32 to vector<16xi32>
        %add3A_930 = arith.addi %iota3A, %add3A_929 : vector<16xi32>
        %gather3A_931 = tpu.vector_load_idx %arg9[%add3A_927, %add3A_859] : memref<512x64xf32, #tpu.memory_space<vmem>>[vector<16xi32>, vector<16xi32>], vector<16xf32>,
        %add3A_932 = arith.addf %gather3A_931, %gather3A_860 : vector<16xf32>
        tpu.vector_store_idx %arg10[%add3A_894, %select_n3A_916, %add3A_930], %add3A_932 : memref<32x8x128xf32, #tpu.memory_space<vmem>>[vector<16xi32>, vector<16xi32>, vector<16xi32>], vector<16xf32>,
        %add3A_933 = arith.constant 288 : i32
        %add3A_934 = vector.broadcast %add3A_933 : i32 to vector<16xi32>
        %add3A_935 = arith.addi %iota3A, %add3A_934 : vector<16xi32>
        %add3A_936 = arith.constant 32 : i32
        %add3A_937 = vector.broadcast %add3A_936 : i32 to vector<16xi32>
        %add3A_938 = arith.addi %iota3A, %add3A_937 : vector<16xi32>
        %gather3A_939 = tpu.vector_load_idx %arg9[%add3A_935, %add3A_859] : memref<512x64xf32, #tpu.memory_space<vmem>>[vector<16xi32>, vector<16xi32>], vector<16xf32>,
        %add3A_940 = arith.addf %gather3A_939, %gather3A_860 : vector<16xf32>
        tpu.vector_store_idx %arg10[%add3A_894, %select_n3A_916, %add3A_938], %add3A_940 : memref<32x8x128xf32, #tpu.memory_space<vmem>>[vector<16xi32>, vector<16xi32>, vector<16xi32>], vector<16xf32>,
        %add3A_941 = arith.constant 304 : i32
        %add3A_942 = vector.broadcast %add3A_941 : i32 to vector<16xi32>
        %add3A_943 = arith.addi %iota3A, %add3A_942 : vector<16xi32>
        %add3A_944 = arith.constant 48 : i32
        %add3A_945 = vector.broadcast %add3A_944 : i32 to vector<16xi32>
        %add3A_946 = arith.addi %iota3A, %add3A_945 : vector<16xi32>
        %gather3A_947 = tpu.vector_load_idx %arg9[%add3A_943, %add3A_859] : memref<512x64xf32, #tpu.memory_space<vmem>>[vector<16xi32>, vector<16xi32>], vector<16xf32>,
        %add3A_948 = arith.addf %gather3A_947, %gather3A_860 : vector<16xf32>
        tpu.vector_store_idx %arg10[%add3A_894, %select_n3A_916, %add3A_946], %add3A_948 : memref<32x8x128xf32, #tpu.memory_space<vmem>>[vector<16xi32>, vector<16xi32>, vector<16xi32>], vector<16xf32>,
        %add3A_949 = arith.constant 320 : i32
        %add3A_950 = vector.broadcast %add3A_949 : i32 to vector<16xi32>
        %add3A_951 = arith.addi %iota3A, %add3A_950 : vector<16xi32>
        %add3A_952 = arith.constant 64 : i32
        %add3A_953 = vector.broadcast %add3A_952 : i32 to vector<16xi32>
        %add3A_954 = arith.addi %iota3A, %add3A_953 : vector<16xi32>
        %gather3A_955 = tpu.vector_load_idx %arg9[%add3A_951, %add3A_859] : memref<512x64xf32, #tpu.memory_space<vmem>>[vector<16xi32>, vector<16xi32>], vector<16xf32>,
        %add3A_956 = arith.addf %gather3A_955, %gather3A_860 : vector<16xf32>
        tpu.vector_store_idx %arg10[%add3A_894, %select_n3A_916, %add3A_954], %add3A_956 : memref<32x8x128xf32, #tpu.memory_space<vmem>>[vector<16xi32>, vector<16xi32>, vector<16xi32>], vector<16xf32>,
        %add3A_957 = arith.constant 336 : i32
        %add3A_958 = vector.broadcast %add3A_957 : i32 to vector<16xi32>
        %add3A_959 = arith.addi %iota3A, %add3A_958 : vector<16xi32>
        %add3A_960 = arith.constant 80 : i32
        %add3A_961 = vector.broadcast %add3A_960 : i32 to vector<16xi32>
        %add3A_962 = arith.addi %iota3A, %add3A_961 : vector<16xi32>
        %gather3A_963 = tpu.vector_load_idx %arg9[%add3A_959, %add3A_859] : memref<512x64xf32, #tpu.memory_space<vmem>>[vector<16xi32>, vector<16xi32>], vector<16xf32>,
        %add3A_964 = arith.addf %gather3A_963, %gather3A_860 : vector<16xf32>
        tpu.vector_store_idx %arg10[%add3A_894, %select_n3A_916, %add3A_962], %add3A_964 : memref<32x8x128xf32, #tpu.memory_space<vmem>>[vector<16xi32>, vector<16xi32>, vector<16xi32>], vector<16xf32>,
        %add3A_965 = arith.constant 352 : i32
        %add3A_966 = vector.broadcast %add3A_965 : i32 to vector<16xi32>
        %add3A_967 = arith.addi %iota3A, %add3A_966 : vector<16xi32>
        %add3A_968 = arith.constant 96 : i32
        %add3A_969 = vector.broadcast %add3A_968 : i32 to vector<16xi32>
        %add3A_970 = arith.addi %iota3A, %add3A_969 : vector<16xi32>
        %gather3A_971 = tpu.vector_load_idx %arg9[%add3A_967, %add3A_859] : memref<512x64xf32, #tpu.memory_space<vmem>>[vector<16xi32>, vector<16xi32>], vector<16xf32>,
        %add3A_972 = arith.addf %gather3A_971, %gather3A_860 : vector<16xf32>
        tpu.vector_store_idx %arg10[%add3A_894, %select_n3A_916, %add3A_970], %add3A_972 : memref<32x8x128xf32, #tpu.memory_space<vmem>>[vector<16xi32>, vector<16xi32>, vector<16xi32>], vector<16xf32>,
        %add3A_973 = arith.constant 368 : i32
        %add3A_974 = vector.broadcast %add3A_973 : i32 to vector<16xi32>
        %add3A_975 = arith.addi %iota3A, %add3A_974 : vector<16xi32>
        %add3A_976 = arith.constant 112 : i32
        %add3A_977 = vector.broadcast %add3A_976 : i32 to vector<16xi32>
        %add3A_978 = arith.addi %iota3A, %add3A_977 : vector<16xi32>
        %gather3A_979 = tpu.vector_load_idx %arg9[%add3A_975, %add3A_859] : memref<512x64xf32, #tpu.memory_space<vmem>>[vector<16xi32>, vector<16xi32>], vector<16xf32>,
        %add3A_980 = arith.addf %gather3A_979, %gather3A_860 : vector<16xf32>
        tpu.vector_store_idx %arg10[%add3A_894, %select_n3A_916, %add3A_978], %add3A_980 : memref<32x8x128xf32, #tpu.memory_space<vmem>>[vector<16xi32>, vector<16xi32>, vector<16xi32>], vector<16xf32>,
        %add3A_981 = arith.constant 16 : i32
        %add3A_982 = vector.broadcast %add3A_981 : i32 to vector<16xi32>
        %add3A_983 = arith.addi %add3A_982, %and3A_856 : vector<16xi32>
        %gather3A_984 = tpu.vector_load_idx %arg8[%add3A_273, %add3A_983] : memref<200x64xf32, #tpu.memory_space<vmem>>[vector<16xi32>, vector<16xi32>], vector<16xf32>,
        %jit3A_985 = arith.constant 8 : i32
        %div3A_986 = vector.broadcast %jit3A_985 : i32 to vector<16xi32>
        %div3A_987 = arith.divsi %add3A_983, %div3A_986 : vector<16xi32>
        %sign3A_988 = arith.constant 0 : i32
        %sign3A_989 = vector.broadcast %sign3A_988 : i32 to vector<16xi32>
        %sign3A_990 = arith.cmpi sgt, %add3A_983, %sign3A_989 : vector<16xi32>
        %sign3A_991 = arith.extui %sign3A_990 : vector<16xi1> to vector<16xi32>
        %sign3A_992 = arith.constant 0 : i32
        %sign3A_993 = vector.broadcast %sign3A_992 : i32 to vector<16xi32>
        %sign3A_994 = arith.cmpi slt, %add3A_983, %sign3A_993 : vector<16xi32>
        %sign3A_995 = arith.extui %sign3A_994 : vector<16xi1> to vector<16xi32>
        %sign3A_996 = arith.subi %sign3A_991, %sign3A_995 : vector<16xi32>
        %sign3A_997 = arith.constant 0 : i32
        %sign3A_998 = arith.cmpi sgt, %jit3A_985, %sign3A_997 : i32
        %sign3A_999 = arith.extui %sign3A_998 : i1 to i32
        %sign3A_1000 = arith.constant 0 : i32
        %sign3A_1001 = arith.cmpi slt, %jit3A_985, %sign3A_1000 : i32
        %sign3A_1002 = arith.extui %sign3A_1001 : i1 to i32
        %sign3A_1003 = arith.subi %sign3A_999, %sign3A_1002 : i32
        %ne3A_1004 = vector.broadcast %sign3A_1003 : i32 to vector<16xi32>
        %ne3A_1005 = arith.cmpi ne, %sign3A_996, %ne3A_1004 : vector<16xi32>
        %rem3A_1006 = vector.broadcast %jit3A_985 : i32 to vector<16xi32>
        %rem3A_1007 = arith.remsi %add3A_983, %rem3A_1006 : vector<16xi32>
        %ne3A_1008 = arith.constant 0 : i32
        %ne3A_1009 = vector.broadcast %ne3A_1008 : i32 to vector<16xi32>
        %ne3A_1010 = arith.cmpi ne, %rem3A_1007, %ne3A_1009 : vector<16xi32>
        %and3A_1011 = arith.andi %ne3A_1005, %ne3A_1010 : vector<16xi1>
        %sub3A_1012 = arith.constant 1 : i32
        %sub3A_1013 = vector.broadcast %sub3A_1012 : i32 to vector<16xi32>
        %sub3A_1014 = arith.subi %div3A_987, %sub3A_1013 : vector<16xi32>
        %select_n3A_1015 = arith.select %and3A_1011, %sub3A_1014, %div3A_987 : vector<16xi1>, vector<16xi32>
        %add3A_1016 = arith.constant 16 : i32
        %add3A_1017 = vector.broadcast %add3A_1016 : i32 to vector<16xi32>
        %add3A_1018 = arith.addi %add3A_1017, %select_n3A_1015 : vector<16xi32>
        %jit3A_1019 = arith.constant 8 : i32
        %eq3A_1020 = arith.constant 0 : i32
        %eq3A_1021 = arith.cmpi eq, %jit3A_1019, %eq3A_1020 : i32
        %jit3A_1022 = arith.constant 1 : i32
        %select_n3A_1023 = arith.select %eq3A_1021, %jit3A_1022, %jit3A_1019 : i32
        %rem3A_1024 = vector.broadcast %select_n3A_1023 : i32 to vector<16xi32>
        %rem3A_1025 = arith.remsi %add3A_983, %rem3A_1024 : vector<16xi32>
        %ne3A_1026 = arith.constant 0 : i32
        %ne3A_1027 = vector.broadcast %ne3A_1026 : i32 to vector<16xi32>
        %ne3A_1028 = arith.cmpi ne, %rem3A_1025, %ne3A_1027 : vector<16xi32>
        %lt3A_1029 = arith.constant 0 : i32
        %lt3A_1030 = vector.broadcast %lt3A_1029 : i32 to vector<16xi32>
        %lt3A_1031 = arith.cmpi slt, %rem3A_1025, %lt3A_1030 : vector<16xi32>
        %lt3A_1032 = arith.constant 0 : i32
        %lt3A_1033 = arith.cmpi slt, %select_n3A_1023, %lt3A_1032 : i32
        %ne3A_1034 = vector.broadcast %lt3A_1033 : i1 to vector<16xi1>
        %ne3A_1035 = vector.broadcast %ne3A_1034 : vector<16xi1> to vector<16xi1>
        %ne3A_1036 = arith.xori %lt3A_1031, %ne3A_1035 : vector<16xi1>
        %and3A_1037 = arith.andi %ne3A_1036, %ne3A_1028 : vector<16xi1>
        %add3A_1038 = vector.broadcast %select_n3A_1023 : i32 to vector<16xi32>
        %add3A_1039 = arith.addi %rem3A_1025, %add3A_1038 : vector<16xi32>
        %select_n3A_1040 = arith.select %and3A_1037, %add3A_1039, %rem3A_1025 : vector<16xi1>, vector<16xi32>
        %add3A_1041 = arith.constant 256 : i32
        %add3A_1042 = vector.broadcast %add3A_1041 : i32 to vector<16xi32>
        %add3A_1043 = arith.addi %iota3A, %add3A_1042 : vector<16xi32>
        %add3A_1044 = arith.constant 0 : i32
        %add3A_1045 = vector.broadcast %add3A_1044 : i32 to vector<16xi32>
        %add3A_1046 = arith.addi %iota3A, %add3A_1045 : vector<16xi32>
        %gather3A_1047 = tpu.vector_load_idx %arg9[%add3A_1043, %add3A_983] : memref<512x64xf32, #tpu.memory_space<vmem>>[vector<16xi32>, vector<16xi32>], vector<16xf32>,
        %add3A_1048 = arith.addf %gather3A_1047, %gather3A_984 : vector<16xf32>
        tpu.vector_store_idx %arg10[%add3A_1018, %select_n3A_1040, %add3A_1046], %add3A_1048 : memref<32x8x128xf32, #tpu.memory_space<vmem>>[vector<16xi32>, vector<16xi32>, vector<16xi32>], vector<16xf32>,
        %add3A_1049 = arith.constant 272 : i32
        %add3A_1050 = vector.broadcast %add3A_1049 : i32 to vector<16xi32>
        %add3A_1051 = arith.addi %iota3A, %add3A_1050 : vector<16xi32>
        %add3A_1052 = arith.constant 16 : i32
        %add3A_1053 = vector.broadcast %add3A_1052 : i32 to vector<16xi32>
        %add3A_1054 = arith.addi %iota3A, %add3A_1053 : vector<16xi32>
        %gather3A_1055 = tpu.vector_load_idx %arg9[%add3A_1051, %add3A_983] : memref<512x64xf32, #tpu.memory_space<vmem>>[vector<16xi32>, vector<16xi32>], vector<16xf32>,
        %add3A_1056 = arith.addf %gather3A_1055, %gather3A_984 : vector<16xf32>
        tpu.vector_store_idx %arg10[%add3A_1018, %select_n3A_1040, %add3A_1054], %add3A_1056 : memref<32x8x128xf32, #tpu.memory_space<vmem>>[vector<16xi32>, vector<16xi32>, vector<16xi32>], vector<16xf32>,
        %add3A_1057 = arith.constant 288 : i32
        %add3A_1058 = vector.broadcast %add3A_1057 : i32 to vector<16xi32>
        %add3A_1059 = arith.addi %iota3A, %add3A_1058 : vector<16xi32>
        %add3A_1060 = arith.constant 32 : i32
        %add3A_1061 = vector.broadcast %add3A_1060 : i32 to vector<16xi32>
        %add3A_1062 = arith.addi %iota3A, %add3A_1061 : vector<16xi32>
        %gather3A_1063 = tpu.vector_load_idx %arg9[%add3A_1059, %add3A_983] : memref<512x64xf32, #tpu.memory_space<vmem>>[vector<16xi32>, vector<16xi32>], vector<16xf32>,
        %add3A_1064 = arith.addf %gather3A_1063, %gather3A_984 : vector<16xf32>
        tpu.vector_store_idx %arg10[%add3A_1018, %select_n3A_1040, %add3A_1062], %add3A_1064 : memref<32x8x128xf32, #tpu.memory_space<vmem>>[vector<16xi32>, vector<16xi32>, vector<16xi32>], vector<16xf32>,
        %add3A_1065 = arith.constant 304 : i32
        %add3A_1066 = vector.broadcast %add3A_1065 : i32 to vector<16xi32>
        %add3A_1067 = arith.addi %iota3A, %add3A_1066 : vector<16xi32>
        %add3A_1068 = arith.constant 48 : i32
        %add3A_1069 = vector.broadcast %add3A_1068 : i32 to vector<16xi32>
        %add3A_1070 = arith.addi %iota3A, %add3A_1069 : vector<16xi32>
        %gather3A_1071 = tpu.vector_load_idx %arg9[%add3A_1067, %add3A_983] : memref<512x64xf32, #tpu.memory_space<vmem>>[vector<16xi32>, vector<16xi32>], vector<16xf32>,
        %add3A_1072 = arith.addf %gather3A_1071, %gather3A_984 : vector<16xf32>
        tpu.vector_store_idx %arg10[%add3A_1018, %select_n3A_1040, %add3A_1070], %add3A_1072 : memref<32x8x128xf32, #tpu.memory_space<vmem>>[vector<16xi32>, vector<16xi32>, vector<16xi32>], vector<16xf32>,
        %add3A_1073 = arith.constant 320 : i32
        %add3A_1074 = vector.broadcast %add3A_1073 : i32 to vector<16xi32>
        %add3A_1075 = arith.addi %iota3A, %add3A_1074 : vector<16xi32>
        %add3A_1076 = arith.constant 64 : i32
        %add3A_1077 = vector.broadcast %add3A_1076 : i32 to vector<16xi32>
        %add3A_1078 = arith.addi %iota3A, %add3A_1077 : vector<16xi32>
        %gather3A_1079 = tpu.vector_load_idx %arg9[%add3A_1075, %add3A_983] : memref<512x64xf32, #tpu.memory_space<vmem>>[vector<16xi32>, vector<16xi32>], vector<16xf32>,
        %add3A_1080 = arith.addf %gather3A_1079, %gather3A_984 : vector<16xf32>
        tpu.vector_store_idx %arg10[%add3A_1018, %select_n3A_1040, %add3A_1078], %add3A_1080 : memref<32x8x128xf32, #tpu.memory_space<vmem>>[vector<16xi32>, vector<16xi32>, vector<16xi32>], vector<16xf32>,
        %add3A_1081 = arith.constant 336 : i32
        %add3A_1082 = vector.broadcast %add3A_1081 : i32 to vector<16xi32>
        %add3A_1083 = arith.addi %iota3A, %add3A_1082 : vector<16xi32>
        %add3A_1084 = arith.constant 80 : i32
        %add3A_1085 = vector.broadcast %add3A_1084 : i32 to vector<16xi32>
        %add3A_1086 = arith.addi %iota3A, %add3A_1085 : vector<16xi32>
        %gather3A_1087 = tpu.vector_load_idx %arg9[%add3A_1083, %add3A_983] : memref<512x64xf32, #tpu.memory_space<vmem>>[vector<16xi32>, vector<16xi32>], vector<16xf32>,
        %add3A_1088 = arith.addf %gather3A_1087, %gather3A_984 : vector<16xf32>
        tpu.vector_store_idx %arg10[%add3A_1018, %select_n3A_1040, %add3A_1086], %add3A_1088 : memref<32x8x128xf32, #tpu.memory_space<vmem>>[vector<16xi32>, vector<16xi32>, vector<16xi32>], vector<16xf32>,
        %add3A_1089 = arith.constant 352 : i32
        %add3A_1090 = vector.broadcast %add3A_1089 : i32 to vector<16xi32>
        %add3A_1091 = arith.addi %iota3A, %add3A_1090 : vector<16xi32>
        %add3A_1092 = arith.constant 96 : i32
        %add3A_1093 = vector.broadcast %add3A_1092 : i32 to vector<16xi32>
        %add3A_1094 = arith.addi %iota3A, %add3A_1093 : vector<16xi32>
        %gather3A_1095 = tpu.vector_load_idx %arg9[%add3A_1091, %add3A_983] : memref<512x64xf32, #tpu.memory_space<vmem>>[vector<16xi32>, vector<16xi32>], vector<16xf32>,
        %add3A_1096 = arith.addf %gather3A_1095, %gather3A_984 : vector<16xf32>
        tpu.vector_store_idx %arg10[%add3A_1018, %select_n3A_1040, %add3A_1094], %add3A_1096 : memref<32x8x128xf32, #tpu.memory_space<vmem>>[vector<16xi32>, vector<16xi32>, vector<16xi32>], vector<16xf32>,
        %add3A_1097 = arith.constant 368 : i32
        %add3A_1098 = vector.broadcast %add3A_1097 : i32 to vector<16xi32>
        %add3A_1099 = arith.addi %iota3A, %add3A_1098 : vector<16xi32>
        %add3A_1100 = arith.constant 112 : i32
        %add3A_1101 = vector.broadcast %add3A_1100 : i32 to vector<16xi32>
        %add3A_1102 = arith.addi %iota3A, %add3A_1101 : vector<16xi32>
        %gather3A_1103 = tpu.vector_load_idx %arg9[%add3A_1099, %add3A_983] : memref<512x64xf32, #tpu.memory_space<vmem>>[vector<16xi32>, vector<16xi32>], vector<16xf32>,
        %add3A_1104 = arith.addf %gather3A_1103, %gather3A_984 : vector<16xf32>
        tpu.vector_store_idx %arg10[%add3A_1018, %select_n3A_1040, %add3A_1102], %add3A_1104 : memref<32x8x128xf32, #tpu.memory_space<vmem>>[vector<16xi32>, vector<16xi32>, vector<16xi32>], vector<16xf32>,
        %add3A_1105 = arith.constant 32 : i32
        %add3A_1106 = vector.broadcast %add3A_1105 : i32 to vector<16xi32>
        %add3A_1107 = arith.addi %add3A_1106, %and3A_856 : vector<16xi32>
        %gather3A_1108 = tpu.vector_load_idx %arg8[%add3A_273, %add3A_1107] : memref<200x64xf32, #tpu.memory_space<vmem>>[vector<16xi32>, vector<16xi32>], vector<16xf32>,
        %jit3A_1109 = arith.constant 8 : i32
        %div3A_1110 = vector.broadcast %jit3A_1109 : i32 to vector<16xi32>
        %div3A_1111 = arith.divsi %add3A_1107, %div3A_1110 : vector<16xi32>
        %sign3A_1112 = arith.constant 0 : i32
        %sign3A_1113 = vector.broadcast %sign3A_1112 : i32 to vector<16xi32>
        %sign3A_1114 = arith.cmpi sgt, %add3A_1107, %sign3A_1113 : vector<16xi32>
        %sign3A_1115 = arith.extui %sign3A_1114 : vector<16xi1> to vector<16xi32>
        %sign3A_1116 = arith.constant 0 : i32
        %sign3A_1117 = vector.broadcast %sign3A_1116 : i32 to vector<16xi32>
        %sign3A_1118 = arith.cmpi slt, %add3A_1107, %sign3A_1117 : vector<16xi32>
        %sign3A_1119 = arith.extui %sign3A_1118 : vector<16xi1> to vector<16xi32>
        %sign3A_1120 = arith.subi %sign3A_1115, %sign3A_1119 : vector<16xi32>
        %sign3A_1121 = arith.constant 0 : i32
        %sign3A_1122 = arith.cmpi sgt, %jit3A_1109, %sign3A_1121 : i32
        %sign3A_1123 = arith.extui %sign3A_1122 : i1 to i32
        %sign3A_1124 = arith.constant 0 : i32
        %sign3A_1125 = arith.cmpi slt, %jit3A_1109, %sign3A_1124 : i32
        %sign3A_1126 = arith.extui %sign3A_1125 : i1 to i32
        %sign3A_1127 = arith.subi %sign3A_1123, %sign3A_1126 : i32
        %ne3A_1128 = vector.broadcast %sign3A_1127 : i32 to vector<16xi32>
        %ne3A_1129 = arith.cmpi ne, %sign3A_1120, %ne3A_1128 : vector<16xi32>
        %rem3A_1130 = vector.broadcast %jit3A_1109 : i32 to vector<16xi32>
        %rem3A_1131 = arith.remsi %add3A_1107, %rem3A_1130 : vector<16xi32>
        %ne3A_1132 = arith.constant 0 : i32
        %ne3A_1133 = vector.broadcast %ne3A_1132 : i32 to vector<16xi32>
        %ne3A_1134 = arith.cmpi ne, %rem3A_1131, %ne3A_1133 : vector<16xi32>
        %and3A_1135 = arith.andi %ne3A_1129, %ne3A_1134 : vector<16xi1>
        %sub3A_1136 = arith.constant 1 : i32
        %sub3A_1137 = vector.broadcast %sub3A_1136 : i32 to vector<16xi32>
        %sub3A_1138 = arith.subi %div3A_1111, %sub3A_1137 : vector<16xi32>
        %select_n3A_1139 = arith.select %and3A_1135, %sub3A_1138, %div3A_1111 : vector<16xi1>, vector<16xi32>
        %add3A_1140 = arith.constant 16 : i32
        %add3A_1141 = vector.broadcast %add3A_1140 : i32 to vector<16xi32>
        %add3A_1142 = arith.addi %add3A_1141, %select_n3A_1139 : vector<16xi32>
        %jit3A_1143 = arith.constant 8 : i32
        %eq3A_1144 = arith.constant 0 : i32
        %eq3A_1145 = arith.cmpi eq, %jit3A_1143, %eq3A_1144 : i32
        %jit3A_1146 = arith.constant 1 : i32
        %select_n3A_1147 = arith.select %eq3A_1145, %jit3A_1146, %jit3A_1143 : i32
        %rem3A_1148 = vector.broadcast %select_n3A_1147 : i32 to vector<16xi32>
        %rem3A_1149 = arith.remsi %add3A_1107, %rem3A_1148 : vector<16xi32>
        %ne3A_1150 = arith.constant 0 : i32
        %ne3A_1151 = vector.broadcast %ne3A_1150 : i32 to vector<16xi32>
        %ne3A_1152 = arith.cmpi ne, %rem3A_1149, %ne3A_1151 : vector<16xi32>
        %lt3A_1153 = arith.constant 0 : i32
        %lt3A_1154 = vector.broadcast %lt3A_1153 : i32 to vector<16xi32>
        %lt3A_1155 = arith.cmpi slt, %rem3A_1149, %lt3A_1154 : vector<16xi32>
        %lt3A_1156 = arith.constant 0 : i32
        %lt3A_1157 = arith.cmpi slt, %select_n3A_1147, %lt3A_1156 : i32
        %ne3A_1158 = vector.broadcast %lt3A_1157 : i1 to vector<16xi1>
        %ne3A_1159 = vector.broadcast %ne3A_1158 : vector<16xi1> to vector<16xi1>
        %ne3A_1160 = arith.xori %lt3A_1155, %ne3A_1159 : vector<16xi1>
        %and3A_1161 = arith.andi %ne3A_1160, %ne3A_1152 : vector<16xi1>
        %add3A_1162 = vector.broadcast %select_n3A_1147 : i32 to vector<16xi32>
        %add3A_1163 = arith.addi %rem3A_1149, %add3A_1162 : vector<16xi32>
        %select_n3A_1164 = arith.select %and3A_1161, %add3A_1163, %rem3A_1149 : vector<16xi1>, vector<16xi32>
        %add3A_1165 = arith.constant 256 : i32
        %add3A_1166 = vector.broadcast %add3A_1165 : i32 to vector<16xi32>
        %add3A_1167 = arith.addi %iota3A, %add3A_1166 : vector<16xi32>
        %add3A_1168 = arith.constant 0 : i32
        %add3A_1169 = vector.broadcast %add3A_1168 : i32 to vector<16xi32>
        %add3A_1170 = arith.addi %iota3A, %add3A_1169 : vector<16xi32>
        %gather3A_1171 = tpu.vector_load_idx %arg9[%add3A_1167, %add3A_1107] : memref<512x64xf32, #tpu.memory_space<vmem>>[vector<16xi32>, vector<16xi32>], vector<16xf32>,
        %add3A_1172 = arith.addf %gather3A_1171, %gather3A_1108 : vector<16xf32>
        tpu.vector_store_idx %arg10[%add3A_1142, %select_n3A_1164, %add3A_1170], %add3A_1172 : memref<32x8x128xf32, #tpu.memory_space<vmem>>[vector<16xi32>, vector<16xi32>, vector<16xi32>], vector<16xf32>,
        %add3A_1173 = arith.constant 272 : i32
        %add3A_1174 = vector.broadcast %add3A_1173 : i32 to vector<16xi32>
        %add3A_1175 = arith.addi %iota3A, %add3A_1174 : vector<16xi32>
        %add3A_1176 = arith.constant 16 : i32
        %add3A_1177 = vector.broadcast %add3A_1176 : i32 to vector<16xi32>
        %add3A_1178 = arith.addi %iota3A, %add3A_1177 : vector<16xi32>
        %gather3A_1179 = tpu.vector_load_idx %arg9[%add3A_1175, %add3A_1107] : memref<512x64xf32, #tpu.memory_space<vmem>>[vector<16xi32>, vector<16xi32>], vector<16xf32>,
        %add3A_1180 = arith.addf %gather3A_1179, %gather3A_1108 : vector<16xf32>
        tpu.vector_store_idx %arg10[%add3A_1142, %select_n3A_1164, %add3A_1178], %add3A_1180 : memref<32x8x128xf32, #tpu.memory_space<vmem>>[vector<16xi32>, vector<16xi32>, vector<16xi32>], vector<16xf32>,
        %add3A_1181 = arith.constant 288 : i32
        %add3A_1182 = vector.broadcast %add3A_1181 : i32 to vector<16xi32>
        %add3A_1183 = arith.addi %iota3A, %add3A_1182 : vector<16xi32>
        %add3A_1184 = arith.constant 32 : i32
        %add3A_1185 = vector.broadcast %add3A_1184 : i32 to vector<16xi32>
        %add3A_1186 = arith.addi %iota3A, %add3A_1185 : vector<16xi32>
        %gather3A_1187 = tpu.vector_load_idx %arg9[%add3A_1183, %add3A_1107] : memref<512x64xf32, #tpu.memory_space<vmem>>[vector<16xi32>, vector<16xi32>], vector<16xf32>,
        %add3A_1188 = arith.addf %gather3A_1187, %gather3A_1108 : vector<16xf32>
        tpu.vector_store_idx %arg10[%add3A_1142, %select_n3A_1164, %add3A_1186], %add3A_1188 : memref<32x8x128xf32, #tpu.memory_space<vmem>>[vector<16xi32>, vector<16xi32>, vector<16xi32>], vector<16xf32>,
        %add3A_1189 = arith.constant 304 : i32
        %add3A_1190 = vector.broadcast %add3A_1189 : i32 to vector<16xi32>
        %add3A_1191 = arith.addi %iota3A, %add3A_1190 : vector<16xi32>
        %add3A_1192 = arith.constant 48 : i32
        %add3A_1193 = vector.broadcast %add3A_1192 : i32 to vector<16xi32>
        %add3A_1194 = arith.addi %iota3A, %add3A_1193 : vector<16xi32>
        %gather3A_1195 = tpu.vector_load_idx %arg9[%add3A_1191, %add3A_1107] : memref<512x64xf32, #tpu.memory_space<vmem>>[vector<16xi32>, vector<16xi32>], vector<16xf32>,
        %add3A_1196 = arith.addf %gather3A_1195, %gather3A_1108 : vector<16xf32>
        tpu.vector_store_idx %arg10[%add3A_1142, %select_n3A_1164, %add3A_1194], %add3A_1196 : memref<32x8x128xf32, #tpu.memory_space<vmem>>[vector<16xi32>, vector<16xi32>, vector<16xi32>], vector<16xf32>,
        %add3A_1197 = arith.constant 320 : i32
        %add3A_1198 = vector.broadcast %add3A_1197 : i32 to vector<16xi32>
        %add3A_1199 = arith.addi %iota3A, %add3A_1198 : vector<16xi32>
        %add3A_1200 = arith.constant 64 : i32
        %add3A_1201 = vector.broadcast %add3A_1200 : i32 to vector<16xi32>
        %add3A_1202 = arith.addi %iota3A, %add3A_1201 : vector<16xi32>
        %gather3A_1203 = tpu.vector_load_idx %arg9[%add3A_1199, %add3A_1107] : memref<512x64xf32, #tpu.memory_space<vmem>>[vector<16xi32>, vector<16xi32>], vector<16xf32>,
        %add3A_1204 = arith.addf %gather3A_1203, %gather3A_1108 : vector<16xf32>
        tpu.vector_store_idx %arg10[%add3A_1142, %select_n3A_1164, %add3A_1202], %add3A_1204 : memref<32x8x128xf32, #tpu.memory_space<vmem>>[vector<16xi32>, vector<16xi32>, vector<16xi32>], vector<16xf32>,
        %add3A_1205 = arith.constant 336 : i32
        %add3A_1206 = vector.broadcast %add3A_1205 : i32 to vector<16xi32>
        %add3A_1207 = arith.addi %iota3A, %add3A_1206 : vector<16xi32>
        %add3A_1208 = arith.constant 80 : i32
        %add3A_1209 = vector.broadcast %add3A_1208 : i32 to vector<16xi32>
        %add3A_1210 = arith.addi %iota3A, %add3A_1209 : vector<16xi32>
        %gather3A_1211 = tpu.vector_load_idx %arg9[%add3A_1207, %add3A_1107] : memref<512x64xf32, #tpu.memory_space<vmem>>[vector<16xi32>, vector<16xi32>], vector<16xf32>,
        %add3A_1212 = arith.addf %gather3A_1211, %gather3A_1108 : vector<16xf32>
        tpu.vector_store_idx %arg10[%add3A_1142, %select_n3A_1164, %add3A_1210], %add3A_1212 : memref<32x8x128xf32, #tpu.memory_space<vmem>>[vector<16xi32>, vector<16xi32>, vector<16xi32>], vector<16xf32>,
        %add3A_1213 = arith.constant 352 : i32
        %add3A_1214 = vector.broadcast %add3A_1213 : i32 to vector<16xi32>
        %add3A_1215 = arith.addi %iota3A, %add3A_1214 : vector<16xi32>
        %add3A_1216 = arith.constant 96 : i32
        %add3A_1217 = vector.broadcast %add3A_1216 : i32 to vector<16xi32>
        %add3A_1218 = arith.addi %iota3A, %add3A_1217 : vector<16xi32>
        %gather3A_1219 = tpu.vector_load_idx %arg9[%add3A_1215, %add3A_1107] : memref<512x64xf32, #tpu.memory_space<vmem>>[vector<16xi32>, vector<16xi32>], vector<16xf32>,
        %add3A_1220 = arith.addf %gather3A_1219, %gather3A_1108 : vector<16xf32>
        tpu.vector_store_idx %arg10[%add3A_1142, %select_n3A_1164, %add3A_1218], %add3A_1220 : memref<32x8x128xf32, #tpu.memory_space<vmem>>[vector<16xi32>, vector<16xi32>, vector<16xi32>], vector<16xf32>,
        %add3A_1221 = arith.constant 368 : i32
        %add3A_1222 = vector.broadcast %add3A_1221 : i32 to vector<16xi32>
        %add3A_1223 = arith.addi %iota3A, %add3A_1222 : vector<16xi32>
        %add3A_1224 = arith.constant 112 : i32
        %add3A_1225 = vector.broadcast %add3A_1224 : i32 to vector<16xi32>
        %add3A_1226 = arith.addi %iota3A, %add3A_1225 : vector<16xi32>
        %gather3A_1227 = tpu.vector_load_idx %arg9[%add3A_1223, %add3A_1107] : memref<512x64xf32, #tpu.memory_space<vmem>>[vector<16xi32>, vector<16xi32>], vector<16xf32>,
        %add3A_1228 = arith.addf %gather3A_1227, %gather3A_1108 : vector<16xf32>
        tpu.vector_store_idx %arg10[%add3A_1142, %select_n3A_1164, %add3A_1226], %add3A_1228 : memref<32x8x128xf32, #tpu.memory_space<vmem>>[vector<16xi32>, vector<16xi32>, vector<16xi32>], vector<16xf32>,
        %add3A_1229 = arith.constant 48 : i32
        %add3A_1230 = vector.broadcast %add3A_1229 : i32 to vector<16xi32>
        %add3A_1231 = arith.addi %add3A_1230, %and3A_856 : vector<16xi32>
        %gather3A_1232 = tpu.vector_load_idx %arg8[%add3A_273, %add3A_1231] : memref<200x64xf32, #tpu.memory_space<vmem>>[vector<16xi32>, vector<16xi32>], vector<16xf32>,
        %jit3A_1233 = arith.constant 8 : i32
        %div3A_1234 = vector.broadcast %jit3A_1233 : i32 to vector<16xi32>
        %div3A_1235 = arith.divsi %add3A_1231, %div3A_1234 : vector<16xi32>
        %sign3A_1236 = arith.constant 0 : i32
        %sign3A_1237 = vector.broadcast %sign3A_1236 : i32 to vector<16xi32>
        %sign3A_1238 = arith.cmpi sgt, %add3A_1231, %sign3A_1237 : vector<16xi32>
        %sign3A_1239 = arith.extui %sign3A_1238 : vector<16xi1> to vector<16xi32>
        %sign3A_1240 = arith.constant 0 : i32
        %sign3A_1241 = vector.broadcast %sign3A_1240 : i32 to vector<16xi32>
        %sign3A_1242 = arith.cmpi slt, %add3A_1231, %sign3A_1241 : vector<16xi32>
        %sign3A_1243 = arith.extui %sign3A_1242 : vector<16xi1> to vector<16xi32>
        %sign3A_1244 = arith.subi %sign3A_1239, %sign3A_1243 : vector<16xi32>
        %sign3A_1245 = arith.constant 0 : i32
        %sign3A_1246 = arith.cmpi sgt, %jit3A_1233, %sign3A_1245 : i32
        %sign3A_1247 = arith.extui %sign3A_1246 : i1 to i32
        %sign3A_1248 = arith.constant 0 : i32
        %sign3A_1249 = arith.cmpi slt, %jit3A_1233, %sign3A_1248 : i32
        %sign3A_1250 = arith.extui %sign3A_1249 : i1 to i32
        %sign3A_1251 = arith.subi %sign3A_1247, %sign3A_1250 : i32
        %ne3A_1252 = vector.broadcast %sign3A_1251 : i32 to vector<16xi32>
        %ne3A_1253 = arith.cmpi ne, %sign3A_1244, %ne3A_1252 : vector<16xi32>
        %rem3A_1254 = vector.broadcast %jit3A_1233 : i32 to vector<16xi32>
        %rem3A_1255 = arith.remsi %add3A_1231, %rem3A_1254 : vector<16xi32>
        %ne3A_1256 = arith.constant 0 : i32
        %ne3A_1257 = vector.broadcast %ne3A_1256 : i32 to vector<16xi32>
        %ne3A_1258 = arith.cmpi ne, %rem3A_1255, %ne3A_1257 : vector<16xi32>
        %and3A_1259 = arith.andi %ne3A_1253, %ne3A_1258 : vector<16xi1>
        %sub3A_1260 = arith.constant 1 : i32
        %sub3A_1261 = vector.broadcast %sub3A_1260 : i32 to vector<16xi32>
        %sub3A_1262 = arith.subi %div3A_1235, %sub3A_1261 : vector<16xi32>
        %select_n3A_1263 = arith.select %and3A_1259, %sub3A_1262, %div3A_1235 : vector<16xi1>, vector<16xi32>
        %add3A_1264 = arith.constant 16 : i32
        %add3A_1265 = vector.broadcast %add3A_1264 : i32 to vector<16xi32>
        %add3A_1266 = arith.addi %add3A_1265, %select_n3A_1263 : vector<16xi32>
        %jit3A_1267 = arith.constant 8 : i32
        %eq3A_1268 = arith.constant 0 : i32
        %eq3A_1269 = arith.cmpi eq, %jit3A_1267, %eq3A_1268 : i32
        %jit3A_1270 = arith.constant 1 : i32
        %select_n3A_1271 = arith.select %eq3A_1269, %jit3A_1270, %jit3A_1267 : i32
        %rem3A_1272 = vector.broadcast %select_n3A_1271 : i32 to vector<16xi32>
        %rem3A_1273 = arith.remsi %add3A_1231, %rem3A_1272 : vector<16xi32>
        %ne3A_1274 = arith.constant 0 : i32
        %ne3A_1275 = vector.broadcast %ne3A_1274 : i32 to vector<16xi32>
        %ne3A_1276 = arith.cmpi ne, %rem3A_1273, %ne3A_1275 : vector<16xi32>
        %lt3A_1277 = arith.constant 0 : i32
        %lt3A_1278 = vector.broadcast %lt3A_1277 : i32 to vector<16xi32>
        %lt3A_1279 = arith.cmpi slt, %rem3A_1273, %lt3A_1278 : vector<16xi32>
        %lt3A_1280 = arith.constant 0 : i32
        %lt3A_1281 = arith.cmpi slt, %select_n3A_1271, %lt3A_1280 : i32
        %ne3A_1282 = vector.broadcast %lt3A_1281 : i1 to vector<16xi1>
        %ne3A_1283 = vector.broadcast %ne3A_1282 : vector<16xi1> to vector<16xi1>
        %ne3A_1284 = arith.xori %lt3A_1279, %ne3A_1283 : vector<16xi1>
        %and3A_1285 = arith.andi %ne3A_1284, %ne3A_1276 : vector<16xi1>
        %add3A_1286 = vector.broadcast %select_n3A_1271 : i32 to vector<16xi32>
        %add3A_1287 = arith.addi %rem3A_1273, %add3A_1286 : vector<16xi32>
        %select_n3A_1288 = arith.select %and3A_1285, %add3A_1287, %rem3A_1273 : vector<16xi1>, vector<16xi32>
        %add3A_1289 = arith.constant 256 : i32
        %add3A_1290 = vector.broadcast %add3A_1289 : i32 to vector<16xi32>
        %add3A_1291 = arith.addi %iota3A, %add3A_1290 : vector<16xi32>
        %add3A_1292 = arith.constant 0 : i32
        %add3A_1293 = vector.broadcast %add3A_1292 : i32 to vector<16xi32>
        %add3A_1294 = arith.addi %iota3A, %add3A_1293 : vector<16xi32>
        %gather3A_1295 = tpu.vector_load_idx %arg9[%add3A_1291, %add3A_1231] : memref<512x64xf32, #tpu.memory_space<vmem>>[vector<16xi32>, vector<16xi32>], vector<16xf32>,
        %add3A_1296 = arith.addf %gather3A_1295, %gather3A_1232 : vector<16xf32>
        tpu.vector_store_idx %arg10[%add3A_1266, %select_n3A_1288, %add3A_1294], %add3A_1296 : memref<32x8x128xf32, #tpu.memory_space<vmem>>[vector<16xi32>, vector<16xi32>, vector<16xi32>], vector<16xf32>,
        %add3A_1297 = arith.constant 272 : i32
        %add3A_1298 = vector.broadcast %add3A_1297 : i32 to vector<16xi32>
        %add3A_1299 = arith.addi %iota3A, %add3A_1298 : vector<16xi32>
        %add3A_1300 = arith.constant 16 : i32
        %add3A_1301 = vector.broadcast %add3A_1300 : i32 to vector<16xi32>
        %add3A_1302 = arith.addi %iota3A, %add3A_1301 : vector<16xi32>
        %gather3A_1303 = tpu.vector_load_idx %arg9[%add3A_1299, %add3A_1231] : memref<512x64xf32, #tpu.memory_space<vmem>>[vector<16xi32>, vector<16xi32>], vector<16xf32>,
        %add3A_1304 = arith.addf %gather3A_1303, %gather3A_1232 : vector<16xf32>
        tpu.vector_store_idx %arg10[%add3A_1266, %select_n3A_1288, %add3A_1302], %add3A_1304 : memref<32x8x128xf32, #tpu.memory_space<vmem>>[vector<16xi32>, vector<16xi32>, vector<16xi32>], vector<16xf32>,
        %add3A_1305 = arith.constant 288 : i32
        %add3A_1306 = vector.broadcast %add3A_1305 : i32 to vector<16xi32>
        %add3A_1307 = arith.addi %iota3A, %add3A_1306 : vector<16xi32>
        %add3A_1308 = arith.constant 32 : i32
        %add3A_1309 = vector.broadcast %add3A_1308 : i32 to vector<16xi32>
        %add3A_1310 = arith.addi %iota3A, %add3A_1309 : vector<16xi32>
        %gather3A_1311 = tpu.vector_load_idx %arg9[%add3A_1307, %add3A_1231] : memref<512x64xf32, #tpu.memory_space<vmem>>[vector<16xi32>, vector<16xi32>], vector<16xf32>,
        %add3A_1312 = arith.addf %gather3A_1311, %gather3A_1232 : vector<16xf32>
        tpu.vector_store_idx %arg10[%add3A_1266, %select_n3A_1288, %add3A_1310], %add3A_1312 : memref<32x8x128xf32, #tpu.memory_space<vmem>>[vector<16xi32>, vector<16xi32>, vector<16xi32>], vector<16xf32>,
        %add3A_1313 = arith.constant 304 : i32
        %add3A_1314 = vector.broadcast %add3A_1313 : i32 to vector<16xi32>
        %add3A_1315 = arith.addi %iota3A, %add3A_1314 : vector<16xi32>
        %add3A_1316 = arith.constant 48 : i32
        %add3A_1317 = vector.broadcast %add3A_1316 : i32 to vector<16xi32>
        %add3A_1318 = arith.addi %iota3A, %add3A_1317 : vector<16xi32>
        %gather3A_1319 = tpu.vector_load_idx %arg9[%add3A_1315, %add3A_1231] : memref<512x64xf32, #tpu.memory_space<vmem>>[vector<16xi32>, vector<16xi32>], vector<16xf32>,
        %add3A_1320 = arith.addf %gather3A_1319, %gather3A_1232 : vector<16xf32>
        tpu.vector_store_idx %arg10[%add3A_1266, %select_n3A_1288, %add3A_1318], %add3A_1320 : memref<32x8x128xf32, #tpu.memory_space<vmem>>[vector<16xi32>, vector<16xi32>, vector<16xi32>], vector<16xf32>,
        %add3A_1321 = arith.constant 320 : i32
        %add3A_1322 = vector.broadcast %add3A_1321 : i32 to vector<16xi32>
        %add3A_1323 = arith.addi %iota3A, %add3A_1322 : vector<16xi32>
        %add3A_1324 = arith.constant 64 : i32
        %add3A_1325 = vector.broadcast %add3A_1324 : i32 to vector<16xi32>
        %add3A_1326 = arith.addi %iota3A, %add3A_1325 : vector<16xi32>
        %gather3A_1327 = tpu.vector_load_idx %arg9[%add3A_1323, %add3A_1231] : memref<512x64xf32, #tpu.memory_space<vmem>>[vector<16xi32>, vector<16xi32>], vector<16xf32>,
        %add3A_1328 = arith.addf %gather3A_1327, %gather3A_1232 : vector<16xf32>
        tpu.vector_store_idx %arg10[%add3A_1266, %select_n3A_1288, %add3A_1326], %add3A_1328 : memref<32x8x128xf32, #tpu.memory_space<vmem>>[vector<16xi32>, vector<16xi32>, vector<16xi32>], vector<16xf32>,
        %add3A_1329 = arith.constant 336 : i32
        %add3A_1330 = vector.broadcast %add3A_1329 : i32 to vector<16xi32>
        %add3A_1331 = arith.addi %iota3A, %add3A_1330 : vector<16xi32>
        %add3A_1332 = arith.constant 80 : i32
        %add3A_1333 = vector.broadcast %add3A_1332 : i32 to vector<16xi32>
        %add3A_1334 = arith.addi %iota3A, %add3A_1333 : vector<16xi32>
        %gather3A_1335 = tpu.vector_load_idx %arg9[%add3A_1331, %add3A_1231] : memref<512x64xf32, #tpu.memory_space<vmem>>[vector<16xi32>, vector<16xi32>], vector<16xf32>,
        %add3A_1336 = arith.addf %gather3A_1335, %gather3A_1232 : vector<16xf32>
        tpu.vector_store_idx %arg10[%add3A_1266, %select_n3A_1288, %add3A_1334], %add3A_1336 : memref<32x8x128xf32, #tpu.memory_space<vmem>>[vector<16xi32>, vector<16xi32>, vector<16xi32>], vector<16xf32>,
        %add3A_1337 = arith.constant 352 : i32
        %add3A_1338 = vector.broadcast %add3A_1337 : i32 to vector<16xi32>
        %add3A_1339 = arith.addi %iota3A, %add3A_1338 : vector<16xi32>
        %add3A_1340 = arith.constant 96 : i32
        %add3A_1341 = vector.broadcast %add3A_1340 : i32 to vector<16xi32>
        %add3A_1342 = arith.addi %iota3A, %add3A_1341 : vector<16xi32>
        %gather3A_1343 = tpu.vector_load_idx %arg9[%add3A_1339, %add3A_1231] : memref<512x64xf32, #tpu.memory_space<vmem>>[vector<16xi32>, vector<16xi32>], vector<16xf32>,
        %add3A_1344 = arith.addf %gather3A_1343, %gather3A_1232 : vector<16xf32>
        tpu.vector_store_idx %arg10[%add3A_1266, %select_n3A_1288, %add3A_1342], %add3A_1344 : memref<32x8x128xf32, #tpu.memory_space<vmem>>[vector<16xi32>, vector<16xi32>, vector<16xi32>], vector<16xf32>,
        %add3A_1345 = arith.constant 368 : i32
        %add3A_1346 = vector.broadcast %add3A_1345 : i32 to vector<16xi32>
        %add3A_1347 = arith.addi %iota3A, %add3A_1346 : vector<16xi32>
        %add3A_1348 = arith.constant 112 : i32
        %add3A_1349 = vector.broadcast %add3A_1348 : i32 to vector<16xi32>
        %add3A_1350 = arith.addi %iota3A, %add3A_1349 : vector<16xi32>
        %gather3A_1351 = tpu.vector_load_idx %arg9[%add3A_1347, %add3A_1231] : memref<512x64xf32, #tpu.memory_space<vmem>>[vector<16xi32>, vector<16xi32>], vector<16xf32>,
        %add3A_1352 = arith.addf %gather3A_1351, %gather3A_1232 : vector<16xf32>
        tpu.vector_store_idx %arg10[%add3A_1266, %select_n3A_1288, %add3A_1350], %add3A_1352 : memref<32x8x128xf32, #tpu.memory_space<vmem>>[vector<16xi32>, vector<16xi32>, vector<16xi32>], vector<16xf32>,
      }
      %scan3A_278 = arith.constant 16 : i32
      %dma_start3A_279 = arith.constant 16 : i32
      %dma_start3A_280 = arith.constant 0 : i32
      %dma_start3A_281 = arith.constant 0 : i32
      %dma_start3A_282 = tpu.memref_slice %arg10[%dma_start3A_279, %dma_start3A_280, %dma_start3A_281] : memref<32x8x128xf32, #tpu.memory_space<vmem>> -> memref<8x8x128xf32, #tpu.memory_space<vmem>>
      %dma_start3A_283 = arith.constant 0 : i32
      %dma_start3A_284 = arith.constant 0 : i32
      %dma_start3A_285 = arith.constant 0 : i32
      %dma_start3A_286 = tpu.memref_slice %arg5[%add3A_246, %dma_start3A_283, %add3A, %dma_start3A_284, %dma_start3A_285] : memref<200x8x32x8x128xf32, #tpu.memory_space<hbm>> -> memref<1x8x1x8x128xf32, #tpu.memory_space<hbm>>
      %dma_start3A_287 = tpu.memref_squeeze %dma_start3A_286 : memref<1x8x1x8x128xf32, #tpu.memory_space<hbm>> -> memref<8x8x128xf32, #tpu.memory_space<hbm>>
      %dma_start3A_288 = arith.constant 0 : i32
      %dma_start3A_289 = arith.constant 0 : i32
      %dma_start3A_290 = arith.constant 0 : i32
      %dma_start3A_291 = tpu.memref_slice %arg5[%add3A_246, %dma_start3A_288, %add3A, %dma_start3A_289, %dma_start3A_290] : memref<200x8x32x8x128xf32, #tpu.memory_space<hbm>> -> memref<1x8x1x8x128xf32, #tpu.memory_space<hbm>>
      %dma_start3A_292 = tpu.memref_squeeze %dma_start3A_291 : memref<1x8x1x8x128xf32, #tpu.memory_space<hbm>> -> memref<8x8x128xf32, #tpu.memory_space<hbm>>
      %dma_start3A_293 = arith.constant 16 : i32
      %dma_start3A_294 = arith.constant 0 : i32
      %dma_start3A_295 = arith.constant 0 : i32
      %dma_start3A_296 = tpu.memref_slice %arg10[%dma_start3A_293, %dma_start3A_294, %dma_start3A_295] : memref<32x8x128xf32, #tpu.memory_space<vmem>> -> memref<8x8x128xf32, #tpu.memory_space<vmem>>
      tpu.enqueue_dma source(%dma_start3A_296 : memref<8x8x128xf32, #tpu.memory_space<vmem>>) target(%dma_start3A_292 : memref<8x8x128xf32, #tpu.memory_space<hbm>>) target_semaphore(%arg17 : memref<!tpu.dma_semaphore, #tpu.memory_space<semaphore_mem>>)
      %add3A_297 = arith.constant 3 : i32
      %add3A_298 = arith.addi %add3A_146, %add3A_297 : i32
      %dma_wait3A_299 = arith.constant 384 : i32
      %dma_wait3A_300 = arith.constant 0 : i32
      %dma_wait3A_301 = tpu.memref_slice %arg9[%dma_wait3A_299, %dma_wait3A_300] : memref<512x64xf32, #tpu.memory_space<vmem>> -> memref<128x64xf32, #tpu.memory_space<vmem>>
      %dma_wait3A_302 = arith.constant 0 : i32
      %dma_wait3A_303 = tpu.memref_slice %arg7[%add3A_298, %dma_wait3A_302] : memref<200x128xi32, #tpu.memory_space<vmem>> -> memref<1x128xi32, #tpu.memory_space<vmem>>
      %dma_wait3A_304 = tpu.memref_squeeze %dma_wait3A_303 : memref<1x128xi32, #tpu.memory_space<vmem>> -> memref<128xi32, #tpu.memory_space<vmem>>
      %dma_wait3A_305 = arith.constant 0 : i32
      %dma_wait3A_306 = arith.constant 0 : i32
      %dma_wait3A_307 = tpu.memref_slice %arg3[%dma_wait3A_305, %dma_wait3A_306] : memref<100000x64xf32, #tpu.memory_space<hbm>> -> memref<100000x64xf32, #tpu.memory_space<hbm>>
      tpu.wait_indirect_dma semaphore(%arg14 : memref<!tpu.dma_semaphore, #tpu.memory_space<semaphore_mem>>) src(%dma_wait3A_307 : memref<100000x64xf32, #tpu.memory_space<hbm>>) dst(%dma_wait3A_301 : memref<128x64xf32, #tpu.memory_space<vmem>>)
      %add3A_308 = arith.constant 4 : i32
      %add3A_309 = arith.addi %add3A_298, %add3A_308 : i32
      %sub3A_310 = arith.constant 1 : i32
      %sub3A_311 = arith.subi %add3A_309, %sub3A_310 : i32
      %lt3A_312 = arith.constant 200 : i32
      %lt3A_313 = arith.cmpi slt, %sub3A_311, %lt3A_312 : i32
      %convert_element_type3A_314 = arith.extui %lt3A_313 : i1 to i32
      %cond3A_315 = arith.constant 0 : i32
      %cond3A_316 = arith.cmpi ne, %convert_element_type3A_314, %cond3A_315 : i32
      scf.if %cond3A_316 {
        %add3A_349 = arith.constant 4 : i32
        %add3A_350 = arith.addi %add3A_298, %add3A_349 : i32
        %sub3A_351 = arith.constant 1 : i32
        %sub3A_352 = arith.subi %add3A_350, %sub3A_351 : i32
        %dma_start3A_353 = arith.constant 256 : i32
        %dma_start3A_354 = arith.constant 0 : i32
        %dma_start3A_355 = tpu.memref_slice %arg9[%dma_start3A_353, %dma_start3A_354] : memref<512x64xf32, #tpu.memory_space<vmem>> -> memref<128x64xf32, #tpu.memory_space<vmem>>
        %dma_start3A_356 = arith.constant 0 : i32
        %dma_start3A_357 = tpu.memref_slice %arg7[%sub3A_352, %dma_start3A_356] : memref<200x128xi32, #tpu.memory_space<vmem>> -> memref<1x128xi32, #tpu.memory_space<vmem>>
        %dma_start3A_358 = tpu.memref_squeeze %dma_start3A_357 : memref<1x128xi32, #tpu.memory_space<vmem>> -> memref<128xi32, #tpu.memory_space<vmem>>
        %dma_start3A_359 = arith.constant 0 : i32
        %dma_start3A_360 = arith.constant 0 : i32
        %dma_start3A_361 = tpu.memref_slice %arg3[%dma_start3A_359, %dma_start3A_360] : memref<100000x64xf32, #tpu.memory_space<hbm>> -> memref<100000x64xf32, #tpu.memory_space<hbm>>
        tpu.enqueue_indirect_dma source(%dma_start3A_361 : memref<100000x64xf32, #tpu.memory_space<hbm>>) target(%dma_start3A_355 : memref<128x64xf32, #tpu.memory_space<vmem>>) offsets(%dma_start3A_358 : memref<128xi32, #tpu.memory_space<vmem>>) semaphore(%arg13 : memref<!tpu.dma_semaphore, #tpu.memory_space<semaphore_mem>>)
      } else {
      }
      %ge3A_317 = arith.constant 4 : i32
      %ge3A_318 = arith.cmpi sge, %add3A_298, %ge3A_317 : i32
      %convert_element_type3A_319 = arith.extui %ge3A_318 : i1 to i32
      %cond3A_320 = arith.constant 0 : i32
      %cond3A_321 = arith.cmpi ne, %convert_element_type3A_319, %cond3A_320 : i32
      scf.if %cond3A_321 {
        %sub3A_349 = arith.constant 4 : i32
        %sub3A_350 = arith.subi %add3A_298, %sub3A_349 : i32
        %dma_wait3A_351 = arith.constant 24 : i32
        %dma_wait3A_352 = arith.constant 0 : i32
        %dma_wait3A_353 = arith.constant 0 : i32
        %dma_wait3A_354 = tpu.memref_slice %arg10[%dma_wait3A_351, %dma_wait3A_352, %dma_wait3A_353] : memref<32x8x128xf32, #tpu.memory_space<vmem>> -> memref<8x8x128xf32, #tpu.memory_space<vmem>>
        %dma_wait3A_355 = arith.constant 0 : i32
        %dma_wait3A_356 = arith.constant 0 : i32
        %dma_wait3A_357 = arith.constant 0 : i32
        %dma_wait3A_358 = tpu.memref_slice %arg5[%sub3A_350, %dma_wait3A_355, %add3A, %dma_wait3A_356, %dma_wait3A_357] : memref<200x8x32x8x128xf32, #tpu.memory_space<hbm>> -> memref<1x8x1x8x128xf32, #tpu.memory_space<hbm>>
        %dma_wait3A_359 = tpu.memref_squeeze %dma_wait3A_358 : memref<1x8x1x8x128xf32, #tpu.memory_space<hbm>> -> memref<8x8x128xf32, #tpu.memory_space<hbm>>
        %dma_wait3A_360 = arith.constant 0 : i32
        %dma_wait3A_361 = arith.constant 0 : i32
        %dma_wait3A_362 = arith.constant 0 : i32
        %dma_wait3A_363 = tpu.memref_slice %arg5[%sub3A_350, %dma_wait3A_360, %add3A, %dma_wait3A_361, %dma_wait3A_362] : memref<200x8x32x8x128xf32, #tpu.memory_space<hbm>> -> memref<1x8x1x8x128xf32, #tpu.memory_space<hbm>>
        %dma_wait3A_364 = tpu.memref_squeeze %dma_wait3A_363 : memref<1x8x1x8x128xf32, #tpu.memory_space<hbm>> -> memref<8x8x128xf32, #tpu.memory_space<hbm>>
        %dma_wait3A_365 = arith.constant 24 : i32
        %dma_wait3A_366 = arith.constant 0 : i32
        %dma_wait3A_367 = arith.constant 0 : i32
        %dma_wait3A_368 = tpu.memref_slice %arg10[%dma_wait3A_365, %dma_wait3A_366, %dma_wait3A_367] : memref<32x8x128xf32, #tpu.memory_space<vmem>> -> memref<8x8x128xf32, #tpu.memory_space<vmem>>
        tpu.wait_dma2 semaphore(%arg18 : memref<!tpu.dma_semaphore, #tpu.memory_space<semaphore_mem>>) src(%dma_wait3A_368 : memref<8x8x128xf32, #tpu.memory_space<vmem>>) dst(%dma_wait3A_364 : memref<8x8x128xf32, #tpu.memory_space<hbm>>)
      } else {
      }
      %broadcast_in_dim3A_322 = arith.constant 0 : i32
      %broadcast_in_dim3A_323 = vector.broadcast %broadcast_in_dim3A_322 : i32 to vector<16xi32>
      %add3A_324 = vector.broadcast %add3A_298 : i32 to vector<16xi32>
      %add3A_325 = arith.addi %broadcast_in_dim3A_323, %add3A_324 : vector<16xi32>
      %scan3A_326 = arith.constant 0 : i32
      %scan3A_327 = arith.constant 16 : i32
      %scan3A_328 = arith.addi %scan3A_326, %scan3A_327 : i32
      %scan3A_329 = arith.constant 2 : i32
      scf.for %scan3A_349 = %scan3A_326 to %scan3A_328 step %scan3A_329  : i32 {
        %mul3A_350 = arith.constant 1 : i32
        %mul3A_351 = arith.muli %scan3A_349, %mul3A_350 : i32
        %add3A_352 = arith.constant 0 : i32
        %add3A_353 = arith.addi %add3A_352, %mul3A_351 : i32
        %add3A_354 = vector.broadcast %add3A_353 : i32 to vector<16xi32>
        %add3A_355 = arith.addi %iota3A, %add3A_354 : vector<16xi32>
        %and3A = arith.constant 15 : i32
        %and3A_356 = vector.broadcast %and3A : i32 to vector<16xi32>
        %and3A_357 = arith.andi %add3A_355, %and3A_356 : vector<16xi32>
        %add3A_358 = arith.constant 0 : i32
        %add3A_359 = vector.broadcast %add3A_358 : i32 to vector<16xi32>
        %add3A_360 = arith.addi %add3A_359, %and3A_357 : vector<16xi32>
        %gather3A = tpu.vector_load_idx %arg8[%add3A_325, %add3A_360] : memref<200x64xf32, #tpu.memory_space<vmem>>[vector<16xi32>, vector<16xi32>], vector<16xf32>,
        %jit3A = arith.constant 8 : i32
        %div3A = vector.broadcast %jit3A : i32 to vector<16xi32>
        %div3A_361 = arith.divsi %add3A_360, %div3A : vector<16xi32>
        %sign3A = arith.constant 0 : i32
        %sign3A_362 = vector.broadcast %sign3A : i32 to vector<16xi32>
        %sign3A_363 = arith.cmpi sgt, %add3A_360, %sign3A_362 : vector<16xi32>
        %sign3A_364 = arith.extui %sign3A_363 : vector<16xi1> to vector<16xi32>
        %sign3A_365 = arith.constant 0 : i32
        %sign3A_366 = vector.broadcast %sign3A_365 : i32 to vector<16xi32>
        %sign3A_367 = arith.cmpi slt, %add3A_360, %sign3A_366 : vector<16xi32>
        %sign3A_368 = arith.extui %sign3A_367 : vector<16xi1> to vector<16xi32>
        %sign3A_369 = arith.subi %sign3A_364, %sign3A_368 : vector<16xi32>
        %sign3A_370 = arith.constant 0 : i32
        %sign3A_371 = arith.cmpi sgt, %jit3A, %sign3A_370 : i32
        %sign3A_372 = arith.extui %sign3A_371 : i1 to i32
        %sign3A_373 = arith.constant 0 : i32
        %sign3A_374 = arith.cmpi slt, %jit3A, %sign3A_373 : i32
        %sign3A_375 = arith.extui %sign3A_374 : i1 to i32
        %sign3A_376 = arith.subi %sign3A_372, %sign3A_375 : i32
        %ne3A = vector.broadcast %sign3A_376 : i32 to vector<16xi32>
        %ne3A_377 = arith.cmpi ne, %sign3A_369, %ne3A : vector<16xi32>
        %rem3A = vector.broadcast %jit3A : i32 to vector<16xi32>
        %rem3A_378 = arith.remsi %add3A_360, %rem3A : vector<16xi32>
        %ne3A_379 = arith.constant 0 : i32
        %ne3A_380 = vector.broadcast %ne3A_379 : i32 to vector<16xi32>
        %ne3A_381 = arith.cmpi ne, %rem3A_378, %ne3A_380 : vector<16xi32>
        %and3A_382 = arith.andi %ne3A_377, %ne3A_381 : vector<16xi1>
        %sub3A_383 = arith.constant 1 : i32
        %sub3A_384 = vector.broadcast %sub3A_383 : i32 to vector<16xi32>
        %sub3A_385 = arith.subi %div3A_361, %sub3A_384 : vector<16xi32>
        %select_n3A = arith.select %and3A_382, %sub3A_385, %div3A_361 : vector<16xi1>, vector<16xi32>
        %add3A_386 = arith.constant 24 : i32
        %add3A_387 = vector.broadcast %add3A_386 : i32 to vector<16xi32>
        %add3A_388 = arith.addi %add3A_387, %select_n3A : vector<16xi32>
        %jit3A_389 = arith.constant 8 : i32
        %eq3A = arith.constant 0 : i32
        %eq3A_390 = arith.cmpi eq, %jit3A_389, %eq3A : i32
        %jit3A_391 = arith.constant 1 : i32
        %select_n3A_392 = arith.select %eq3A_390, %jit3A_391, %jit3A_389 : i32
        %rem3A_393 = vector.broadcast %select_n3A_392 : i32 to vector<16xi32>
        %rem3A_394 = arith.remsi %add3A_360, %rem3A_393 : vector<16xi32>
        %ne3A_395 = arith.constant 0 : i32
        %ne3A_396 = vector.broadcast %ne3A_395 : i32 to vector<16xi32>
        %ne3A_397 = arith.cmpi ne, %rem3A_394, %ne3A_396 : vector<16xi32>
        %lt3A_398 = arith.constant 0 : i32
        %lt3A_399 = vector.broadcast %lt3A_398 : i32 to vector<16xi32>
        %lt3A_400 = arith.cmpi slt, %rem3A_394, %lt3A_399 : vector<16xi32>
        %lt3A_401 = arith.constant 0 : i32
        %lt3A_402 = arith.cmpi slt, %select_n3A_392, %lt3A_401 : i32
        %ne3A_403 = vector.broadcast %lt3A_402 : i1 to vector<16xi1>
        %ne3A_404 = vector.broadcast %ne3A_403 : vector<16xi1> to vector<16xi1>
        %ne3A_405 = arith.xori %lt3A_400, %ne3A_404 : vector<16xi1>
        %and3A_406 = arith.andi %ne3A_405, %ne3A_397 : vector<16xi1>
        %add3A_407 = vector.broadcast %select_n3A_392 : i32 to vector<16xi32>
        %add3A_408 = arith.addi %rem3A_394, %add3A_407 : vector<16xi32>
        %select_n3A_409 = arith.select %and3A_406, %add3A_408, %rem3A_394 : vector<16xi1>, vector<16xi32>
        %add3A_410 = arith.constant 384 : i32
        %add3A_411 = vector.broadcast %add3A_410 : i32 to vector<16xi32>
        %add3A_412 = arith.addi %iota3A, %add3A_411 : vector<16xi32>
        %add3A_413 = arith.constant 0 : i32
        %add3A_414 = vector.broadcast %add3A_413 : i32 to vector<16xi32>
        %add3A_415 = arith.addi %iota3A, %add3A_414 : vector<16xi32>
        %gather3A_416 = tpu.vector_load_idx %arg9[%add3A_412, %add3A_360] : memref<512x64xf32, #tpu.memory_space<vmem>>[vector<16xi32>, vector<16xi32>], vector<16xf32>,
        %add3A_417 = arith.addf %gather3A_416, %gather3A : vector<16xf32>
        tpu.vector_store_idx %arg10[%add3A_388, %select_n3A_409, %add3A_415], %add3A_417 : memref<32x8x128xf32, #tpu.memory_space<vmem>>[vector<16xi32>, vector<16xi32>, vector<16xi32>], vector<16xf32>,
        %add3A_418 = arith.constant 400 : i32
        %add3A_419 = vector.broadcast %add3A_418 : i32 to vector<16xi32>
        %add3A_420 = arith.addi %iota3A, %add3A_419 : vector<16xi32>
        %add3A_421 = arith.constant 16 : i32
        %add3A_422 = vector.broadcast %add3A_421 : i32 to vector<16xi32>
        %add3A_423 = arith.addi %iota3A, %add3A_422 : vector<16xi32>
        %gather3A_424 = tpu.vector_load_idx %arg9[%add3A_420, %add3A_360] : memref<512x64xf32, #tpu.memory_space<vmem>>[vector<16xi32>, vector<16xi32>], vector<16xf32>,
        %add3A_425 = arith.addf %gather3A_424, %gather3A : vector<16xf32>
        tpu.vector_store_idx %arg10[%add3A_388, %select_n3A_409, %add3A_423], %add3A_425 : memref<32x8x128xf32, #tpu.memory_space<vmem>>[vector<16xi32>, vector<16xi32>, vector<16xi32>], vector<16xf32>,
        %add3A_426 = arith.constant 416 : i32
        %add3A_427 = vector.broadcast %add3A_426 : i32 to vector<16xi32>
        %add3A_428 = arith.addi %iota3A, %add3A_427 : vector<16xi32>
        %add3A_429 = arith.constant 32 : i32
        %add3A_430 = vector.broadcast %add3A_429 : i32 to vector<16xi32>
        %add3A_431 = arith.addi %iota3A, %add3A_430 : vector<16xi32>
        %gather3A_432 = tpu.vector_load_idx %arg9[%add3A_428, %add3A_360] : memref<512x64xf32, #tpu.memory_space<vmem>>[vector<16xi32>, vector<16xi32>], vector<16xf32>,
        %add3A_433 = arith.addf %gather3A_432, %gather3A : vector<16xf32>
        tpu.vector_store_idx %arg10[%add3A_388, %select_n3A_409, %add3A_431], %add3A_433 : memref<32x8x128xf32, #tpu.memory_space<vmem>>[vector<16xi32>, vector<16xi32>, vector<16xi32>], vector<16xf32>,
        %add3A_434 = arith.constant 432 : i32
        %add3A_435 = vector.broadcast %add3A_434 : i32 to vector<16xi32>
        %add3A_436 = arith.addi %iota3A, %add3A_435 : vector<16xi32>
        %add3A_437 = arith.constant 48 : i32
        %add3A_438 = vector.broadcast %add3A_437 : i32 to vector<16xi32>
        %add3A_439 = arith.addi %iota3A, %add3A_438 : vector<16xi32>
        %gather3A_440 = tpu.vector_load_idx %arg9[%add3A_436, %add3A_360] : memref<512x64xf32, #tpu.memory_space<vmem>>[vector<16xi32>, vector<16xi32>], vector<16xf32>,
        %add3A_441 = arith.addf %gather3A_440, %gather3A : vector<16xf32>
        tpu.vector_store_idx %arg10[%add3A_388, %select_n3A_409, %add3A_439], %add3A_441 : memref<32x8x128xf32, #tpu.memory_space<vmem>>[vector<16xi32>, vector<16xi32>, vector<16xi32>], vector<16xf32>,
        %add3A_442 = arith.constant 448 : i32
        %add3A_443 = vector.broadcast %add3A_442 : i32 to vector<16xi32>
        %add3A_444 = arith.addi %iota3A, %add3A_443 : vector<16xi32>
        %add3A_445 = arith.constant 64 : i32
        %add3A_446 = vector.broadcast %add3A_445 : i32 to vector<16xi32>
        %add3A_447 = arith.addi %iota3A, %add3A_446 : vector<16xi32>
        %gather3A_448 = tpu.vector_load_idx %arg9[%add3A_444, %add3A_360] : memref<512x64xf32, #tpu.memory_space<vmem>>[vector<16xi32>, vector<16xi32>], vector<16xf32>,
        %add3A_449 = arith.addf %gather3A_448, %gather3A : vector<16xf32>
        tpu.vector_store_idx %arg10[%add3A_388, %select_n3A_409, %add3A_447], %add3A_449 : memref<32x8x128xf32, #tpu.memory_space<vmem>>[vector<16xi32>, vector<16xi32>, vector<16xi32>], vector<16xf32>,
        %add3A_450 = arith.constant 464 : i32
        %add3A_451 = vector.broadcast %add3A_450 : i32 to vector<16xi32>
        %add3A_452 = arith.addi %iota3A, %add3A_451 : vector<16xi32>
        %add3A_453 = arith.constant 80 : i32
        %add3A_454 = vector.broadcast %add3A_453 : i32 to vector<16xi32>
        %add3A_455 = arith.addi %iota3A, %add3A_454 : vector<16xi32>
        %gather3A_456 = tpu.vector_load_idx %arg9[%add3A_452, %add3A_360] : memref<512x64xf32, #tpu.memory_space<vmem>>[vector<16xi32>, vector<16xi32>], vector<16xf32>,
        %add3A_457 = arith.addf %gather3A_456, %gather3A : vector<16xf32>
        tpu.vector_store_idx %arg10[%add3A_388, %select_n3A_409, %add3A_455], %add3A_457 : memref<32x8x128xf32, #tpu.memory_space<vmem>>[vector<16xi32>, vector<16xi32>, vector<16xi32>], vector<16xf32>,
        %add3A_458 = arith.constant 480 : i32
        %add3A_459 = vector.broadcast %add3A_458 : i32 to vector<16xi32>
        %add3A_460 = arith.addi %iota3A, %add3A_459 : vector<16xi32>
        %add3A_461 = arith.constant 96 : i32
        %add3A_462 = vector.broadcast %add3A_461 : i32 to vector<16xi32>
        %add3A_463 = arith.addi %iota3A, %add3A_462 : vector<16xi32>
        %gather3A_464 = tpu.vector_load_idx %arg9[%add3A_460, %add3A_360] : memref<512x64xf32, #tpu.memory_space<vmem>>[vector<16xi32>, vector<16xi32>], vector<16xf32>,
        %add3A_465 = arith.addf %gather3A_464, %gather3A : vector<16xf32>
        tpu.vector_store_idx %arg10[%add3A_388, %select_n3A_409, %add3A_463], %add3A_465 : memref<32x8x128xf32, #tpu.memory_space<vmem>>[vector<16xi32>, vector<16xi32>, vector<16xi32>], vector<16xf32>,
        %add3A_466 = arith.constant 496 : i32
        %add3A_467 = vector.broadcast %add3A_466 : i32 to vector<16xi32>
        %add3A_468 = arith.addi %iota3A, %add3A_467 : vector<16xi32>
        %add3A_469 = arith.constant 112 : i32
        %add3A_470 = vector.broadcast %add3A_469 : i32 to vector<16xi32>
        %add3A_471 = arith.addi %iota3A, %add3A_470 : vector<16xi32>
        %gather3A_472 = tpu.vector_load_idx %arg9[%add3A_468, %add3A_360] : memref<512x64xf32, #tpu.memory_space<vmem>>[vector<16xi32>, vector<16xi32>], vector<16xf32>,
        %add3A_473 = arith.addf %gather3A_472, %gather3A : vector<16xf32>
        tpu.vector_store_idx %arg10[%add3A_388, %select_n3A_409, %add3A_471], %add3A_473 : memref<32x8x128xf32, #tpu.memory_space<vmem>>[vector<16xi32>, vector<16xi32>, vector<16xi32>], vector<16xf32>,
        %add3A_474 = arith.constant 16 : i32
        %add3A_475 = vector.broadcast %add3A_474 : i32 to vector<16xi32>
        %add3A_476 = arith.addi %add3A_475, %and3A_357 : vector<16xi32>
        %gather3A_477 = tpu.vector_load_idx %arg8[%add3A_325, %add3A_476] : memref<200x64xf32, #tpu.memory_space<vmem>>[vector<16xi32>, vector<16xi32>], vector<16xf32>,
        %jit3A_478 = arith.constant 8 : i32
        %div3A_479 = vector.broadcast %jit3A_478 : i32 to vector<16xi32>
        %div3A_480 = arith.divsi %add3A_476, %div3A_479 : vector<16xi32>
        %sign3A_481 = arith.constant 0 : i32
        %sign3A_482 = vector.broadcast %sign3A_481 : i32 to vector<16xi32>
        %sign3A_483 = arith.cmpi sgt, %add3A_476, %sign3A_482 : vector<16xi32>
        %sign3A_484 = arith.extui %sign3A_483 : vector<16xi1> to vector<16xi32>
        %sign3A_485 = arith.constant 0 : i32
        %sign3A_486 = vector.broadcast %sign3A_485 : i32 to vector<16xi32>
        %sign3A_487 = arith.cmpi slt, %add3A_476, %sign3A_486 : vector<16xi32>
        %sign3A_488 = arith.extui %sign3A_487 : vector<16xi1> to vector<16xi32>
        %sign3A_489 = arith.subi %sign3A_484, %sign3A_488 : vector<16xi32>
        %sign3A_490 = arith.constant 0 : i32
        %sign3A_491 = arith.cmpi sgt, %jit3A_478, %sign3A_490 : i32
        %sign3A_492 = arith.extui %sign3A_491 : i1 to i32
        %sign3A_493 = arith.constant 0 : i32
        %sign3A_494 = arith.cmpi slt, %jit3A_478, %sign3A_493 : i32
        %sign3A_495 = arith.extui %sign3A_494 : i1 to i32
        %sign3A_496 = arith.subi %sign3A_492, %sign3A_495 : i32
        %ne3A_497 = vector.broadcast %sign3A_496 : i32 to vector<16xi32>
        %ne3A_498 = arith.cmpi ne, %sign3A_489, %ne3A_497 : vector<16xi32>
        %rem3A_499 = vector.broadcast %jit3A_478 : i32 to vector<16xi32>
        %rem3A_500 = arith.remsi %add3A_476, %rem3A_499 : vector<16xi32>
        %ne3A_501 = arith.constant 0 : i32
        %ne3A_502 = vector.broadcast %ne3A_501 : i32 to vector<16xi32>
        %ne3A_503 = arith.cmpi ne, %rem3A_500, %ne3A_502 : vector<16xi32>
        %and3A_504 = arith.andi %ne3A_498, %ne3A_503 : vector<16xi1>
        %sub3A_505 = arith.constant 1 : i32
        %sub3A_506 = vector.broadcast %sub3A_505 : i32 to vector<16xi32>
        %sub3A_507 = arith.subi %div3A_480, %sub3A_506 : vector<16xi32>
        %select_n3A_508 = arith.select %and3A_504, %sub3A_507, %div3A_480 : vector<16xi1>, vector<16xi32>
        %add3A_509 = arith.constant 24 : i32
        %add3A_510 = vector.broadcast %add3A_509 : i32 to vector<16xi32>
        %add3A_511 = arith.addi %add3A_510, %select_n3A_508 : vector<16xi32>
        %jit3A_512 = arith.constant 8 : i32
        %eq3A_513 = arith.constant 0 : i32
        %eq3A_514 = arith.cmpi eq, %jit3A_512, %eq3A_513 : i32
        %jit3A_515 = arith.constant 1 : i32
        %select_n3A_516 = arith.select %eq3A_514, %jit3A_515, %jit3A_512 : i32
        %rem3A_517 = vector.broadcast %select_n3A_516 : i32 to vector<16xi32>
        %rem3A_518 = arith.remsi %add3A_476, %rem3A_517 : vector<16xi32>
        %ne3A_519 = arith.constant 0 : i32
        %ne3A_520 = vector.broadcast %ne3A_519 : i32 to vector<16xi32>
        %ne3A_521 = arith.cmpi ne, %rem3A_518, %ne3A_520 : vector<16xi32>
        %lt3A_522 = arith.constant 0 : i32
        %lt3A_523 = vector.broadcast %lt3A_522 : i32 to vector<16xi32>
        %lt3A_524 = arith.cmpi slt, %rem3A_518, %lt3A_523 : vector<16xi32>
        %lt3A_525 = arith.constant 0 : i32
        %lt3A_526 = arith.cmpi slt, %select_n3A_516, %lt3A_525 : i32
        %ne3A_527 = vector.broadcast %lt3A_526 : i1 to vector<16xi1>
        %ne3A_528 = vector.broadcast %ne3A_527 : vector<16xi1> to vector<16xi1>
        %ne3A_529 = arith.xori %lt3A_524, %ne3A_528 : vector<16xi1>
        %and3A_530 = arith.andi %ne3A_529, %ne3A_521 : vector<16xi1>
        %add3A_531 = vector.broadcast %select_n3A_516 : i32 to vector<16xi32>
        %add3A_532 = arith.addi %rem3A_518, %add3A_531 : vector<16xi32>
        %select_n3A_533 = arith.select %and3A_530, %add3A_532, %rem3A_518 : vector<16xi1>, vector<16xi32>
        %add3A_534 = arith.constant 384 : i32
        %add3A_535 = vector.broadcast %add3A_534 : i32 to vector<16xi32>
        %add3A_536 = arith.addi %iota3A, %add3A_535 : vector<16xi32>
        %add3A_537 = arith.constant 0 : i32
        %add3A_538 = vector.broadcast %add3A_537 : i32 to vector<16xi32>
        %add3A_539 = arith.addi %iota3A, %add3A_538 : vector<16xi32>
        %gather3A_540 = tpu.vector_load_idx %arg9[%add3A_536, %add3A_476] : memref<512x64xf32, #tpu.memory_space<vmem>>[vector<16xi32>, vector<16xi32>], vector<16xf32>,
        %add3A_541 = arith.addf %gather3A_540, %gather3A_477 : vector<16xf32>
        tpu.vector_store_idx %arg10[%add3A_511, %select_n3A_533, %add3A_539], %add3A_541 : memref<32x8x128xf32, #tpu.memory_space<vmem>>[vector<16xi32>, vector<16xi32>, vector<16xi32>], vector<16xf32>,
        %add3A_542 = arith.constant 400 : i32
        %add3A_543 = vector.broadcast %add3A_542 : i32 to vector<16xi32>
        %add3A_544 = arith.addi %iota3A, %add3A_543 : vector<16xi32>
        %add3A_545 = arith.constant 16 : i32
        %add3A_546 = vector.broadcast %add3A_545 : i32 to vector<16xi32>
        %add3A_547 = arith.addi %iota3A, %add3A_546 : vector<16xi32>
        %gather3A_548 = tpu.vector_load_idx %arg9[%add3A_544, %add3A_476] : memref<512x64xf32, #tpu.memory_space<vmem>>[vector<16xi32>, vector<16xi32>], vector<16xf32>,
        %add3A_549 = arith.addf %gather3A_548, %gather3A_477 : vector<16xf32>
        tpu.vector_store_idx %arg10[%add3A_511, %select_n3A_533, %add3A_547], %add3A_549 : memref<32x8x128xf32, #tpu.memory_space<vmem>>[vector<16xi32>, vector<16xi32>, vector<16xi32>], vector<16xf32>,
        %add3A_550 = arith.constant 416 : i32
        %add3A_551 = vector.broadcast %add3A_550 : i32 to vector<16xi32>
        %add3A_552 = arith.addi %iota3A, %add3A_551 : vector<16xi32>
        %add3A_553 = arith.constant 32 : i32
        %add3A_554 = vector.broadcast %add3A_553 : i32 to vector<16xi32>
        %add3A_555 = arith.addi %iota3A, %add3A_554 : vector<16xi32>
        %gather3A_556 = tpu.vector_load_idx %arg9[%add3A_552, %add3A_476] : memref<512x64xf32, #tpu.memory_space<vmem>>[vector<16xi32>, vector<16xi32>], vector<16xf32>,
        %add3A_557 = arith.addf %gather3A_556, %gather3A_477 : vector<16xf32>
        tpu.vector_store_idx %arg10[%add3A_511, %select_n3A_533, %add3A_555], %add3A_557 : memref<32x8x128xf32, #tpu.memory_space<vmem>>[vector<16xi32>, vector<16xi32>, vector<16xi32>], vector<16xf32>,
        %add3A_558 = arith.constant 432 : i32
        %add3A_559 = vector.broadcast %add3A_558 : i32 to vector<16xi32>
        %add3A_560 = arith.addi %iota3A, %add3A_559 : vector<16xi32>
        %add3A_561 = arith.constant 48 : i32
        %add3A_562 = vector.broadcast %add3A_561 : i32 to vector<16xi32>
        %add3A_563 = arith.addi %iota3A, %add3A_562 : vector<16xi32>
        %gather3A_564 = tpu.vector_load_idx %arg9[%add3A_560, %add3A_476] : memref<512x64xf32, #tpu.memory_space<vmem>>[vector<16xi32>, vector<16xi32>], vector<16xf32>,
        %add3A_565 = arith.addf %gather3A_564, %gather3A_477 : vector<16xf32>
        tpu.vector_store_idx %arg10[%add3A_511, %select_n3A_533, %add3A_563], %add3A_565 : memref<32x8x128xf32, #tpu.memory_space<vmem>>[vector<16xi32>, vector<16xi32>, vector<16xi32>], vector<16xf32>,
        %add3A_566 = arith.constant 448 : i32
        %add3A_567 = vector.broadcast %add3A_566 : i32 to vector<16xi32>
        %add3A_568 = arith.addi %iota3A, %add3A_567 : vector<16xi32>
        %add3A_569 = arith.constant 64 : i32
        %add3A_570 = vector.broadcast %add3A_569 : i32 to vector<16xi32>
        %add3A_571 = arith.addi %iota3A, %add3A_570 : vector<16xi32>
        %gather3A_572 = tpu.vector_load_idx %arg9[%add3A_568, %add3A_476] : memref<512x64xf32, #tpu.memory_space<vmem>>[vector<16xi32>, vector<16xi32>], vector<16xf32>,
        %add3A_573 = arith.addf %gather3A_572, %gather3A_477 : vector<16xf32>
        tpu.vector_store_idx %arg10[%add3A_511, %select_n3A_533, %add3A_571], %add3A_573 : memref<32x8x128xf32, #tpu.memory_space<vmem>>[vector<16xi32>, vector<16xi32>, vector<16xi32>], vector<16xf32>,
        %add3A_574 = arith.constant 464 : i32
        %add3A_575 = vector.broadcast %add3A_574 : i32 to vector<16xi32>
        %add3A_576 = arith.addi %iota3A, %add3A_575 : vector<16xi32>
        %add3A_577 = arith.constant 80 : i32
        %add3A_578 = vector.broadcast %add3A_577 : i32 to vector<16xi32>
        %add3A_579 = arith.addi %iota3A, %add3A_578 : vector<16xi32>
        %gather3A_580 = tpu.vector_load_idx %arg9[%add3A_576, %add3A_476] : memref<512x64xf32, #tpu.memory_space<vmem>>[vector<16xi32>, vector<16xi32>], vector<16xf32>,
        %add3A_581 = arith.addf %gather3A_580, %gather3A_477 : vector<16xf32>
        tpu.vector_store_idx %arg10[%add3A_511, %select_n3A_533, %add3A_579], %add3A_581 : memref<32x8x128xf32, #tpu.memory_space<vmem>>[vector<16xi32>, vector<16xi32>, vector<16xi32>], vector<16xf32>,
        %add3A_582 = arith.constant 480 : i32
        %add3A_583 = vector.broadcast %add3A_582 : i32 to vector<16xi32>
        %add3A_584 = arith.addi %iota3A, %add3A_583 : vector<16xi32>
        %add3A_585 = arith.constant 96 : i32
        %add3A_586 = vector.broadcast %add3A_585 : i32 to vector<16xi32>
        %add3A_587 = arith.addi %iota3A, %add3A_586 : vector<16xi32>
        %gather3A_588 = tpu.vector_load_idx %arg9[%add3A_584, %add3A_476] : memref<512x64xf32, #tpu.memory_space<vmem>>[vector<16xi32>, vector<16xi32>], vector<16xf32>,
        %add3A_589 = arith.addf %gather3A_588, %gather3A_477 : vector<16xf32>
        tpu.vector_store_idx %arg10[%add3A_511, %select_n3A_533, %add3A_587], %add3A_589 : memref<32x8x128xf32, #tpu.memory_space<vmem>>[vector<16xi32>, vector<16xi32>, vector<16xi32>], vector<16xf32>,
        %add3A_590 = arith.constant 496 : i32
        %add3A_591 = vector.broadcast %add3A_590 : i32 to vector<16xi32>
        %add3A_592 = arith.addi %iota3A, %add3A_591 : vector<16xi32>
        %add3A_593 = arith.constant 112 : i32
        %add3A_594 = vector.broadcast %add3A_593 : i32 to vector<16xi32>
        %add3A_595 = arith.addi %iota3A, %add3A_594 : vector<16xi32>
        %gather3A_596 = tpu.vector_load_idx %arg9[%add3A_592, %add3A_476] : memref<512x64xf32, #tpu.memory_space<vmem>>[vector<16xi32>, vector<16xi32>], vector<16xf32>,
        %add3A_597 = arith.addf %gather3A_596, %gather3A_477 : vector<16xf32>
        tpu.vector_store_idx %arg10[%add3A_511, %select_n3A_533, %add3A_595], %add3A_597 : memref<32x8x128xf32, #tpu.memory_space<vmem>>[vector<16xi32>, vector<16xi32>, vector<16xi32>], vector<16xf32>,
        %add3A_598 = arith.constant 32 : i32
        %add3A_599 = vector.broadcast %add3A_598 : i32 to vector<16xi32>
        %add3A_600 = arith.addi %add3A_599, %and3A_357 : vector<16xi32>
        %gather3A_601 = tpu.vector_load_idx %arg8[%add3A_325, %add3A_600] : memref<200x64xf32, #tpu.memory_space<vmem>>[vector<16xi32>, vector<16xi32>], vector<16xf32>,
        %jit3A_602 = arith.constant 8 : i32
        %div3A_603 = vector.broadcast %jit3A_602 : i32 to vector<16xi32>
        %div3A_604 = arith.divsi %add3A_600, %div3A_603 : vector<16xi32>
        %sign3A_605 = arith.constant 0 : i32
        %sign3A_606 = vector.broadcast %sign3A_605 : i32 to vector<16xi32>
        %sign3A_607 = arith.cmpi sgt, %add3A_600, %sign3A_606 : vector<16xi32>
        %sign3A_608 = arith.extui %sign3A_607 : vector<16xi1> to vector<16xi32>
        %sign3A_609 = arith.constant 0 : i32
        %sign3A_610 = vector.broadcast %sign3A_609 : i32 to vector<16xi32>
        %sign3A_611 = arith.cmpi slt, %add3A_600, %sign3A_610 : vector<16xi32>
        %sign3A_612 = arith.extui %sign3A_611 : vector<16xi1> to vector<16xi32>
        %sign3A_613 = arith.subi %sign3A_608, %sign3A_612 : vector<16xi32>
        %sign3A_614 = arith.constant 0 : i32
        %sign3A_615 = arith.cmpi sgt, %jit3A_602, %sign3A_614 : i32
        %sign3A_616 = arith.extui %sign3A_615 : i1 to i32
        %sign3A_617 = arith.constant 0 : i32
        %sign3A_618 = arith.cmpi slt, %jit3A_602, %sign3A_617 : i32
        %sign3A_619 = arith.extui %sign3A_618 : i1 to i32
        %sign3A_620 = arith.subi %sign3A_616, %sign3A_619 : i32
        %ne3A_621 = vector.broadcast %sign3A_620 : i32 to vector<16xi32>
        %ne3A_622 = arith.cmpi ne, %sign3A_613, %ne3A_621 : vector<16xi32>
        %rem3A_623 = vector.broadcast %jit3A_602 : i32 to vector<16xi32>
        %rem3A_624 = arith.remsi %add3A_600, %rem3A_623 : vector<16xi32>
        %ne3A_625 = arith.constant 0 : i32
        %ne3A_626 = vector.broadcast %ne3A_625 : i32 to vector<16xi32>
        %ne3A_627 = arith.cmpi ne, %rem3A_624, %ne3A_626 : vector<16xi32>
        %and3A_628 = arith.andi %ne3A_622, %ne3A_627 : vector<16xi1>
        %sub3A_629 = arith.constant 1 : i32
        %sub3A_630 = vector.broadcast %sub3A_629 : i32 to vector<16xi32>
        %sub3A_631 = arith.subi %div3A_604, %sub3A_630 : vector<16xi32>
        %select_n3A_632 = arith.select %and3A_628, %sub3A_631, %div3A_604 : vector<16xi1>, vector<16xi32>
        %add3A_633 = arith.constant 24 : i32
        %add3A_634 = vector.broadcast %add3A_633 : i32 to vector<16xi32>
        %add3A_635 = arith.addi %add3A_634, %select_n3A_632 : vector<16xi32>
        %jit3A_636 = arith.constant 8 : i32
        %eq3A_637 = arith.constant 0 : i32
        %eq3A_638 = arith.cmpi eq, %jit3A_636, %eq3A_637 : i32
        %jit3A_639 = arith.constant 1 : i32
        %select_n3A_640 = arith.select %eq3A_638, %jit3A_639, %jit3A_636 : i32
        %rem3A_641 = vector.broadcast %select_n3A_640 : i32 to vector<16xi32>
        %rem3A_642 = arith.remsi %add3A_600, %rem3A_641 : vector<16xi32>
        %ne3A_643 = arith.constant 0 : i32
        %ne3A_644 = vector.broadcast %ne3A_643 : i32 to vector<16xi32>
        %ne3A_645 = arith.cmpi ne, %rem3A_642, %ne3A_644 : vector<16xi32>
        %lt3A_646 = arith.constant 0 : i32
        %lt3A_647 = vector.broadcast %lt3A_646 : i32 to vector<16xi32>
        %lt3A_648 = arith.cmpi slt, %rem3A_642, %lt3A_647 : vector<16xi32>
        %lt3A_649 = arith.constant 0 : i32
        %lt3A_650 = arith.cmpi slt, %select_n3A_640, %lt3A_649 : i32
        %ne3A_651 = vector.broadcast %lt3A_650 : i1 to vector<16xi1>
        %ne3A_652 = vector.broadcast %ne3A_651 : vector<16xi1> to vector<16xi1>
        %ne3A_653 = arith.xori %lt3A_648, %ne3A_652 : vector<16xi1>
        %and3A_654 = arith.andi %ne3A_653, %ne3A_645 : vector<16xi1>
        %add3A_655 = vector.broadcast %select_n3A_640 : i32 to vector<16xi32>
        %add3A_656 = arith.addi %rem3A_642, %add3A_655 : vector<16xi32>
        %select_n3A_657 = arith.select %and3A_654, %add3A_656, %rem3A_642 : vector<16xi1>, vector<16xi32>
        %add3A_658 = arith.constant 384 : i32
        %add3A_659 = vector.broadcast %add3A_658 : i32 to vector<16xi32>
        %add3A_660 = arith.addi %iota3A, %add3A_659 : vector<16xi32>
        %add3A_661 = arith.constant 0 : i32
        %add3A_662 = vector.broadcast %add3A_661 : i32 to vector<16xi32>
        %add3A_663 = arith.addi %iota3A, %add3A_662 : vector<16xi32>
        %gather3A_664 = tpu.vector_load_idx %arg9[%add3A_660, %add3A_600] : memref<512x64xf32, #tpu.memory_space<vmem>>[vector<16xi32>, vector<16xi32>], vector<16xf32>,
        %add3A_665 = arith.addf %gather3A_664, %gather3A_601 : vector<16xf32>
        tpu.vector_store_idx %arg10[%add3A_635, %select_n3A_657, %add3A_663], %add3A_665 : memref<32x8x128xf32, #tpu.memory_space<vmem>>[vector<16xi32>, vector<16xi32>, vector<16xi32>], vector<16xf32>,
        %add3A_666 = arith.constant 400 : i32
        %add3A_667 = vector.broadcast %add3A_666 : i32 to vector<16xi32>
        %add3A_668 = arith.addi %iota3A, %add3A_667 : vector<16xi32>
        %add3A_669 = arith.constant 16 : i32
        %add3A_670 = vector.broadcast %add3A_669 : i32 to vector<16xi32>
        %add3A_671 = arith.addi %iota3A, %add3A_670 : vector<16xi32>
        %gather3A_672 = tpu.vector_load_idx %arg9[%add3A_668, %add3A_600] : memref<512x64xf32, #tpu.memory_space<vmem>>[vector<16xi32>, vector<16xi32>], vector<16xf32>,
        %add3A_673 = arith.addf %gather3A_672, %gather3A_601 : vector<16xf32>
        tpu.vector_store_idx %arg10[%add3A_635, %select_n3A_657, %add3A_671], %add3A_673 : memref<32x8x128xf32, #tpu.memory_space<vmem>>[vector<16xi32>, vector<16xi32>, vector<16xi32>], vector<16xf32>,
        %add3A_674 = arith.constant 416 : i32
        %add3A_675 = vector.broadcast %add3A_674 : i32 to vector<16xi32>
        %add3A_676 = arith.addi %iota3A, %add3A_675 : vector<16xi32>
        %add3A_677 = arith.constant 32 : i32
        %add3A_678 = vector.broadcast %add3A_677 : i32 to vector<16xi32>
        %add3A_679 = arith.addi %iota3A, %add3A_678 : vector<16xi32>
        %gather3A_680 = tpu.vector_load_idx %arg9[%add3A_676, %add3A_600] : memref<512x64xf32, #tpu.memory_space<vmem>>[vector<16xi32>, vector<16xi32>], vector<16xf32>,
        %add3A_681 = arith.addf %gather3A_680, %gather3A_601 : vector<16xf32>
        tpu.vector_store_idx %arg10[%add3A_635, %select_n3A_657, %add3A_679], %add3A_681 : memref<32x8x128xf32, #tpu.memory_space<vmem>>[vector<16xi32>, vector<16xi32>, vector<16xi32>], vector<16xf32>,
        %add3A_682 = arith.constant 432 : i32
        %add3A_683 = vector.broadcast %add3A_682 : i32 to vector<16xi32>
        %add3A_684 = arith.addi %iota3A, %add3A_683 : vector<16xi32>
        %add3A_685 = arith.constant 48 : i32
        %add3A_686 = vector.broadcast %add3A_685 : i32 to vector<16xi32>
        %add3A_687 = arith.addi %iota3A, %add3A_686 : vector<16xi32>
        %gather3A_688 = tpu.vector_load_idx %arg9[%add3A_684, %add3A_600] : memref<512x64xf32, #tpu.memory_space<vmem>>[vector<16xi32>, vector<16xi32>], vector<16xf32>,
        %add3A_689 = arith.addf %gather3A_688, %gather3A_601 : vector<16xf32>
        tpu.vector_store_idx %arg10[%add3A_635, %select_n3A_657, %add3A_687], %add3A_689 : memref<32x8x128xf32, #tpu.memory_space<vmem>>[vector<16xi32>, vector<16xi32>, vector<16xi32>], vector<16xf32>,
        %add3A_690 = arith.constant 448 : i32
        %add3A_691 = vector.broadcast %add3A_690 : i32 to vector<16xi32>
        %add3A_692 = arith.addi %iota3A, %add3A_691 : vector<16xi32>
        %add3A_693 = arith.constant 64 : i32
        %add3A_694 = vector.broadcast %add3A_693 : i32 to vector<16xi32>
        %add3A_695 = arith.addi %iota3A, %add3A_694 : vector<16xi32>
        %gather3A_696 = tpu.vector_load_idx %arg9[%add3A_692, %add3A_600] : memref<512x64xf32, #tpu.memory_space<vmem>>[vector<16xi32>, vector<16xi32>], vector<16xf32>,
        %add3A_697 = arith.addf %gather3A_696, %gather3A_601 : vector<16xf32>
        tpu.vector_store_idx %arg10[%add3A_635, %select_n3A_657, %add3A_695], %add3A_697 : memref<32x8x128xf32, #tpu.memory_space<vmem>>[vector<16xi32>, vector<16xi32>, vector<16xi32>], vector<16xf32>,
        %add3A_698 = arith.constant 464 : i32
        %add3A_699 = vector.broadcast %add3A_698 : i32 to vector<16xi32>
        %add3A_700 = arith.addi %iota3A, %add3A_699 : vector<16xi32>
        %add3A_701 = arith.constant 80 : i32
        %add3A_702 = vector.broadcast %add3A_701 : i32 to vector<16xi32>
        %add3A_703 = arith.addi %iota3A, %add3A_702 : vector<16xi32>
        %gather3A_704 = tpu.vector_load_idx %arg9[%add3A_700, %add3A_600] : memref<512x64xf32, #tpu.memory_space<vmem>>[vector<16xi32>, vector<16xi32>], vector<16xf32>,
        %add3A_705 = arith.addf %gather3A_704, %gather3A_601 : vector<16xf32>
        tpu.vector_store_idx %arg10[%add3A_635, %select_n3A_657, %add3A_703], %add3A_705 : memref<32x8x128xf32, #tpu.memory_space<vmem>>[vector<16xi32>, vector<16xi32>, vector<16xi32>], vector<16xf32>,
        %add3A_706 = arith.constant 480 : i32
        %add3A_707 = vector.broadcast %add3A_706 : i32 to vector<16xi32>
        %add3A_708 = arith.addi %iota3A, %add3A_707 : vector<16xi32>
        %add3A_709 = arith.constant 96 : i32
        %add3A_710 = vector.broadcast %add3A_709 : i32 to vector<16xi32>
        %add3A_711 = arith.addi %iota3A, %add3A_710 : vector<16xi32>
        %gather3A_712 = tpu.vector_load_idx %arg9[%add3A_708, %add3A_600] : memref<512x64xf32, #tpu.memory_space<vmem>>[vector<16xi32>, vector<16xi32>], vector<16xf32>,
        %add3A_713 = arith.addf %gather3A_712, %gather3A_601 : vector<16xf32>
        tpu.vector_store_idx %arg10[%add3A_635, %select_n3A_657, %add3A_711], %add3A_713 : memref<32x8x128xf32, #tpu.memory_space<vmem>>[vector<16xi32>, vector<16xi32>, vector<16xi32>], vector<16xf32>,
        %add3A_714 = arith.constant 496 : i32
        %add3A_715 = vector.broadcast %add3A_714 : i32 to vector<16xi32>
        %add3A_716 = arith.addi %iota3A, %add3A_715 : vector<16xi32>
        %add3A_717 = arith.constant 112 : i32
        %add3A_718 = vector.broadcast %add3A_717 : i32 to vector<16xi32>
        %add3A_719 = arith.addi %iota3A, %add3A_718 : vector<16xi32>
        %gather3A_720 = tpu.vector_load_idx %arg9[%add3A_716, %add3A_600] : memref<512x64xf32, #tpu.memory_space<vmem>>[vector<16xi32>, vector<16xi32>], vector<16xf32>,
        %add3A_721 = arith.addf %gather3A_720, %gather3A_601 : vector<16xf32>
        tpu.vector_store_idx %arg10[%add3A_635, %select_n3A_657, %add3A_719], %add3A_721 : memref<32x8x128xf32, #tpu.memory_space<vmem>>[vector<16xi32>, vector<16xi32>, vector<16xi32>], vector<16xf32>,
        %add3A_722 = arith.constant 48 : i32
        %add3A_723 = vector.broadcast %add3A_722 : i32 to vector<16xi32>
        %add3A_724 = arith.addi %add3A_723, %and3A_357 : vector<16xi32>
        %gather3A_725 = tpu.vector_load_idx %arg8[%add3A_325, %add3A_724] : memref<200x64xf32, #tpu.memory_space<vmem>>[vector<16xi32>, vector<16xi32>], vector<16xf32>,
        %jit3A_726 = arith.constant 8 : i32
        %div3A_727 = vector.broadcast %jit3A_726 : i32 to vector<16xi32>
        %div3A_728 = arith.divsi %add3A_724, %div3A_727 : vector<16xi32>
        %sign3A_729 = arith.constant 0 : i32
        %sign3A_730 = vector.broadcast %sign3A_729 : i32 to vector<16xi32>
        %sign3A_731 = arith.cmpi sgt, %add3A_724, %sign3A_730 : vector<16xi32>
        %sign3A_732 = arith.extui %sign3A_731 : vector<16xi1> to vector<16xi32>
        %sign3A_733 = arith.constant 0 : i32
        %sign3A_734 = vector.broadcast %sign3A_733 : i32 to vector<16xi32>
        %sign3A_735 = arith.cmpi slt, %add3A_724, %sign3A_734 : vector<16xi32>
        %sign3A_736 = arith.extui %sign3A_735 : vector<16xi1> to vector<16xi32>
        %sign3A_737 = arith.subi %sign3A_732, %sign3A_736 : vector<16xi32>
        %sign3A_738 = arith.constant 0 : i32
        %sign3A_739 = arith.cmpi sgt, %jit3A_726, %sign3A_738 : i32
        %sign3A_740 = arith.extui %sign3A_739 : i1 to i32
        %sign3A_741 = arith.constant 0 : i32
        %sign3A_742 = arith.cmpi slt, %jit3A_726, %sign3A_741 : i32
        %sign3A_743 = arith.extui %sign3A_742 : i1 to i32
        %sign3A_744 = arith.subi %sign3A_740, %sign3A_743 : i32
        %ne3A_745 = vector.broadcast %sign3A_744 : i32 to vector<16xi32>
        %ne3A_746 = arith.cmpi ne, %sign3A_737, %ne3A_745 : vector<16xi32>
        %rem3A_747 = vector.broadcast %jit3A_726 : i32 to vector<16xi32>
        %rem3A_748 = arith.remsi %add3A_724, %rem3A_747 : vector<16xi32>
        %ne3A_749 = arith.constant 0 : i32
        %ne3A_750 = vector.broadcast %ne3A_749 : i32 to vector<16xi32>
        %ne3A_751 = arith.cmpi ne, %rem3A_748, %ne3A_750 : vector<16xi32>
        %and3A_752 = arith.andi %ne3A_746, %ne3A_751 : vector<16xi1>
        %sub3A_753 = arith.constant 1 : i32
        %sub3A_754 = vector.broadcast %sub3A_753 : i32 to vector<16xi32>
        %sub3A_755 = arith.subi %div3A_728, %sub3A_754 : vector<16xi32>
        %select_n3A_756 = arith.select %and3A_752, %sub3A_755, %div3A_728 : vector<16xi1>, vector<16xi32>
        %add3A_757 = arith.constant 24 : i32
        %add3A_758 = vector.broadcast %add3A_757 : i32 to vector<16xi32>
        %add3A_759 = arith.addi %add3A_758, %select_n3A_756 : vector<16xi32>
        %jit3A_760 = arith.constant 8 : i32
        %eq3A_761 = arith.constant 0 : i32
        %eq3A_762 = arith.cmpi eq, %jit3A_760, %eq3A_761 : i32
        %jit3A_763 = arith.constant 1 : i32
        %select_n3A_764 = arith.select %eq3A_762, %jit3A_763, %jit3A_760 : i32
        %rem3A_765 = vector.broadcast %select_n3A_764 : i32 to vector<16xi32>
        %rem3A_766 = arith.remsi %add3A_724, %rem3A_765 : vector<16xi32>
        %ne3A_767 = arith.constant 0 : i32
        %ne3A_768 = vector.broadcast %ne3A_767 : i32 to vector<16xi32>
        %ne3A_769 = arith.cmpi ne, %rem3A_766, %ne3A_768 : vector<16xi32>
        %lt3A_770 = arith.constant 0 : i32
        %lt3A_771 = vector.broadcast %lt3A_770 : i32 to vector<16xi32>
        %lt3A_772 = arith.cmpi slt, %rem3A_766, %lt3A_771 : vector<16xi32>
        %lt3A_773 = arith.constant 0 : i32
        %lt3A_774 = arith.cmpi slt, %select_n3A_764, %lt3A_773 : i32
        %ne3A_775 = vector.broadcast %lt3A_774 : i1 to vector<16xi1>
        %ne3A_776 = vector.broadcast %ne3A_775 : vector<16xi1> to vector<16xi1>
        %ne3A_777 = arith.xori %lt3A_772, %ne3A_776 : vector<16xi1>
        %and3A_778 = arith.andi %ne3A_777, %ne3A_769 : vector<16xi1>
        %add3A_779 = vector.broadcast %select_n3A_764 : i32 to vector<16xi32>
        %add3A_780 = arith.addi %rem3A_766, %add3A_779 : vector<16xi32>
        %select_n3A_781 = arith.select %and3A_778, %add3A_780, %rem3A_766 : vector<16xi1>, vector<16xi32>
        %add3A_782 = arith.constant 384 : i32
        %add3A_783 = vector.broadcast %add3A_782 : i32 to vector<16xi32>
        %add3A_784 = arith.addi %iota3A, %add3A_783 : vector<16xi32>
        %add3A_785 = arith.constant 0 : i32
        %add3A_786 = vector.broadcast %add3A_785 : i32 to vector<16xi32>
        %add3A_787 = arith.addi %iota3A, %add3A_786 : vector<16xi32>
        %gather3A_788 = tpu.vector_load_idx %arg9[%add3A_784, %add3A_724] : memref<512x64xf32, #tpu.memory_space<vmem>>[vector<16xi32>, vector<16xi32>], vector<16xf32>,
        %add3A_789 = arith.addf %gather3A_788, %gather3A_725 : vector<16xf32>
        tpu.vector_store_idx %arg10[%add3A_759, %select_n3A_781, %add3A_787], %add3A_789 : memref<32x8x128xf32, #tpu.memory_space<vmem>>[vector<16xi32>, vector<16xi32>, vector<16xi32>], vector<16xf32>,
        %add3A_790 = arith.constant 400 : i32
        %add3A_791 = vector.broadcast %add3A_790 : i32 to vector<16xi32>
        %add3A_792 = arith.addi %iota3A, %add3A_791 : vector<16xi32>
        %add3A_793 = arith.constant 16 : i32
        %add3A_794 = vector.broadcast %add3A_793 : i32 to vector<16xi32>
        %add3A_795 = arith.addi %iota3A, %add3A_794 : vector<16xi32>
        %gather3A_796 = tpu.vector_load_idx %arg9[%add3A_792, %add3A_724] : memref<512x64xf32, #tpu.memory_space<vmem>>[vector<16xi32>, vector<16xi32>], vector<16xf32>,
        %add3A_797 = arith.addf %gather3A_796, %gather3A_725 : vector<16xf32>
        tpu.vector_store_idx %arg10[%add3A_759, %select_n3A_781, %add3A_795], %add3A_797 : memref<32x8x128xf32, #tpu.memory_space<vmem>>[vector<16xi32>, vector<16xi32>, vector<16xi32>], vector<16xf32>,
        %add3A_798 = arith.constant 416 : i32
        %add3A_799 = vector.broadcast %add3A_798 : i32 to vector<16xi32>
        %add3A_800 = arith.addi %iota3A, %add3A_799 : vector<16xi32>
        %add3A_801 = arith.constant 32 : i32
        %add3A_802 = vector.broadcast %add3A_801 : i32 to vector<16xi32>
        %add3A_803 = arith.addi %iota3A, %add3A_802 : vector<16xi32>
        %gather3A_804 = tpu.vector_load_idx %arg9[%add3A_800, %add3A_724] : memref<512x64xf32, #tpu.memory_space<vmem>>[vector<16xi32>, vector<16xi32>], vector<16xf32>,
        %add3A_805 = arith.addf %gather3A_804, %gather3A_725 : vector<16xf32>
        tpu.vector_store_idx %arg10[%add3A_759, %select_n3A_781, %add3A_803], %add3A_805 : memref<32x8x128xf32, #tpu.memory_space<vmem>>[vector<16xi32>, vector<16xi32>, vector<16xi32>], vector<16xf32>,
        %add3A_806 = arith.constant 432 : i32
        %add3A_807 = vector.broadcast %add3A_806 : i32 to vector<16xi32>
        %add3A_808 = arith.addi %iota3A, %add3A_807 : vector<16xi32>
        %add3A_809 = arith.constant 48 : i32
        %add3A_810 = vector.broadcast %add3A_809 : i32 to vector<16xi32>
        %add3A_811 = arith.addi %iota3A, %add3A_810 : vector<16xi32>
        %gather3A_812 = tpu.vector_load_idx %arg9[%add3A_808, %add3A_724] : memref<512x64xf32, #tpu.memory_space<vmem>>[vector<16xi32>, vector<16xi32>], vector<16xf32>,
        %add3A_813 = arith.addf %gather3A_812, %gather3A_725 : vector<16xf32>
        tpu.vector_store_idx %arg10[%add3A_759, %select_n3A_781, %add3A_811], %add3A_813 : memref<32x8x128xf32, #tpu.memory_space<vmem>>[vector<16xi32>, vector<16xi32>, vector<16xi32>], vector<16xf32>,
        %add3A_814 = arith.constant 448 : i32
        %add3A_815 = vector.broadcast %add3A_814 : i32 to vector<16xi32>
        %add3A_816 = arith.addi %iota3A, %add3A_815 : vector<16xi32>
        %add3A_817 = arith.constant 64 : i32
        %add3A_818 = vector.broadcast %add3A_817 : i32 to vector<16xi32>
        %add3A_819 = arith.addi %iota3A, %add3A_818 : vector<16xi32>
        %gather3A_820 = tpu.vector_load_idx %arg9[%add3A_816, %add3A_724] : memref<512x64xf32, #tpu.memory_space<vmem>>[vector<16xi32>, vector<16xi32>], vector<16xf32>,
        %add3A_821 = arith.addf %gather3A_820, %gather3A_725 : vector<16xf32>
        tpu.vector_store_idx %arg10[%add3A_759, %select_n3A_781, %add3A_819], %add3A_821 : memref<32x8x128xf32, #tpu.memory_space<vmem>>[vector<16xi32>, vector<16xi32>, vector<16xi32>], vector<16xf32>,
        %add3A_822 = arith.constant 464 : i32
        %add3A_823 = vector.broadcast %add3A_822 : i32 to vector<16xi32>
        %add3A_824 = arith.addi %iota3A, %add3A_823 : vector<16xi32>
        %add3A_825 = arith.constant 80 : i32
        %add3A_826 = vector.broadcast %add3A_825 : i32 to vector<16xi32>
        %add3A_827 = arith.addi %iota3A, %add3A_826 : vector<16xi32>
        %gather3A_828 = tpu.vector_load_idx %arg9[%add3A_824, %add3A_724] : memref<512x64xf32, #tpu.memory_space<vmem>>[vector<16xi32>, vector<16xi32>], vector<16xf32>,
        %add3A_829 = arith.addf %gather3A_828, %gather3A_725 : vector<16xf32>
        tpu.vector_store_idx %arg10[%add3A_759, %select_n3A_781, %add3A_827], %add3A_829 : memref<32x8x128xf32, #tpu.memory_space<vmem>>[vector<16xi32>, vector<16xi32>, vector<16xi32>], vector<16xf32>,
        %add3A_830 = arith.constant 480 : i32
        %add3A_831 = vector.broadcast %add3A_830 : i32 to vector<16xi32>
        %add3A_832 = arith.addi %iota3A, %add3A_831 : vector<16xi32>
        %add3A_833 = arith.constant 96 : i32
        %add3A_834 = vector.broadcast %add3A_833 : i32 to vector<16xi32>
        %add3A_835 = arith.addi %iota3A, %add3A_834 : vector<16xi32>
        %gather3A_836 = tpu.vector_load_idx %arg9[%add3A_832, %add3A_724] : memref<512x64xf32, #tpu.memory_space<vmem>>[vector<16xi32>, vector<16xi32>], vector<16xf32>,
        %add3A_837 = arith.addf %gather3A_836, %gather3A_725 : vector<16xf32>
        tpu.vector_store_idx %arg10[%add3A_759, %select_n3A_781, %add3A_835], %add3A_837 : memref<32x8x128xf32, #tpu.memory_space<vmem>>[vector<16xi32>, vector<16xi32>, vector<16xi32>], vector<16xf32>,
        %add3A_838 = arith.constant 496 : i32
        %add3A_839 = vector.broadcast %add3A_838 : i32 to vector<16xi32>
        %add3A_840 = arith.addi %iota3A, %add3A_839 : vector<16xi32>
        %add3A_841 = arith.constant 112 : i32
        %add3A_842 = vector.broadcast %add3A_841 : i32 to vector<16xi32>
        %add3A_843 = arith.addi %iota3A, %add3A_842 : vector<16xi32>
        %gather3A_844 = tpu.vector_load_idx %arg9[%add3A_840, %add3A_724] : memref<512x64xf32, #tpu.memory_space<vmem>>[vector<16xi32>, vector<16xi32>], vector<16xf32>,
        %add3A_845 = arith.addf %gather3A_844, %gather3A_725 : vector<16xf32>
        tpu.vector_store_idx %arg10[%add3A_759, %select_n3A_781, %add3A_843], %add3A_845 : memref<32x8x128xf32, #tpu.memory_space<vmem>>[vector<16xi32>, vector<16xi32>, vector<16xi32>], vector<16xf32>,
        %scan3A_846 = arith.constant 1 : i32
        %scan3A_847 = arith.addi %scan3A_349, %scan3A_846 : i32
        %mul3A_848 = arith.constant 1 : i32
        %mul3A_849 = arith.muli %scan3A_847, %mul3A_848 : i32
        %add3A_850 = arith.constant 0 : i32
        %add3A_851 = arith.addi %add3A_850, %mul3A_849 : i32
        %add3A_852 = vector.broadcast %add3A_851 : i32 to vector<16xi32>
        %add3A_853 = arith.addi %iota3A, %add3A_852 : vector<16xi32>
        %and3A_854 = arith.constant 15 : i32
        %and3A_855 = vector.broadcast %and3A_854 : i32 to vector<16xi32>
        %and3A_856 = arith.andi %add3A_853, %and3A_855 : vector<16xi32>
        %add3A_857 = arith.constant 0 : i32
        %add3A_858 = vector.broadcast %add3A_857 : i32 to vector<16xi32>
        %add3A_859 = arith.addi %add3A_858, %and3A_856 : vector<16xi32>
        %gather3A_860 = tpu.vector_load_idx %arg8[%add3A_325, %add3A_859] : memref<200x64xf32, #tpu.memory_space<vmem>>[vector<16xi32>, vector<16xi32>], vector<16xf32>,
        %jit3A_861 = arith.constant 8 : i32
        %div3A_862 = vector.broadcast %jit3A_861 : i32 to vector<16xi32>
        %div3A_863 = arith.divsi %add3A_859, %div3A_862 : vector<16xi32>
        %sign3A_864 = arith.constant 0 : i32
        %sign3A_865 = vector.broadcast %sign3A_864 : i32 to vector<16xi32>
        %sign3A_866 = arith.cmpi sgt, %add3A_859, %sign3A_865 : vector<16xi32>
        %sign3A_867 = arith.extui %sign3A_866 : vector<16xi1> to vector<16xi32>
        %sign3A_868 = arith.constant 0 : i32
        %sign3A_869 = vector.broadcast %sign3A_868 : i32 to vector<16xi32>
        %sign3A_870 = arith.cmpi slt, %add3A_859, %sign3A_869 : vector<16xi32>
        %sign3A_871 = arith.extui %sign3A_870 : vector<16xi1> to vector<16xi32>
        %sign3A_872 = arith.subi %sign3A_867, %sign3A_871 : vector<16xi32>
        %sign3A_873 = arith.constant 0 : i32
        %sign3A_874 = arith.cmpi sgt, %jit3A_861, %sign3A_873 : i32
        %sign3A_875 = arith.extui %sign3A_874 : i1 to i32
        %sign3A_876 = arith.constant 0 : i32
        %sign3A_877 = arith.cmpi slt, %jit3A_861, %sign3A_876 : i32
        %sign3A_878 = arith.extui %sign3A_877 : i1 to i32
        %sign3A_879 = arith.subi %sign3A_875, %sign3A_878 : i32
        %ne3A_880 = vector.broadcast %sign3A_879 : i32 to vector<16xi32>
        %ne3A_881 = arith.cmpi ne, %sign3A_872, %ne3A_880 : vector<16xi32>
        %rem3A_882 = vector.broadcast %jit3A_861 : i32 to vector<16xi32>
        %rem3A_883 = arith.remsi %add3A_859, %rem3A_882 : vector<16xi32>
        %ne3A_884 = arith.constant 0 : i32
        %ne3A_885 = vector.broadcast %ne3A_884 : i32 to vector<16xi32>
        %ne3A_886 = arith.cmpi ne, %rem3A_883, %ne3A_885 : vector<16xi32>
        %and3A_887 = arith.andi %ne3A_881, %ne3A_886 : vector<16xi1>
        %sub3A_888 = arith.constant 1 : i32
        %sub3A_889 = vector.broadcast %sub3A_888 : i32 to vector<16xi32>
        %sub3A_890 = arith.subi %div3A_863, %sub3A_889 : vector<16xi32>
        %select_n3A_891 = arith.select %and3A_887, %sub3A_890, %div3A_863 : vector<16xi1>, vector<16xi32>
        %add3A_892 = arith.constant 24 : i32
        %add3A_893 = vector.broadcast %add3A_892 : i32 to vector<16xi32>
        %add3A_894 = arith.addi %add3A_893, %select_n3A_891 : vector<16xi32>
        %jit3A_895 = arith.constant 8 : i32
        %eq3A_896 = arith.constant 0 : i32
        %eq3A_897 = arith.cmpi eq, %jit3A_895, %eq3A_896 : i32
        %jit3A_898 = arith.constant 1 : i32
        %select_n3A_899 = arith.select %eq3A_897, %jit3A_898, %jit3A_895 : i32
        %rem3A_900 = vector.broadcast %select_n3A_899 : i32 to vector<16xi32>
        %rem3A_901 = arith.remsi %add3A_859, %rem3A_900 : vector<16xi32>
        %ne3A_902 = arith.constant 0 : i32
        %ne3A_903 = vector.broadcast %ne3A_902 : i32 to vector<16xi32>
        %ne3A_904 = arith.cmpi ne, %rem3A_901, %ne3A_903 : vector<16xi32>
        %lt3A_905 = arith.constant 0 : i32
        %lt3A_906 = vector.broadcast %lt3A_905 : i32 to vector<16xi32>
        %lt3A_907 = arith.cmpi slt, %rem3A_901, %lt3A_906 : vector<16xi32>
        %lt3A_908 = arith.constant 0 : i32
        %lt3A_909 = arith.cmpi slt, %select_n3A_899, %lt3A_908 : i32
        %ne3A_910 = vector.broadcast %lt3A_909 : i1 to vector<16xi1>
        %ne3A_911 = vector.broadcast %ne3A_910 : vector<16xi1> to vector<16xi1>
        %ne3A_912 = arith.xori %lt3A_907, %ne3A_911 : vector<16xi1>
        %and3A_913 = arith.andi %ne3A_912, %ne3A_904 : vector<16xi1>
        %add3A_914 = vector.broadcast %select_n3A_899 : i32 to vector<16xi32>
        %add3A_915 = arith.addi %rem3A_901, %add3A_914 : vector<16xi32>
        %select_n3A_916 = arith.select %and3A_913, %add3A_915, %rem3A_901 : vector<16xi1>, vector<16xi32>
        %add3A_917 = arith.constant 384 : i32
        %add3A_918 = vector.broadcast %add3A_917 : i32 to vector<16xi32>
        %add3A_919 = arith.addi %iota3A, %add3A_918 : vector<16xi32>
        %add3A_920 = arith.constant 0 : i32
        %add3A_921 = vector.broadcast %add3A_920 : i32 to vector<16xi32>
        %add3A_922 = arith.addi %iota3A, %add3A_921 : vector<16xi32>
        %gather3A_923 = tpu.vector_load_idx %arg9[%add3A_919, %add3A_859] : memref<512x64xf32, #tpu.memory_space<vmem>>[vector<16xi32>, vector<16xi32>], vector<16xf32>,
        %add3A_924 = arith.addf %gather3A_923, %gather3A_860 : vector<16xf32>
        tpu.vector_store_idx %arg10[%add3A_894, %select_n3A_916, %add3A_922], %add3A_924 : memref<32x8x128xf32, #tpu.memory_space<vmem>>[vector<16xi32>, vector<16xi32>, vector<16xi32>], vector<16xf32>,
        %add3A_925 = arith.constant 400 : i32
        %add3A_926 = vector.broadcast %add3A_925 : i32 to vector<16xi32>
        %add3A_927 = arith.addi %iota3A, %add3A_926 : vector<16xi32>
        %add3A_928 = arith.constant 16 : i32
        %add3A_929 = vector.broadcast %add3A_928 : i32 to vector<16xi32>
        %add3A_930 = arith.addi %iota3A, %add3A_929 : vector<16xi32>
        %gather3A_931 = tpu.vector_load_idx %arg9[%add3A_927, %add3A_859] : memref<512x64xf32, #tpu.memory_space<vmem>>[vector<16xi32>, vector<16xi32>], vector<16xf32>,
        %add3A_932 = arith.addf %gather3A_931, %gather3A_860 : vector<16xf32>
        tpu.vector_store_idx %arg10[%add3A_894, %select_n3A_916, %add3A_930], %add3A_932 : memref<32x8x128xf32, #tpu.memory_space<vmem>>[vector<16xi32>, vector<16xi32>, vector<16xi32>], vector<16xf32>,
        %add3A_933 = arith.constant 416 : i32
        %add3A_934 = vector.broadcast %add3A_933 : i32 to vector<16xi32>
        %add3A_935 = arith.addi %iota3A, %add3A_934 : vector<16xi32>
        %add3A_936 = arith.constant 32 : i32
        %add3A_937 = vector.broadcast %add3A_936 : i32 to vector<16xi32>
        %add3A_938 = arith.addi %iota3A, %add3A_937 : vector<16xi32>
        %gather3A_939 = tpu.vector_load_idx %arg9[%add3A_935, %add3A_859] : memref<512x64xf32, #tpu.memory_space<vmem>>[vector<16xi32>, vector<16xi32>], vector<16xf32>,
        %add3A_940 = arith.addf %gather3A_939, %gather3A_860 : vector<16xf32>
        tpu.vector_store_idx %arg10[%add3A_894, %select_n3A_916, %add3A_938], %add3A_940 : memref<32x8x128xf32, #tpu.memory_space<vmem>>[vector<16xi32>, vector<16xi32>, vector<16xi32>], vector<16xf32>,
        %add3A_941 = arith.constant 432 : i32
        %add3A_942 = vector.broadcast %add3A_941 : i32 to vector<16xi32>
        %add3A_943 = arith.addi %iota3A, %add3A_942 : vector<16xi32>
        %add3A_944 = arith.constant 48 : i32
        %add3A_945 = vector.broadcast %add3A_944 : i32 to vector<16xi32>
        %add3A_946 = arith.addi %iota3A, %add3A_945 : vector<16xi32>
        %gather3A_947 = tpu.vector_load_idx %arg9[%add3A_943, %add3A_859] : memref<512x64xf32, #tpu.memory_space<vmem>>[vector<16xi32>, vector<16xi32>], vector<16xf32>,
        %add3A_948 = arith.addf %gather3A_947, %gather3A_860 : vector<16xf32>
        tpu.vector_store_idx %arg10[%add3A_894, %select_n3A_916, %add3A_946], %add3A_948 : memref<32x8x128xf32, #tpu.memory_space<vmem>>[vector<16xi32>, vector<16xi32>, vector<16xi32>], vector<16xf32>,
        %add3A_949 = arith.constant 448 : i32
        %add3A_950 = vector.broadcast %add3A_949 : i32 to vector<16xi32>
        %add3A_951 = arith.addi %iota3A, %add3A_950 : vector<16xi32>
        %add3A_952 = arith.constant 64 : i32
        %add3A_953 = vector.broadcast %add3A_952 : i32 to vector<16xi32>
        %add3A_954 = arith.addi %iota3A, %add3A_953 : vector<16xi32>
        %gather3A_955 = tpu.vector_load_idx %arg9[%add3A_951, %add3A_859] : memref<512x64xf32, #tpu.memory_space<vmem>>[vector<16xi32>, vector<16xi32>], vector<16xf32>,
        %add3A_956 = arith.addf %gather3A_955, %gather3A_860 : vector<16xf32>
        tpu.vector_store_idx %arg10[%add3A_894, %select_n3A_916, %add3A_954], %add3A_956 : memref<32x8x128xf32, #tpu.memory_space<vmem>>[vector<16xi32>, vector<16xi32>, vector<16xi32>], vector<16xf32>,
        %add3A_957 = arith.constant 464 : i32
        %add3A_958 = vector.broadcast %add3A_957 : i32 to vector<16xi32>
        %add3A_959 = arith.addi %iota3A, %add3A_958 : vector<16xi32>
        %add3A_960 = arith.constant 80 : i32
        %add3A_961 = vector.broadcast %add3A_960 : i32 to vector<16xi32>
        %add3A_962 = arith.addi %iota3A, %add3A_961 : vector<16xi32>
        %gather3A_963 = tpu.vector_load_idx %arg9[%add3A_959, %add3A_859] : memref<512x64xf32, #tpu.memory_space<vmem>>[vector<16xi32>, vector<16xi32>], vector<16xf32>,
        %add3A_964 = arith.addf %gather3A_963, %gather3A_860 : vector<16xf32>
        tpu.vector_store_idx %arg10[%add3A_894, %select_n3A_916, %add3A_962], %add3A_964 : memref<32x8x128xf32, #tpu.memory_space<vmem>>[vector<16xi32>, vector<16xi32>, vector<16xi32>], vector<16xf32>,
        %add3A_965 = arith.constant 480 : i32
        %add3A_966 = vector.broadcast %add3A_965 : i32 to vector<16xi32>
        %add3A_967 = arith.addi %iota3A, %add3A_966 : vector<16xi32>
        %add3A_968 = arith.constant 96 : i32
        %add3A_969 = vector.broadcast %add3A_968 : i32 to vector<16xi32>
        %add3A_970 = arith.addi %iota3A, %add3A_969 : vector<16xi32>
        %gather3A_971 = tpu.vector_load_idx %arg9[%add3A_967, %add3A_859] : memref<512x64xf32, #tpu.memory_space<vmem>>[vector<16xi32>, vector<16xi32>], vector<16xf32>,
        %add3A_972 = arith.addf %gather3A_971, %gather3A_860 : vector<16xf32>
        tpu.vector_store_idx %arg10[%add3A_894, %select_n3A_916, %add3A_970], %add3A_972 : memref<32x8x128xf32, #tpu.memory_space<vmem>>[vector<16xi32>, vector<16xi32>, vector<16xi32>], vector<16xf32>,
        %add3A_973 = arith.constant 496 : i32
        %add3A_974 = vector.broadcast %add3A_973 : i32 to vector<16xi32>
        %add3A_975 = arith.addi %iota3A, %add3A_974 : vector<16xi32>
        %add3A_976 = arith.constant 112 : i32
        %add3A_977 = vector.broadcast %add3A_976 : i32 to vector<16xi32>
        %add3A_978 = arith.addi %iota3A, %add3A_977 : vector<16xi32>
        %gather3A_979 = tpu.vector_load_idx %arg9[%add3A_975, %add3A_859] : memref<512x64xf32, #tpu.memory_space<vmem>>[vector<16xi32>, vector<16xi32>], vector<16xf32>,
        %add3A_980 = arith.addf %gather3A_979, %gather3A_860 : vector<16xf32>
        tpu.vector_store_idx %arg10[%add3A_894, %select_n3A_916, %add3A_978], %add3A_980 : memref<32x8x128xf32, #tpu.memory_space<vmem>>[vector<16xi32>, vector<16xi32>, vector<16xi32>], vector<16xf32>,
        %add3A_981 = arith.constant 16 : i32
        %add3A_982 = vector.broadcast %add3A_981 : i32 to vector<16xi32>
        %add3A_983 = arith.addi %add3A_982, %and3A_856 : vector<16xi32>
        %gather3A_984 = tpu.vector_load_idx %arg8[%add3A_325, %add3A_983] : memref<200x64xf32, #tpu.memory_space<vmem>>[vector<16xi32>, vector<16xi32>], vector<16xf32>,
        %jit3A_985 = arith.constant 8 : i32
        %div3A_986 = vector.broadcast %jit3A_985 : i32 to vector<16xi32>
        %div3A_987 = arith.divsi %add3A_983, %div3A_986 : vector<16xi32>
        %sign3A_988 = arith.constant 0 : i32
        %sign3A_989 = vector.broadcast %sign3A_988 : i32 to vector<16xi32>
        %sign3A_990 = arith.cmpi sgt, %add3A_983, %sign3A_989 : vector<16xi32>
        %sign3A_991 = arith.extui %sign3A_990 : vector<16xi1> to vector<16xi32>
        %sign3A_992 = arith.constant 0 : i32
        %sign3A_993 = vector.broadcast %sign3A_992 : i32 to vector<16xi32>
        %sign3A_994 = arith.cmpi slt, %add3A_983, %sign3A_993 : vector<16xi32>
        %sign3A_995 = arith.extui %sign3A_994 : vector<16xi1> to vector<16xi32>
        %sign3A_996 = arith.subi %sign3A_991, %sign3A_995 : vector<16xi32>
        %sign3A_997 = arith.constant 0 : i32
        %sign3A_998 = arith.cmpi sgt, %jit3A_985, %sign3A_997 : i32
        %sign3A_999 = arith.extui %sign3A_998 : i1 to i32
        %sign3A_1000 = arith.constant 0 : i32
        %sign3A_1001 = arith.cmpi slt, %jit3A_985, %sign3A_1000 : i32
        %sign3A_1002 = arith.extui %sign3A_1001 : i1 to i32
        %sign3A_1003 = arith.subi %sign3A_999, %sign3A_1002 : i32
        %ne3A_1004 = vector.broadcast %sign3A_1003 : i32 to vector<16xi32>
        %ne3A_1005 = arith.cmpi ne, %sign3A_996, %ne3A_1004 : vector<16xi32>
        %rem3A_1006 = vector.broadcast %jit3A_985 : i32 to vector<16xi32>
        %rem3A_1007 = arith.remsi %add3A_983, %rem3A_1006 : vector<16xi32>
        %ne3A_1008 = arith.constant 0 : i32
        %ne3A_1009 = vector.broadcast %ne3A_1008 : i32 to vector<16xi32>
        %ne3A_1010 = arith.cmpi ne, %rem3A_1007, %ne3A_1009 : vector<16xi32>
        %and3A_1011 = arith.andi %ne3A_1005, %ne3A_1010 : vector<16xi1>
        %sub3A_1012 = arith.constant 1 : i32
        %sub3A_1013 = vector.broadcast %sub3A_1012 : i32 to vector<16xi32>
        %sub3A_1014 = arith.subi %div3A_987, %sub3A_1013 : vector<16xi32>
        %select_n3A_1015 = arith.select %and3A_1011, %sub3A_1014, %div3A_987 : vector<16xi1>, vector<16xi32>
        %add3A_1016 = arith.constant 24 : i32
        %add3A_1017 = vector.broadcast %add3A_1016 : i32 to vector<16xi32>
        %add3A_1018 = arith.addi %add3A_1017, %select_n3A_1015 : vector<16xi32>
        %jit3A_1019 = arith.constant 8 : i32
        %eq3A_1020 = arith.constant 0 : i32
        %eq3A_1021 = arith.cmpi eq, %jit3A_1019, %eq3A_1020 : i32
        %jit3A_1022 = arith.constant 1 : i32
        %select_n3A_1023 = arith.select %eq3A_1021, %jit3A_1022, %jit3A_1019 : i32
        %rem3A_1024 = vector.broadcast %select_n3A_1023 : i32 to vector<16xi32>
        %rem3A_1025 = arith.remsi %add3A_983, %rem3A_1024 : vector<16xi32>
        %ne3A_1026 = arith.constant 0 : i32
        %ne3A_1027 = vector.broadcast %ne3A_1026 : i32 to vector<16xi32>
        %ne3A_1028 = arith.cmpi ne, %rem3A_1025, %ne3A_1027 : vector<16xi32>
        %lt3A_1029 = arith.constant 0 : i32
        %lt3A_1030 = vector.broadcast %lt3A_1029 : i32 to vector<16xi32>
        %lt3A_1031 = arith.cmpi slt, %rem3A_1025, %lt3A_1030 : vector<16xi32>
        %lt3A_1032 = arith.constant 0 : i32
        %lt3A_1033 = arith.cmpi slt, %select_n3A_1023, %lt3A_1032 : i32
        %ne3A_1034 = vector.broadcast %lt3A_1033 : i1 to vector<16xi1>
        %ne3A_1035 = vector.broadcast %ne3A_1034 : vector<16xi1> to vector<16xi1>
        %ne3A_1036 = arith.xori %lt3A_1031, %ne3A_1035 : vector<16xi1>
        %and3A_1037 = arith.andi %ne3A_1036, %ne3A_1028 : vector<16xi1>
        %add3A_1038 = vector.broadcast %select_n3A_1023 : i32 to vector<16xi32>
        %add3A_1039 = arith.addi %rem3A_1025, %add3A_1038 : vector<16xi32>
        %select_n3A_1040 = arith.select %and3A_1037, %add3A_1039, %rem3A_1025 : vector<16xi1>, vector<16xi32>
        %add3A_1041 = arith.constant 384 : i32
        %add3A_1042 = vector.broadcast %add3A_1041 : i32 to vector<16xi32>
        %add3A_1043 = arith.addi %iota3A, %add3A_1042 : vector<16xi32>
        %add3A_1044 = arith.constant 0 : i32
        %add3A_1045 = vector.broadcast %add3A_1044 : i32 to vector<16xi32>
        %add3A_1046 = arith.addi %iota3A, %add3A_1045 : vector<16xi32>
        %gather3A_1047 = tpu.vector_load_idx %arg9[%add3A_1043, %add3A_983] : memref<512x64xf32, #tpu.memory_space<vmem>>[vector<16xi32>, vector<16xi32>], vector<16xf32>,
        %add3A_1048 = arith.addf %gather3A_1047, %gather3A_984 : vector<16xf32>
        tpu.vector_store_idx %arg10[%add3A_1018, %select_n3A_1040, %add3A_1046], %add3A_1048 : memref<32x8x128xf32, #tpu.memory_space<vmem>>[vector<16xi32>, vector<16xi32>, vector<16xi32>], vector<16xf32>,
        %add3A_1049 = arith.constant 400 : i32
        %add3A_1050 = vector.broadcast %add3A_1049 : i32 to vector<16xi32>
        %add3A_1051 = arith.addi %iota3A, %add3A_1050 : vector<16xi32>
        %add3A_1052 = arith.constant 16 : i32
        %add3A_1053 = vector.broadcast %add3A_1052 : i32 to vector<16xi32>
        %add3A_1054 = arith.addi %iota3A, %add3A_1053 : vector<16xi32>
        %gather3A_1055 = tpu.vector_load_idx %arg9[%add3A_1051, %add3A_983] : memref<512x64xf32, #tpu.memory_space<vmem>>[vector<16xi32>, vector<16xi32>], vector<16xf32>,
        %add3A_1056 = arith.addf %gather3A_1055, %gather3A_984 : vector<16xf32>
        tpu.vector_store_idx %arg10[%add3A_1018, %select_n3A_1040, %add3A_1054], %add3A_1056 : memref<32x8x128xf32, #tpu.memory_space<vmem>>[vector<16xi32>, vector<16xi32>, vector<16xi32>], vector<16xf32>,
        %add3A_1057 = arith.constant 416 : i32
        %add3A_1058 = vector.broadcast %add3A_1057 : i32 to vector<16xi32>
        %add3A_1059 = arith.addi %iota3A, %add3A_1058 : vector<16xi32>
        %add3A_1060 = arith.constant 32 : i32
        %add3A_1061 = vector.broadcast %add3A_1060 : i32 to vector<16xi32>
        %add3A_1062 = arith.addi %iota3A, %add3A_1061 : vector<16xi32>
        %gather3A_1063 = tpu.vector_load_idx %arg9[%add3A_1059, %add3A_983] : memref<512x64xf32, #tpu.memory_space<vmem>>[vector<16xi32>, vector<16xi32>], vector<16xf32>,
        %add3A_1064 = arith.addf %gather3A_1063, %gather3A_984 : vector<16xf32>
        tpu.vector_store_idx %arg10[%add3A_1018, %select_n3A_1040, %add3A_1062], %add3A_1064 : memref<32x8x128xf32, #tpu.memory_space<vmem>>[vector<16xi32>, vector<16xi32>, vector<16xi32>], vector<16xf32>,
        %add3A_1065 = arith.constant 432 : i32
        %add3A_1066 = vector.broadcast %add3A_1065 : i32 to vector<16xi32>
        %add3A_1067 = arith.addi %iota3A, %add3A_1066 : vector<16xi32>
        %add3A_1068 = arith.constant 48 : i32
        %add3A_1069 = vector.broadcast %add3A_1068 : i32 to vector<16xi32>
        %add3A_1070 = arith.addi %iota3A, %add3A_1069 : vector<16xi32>
        %gather3A_1071 = tpu.vector_load_idx %arg9[%add3A_1067, %add3A_983] : memref<512x64xf32, #tpu.memory_space<vmem>>[vector<16xi32>, vector<16xi32>], vector<16xf32>,
        %add3A_1072 = arith.addf %gather3A_1071, %gather3A_984 : vector<16xf32>
        tpu.vector_store_idx %arg10[%add3A_1018, %select_n3A_1040, %add3A_1070], %add3A_1072 : memref<32x8x128xf32, #tpu.memory_space<vmem>>[vector<16xi32>, vector<16xi32>, vector<16xi32>], vector<16xf32>,
        %add3A_1073 = arith.constant 448 : i32
        %add3A_1074 = vector.broadcast %add3A_1073 : i32 to vector<16xi32>
        %add3A_1075 = arith.addi %iota3A, %add3A_1074 : vector<16xi32>
        %add3A_1076 = arith.constant 64 : i32
        %add3A_1077 = vector.broadcast %add3A_1076 : i32 to vector<16xi32>
        %add3A_1078 = arith.addi %iota3A, %add3A_1077 : vector<16xi32>
        %gather3A_1079 = tpu.vector_load_idx %arg9[%add3A_1075, %add3A_983] : memref<512x64xf32, #tpu.memory_space<vmem>>[vector<16xi32>, vector<16xi32>], vector<16xf32>,
        %add3A_1080 = arith.addf %gather3A_1079, %gather3A_984 : vector<16xf32>
        tpu.vector_store_idx %arg10[%add3A_1018, %select_n3A_1040, %add3A_1078], %add3A_1080 : memref<32x8x128xf32, #tpu.memory_space<vmem>>[vector<16xi32>, vector<16xi32>, vector<16xi32>], vector<16xf32>,
        %add3A_1081 = arith.constant 464 : i32
        %add3A_1082 = vector.broadcast %add3A_1081 : i32 to vector<16xi32>
        %add3A_1083 = arith.addi %iota3A, %add3A_1082 : vector<16xi32>
        %add3A_1084 = arith.constant 80 : i32
        %add3A_1085 = vector.broadcast %add3A_1084 : i32 to vector<16xi32>
        %add3A_1086 = arith.addi %iota3A, %add3A_1085 : vector<16xi32>
        %gather3A_1087 = tpu.vector_load_idx %arg9[%add3A_1083, %add3A_983] : memref<512x64xf32, #tpu.memory_space<vmem>>[vector<16xi32>, vector<16xi32>], vector<16xf32>,
        %add3A_1088 = arith.addf %gather3A_1087, %gather3A_984 : vector<16xf32>
        tpu.vector_store_idx %arg10[%add3A_1018, %select_n3A_1040, %add3A_1086], %add3A_1088 : memref<32x8x128xf32, #tpu.memory_space<vmem>>[vector<16xi32>, vector<16xi32>, vector<16xi32>], vector<16xf32>,
        %add3A_1089 = arith.constant 480 : i32
        %add3A_1090 = vector.broadcast %add3A_1089 : i32 to vector<16xi32>
        %add3A_1091 = arith.addi %iota3A, %add3A_1090 : vector<16xi32>
        %add3A_1092 = arith.constant 96 : i32
        %add3A_1093 = vector.broadcast %add3A_1092 : i32 to vector<16xi32>
        %add3A_1094 = arith.addi %iota3A, %add3A_1093 : vector<16xi32>
        %gather3A_1095 = tpu.vector_load_idx %arg9[%add3A_1091, %add3A_983] : memref<512x64xf32, #tpu.memory_space<vmem>>[vector<16xi32>, vector<16xi32>], vector<16xf32>,
        %add3A_1096 = arith.addf %gather3A_1095, %gather3A_984 : vector<16xf32>
        tpu.vector_store_idx %arg10[%add3A_1018, %select_n3A_1040, %add3A_1094], %add3A_1096 : memref<32x8x128xf32, #tpu.memory_space<vmem>>[vector<16xi32>, vector<16xi32>, vector<16xi32>], vector<16xf32>,
        %add3A_1097 = arith.constant 496 : i32
        %add3A_1098 = vector.broadcast %add3A_1097 : i32 to vector<16xi32>
        %add3A_1099 = arith.addi %iota3A, %add3A_1098 : vector<16xi32>
        %add3A_1100 = arith.constant 112 : i32
        %add3A_1101 = vector.broadcast %add3A_1100 : i32 to vector<16xi32>
        %add3A_1102 = arith.addi %iota3A, %add3A_1101 : vector<16xi32>
        %gather3A_1103 = tpu.vector_load_idx %arg9[%add3A_1099, %add3A_983] : memref<512x64xf32, #tpu.memory_space<vmem>>[vector<16xi32>, vector<16xi32>], vector<16xf32>,
        %add3A_1104 = arith.addf %gather3A_1103, %gather3A_984 : vector<16xf32>
        tpu.vector_store_idx %arg10[%add3A_1018, %select_n3A_1040, %add3A_1102], %add3A_1104 : memref<32x8x128xf32, #tpu.memory_space<vmem>>[vector<16xi32>, vector<16xi32>, vector<16xi32>], vector<16xf32>,
        %add3A_1105 = arith.constant 32 : i32
        %add3A_1106 = vector.broadcast %add3A_1105 : i32 to vector<16xi32>
        %add3A_1107 = arith.addi %add3A_1106, %and3A_856 : vector<16xi32>
        %gather3A_1108 = tpu.vector_load_idx %arg8[%add3A_325, %add3A_1107] : memref<200x64xf32, #tpu.memory_space<vmem>>[vector<16xi32>, vector<16xi32>], vector<16xf32>,
        %jit3A_1109 = arith.constant 8 : i32
        %div3A_1110 = vector.broadcast %jit3A_1109 : i32 to vector<16xi32>
        %div3A_1111 = arith.divsi %add3A_1107, %div3A_1110 : vector<16xi32>
        %sign3A_1112 = arith.constant 0 : i32
        %sign3A_1113 = vector.broadcast %sign3A_1112 : i32 to vector<16xi32>
        %sign3A_1114 = arith.cmpi sgt, %add3A_1107, %sign3A_1113 : vector<16xi32>
        %sign3A_1115 = arith.extui %sign3A_1114 : vector<16xi1> to vector<16xi32>
        %sign3A_1116 = arith.constant 0 : i32
        %sign3A_1117 = vector.broadcast %sign3A_1116 : i32 to vector<16xi32>
        %sign3A_1118 = arith.cmpi slt, %add3A_1107, %sign3A_1117 : vector<16xi32>
        %sign3A_1119 = arith.extui %sign3A_1118 : vector<16xi1> to vector<16xi32>
        %sign3A_1120 = arith.subi %sign3A_1115, %sign3A_1119 : vector<16xi32>
        %sign3A_1121 = arith.constant 0 : i32
        %sign3A_1122 = arith.cmpi sgt, %jit3A_1109, %sign3A_1121 : i32
        %sign3A_1123 = arith.extui %sign3A_1122 : i1 to i32
        %sign3A_1124 = arith.constant 0 : i32
        %sign3A_1125 = arith.cmpi slt, %jit3A_1109, %sign3A_1124 : i32
        %sign3A_1126 = arith.extui %sign3A_1125 : i1 to i32
        %sign3A_1127 = arith.subi %sign3A_1123, %sign3A_1126 : i32
        %ne3A_1128 = vector.broadcast %sign3A_1127 : i32 to vector<16xi32>
        %ne3A_1129 = arith.cmpi ne, %sign3A_1120, %ne3A_1128 : vector<16xi32>
        %rem3A_1130 = vector.broadcast %jit3A_1109 : i32 to vector<16xi32>
        %rem3A_1131 = arith.remsi %add3A_1107, %rem3A_1130 : vector<16xi32>
        %ne3A_1132 = arith.constant 0 : i32
        %ne3A_1133 = vector.broadcast %ne3A_1132 : i32 to vector<16xi32>
        %ne3A_1134 = arith.cmpi ne, %rem3A_1131, %ne3A_1133 : vector<16xi32>
        %and3A_1135 = arith.andi %ne3A_1129, %ne3A_1134 : vector<16xi1>
        %sub3A_1136 = arith.constant 1 : i32
        %sub3A_1137 = vector.broadcast %sub3A_1136 : i32 to vector<16xi32>
        %sub3A_1138 = arith.subi %div3A_1111, %sub3A_1137 : vector<16xi32>
        %select_n3A_1139 = arith.select %and3A_1135, %sub3A_1138, %div3A_1111 : vector<16xi1>, vector<16xi32>
        %add3A_1140 = arith.constant 24 : i32
        %add3A_1141 = vector.broadcast %add3A_1140 : i32 to vector<16xi32>
        %add3A_1142 = arith.addi %add3A_1141, %select_n3A_1139 : vector<16xi32>
        %jit3A_1143 = arith.constant 8 : i32
        %eq3A_1144 = arith.constant 0 : i32
        %eq3A_1145 = arith.cmpi eq, %jit3A_1143, %eq3A_1144 : i32
        %jit3A_1146 = arith.constant 1 : i32
        %select_n3A_1147 = arith.select %eq3A_1145, %jit3A_1146, %jit3A_1143 : i32
        %rem3A_1148 = vector.broadcast %select_n3A_1147 : i32 to vector<16xi32>
        %rem3A_1149 = arith.remsi %add3A_1107, %rem3A_1148 : vector<16xi32>
        %ne3A_1150 = arith.constant 0 : i32
        %ne3A_1151 = vector.broadcast %ne3A_1150 : i32 to vector<16xi32>
        %ne3A_1152 = arith.cmpi ne, %rem3A_1149, %ne3A_1151 : vector<16xi32>
        %lt3A_1153 = arith.constant 0 : i32
        %lt3A_1154 = vector.broadcast %lt3A_1153 : i32 to vector<16xi32>
        %lt3A_1155 = arith.cmpi slt, %rem3A_1149, %lt3A_1154 : vector<16xi32>
        %lt3A_1156 = arith.constant 0 : i32
        %lt3A_1157 = arith.cmpi slt, %select_n3A_1147, %lt3A_1156 : i32
        %ne3A_1158 = vector.broadcast %lt3A_1157 : i1 to vector<16xi1>
        %ne3A_1159 = vector.broadcast %ne3A_1158 : vector<16xi1> to vector<16xi1>
        %ne3A_1160 = arith.xori %lt3A_1155, %ne3A_1159 : vector<16xi1>
        %and3A_1161 = arith.andi %ne3A_1160, %ne3A_1152 : vector<16xi1>
        %add3A_1162 = vector.broadcast %select_n3A_1147 : i32 to vector<16xi32>
        %add3A_1163 = arith.addi %rem3A_1149, %add3A_1162 : vector<16xi32>
        %select_n3A_1164 = arith.select %and3A_1161, %add3A_1163, %rem3A_1149 : vector<16xi1>, vector<16xi32>
        %add3A_1165 = arith.constant 384 : i32
        %add3A_1166 = vector.broadcast %add3A_1165 : i32 to vector<16xi32>
        %add3A_1167 = arith.addi %iota3A, %add3A_1166 : vector<16xi32>
        %add3A_1168 = arith.constant 0 : i32
        %add3A_1169 = vector.broadcast %add3A_1168 : i32 to vector<16xi32>
        %add3A_1170 = arith.addi %iota3A, %add3A_1169 : vector<16xi32>
        %gather3A_1171 = tpu.vector_load_idx %arg9[%add3A_1167, %add3A_1107] : memref<512x64xf32, #tpu.memory_space<vmem>>[vector<16xi32>, vector<16xi32>], vector<16xf32>,
        %add3A_1172 = arith.addf %gather3A_1171, %gather3A_1108 : vector<16xf32>
        tpu.vector_store_idx %arg10[%add3A_1142, %select_n3A_1164, %add3A_1170], %add3A_1172 : memref<32x8x128xf32, #tpu.memory_space<vmem>>[vector<16xi32>, vector<16xi32>, vector<16xi32>], vector<16xf32>,
        %add3A_1173 = arith.constant 400 : i32
        %add3A_1174 = vector.broadcast %add3A_1173 : i32 to vector<16xi32>
        %add3A_1175 = arith.addi %iota3A, %add3A_1174 : vector<16xi32>
        %add3A_1176 = arith.constant 16 : i32
        %add3A_1177 = vector.broadcast %add3A_1176 : i32 to vector<16xi32>
        %add3A_1178 = arith.addi %iota3A, %add3A_1177 : vector<16xi32>
        %gather3A_1179 = tpu.vector_load_idx %arg9[%add3A_1175, %add3A_1107] : memref<512x64xf32, #tpu.memory_space<vmem>>[vector<16xi32>, vector<16xi32>], vector<16xf32>,
        %add3A_1180 = arith.addf %gather3A_1179, %gather3A_1108 : vector<16xf32>
        tpu.vector_store_idx %arg10[%add3A_1142, %select_n3A_1164, %add3A_1178], %add3A_1180 : memref<32x8x128xf32, #tpu.memory_space<vmem>>[vector<16xi32>, vector<16xi32>, vector<16xi32>], vector<16xf32>,
        %add3A_1181 = arith.constant 416 : i32
        %add3A_1182 = vector.broadcast %add3A_1181 : i32 to vector<16xi32>
        %add3A_1183 = arith.addi %iota3A, %add3A_1182 : vector<16xi32>
        %add3A_1184 = arith.constant 32 : i32
        %add3A_1185 = vector.broadcast %add3A_1184 : i32 to vector<16xi32>
        %add3A_1186 = arith.addi %iota3A, %add3A_1185 : vector<16xi32>
        %gather3A_1187 = tpu.vector_load_idx %arg9[%add3A_1183, %add3A_1107] : memref<512x64xf32, #tpu.memory_space<vmem>>[vector<16xi32>, vector<16xi32>], vector<16xf32>,
        %add3A_1188 = arith.addf %gather3A_1187, %gather3A_1108 : vector<16xf32>
        tpu.vector_store_idx %arg10[%add3A_1142, %select_n3A_1164, %add3A_1186], %add3A_1188 : memref<32x8x128xf32, #tpu.memory_space<vmem>>[vector<16xi32>, vector<16xi32>, vector<16xi32>], vector<16xf32>,
        %add3A_1189 = arith.constant 432 : i32
        %add3A_1190 = vector.broadcast %add3A_1189 : i32 to vector<16xi32>
        %add3A_1191 = arith.addi %iota3A, %add3A_1190 : vector<16xi32>
        %add3A_1192 = arith.constant 48 : i32
        %add3A_1193 = vector.broadcast %add3A_1192 : i32 to vector<16xi32>
        %add3A_1194 = arith.addi %iota3A, %add3A_1193 : vector<16xi32>
        %gather3A_1195 = tpu.vector_load_idx %arg9[%add3A_1191, %add3A_1107] : memref<512x64xf32, #tpu.memory_space<vmem>>[vector<16xi32>, vector<16xi32>], vector<16xf32>,
        %add3A_1196 = arith.addf %gather3A_1195, %gather3A_1108 : vector<16xf32>
        tpu.vector_store_idx %arg10[%add3A_1142, %select_n3A_1164, %add3A_1194], %add3A_1196 : memref<32x8x128xf32, #tpu.memory_space<vmem>>[vector<16xi32>, vector<16xi32>, vector<16xi32>], vector<16xf32>,
        %add3A_1197 = arith.constant 448 : i32
        %add3A_1198 = vector.broadcast %add3A_1197 : i32 to vector<16xi32>
        %add3A_1199 = arith.addi %iota3A, %add3A_1198 : vector<16xi32>
        %add3A_1200 = arith.constant 64 : i32
        %add3A_1201 = vector.broadcast %add3A_1200 : i32 to vector<16xi32>
        %add3A_1202 = arith.addi %iota3A, %add3A_1201 : vector<16xi32>
        %gather3A_1203 = tpu.vector_load_idx %arg9[%add3A_1199, %add3A_1107] : memref<512x64xf32, #tpu.memory_space<vmem>>[vector<16xi32>, vector<16xi32>], vector<16xf32>,
        %add3A_1204 = arith.addf %gather3A_1203, %gather3A_1108 : vector<16xf32>
        tpu.vector_store_idx %arg10[%add3A_1142, %select_n3A_1164, %add3A_1202], %add3A_1204 : memref<32x8x128xf32, #tpu.memory_space<vmem>>[vector<16xi32>, vector<16xi32>, vector<16xi32>], vector<16xf32>,
        %add3A_1205 = arith.constant 464 : i32
        %add3A_1206 = vector.broadcast %add3A_1205 : i32 to vector<16xi32>
        %add3A_1207 = arith.addi %iota3A, %add3A_1206 : vector<16xi32>
        %add3A_1208 = arith.constant 80 : i32
        %add3A_1209 = vector.broadcast %add3A_1208 : i32 to vector<16xi32>
        %add3A_1210 = arith.addi %iota3A, %add3A_1209 : vector<16xi32>
        %gather3A_1211 = tpu.vector_load_idx %arg9[%add3A_1207, %add3A_1107] : memref<512x64xf32, #tpu.memory_space<vmem>>[vector<16xi32>, vector<16xi32>], vector<16xf32>,
        %add3A_1212 = arith.addf %gather3A_1211, %gather3A_1108 : vector<16xf32>
        tpu.vector_store_idx %arg10[%add3A_1142, %select_n3A_1164, %add3A_1210], %add3A_1212 : memref<32x8x128xf32, #tpu.memory_space<vmem>>[vector<16xi32>, vector<16xi32>, vector<16xi32>], vector<16xf32>,
        %add3A_1213 = arith.constant 480 : i32
        %add3A_1214 = vector.broadcast %add3A_1213 : i32 to vector<16xi32>
        %add3A_1215 = arith.addi %iota3A, %add3A_1214 : vector<16xi32>
        %add3A_1216 = arith.constant 96 : i32
        %add3A_1217 = vector.broadcast %add3A_1216 : i32 to vector<16xi32>
        %add3A_1218 = arith.addi %iota3A, %add3A_1217 : vector<16xi32>
        %gather3A_1219 = tpu.vector_load_idx %arg9[%add3A_1215, %add3A_1107] : memref<512x64xf32, #tpu.memory_space<vmem>>[vector<16xi32>, vector<16xi32>], vector<16xf32>,
        %add3A_1220 = arith.addf %gather3A_1219, %gather3A_1108 : vector<16xf32>
        tpu.vector_store_idx %arg10[%add3A_1142, %select_n3A_1164, %add3A_1218], %add3A_1220 : memref<32x8x128xf32, #tpu.memory_space<vmem>>[vector<16xi32>, vector<16xi32>, vector<16xi32>], vector<16xf32>,
        %add3A_1221 = arith.constant 496 : i32
        %add3A_1222 = vector.broadcast %add3A_1221 : i32 to vector<16xi32>
        %add3A_1223 = arith.addi %iota3A, %add3A_1222 : vector<16xi32>
        %add3A_1224 = arith.constant 112 : i32
        %add3A_1225 = vector.broadcast %add3A_1224 : i32 to vector<16xi32>
        %add3A_1226 = arith.addi %iota3A, %add3A_1225 : vector<16xi32>
        %gather3A_1227 = tpu.vector_load_idx %arg9[%add3A_1223, %add3A_1107] : memref<512x64xf32, #tpu.memory_space<vmem>>[vector<16xi32>, vector<16xi32>], vector<16xf32>,
        %add3A_1228 = arith.addf %gather3A_1227, %gather3A_1108 : vector<16xf32>
        tpu.vector_store_idx %arg10[%add3A_1142, %select_n3A_1164, %add3A_1226], %add3A_1228 : memref<32x8x128xf32, #tpu.memory_space<vmem>>[vector<16xi32>, vector<16xi32>, vector<16xi32>], vector<16xf32>,
        %add3A_1229 = arith.constant 48 : i32
        %add3A_1230 = vector.broadcast %add3A_1229 : i32 to vector<16xi32>
        %add3A_1231 = arith.addi %add3A_1230, %and3A_856 : vector<16xi32>
        %gather3A_1232 = tpu.vector_load_idx %arg8[%add3A_325, %add3A_1231] : memref<200x64xf32, #tpu.memory_space<vmem>>[vector<16xi32>, vector<16xi32>], vector<16xf32>,
        %jit3A_1233 = arith.constant 8 : i32
        %div3A_1234 = vector.broadcast %jit3A_1233 : i32 to vector<16xi32>
        %div3A_1235 = arith.divsi %add3A_1231, %div3A_1234 : vector<16xi32>
        %sign3A_1236 = arith.constant 0 : i32
        %sign3A_1237 = vector.broadcast %sign3A_1236 : i32 to vector<16xi32>
        %sign3A_1238 = arith.cmpi sgt, %add3A_1231, %sign3A_1237 : vector<16xi32>
        %sign3A_1239 = arith.extui %sign3A_1238 : vector<16xi1> to vector<16xi32>
        %sign3A_1240 = arith.constant 0 : i32
        %sign3A_1241 = vector.broadcast %sign3A_1240 : i32 to vector<16xi32>
        %sign3A_1242 = arith.cmpi slt, %add3A_1231, %sign3A_1241 : vector<16xi32>
        %sign3A_1243 = arith.extui %sign3A_1242 : vector<16xi1> to vector<16xi32>
        %sign3A_1244 = arith.subi %sign3A_1239, %sign3A_1243 : vector<16xi32>
        %sign3A_1245 = arith.constant 0 : i32
        %sign3A_1246 = arith.cmpi sgt, %jit3A_1233, %sign3A_1245 : i32
        %sign3A_1247 = arith.extui %sign3A_1246 : i1 to i32
        %sign3A_1248 = arith.constant 0 : i32
        %sign3A_1249 = arith.cmpi slt, %jit3A_1233, %sign3A_1248 : i32
        %sign3A_1250 = arith.extui %sign3A_1249 : i1 to i32
        %sign3A_1251 = arith.subi %sign3A_1247, %sign3A_1250 : i32
        %ne3A_1252 = vector.broadcast %sign3A_1251 : i32 to vector<16xi32>
        %ne3A_1253 = arith.cmpi ne, %sign3A_1244, %ne3A_1252 : vector<16xi32>
        %rem3A_1254 = vector.broadcast %jit3A_1233 : i32 to vector<16xi32>
        %rem3A_1255 = arith.remsi %add3A_1231, %rem3A_1254 : vector<16xi32>
        %ne3A_1256 = arith.constant 0 : i32
        %ne3A_1257 = vector.broadcast %ne3A_1256 : i32 to vector<16xi32>
        %ne3A_1258 = arith.cmpi ne, %rem3A_1255, %ne3A_1257 : vector<16xi32>
        %and3A_1259 = arith.andi %ne3A_1253, %ne3A_1258 : vector<16xi1>
        %sub3A_1260 = arith.constant 1 : i32
        %sub3A_1261 = vector.broadcast %sub3A_1260 : i32 to vector<16xi32>
        %sub3A_1262 = arith.subi %div3A_1235, %sub3A_1261 : vector<16xi32>
        %select_n3A_1263 = arith.select %and3A_1259, %sub3A_1262, %div3A_1235 : vector<16xi1>, vector<16xi32>
        %add3A_1264 = arith.constant 24 : i32
        %add3A_1265 = vector.broadcast %add3A_1264 : i32 to vector<16xi32>
        %add3A_1266 = arith.addi %add3A_1265, %select_n3A_1263 : vector<16xi32>
        %jit3A_1267 = arith.constant 8 : i32
        %eq3A_1268 = arith.constant 0 : i32
        %eq3A_1269 = arith.cmpi eq, %jit3A_1267, %eq3A_1268 : i32
        %jit3A_1270 = arith.constant 1 : i32
        %select_n3A_1271 = arith.select %eq3A_1269, %jit3A_1270, %jit3A_1267 : i32
        %rem3A_1272 = vector.broadcast %select_n3A_1271 : i32 to vector<16xi32>
        %rem3A_1273 = arith.remsi %add3A_1231, %rem3A_1272 : vector<16xi32>
        %ne3A_1274 = arith.constant 0 : i32
        %ne3A_1275 = vector.broadcast %ne3A_1274 : i32 to vector<16xi32>
        %ne3A_1276 = arith.cmpi ne, %rem3A_1273, %ne3A_1275 : vector<16xi32>
        %lt3A_1277 = arith.constant 0 : i32
        %lt3A_1278 = vector.broadcast %lt3A_1277 : i32 to vector<16xi32>
        %lt3A_1279 = arith.cmpi slt, %rem3A_1273, %lt3A_1278 : vector<16xi32>
        %lt3A_1280 = arith.constant 0 : i32
        %lt3A_1281 = arith.cmpi slt, %select_n3A_1271, %lt3A_1280 : i32
        %ne3A_1282 = vector.broadcast %lt3A_1281 : i1 to vector<16xi1>
        %ne3A_1283 = vector.broadcast %ne3A_1282 : vector<16xi1> to vector<16xi1>
        %ne3A_1284 = arith.xori %lt3A_1279, %ne3A_1283 : vector<16xi1>
        %and3A_1285 = arith.andi %ne3A_1284, %ne3A_1276 : vector<16xi1>
        %add3A_1286 = vector.broadcast %select_n3A_1271 : i32 to vector<16xi32>
        %add3A_1287 = arith.addi %rem3A_1273, %add3A_1286 : vector<16xi32>
        %select_n3A_1288 = arith.select %and3A_1285, %add3A_1287, %rem3A_1273 : vector<16xi1>, vector<16xi32>
        %add3A_1289 = arith.constant 384 : i32
        %add3A_1290 = vector.broadcast %add3A_1289 : i32 to vector<16xi32>
        %add3A_1291 = arith.addi %iota3A, %add3A_1290 : vector<16xi32>
        %add3A_1292 = arith.constant 0 : i32
        %add3A_1293 = vector.broadcast %add3A_1292 : i32 to vector<16xi32>
        %add3A_1294 = arith.addi %iota3A, %add3A_1293 : vector<16xi32>
        %gather3A_1295 = tpu.vector_load_idx %arg9[%add3A_1291, %add3A_1231] : memref<512x64xf32, #tpu.memory_space<vmem>>[vector<16xi32>, vector<16xi32>], vector<16xf32>,
        %add3A_1296 = arith.addf %gather3A_1295, %gather3A_1232 : vector<16xf32>
        tpu.vector_store_idx %arg10[%add3A_1266, %select_n3A_1288, %add3A_1294], %add3A_1296 : memref<32x8x128xf32, #tpu.memory_space<vmem>>[vector<16xi32>, vector<16xi32>, vector<16xi32>], vector<16xf32>,
        %add3A_1297 = arith.constant 400 : i32
        %add3A_1298 = vector.broadcast %add3A_1297 : i32 to vector<16xi32>
        %add3A_1299 = arith.addi %iota3A, %add3A_1298 : vector<16xi32>
        %add3A_1300 = arith.constant 16 : i32
        %add3A_1301 = vector.broadcast %add3A_1300 : i32 to vector<16xi32>
        %add3A_1302 = arith.addi %iota3A, %add3A_1301 : vector<16xi32>
        %gather3A_1303 = tpu.vector_load_idx %arg9[%add3A_1299, %add3A_1231] : memref<512x64xf32, #tpu.memory_space<vmem>>[vector<16xi32>, vector<16xi32>], vector<16xf32>,
        %add3A_1304 = arith.addf %gather3A_1303, %gather3A_1232 : vector<16xf32>
        tpu.vector_store_idx %arg10[%add3A_1266, %select_n3A_1288, %add3A_1302], %add3A_1304 : memref<32x8x128xf32, #tpu.memory_space<vmem>>[vector<16xi32>, vector<16xi32>, vector<16xi32>], vector<16xf32>,
        %add3A_1305 = arith.constant 416 : i32
        %add3A_1306 = vector.broadcast %add3A_1305 : i32 to vector<16xi32>
        %add3A_1307 = arith.addi %iota3A, %add3A_1306 : vector<16xi32>
        %add3A_1308 = arith.constant 32 : i32
        %add3A_1309 = vector.broadcast %add3A_1308 : i32 to vector<16xi32>
        %add3A_1310 = arith.addi %iota3A, %add3A_1309 : vector<16xi32>
        %gather3A_1311 = tpu.vector_load_idx %arg9[%add3A_1307, %add3A_1231] : memref<512x64xf32, #tpu.memory_space<vmem>>[vector<16xi32>, vector<16xi32>], vector<16xf32>,
        %add3A_1312 = arith.addf %gather3A_1311, %gather3A_1232 : vector<16xf32>
        tpu.vector_store_idx %arg10[%add3A_1266, %select_n3A_1288, %add3A_1310], %add3A_1312 : memref<32x8x128xf32, #tpu.memory_space<vmem>>[vector<16xi32>, vector<16xi32>, vector<16xi32>], vector<16xf32>,
        %add3A_1313 = arith.constant 432 : i32
        %add3A_1314 = vector.broadcast %add3A_1313 : i32 to vector<16xi32>
        %add3A_1315 = arith.addi %iota3A, %add3A_1314 : vector<16xi32>
        %add3A_1316 = arith.constant 48 : i32
        %add3A_1317 = vector.broadcast %add3A_1316 : i32 to vector<16xi32>
        %add3A_1318 = arith.addi %iota3A, %add3A_1317 : vector<16xi32>
        %gather3A_1319 = tpu.vector_load_idx %arg9[%add3A_1315, %add3A_1231] : memref<512x64xf32, #tpu.memory_space<vmem>>[vector<16xi32>, vector<16xi32>], vector<16xf32>,
        %add3A_1320 = arith.addf %gather3A_1319, %gather3A_1232 : vector<16xf32>
        tpu.vector_store_idx %arg10[%add3A_1266, %select_n3A_1288, %add3A_1318], %add3A_1320 : memref<32x8x128xf32, #tpu.memory_space<vmem>>[vector<16xi32>, vector<16xi32>, vector<16xi32>], vector<16xf32>,
        %add3A_1321 = arith.constant 448 : i32
        %add3A_1322 = vector.broadcast %add3A_1321 : i32 to vector<16xi32>
        %add3A_1323 = arith.addi %iota3A, %add3A_1322 : vector<16xi32>
        %add3A_1324 = arith.constant 64 : i32
        %add3A_1325 = vector.broadcast %add3A_1324 : i32 to vector<16xi32>
        %add3A_1326 = arith.addi %iota3A, %add3A_1325 : vector<16xi32>
        %gather3A_1327 = tpu.vector_load_idx %arg9[%add3A_1323, %add3A_1231] : memref<512x64xf32, #tpu.memory_space<vmem>>[vector<16xi32>, vector<16xi32>], vector<16xf32>,
        %add3A_1328 = arith.addf %gather3A_1327, %gather3A_1232 : vector<16xf32>
        tpu.vector_store_idx %arg10[%add3A_1266, %select_n3A_1288, %add3A_1326], %add3A_1328 : memref<32x8x128xf32, #tpu.memory_space<vmem>>[vector<16xi32>, vector<16xi32>, vector<16xi32>], vector<16xf32>,
        %add3A_1329 = arith.constant 464 : i32
        %add3A_1330 = vector.broadcast %add3A_1329 : i32 to vector<16xi32>
        %add3A_1331 = arith.addi %iota3A, %add3A_1330 : vector<16xi32>
        %add3A_1332 = arith.constant 80 : i32
        %add3A_1333 = vector.broadcast %add3A_1332 : i32 to vector<16xi32>
        %add3A_1334 = arith.addi %iota3A, %add3A_1333 : vector<16xi32>
        %gather3A_1335 = tpu.vector_load_idx %arg9[%add3A_1331, %add3A_1231] : memref<512x64xf32, #tpu.memory_space<vmem>>[vector<16xi32>, vector<16xi32>], vector<16xf32>,
        %add3A_1336 = arith.addf %gather3A_1335, %gather3A_1232 : vector<16xf32>
        tpu.vector_store_idx %arg10[%add3A_1266, %select_n3A_1288, %add3A_1334], %add3A_1336 : memref<32x8x128xf32, #tpu.memory_space<vmem>>[vector<16xi32>, vector<16xi32>, vector<16xi32>], vector<16xf32>,
        %add3A_1337 = arith.constant 480 : i32
        %add3A_1338 = vector.broadcast %add3A_1337 : i32 to vector<16xi32>
        %add3A_1339 = arith.addi %iota3A, %add3A_1338 : vector<16xi32>
        %add3A_1340 = arith.constant 96 : i32
        %add3A_1341 = vector.broadcast %add3A_1340 : i32 to vector<16xi32>
        %add3A_1342 = arith.addi %iota3A, %add3A_1341 : vector<16xi32>
        %gather3A_1343 = tpu.vector_load_idx %arg9[%add3A_1339, %add3A_1231] : memref<512x64xf32, #tpu.memory_space<vmem>>[vector<16xi32>, vector<16xi32>], vector<16xf32>,
        %add3A_1344 = arith.addf %gather3A_1343, %gather3A_1232 : vector<16xf32>
        tpu.vector_store_idx %arg10[%add3A_1266, %select_n3A_1288, %add3A_1342], %add3A_1344 : memref<32x8x128xf32, #tpu.memory_space<vmem>>[vector<16xi32>, vector<16xi32>, vector<16xi32>], vector<16xf32>,
        %add3A_1345 = arith.constant 496 : i32
        %add3A_1346 = vector.broadcast %add3A_1345 : i32 to vector<16xi32>
        %add3A_1347 = arith.addi %iota3A, %add3A_1346 : vector<16xi32>
        %add3A_1348 = arith.constant 112 : i32
        %add3A_1349 = vector.broadcast %add3A_1348 : i32 to vector<16xi32>
        %add3A_1350 = arith.addi %iota3A, %add3A_1349 : vector<16xi32>
        %gather3A_1351 = tpu.vector_load_idx %arg9[%add3A_1347, %add3A_1231] : memref<512x64xf32, #tpu.memory_space<vmem>>[vector<16xi32>, vector<16xi32>], vector<16xf32>,
        %add3A_1352 = arith.addf %gather3A_1351, %gather3A_1232 : vector<16xf32>
        tpu.vector_store_idx %arg10[%add3A_1266, %select_n3A_1288, %add3A_1350], %add3A_1352 : memref<32x8x128xf32, #tpu.memory_space<vmem>>[vector<16xi32>, vector<16xi32>, vector<16xi32>], vector<16xf32>,
      }
      %scan3A_330 = arith.constant 16 : i32
      %dma_start3A_331 = arith.constant 24 : i32
      %dma_start3A_332 = arith.constant 0 : i32
      %dma_start3A_333 = arith.constant 0 : i32
      %dma_start3A_334 = tpu.memref_slice %arg10[%dma_start3A_331, %dma_start3A_332, %dma_start3A_333] : memref<32x8x128xf32, #tpu.memory_space<vmem>> -> memref<8x8x128xf32, #tpu.memory_space<vmem>>
      %dma_start3A_335 = arith.constant 0 : i32
      %dma_start3A_336 = arith.constant 0 : i32
      %dma_start3A_337 = arith.constant 0 : i32
      %dma_start3A_338 = tpu.memref_slice %arg5[%add3A_298, %dma_start3A_335, %add3A, %dma_start3A_336, %dma_start3A_337] : memref<200x8x32x8x128xf32, #tpu.memory_space<hbm>> -> memref<1x8x1x8x128xf32, #tpu.memory_space<hbm>>
      %dma_start3A_339 = tpu.memref_squeeze %dma_start3A_338 : memref<1x8x1x8x128xf32, #tpu.memory_space<hbm>> -> memref<8x8x128xf32, #tpu.memory_space<hbm>>
      %dma_start3A_340 = arith.constant 0 : i32
      %dma_start3A_341 = arith.constant 0 : i32
      %dma_start3A_342 = arith.constant 0 : i32
      %dma_start3A_343 = tpu.memref_slice %arg5[%add3A_298, %dma_start3A_340, %add3A, %dma_start3A_341, %dma_start3A_342] : memref<200x8x32x8x128xf32, #tpu.memory_space<hbm>> -> memref<1x8x1x8x128xf32, #tpu.memory_space<hbm>>
      %dma_start3A_344 = tpu.memref_squeeze %dma_start3A_343 : memref<1x8x1x8x128xf32, #tpu.memory_space<hbm>> -> memref<8x8x128xf32, #tpu.memory_space<hbm>>
      %dma_start3A_345 = arith.constant 24 : i32
      %dma_start3A_346 = arith.constant 0 : i32
      %dma_start3A_347 = arith.constant 0 : i32
      %dma_start3A_348 = tpu.memref_slice %arg10[%dma_start3A_345, %dma_start3A_346, %dma_start3A_347] : memref<32x8x128xf32, #tpu.memory_space<vmem>> -> memref<8x8x128xf32, #tpu.memory_space<vmem>>
      tpu.enqueue_dma source(%dma_start3A_348 : memref<8x8x128xf32, #tpu.memory_space<vmem>>) target(%dma_start3A_344 : memref<8x8x128xf32, #tpu.memory_space<hbm>>) target_semaphore(%arg18 : memref<!tpu.dma_semaphore, #tpu.memory_space<semaphore_mem>>)
    }
    %scan3A_66 = arith.constant 50 : i32
    %dma_wait3A = arith.constant 196 : i32
    %dma_wait3A_67 = arith.constant 0 : i32
    %dma_wait3A_68 = arith.constant 0 : i32
    %dma_wait3A_69 = arith.constant 0 : i32
    %dma_wait3A_70 = tpu.memref_slice %arg10[%dma_wait3A_67, %dma_wait3A_68, %dma_wait3A_69] : memref<32x8x128xf32, #tpu.memory_space<vmem>> -> memref<8x8x128xf32, #tpu.memory_space<vmem>>
    %dma_wait3A_71 = arith.constant 0 : i32
    %dma_wait3A_72 = arith.constant 0 : i32
    %dma_wait3A_73 = arith.constant 0 : i32
    %dma_wait3A_74 = tpu.memref_slice %arg5[%dma_wait3A, %dma_wait3A_71, %add3A, %dma_wait3A_72, %dma_wait3A_73] : memref<200x8x32x8x128xf32, #tpu.memory_space<hbm>> -> memref<1x8x1x8x128xf32, #tpu.memory_space<hbm>>
    %dma_wait3A_75 = tpu.memref_squeeze %dma_wait3A_74 : memref<1x8x1x8x128xf32, #tpu.memory_space<hbm>> -> memref<8x8x128xf32, #tpu.memory_space<hbm>>
    %dma_wait3A_76 = arith.constant 0 : i32
    %dma_wait3A_77 = arith.constant 0 : i32
    %dma_wait3A_78 = arith.constant 0 : i32
    %dma_wait3A_79 = tpu.memref_slice %arg5[%dma_wait3A, %dma_wait3A_76, %add3A, %dma_wait3A_77, %dma_wait3A_78] : memref<200x8x32x8x128xf32, #tpu.memory_space<hbm>> -> memref<1x8x1x8x128xf32, #tpu.memory_space<hbm>>
    %dma_wait3A_80 = tpu.memref_squeeze %dma_wait3A_79 : memref<1x8x1x8x128xf32, #tpu.memory_space<hbm>> -> memref<8x8x128xf32, #tpu.memory_space<hbm>>
    %dma_wait3A_81 = arith.constant 0 : i32
    %dma_wait3A_82 = arith.constant 0 : i32
    %dma_wait3A_83 = arith.constant 0 : i32
    %dma_wait3A_84 = tpu.memref_slice %arg10[%dma_wait3A_81, %dma_wait3A_82, %dma_wait3A_83] : memref<32x8x128xf32, #tpu.memory_space<vmem>> -> memref<8x8x128xf32, #tpu.memory_space<vmem>>
    tpu.wait_dma2 semaphore(%arg15 : memref<!tpu.dma_semaphore, #tpu.memory_space<semaphore_mem>>) src(%dma_wait3A_84 : memref<8x8x128xf32, #tpu.memory_space<vmem>>) dst(%dma_wait3A_80 : memref<8x8x128xf32, #tpu.memory_space<hbm>>)
    %dma_wait3A_85 = arith.constant 197 : i32
    %dma_wait3A_86 = arith.constant 8 : i32
    %dma_wait3A_87 = arith.constant 0 : i32
    %dma_wait3A_88 = arith.constant 0 : i32
    %dma_wait3A_89 = tpu.memref_slice %arg10[%dma_wait3A_86, %dma_wait3A_87, %dma_wait3A_88] : memref<32x8x128xf32, #tpu.memory_space<vmem>> -> memref<8x8x128xf32, #tpu.memory_space<vmem>>
    %dma_wait3A_90 = arith.constant 0 : i32
    %dma_wait3A_91 = arith.constant 0 : i32
    %dma_wait3A_92 = arith.constant 0 : i32
    %dma_wait3A_93 = tpu.memref_slice %arg5[%dma_wait3A_85, %dma_wait3A_90, %add3A, %dma_wait3A_91, %dma_wait3A_92] : memref<200x8x32x8x128xf32, #tpu.memory_space<hbm>> -> memref<1x8x1x8x128xf32, #tpu.memory_space<hbm>>
    %dma_wait3A_94 = tpu.memref_squeeze %dma_wait3A_93 : memref<1x8x1x8x128xf32, #tpu.memory_space<hbm>> -> memref<8x8x128xf32, #tpu.memory_space<hbm>>
    %dma_wait3A_95 = arith.constant 0 : i32
    %dma_wait3A_96 = arith.constant 0 : i32
    %dma_wait3A_97 = arith.constant 0 : i32
    %dma_wait3A_98 = tpu.memref_slice %arg5[%dma_wait3A_85, %dma_wait3A_95, %add3A, %dma_wait3A_96, %dma_wait3A_97] : memref<200x8x32x8x128xf32, #tpu.memory_space<hbm>> -> memref<1x8x1x8x128xf32, #tpu.memory_space<hbm>>
    %dma_wait3A_99 = tpu.memref_squeeze %dma_wait3A_98 : memref<1x8x1x8x128xf32, #tpu.memory_space<hbm>> -> memref<8x8x128xf32, #tpu.memory_space<hbm>>
    %dma_wait3A_100 = arith.constant 8 : i32
    %dma_wait3A_101 = arith.constant 0 : i32
    %dma_wait3A_102 = arith.constant 0 : i32
    %dma_wait3A_103 = tpu.memref_slice %arg10[%dma_wait3A_100, %dma_wait3A_101, %dma_wait3A_102] : memref<32x8x128xf32, #tpu.memory_space<vmem>> -> memref<8x8x128xf32, #tpu.memory_space<vmem>>
    tpu.wait_dma2 semaphore(%arg16 : memref<!tpu.dma_semaphore, #tpu.memory_space<semaphore_mem>>) src(%dma_wait3A_103 : memref<8x8x128xf32, #tpu.memory_space<vmem>>) dst(%dma_wait3A_99 : memref<8x8x128xf32, #tpu.memory_space<hbm>>)
    %dma_wait3A_104 = arith.constant 198 : i32
    %dma_wait3A_105 = arith.constant 16 : i32
    %dma_wait3A_106 = arith.constant 0 : i32
    %dma_wait3A_107 = arith.constant 0 : i32
    %dma_wait3A_108 = tpu.memref_slice %arg10[%dma_wait3A_105, %dma_wait3A_106, %dma_wait3A_107] : memref<32x8x128xf32, #tpu.memory_space<vmem>> -> memref<8x8x128xf32, #tpu.memory_space<vmem>>
    %dma_wait3A_109 = arith.constant 0 : i32
    %dma_wait3A_110 = arith.constant 0 : i32
    %dma_wait3A_111 = arith.constant 0 : i32
    %dma_wait3A_112 = tpu.memref_slice %arg5[%dma_wait3A_104, %dma_wait3A_109, %add3A, %dma_wait3A_110, %dma_wait3A_111] : memref<200x8x32x8x128xf32, #tpu.memory_space<hbm>> -> memref<1x8x1x8x128xf32, #tpu.memory_space<hbm>>
    %dma_wait3A_113 = tpu.memref_squeeze %dma_wait3A_112 : memref<1x8x1x8x128xf32, #tpu.memory_space<hbm>> -> memref<8x8x128xf32, #tpu.memory_space<hbm>>
    %dma_wait3A_114 = arith.constant 0 : i32
    %dma_wait3A_115 = arith.constant 0 : i32
    %dma_wait3A_116 = arith.constant 0 : i32
    %dma_wait3A_117 = tpu.memref_slice %arg5[%dma_wait3A_104, %dma_wait3A_114, %add3A, %dma_wait3A_115, %dma_wait3A_116] : memref<200x8x32x8x128xf32, #tpu.memory_space<hbm>> -> memref<1x8x1x8x128xf32, #tpu.memory_space<hbm>>
    %dma_wait3A_118 = tpu.memref_squeeze %dma_wait3A_117 : memref<1x8x1x8x128xf32, #tpu.memory_space<hbm>> -> memref<8x8x128xf32, #tpu.memory_space<hbm>>
    %dma_wait3A_119 = arith.constant 16 : i32
    %dma_wait3A_120 = arith.constant 0 : i32
    %dma_wait3A_121 = arith.constant 0 : i32
    %dma_wait3A_122 = tpu.memref_slice %arg10[%dma_wait3A_119, %dma_wait3A_120, %dma_wait3A_121] : memref<32x8x128xf32, #tpu.memory_space<vmem>> -> memref<8x8x128xf32, #tpu.memory_space<vmem>>
    tpu.wait_dma2 semaphore(%arg17 : memref<!tpu.dma_semaphore, #tpu.memory_space<semaphore_mem>>) src(%dma_wait3A_122 : memref<8x8x128xf32, #tpu.memory_space<vmem>>) dst(%dma_wait3A_118 : memref<8x8x128xf32, #tpu.memory_space<hbm>>)
    %dma_wait3A_123 = arith.constant 199 : i32
    %dma_wait3A_124 = arith.constant 24 : i32
    %dma_wait3A_125 = arith.constant 0 : i32
    %dma_wait3A_126 = arith.constant 0 : i32
    %dma_wait3A_127 = tpu.memref_slice %arg10[%dma_wait3A_124, %dma_wait3A_125, %dma_wait3A_126] : memref<32x8x128xf32, #tpu.memory_space<vmem>> -> memref<8x8x128xf32, #tpu.memory_space<vmem>>
    %dma_wait3A_128 = arith.constant 0 : i32
    %dma_wait3A_129 = arith.constant 0 : i32
    %dma_wait3A_130 = arith.constant 0 : i32
    %dma_wait3A_131 = tpu.memref_slice %arg5[%dma_wait3A_123, %dma_wait3A_128, %add3A, %dma_wait3A_129, %dma_wait3A_130] : memref<200x8x32x8x128xf32, #tpu.memory_space<hbm>> -> memref<1x8x1x8x128xf32, #tpu.memory_space<hbm>>
    %dma_wait3A_132 = tpu.memref_squeeze %dma_wait3A_131 : memref<1x8x1x8x128xf32, #tpu.memory_space<hbm>> -> memref<8x8x128xf32, #tpu.memory_space<hbm>>
    %dma_wait3A_133 = arith.constant 0 : i32
    %dma_wait3A_134 = arith.constant 0 : i32
    %dma_wait3A_135 = arith.constant 0 : i32
    %dma_wait3A_136 = tpu.memref_slice %arg5[%dma_wait3A_123, %dma_wait3A_133, %add3A, %dma_wait3A_134, %dma_wait3A_135] : memref<200x8x32x8x128xf32, #tpu.memory_space<hbm>> -> memref<1x8x1x8x128xf32, #tpu.memory_space<hbm>>
    %dma_wait3A_137 = tpu.memref_squeeze %dma_wait3A_136 : memref<1x8x1x8x128xf32, #tpu.memory_space<hbm>> -> memref<8x8x128xf32, #tpu.memory_space<hbm>>
    %dma_wait3A_138 = arith.constant 24 : i32
    %dma_wait3A_139 = arith.constant 0 : i32
    %dma_wait3A_140 = arith.constant 0 : i32
    %dma_wait3A_141 = tpu.memref_slice %arg10[%dma_wait3A_138, %dma_wait3A_139, %dma_wait3A_140] : memref<32x8x128xf32, #tpu.memory_space<vmem>> -> memref<8x8x128xf32, #tpu.memory_space<vmem>>
    tpu.wait_dma2 semaphore(%arg18 : memref<!tpu.dma_semaphore, #tpu.memory_space<semaphore_mem>>) src(%dma_wait3A_141 : memref<8x8x128xf32, #tpu.memory_space<vmem>>) dst(%dma_wait3A_137 : memref<8x8x128xf32, #tpu.memory_space<hbm>>)
    return
  }
}

</mosaic_0001>

<sc_bundles>
// kernel: kernel.3.cloned.1.call-start
scs
__scs_entry_jumppad:
0x0: {  	(pc) =	sbr.rel $0x88, $3  }
0x1: {  	(tag) =	ssettag $0x0;
	lr =	simm.s32 $0x1  }
0x2: {  	[smem:$0x3F9E] =	sst lr;
	_ =	strace $0xD0000000  }
0x3: {  	_ = 	snop  }
0x4: {  	_ = 	snop  }
0x5: {  	_ = 	snop  }
0x6: {  	_ = 	snop  }
0x7: {  	_ = 	snop  }
__scs_overlays_trampoline_lowered:
0x8: {  	[smem:$0x3FAD] =	sst s0  }
0x9: {  	[smem:$0x3FAE] =	sst s1  }
0xa: {  	[smem:$0x3FAF] =	sst s2  }
0xb: {  	[smem:$0x3FB0] =	sst s3  }
0xc: {  	[smem:$0x3FB1] =	sst s4  }
0xd: {  	[smem:$0x3FB2] =	sst s5  }
0xe: {  	[smem:$0x3FB3] =	sst s6  }
0xf: {  	[smem:$0x3FB4] =	sst s7  }
0x10: {  	[smem:$0x3FB5] =	sst s8  }
0x11: {  	[smem:$0x3FB6] =	sst s9;
	s0 =	simm.s32 @!p0 $0x0  }
0x12: {  	s1 =	sld [smem:$0x3F9C];
	s0 =	simm.s32 @p0 $0x1  }
0x13: {  	[smem:$0x3FB7] =	sst s0;
	s0 =	simm.s32 @!p1 $0x0  }
0x14: {  	s2 =	sld [smem:$0x3F9B];
	s0 =	simm.s32 @p1 $0x1  }
0x15: {  	[smem:$0x3FB8] =	sst s0;
	s0 =	simm.s32 @!p2 $0x0  }
0x16: {  	s3 =	sld [smem:$0x3FDB];
	s0 =	simm.s32 @p2 $0x1  }
0x17: {  	s4 =	simm.s32 $0x1BF5;
	[smem:$0x3FBA] =	sst s0  }
0x18: {  	s0 =	sld [smem:$0x3F9D];
	_ =	swait.ge [sflag:s4], $0x0  }
0x19: {  	s7 =	sld [smem:$0x3F9E]  }
0x1a: {  	s8 =	sadd.s32 $0xFFFFE003, lr  }
0x1b: {  	s9 =	sadd.s32 $0xFFFFFEF7, lr;
	s5 =	simm.s32 $0xFFFFFFFF;
	p2 =	slt.u32 s8, $0xFFFFF086  }
0x1c: {  	p1 =	slt.u32 s9, $0xF7A;
	s5 =	simm.s32 @!p2 $0x0  }
0x1d: {  	s5 =	simm.s32 @p1 $0x1;
	p0 =	seq.s32 s7, s2  }
0x1e: {  	s7 =	smul.u32 @!p0 $0xF7A, s2;
	p2 =	seq.s32 @!p0 s5, $0x0  }
0x1f: {  	s9 =	smul.u32 $0xF7A, s1;
	s8 =	simm.s32 @!p0 $0x1BF5;
	p2 =	por !p2, p0  }
0x20: {  	[sflag:s8] =	ssyncset.s32 @!p0 $0xFFFFF086;
	s6 =	sadd.s32 @!p0 s3, s7;
	s7 =	simm.s32 @!p0 $0x108  }
0x21: {  	s3 =	sadd.s32 s3, s9;
	s6 =	sadd.s32 @!p0 $0x88, s6;
	s7 =	simm.s32 @p2 $0x1082  }
0x22: {  	[simem:s7], [sflag:s8] =	dma.local @!p0 [hbm:s6], $0xF7A  }
0x23: {  	s9 =	sor.u32 $0xD0000000, s2;
	s6 =	simm.s32 $0x108;
	_ =	swait.ge @!p0 [sflag:s8], $0x0  }
0x24: {  	s3 =	sadd.s32 $0x88, s3;
	s6 =	simm.s32 @!p1 $0x1082;
	[sflag:s4] =	ssyncset.s32 $0xFFFFF086  }
0x25: {  	[simem:s6], [sflag:s4] =	dma.local [hbm:s3], $0xF7A  }
0x26: {  	[smem:$0x3F9E] =	sst s1;
	(tag) =	ssettag s2;
	_ =	strace s9  }
0x27: {  	s1 =	sld [smem:$0x3FAE]  }
0x28: {  	s2 =	sld [smem:$0x3FAF]  }
0x29: {  	s4 =	sld [smem:$0x3FB1]  }
0x2a: {  	p0 =	seq.s32 s5, $0x0;
	s5 =	sld [smem:$0x3FB2]  }
0x2b: {  	s6 =	sld [smem:$0x3FB3]  }
0x2c: {  	s7 =	sld [smem:$0x3FB4]  }
0x2d: {  	s3 =	simm.s32 $0x108;
	s8 =	sld [smem:$0x3FB5]  }
0x2e: {  	s3 =	simm.s32 @!p0 $0x1082;
	s9 =	sld [smem:$0x3FB6]  }
0x2f: {  	lr =	sadd.s32 s0, s3;
	s0 =	sld [smem:$0x3FAD]  }
0x30: {  	s3 =	sld [smem:$0x3FB0]  }
0x31: {  	[smem:$0x3FB9] =	sst s10  }
0x32: {  	s10 =	sld [smem:$0x3FB7];
	_ =	sdelay $0x3  }
0x33: {  	p0 =	seq.s32 s10, $0x1;
	s10 =	sld [smem:$0x3FB9];
	_ =	sdelay $0x3  }
0x34: {  	[smem:$0x3FB9] =	sst s10  }
0x35: {  	s10 =	sld [smem:$0x3FB8];
	_ =	sdelay $0x3  }
0x36: {  	p1 =	seq.s32 s10, $0x1;
	s10 =	sld [smem:$0x3FB9];
	_ =	sdelay $0x3  }
0x37: {  	[smem:$0x3FB9] =	sst s10  }
0x38: {  	s10 =	sld [smem:$0x3FBA]  }
0x39: {  	_ = 	snop;
	(pc) =	sbr.ind lr, $3  }
0x3a: {  	_ = 	snop  }
0x3b: {  	_ = 	snop  }
0x3c: {  	p2 =	seq.s32 s10, $0x1;
	s10 =	sld [smem:$0x3FB9]  }
0x3d: {  	_ =	shalt  }
0x3e: {  	_ =	shalt  }
0x3f: {  	_ =	shalt  }
0x40: {  	_ =	shalt  }
0x41: {  	_ =	shalt  }
0x42: {  	_ =	shalt  }
0x43: {  	_ =	shalt  }
0x44: {  	_ =	shalt  }
0x45: {  	_ =	shalt  }
0x46: {  	_ =	shalt  }
0x47: {  	_ =	shalt  }
0x48: {  	_ =	shalt  }
0x49: {  	_ =	shalt  }
0x4a: {  	_ =	shalt  }
0x4b: {  	_ =	shalt  }
0x4c: {  	_ =	shalt  }
0x4d: {  	_ =	shalt  }
0x4e: {  	_ =	shalt  }
0x4f: {  	_ =	shalt  }
0x50: {  	_ =	shalt  }
0x51: {  	_ =	shalt  }
0x52: {  	_ =	shalt  }
0x53: {  	_ =	shalt  }
0x54: {  	_ =	shalt  }
0x55: {  	_ =	shalt  }
0x56: {  	_ =	shalt  }
0x57: {  	_ =	shalt  }
0x58: {  	_ =	shalt  }
0x59: {  	_ =	shalt  }
0x5a: {  	_ =	shalt  }
0x5b: {  	_ =	shalt  }
0x5c: {  	_ =	shalt  }
0x5d: {  	_ =	shalt  }
0x5e: {  	_ =	shalt  }
0x5f: {  	_ =	shalt  }
0x60: {  	_ =	shalt  }
0x61: {  	_ =	shalt  }
0x62: {  	_ =	shalt  }
0x63: {  	_ =	shalt  }
0x64: {  	_ =	shalt  }
0x65: {  	_ =	shalt  }
0x66: {  	_ =	shalt  }
0x67: {  	_ =	shalt  }
0x68: {  	_ =	shalt  }
0x69: {  	_ =	shalt  }
0x6a: {  	_ =	shalt  }
0x6b: {  	_ =	shalt  }
0x6c: {  	_ =	shalt  }
0x6d: {  	_ =	shalt  }
0x6e: {  	_ =	shalt  }
0x6f: {  	_ =	shalt  }
0x70: {  	_ =	shalt  }
0x71: {  	_ =	shalt  }
0x72: {  	_ =	shalt  }
0x73: {  	_ =	shalt  }
0x74: {  	_ =	shalt  }
0x75: {  	_ =	shalt  }
0x76: {  	_ =	shalt  }
0x77: {  	_ =	shalt  }
0x78: {  	_ =	shalt  }
0x79: {  	_ =	shalt  }
0x7a: {  	_ =	shalt  }
0x7b: {  	_ =	shalt  }
0x7c: {  	_ =	shalt  }
0x7d: {  	_ =	shalt  }
0x7e: {  	_ =	shalt  }
0x7f: {  	_ =	shalt  }
0x80: {  	_ =	shalt  }
0x81: {  	_ =	shalt  }
0x82: {  	_ =	shalt  }
0x83: {  	_ =	shalt  }
0x84: {  	_ =	shalt  }
0x85: {  	_ =	shalt  }
0x86: {  	_ =	shalt  }
0x87: {  	_ =	shalt  }
.Lfunc_end0:
.L_simem_size_0:
called_computation_lowered:
.L_overlay_start_0:
0x88: {  	s2 =	sld [smem:$0x3FD9]  }
0x89: {  	s3 =	sld [smem:$0x3FFE];
	_ =	sdelay $0x1  }
0x8a: {  	s1 =	srdreg.scid  }
0x8b: {  	s0 =	sand.u32 $0x1, s1  }
0x8c: {  	s17 =	sshll.u32 s0, $0xA;
	s2 =	sadd.s32 s3, s2  }
0x8d: {  	s2 =	sadd.s32 s2, s17  }
0x8e: {  	[smem:$0x3FC5] =	sst s2  }
0x8f: {  	_ = 	snop  }
0x90: {  	s2 =	sld [smem:$0x3FD0];
	(tm) =	ssettm $0x1  }
0x91: {  	s18 =	sld [smem:$0x3FFB];
	_ =	sdelay $0x3  }
0x92: {  	_ =	strace s18  }
0x93: {  	s3 =	sld [smem:$0x3FFC];
	_ =	sdelay $0x3  }
0x94: {  	_ =	strace s3  }
0x95: {  	s3 =	sld [smem:$0x3FFD];
	_ =	sdelay $0x3  }
0x96: {  	_ =	strace s3  }
0x97: {  	_ =	strace $0x8FFFFFFF  }
0x98: {  	s19 =	sld [smem:$0x3FDB];
	_ =	sdelay $0x1  }
0x99: {  	s4 =	simm.s32 $_scs_section_size  }
0x9a: {  	s5 =	simm.s32 $_size__tile_overlayer_lowered;
	s6 =	simm.s32 $_tile_overlayer_lowered  }
0x9b: {  	s22 =	simm.s32 $0x1BFF;
	s21 =	sshll.u32 s6, $0x1;
	s3 =	sadd.s32 s4, s19  }
0x9c: {  	s7 =	simm.s32 $0x0;
	s20 =	sshll.u32 s5, $0x1;
	s5 =	sadd.s32 s21, s3  }
0x9d: {  	[timem:s7], [sflag:s22] =	dma.local [hbm:s5], s20  }
0x9e: {  	_ =	swait.ge [sflag:s22], s20  }
0x9f: {  	s4 =	ssub.s32 $0x0, s20;
	[sflag:s22] =	ssyncset.done $0x0  }
0xa0: {  	[sflag:s22] =	ssyncadd.s32 s4;
	_ =	sdelay $0x1  }
0xa1: {  	s23 =	simm.s32 $0x1B8B  }
0xa2: {  	_ =	swait.ge [sflag:s23], $0x1  }
0xa3: {  	[sflag:s23] =	ssyncset.done $0x0  }
0xa4: {  	s25 =	simm.s32 $0x1B8E;
	s24 =	sld [smem:$0x3FFE];
	[sflag:s23] =	ssyncadd.s32 $0xFFFFFFFF  }
0xa5: {  	s26 =	simm.s32 $execute0_lowered;
	[smem:$0x3FD2] =	sst s25  }
0xa6: {  	s5 =	sshll.u32 s26, $0x1;
	_ =	strace $0x80000046;
	[dreg:$0x1] =	wrdreg $0xFFFFFFFF  }
0xa7: {  	s28 =	simm.s32 $_size_execute0_lowered;
	s3 =	sadd.s32 s3, s5;
	[dreg:$0x0] =	wrdreg $0x0  }
0xa8: {  	s5 =	sshll.u32 s28, $0x1;
	[dreg:$0x2] =	wrdreg s3  }
0xa9: {  	[dreg:$0x3] =	wrdreg s5  }
0xaa: {  	[dreg:$0x4] =	wrdreg $0xC0  }
0xab: {  	_ =	task [dreg:s7], $0x5FFFF  }
0xac: {  	[dreg:$0x1] =	wrdreg $0xFFFFFFFF  }
0xad: {  	[dreg:$0x0] =	wrdreg $0x60  }
0xae: {  	[dreg:$0x2] =	wrdreg s24  }
0xaf: {  	[dreg:$0x3] =	wrdreg s2  }
0xb0: {  	[dreg:$0x4] =	wrdreg $0x9  }
0xb1: {  	_ =	task.clear_ibuf [dreg:s7], $0x5FFFF;
	_ =	strace $0x90000046  }
0xb2: {  	s29 =	simm.s32 $0x9;
	_ =	strace $0x80000048  }
0xb3: {  	_ =	swait.ge [sflag:s29], $0x1  }
0xb4: {  	[sflag:s29] =	ssyncadd.s32 $0xFFFFFFFF  }
0xb5: {  	_ =	strace $0x90000048  }
0xb6: {  	_ =	sfence  }
0xb7: {  	s30 =	sld [smem:$0x0];
	_ =	sdelay $0x2  }
0xb8: {  	s31 =	sshll.u32 s1, $0xD;
	s1 =	sshrl.u32 s1, $0x2  }
0xb9: {  	s3 =	sand.u32 $0x4000, s31;
	s1 =	sadd.s32 s1, s30  }
0xba: {  	s0 =	sor.u32 s3, s0;
	s1 =	sshll.u32 s1, $0x11  }
0xbb: {  	s0 =	sor.u32 s1, s0  }
0xbc: {  	s0 =	sadd.s32 $0x8F2B, s0  }
0xbd: {  	[sflag:s0] =	ssyncadd.remote.s32 $0x1  }
0xbe: {  	_ =	sfence.sel $0xFFFF  }
0xbf: {  	[dreg:$0x0] =	wrdreg $0xFFFFFFFF;
	(pc) =	sbr.abs _section_cstart, $3  }
0xc0: {  	[dreg:$0x1] =	wrdreg $0xFFFFFFFF  }
0xc1: {  	_ =	task.clear_ibuf [dreg:s7], $0x2FFFF;
	_ =	strace $0x9FFFFFFF  }
0xc2: {  	(tm) =	ssettm $0x7FFFFFFF  }
0xc3: {  	_ =	shalt  }
tec
execute0_lowered:
.L_overlay_start_1:
0x0: {  	(tag) =	ssettag $0x1  }
0x1: {  	s0 =	srdreg.scid;
	s2 =	stileid.u32  }
0x2: {  	s1 =	rddreg [dreg:$0x0];
	s12 =	simm.s32 $0x7D00;
	s13 =	simm.s32 $0x9  }
0x3: {  	s14 =	simm.s32 $0x80;
	s16 =	simm.s32 $0xAF00;
	s21 =	simm.s32 $0x1  }
0x4: {  	s22 =	simm.s32 $0x10F00;
	s28 =	simm.s32 $0x14F00;
	s29 =	simm.s32 $0x3  }
0x5: {  	s30 =	simm.s32 $0x16F00;
	s0 =	sand.u32 $0x1, s0;
	s3 =	sshll.u32 s2, $0x1  }
0x6: {  	s31 =	simm.s32 $0x4;
	s15 =	simm.s32 $0x6;
	s5 =	sor.u32 s0, s3  }
0x7: {  	s17 =	simm.s32 $0x7;
	s0 =	ssub.s32 $0x2, s0;
	s4 =	smul.u32 $0x6400, s5  }
0x8: {  	s2 =	rddreg [dreg:$0x1];
	s3 =	simm.s32 $0x0;
	s7 =	sshrl.u32 s0, $0x1  }
0x9: {  	v0 =	vlaneseq.u32;
	[smem:$0x7FF] =	sst s3;
	s0 =	ssub.s32 s0, s7;
	s4 =	sshrl.u32 s4, $0x3  }
0xa: {  	v1 =	vmul.u32 $0x40, v0;
	v2 =	vmul.u32 $0xC8, v0;
	v4 =	vor.u32 $0x10, v0;
	_ =	strace $0x80000047;
	s0 =	smax.u32 s0, $0x1;
	s6 =	sadd.s32 s4, s1  }
0xb: {  	v6 =	vor.u32 $0x20, v0;
	v8 =	vor.u32 $0x30, v0;
	v10 =	vor.u32 $0x40, v0;
	s4 =	sadd.s32 $0x19C00, s1;
	s1 =	sadd.s32 $0x400, s1;
	[dreg:$0x8] =	wrdreg s0  }
0xc: {  	s18 =	simm.s32 $0x8;
	v12 =	vor.u32 $0x50, v0;
	v14 =	vor.u32 $0x60, v0;
	v16 =	vor.u32 $0x70, v0;
	[dreg:$0x3] =	wrdreg s1;
	s23 =	sadd.s32 $0xC00, s6  }
0xd: {  	s19 =	simm.s32 $0x0;
	v3 =	vor.u32 $0x400, v1;
	v5 =	vor.u32 $0x800, v1;
	v7 =	vor.u32 $0xC00, v1;
	s24 =	sadd.s32 $0xF20, s6;
	[dreg:$0x4] =	wrdreg s23  }
0xe: {  	s10 =	sshll.u32 s5, $0xA;
	v9 =	vor.u32 $0x1000, v1;
	v11 =	vor.u32 $0x1400, v1;
	v13 =	vor.u32 $0x1800, v1;
	s25 =	sadd.s32 $0x1240, s6;
	[dreg:$0x5] =	wrdreg s24  }
0xf: {  	v15 =	vor.u32 $0x1C00, v1;
	v17 =	vor.u32 $0x2000, v1;
	v18 =	vor.u32 $0x2400, v1;
	s0 =	simm.s32 $0x5;
	s26 =	sadd.s32 $0x1560, s6;
	[dreg:$0x6] =	wrdreg s25  }
0x10: {  	v19 =	vor.u32 $0x2800, v1;
	v20 =	vor.u32 $0x2C00, v1;
	v21 =	vor.u32 $0x3000, v1;
	s1 =	simm.s32 $0x18F00;
	[dreg:$0x7] =	wrdreg s26;
	s23 =	simm.s32 $0x12F00  }
0x11: {  	v22 =	vor.u32 $0x3400, v1;
	v23 =	vor.u32 $0x3800, v1;
	v24 =	vor.u32 $0x3C00, v1;
	s24 =	simm.s32 $0x400;
	s25 =	simm.s32 $0x8000;
	s26 =	simm.s32 $0x2  }
.LBB2_1:
0x12: {  	s5 =	rddreg [dreg:$0x3]  }
0x13: {  	[tilespmem:s12], [sflag:$0x9] =	stream.linear.gather [hbm4b:s5+s3], $0x3200, $0x38;
	[tilespmem:$0x1AF00] =	vst v63  }
0x14: {  	_ =	swait.ge [sflag:s13], $0x3200  }
0x15: {  	[sflag:s13] =	ssyncset.done $0x0  }
0x16: {  	v25 =	vadd.s32 s3, v2;
	s11 =	rddreg [dreg:$0x4];
	[sflag:s13] =	ssyncadd.s32 $0xFFFFCE00  }
0x17: {  	[tilespmem:s3], [sflag:$0x9] =	stream.linear.gather [hbm4b:s11+s3], $0x1900, $0x38;
	[tilespmem:$0x1AF00] =	vst v63  }
0x18: {  	_ =	swait.ge [sflag:s13], $0x1900  }
0x19: {  	[sflag:s13] =	ssyncset.done $0x0  }
0x1a: {  	[sflag:s13] =	ssyncadd.s32 $0xFFFFE700  }
0x1b: {  	s20 =	simm.s32 $0xC80;
	v25 =	vld.idx.msk [tilespmem:v25+s3+$0x0], $0xffff  }
0x1c: {  	v26 =	vadd.s32 s20, v2;
	_ =	sdelay $0x2  }
0x1d: {  	s5 =	simm.s32 $0x1910  }
0x1e: {  	[tilespmem:s5+$0xFFFFFFF0] =	vst v25  }
0x1f: {  	s6 =	simm.s32 $0x1;
	v25 =	vld.idx.msk [tilespmem:v26+s3+$0x0], $0xffff  }
0x20: {  	s7 =	simm.s32 $0x2;
	v26 =	vadd.s32 s6, v2  }
.LBB2_2:
0x21: {  	p0 =	sne.s32 s7, $0xC7;
	_ =	sdelay $0x2  }
0x22: {  	[tilespmem:s5+$0x0] =	vst v25  }
0x23: {  	v25 =	vld.idx.msk [tilespmem:v26+s3+$0x0], $0xffff  }
0x24: {  	s8 =	sadd.s32 $0xC80, s6;
	s6 =	smov.u32 s7  }
0x25: {  	v26 =	vadd.s32 s8, v2;
	_ =	sdelay $0x2  }
.Ltmp0:
0x26: {  	s5 =	sadd.s32 $0x80, s5;
	(pc) =	sbr.rel @p0 .LBB2_2-.Ltmp0, $3  }
0x27: {  	[tilespmem:s5+$0xFFFFFFF0] =	vst v25  }
0x28: {  	v25 =	vld.idx.msk [tilespmem:v26+s3+$0x0], $0xffff;
	_ =	sdelay $0x1  }
0x29: {  	s7 =	sadd.s32 $0x1, s7;
	v26 =	vadd.s32 s6, v2  }
0x2a: {  	_ =	sdelay $0x2  }
0x2b: {  	[tilespmem:s5+$0x0] =	vst v25  }
0x2c: {  	s6 =	sadd.s32 $0xC80, s6;
	v25 =	vld.idx.msk [tilespmem:v26+s3+$0x0], $0xffff  }
0x2d: {  	v26 =	vadd.s32 s6, v2;
	_ =	sdelay $0x2  }
0x2e: {  	s8 =	sadd.s32 $0x80, s5  }
0x2f: {  	[tilespmem:s8+$0xFFFFFFF0] =	vst v25  }
0x30: {  	v25 =	vld.idx.msk [tilespmem:v26+s3+$0x0], $0xffff;
	_ =	sdelay $0x3  }
0x31: {  	s9 =	simm.s32 $0x0  }
0x32: {  	s11 =	rddreg [dreg:$0x5];
	[tilespmem:s8+$0x0] =	vst v25;
	v25 =	vadd.s32 s9, v2  }
0x33: {  	[tilespmem:s9], [sflag:$0x9] =	stream.linear.gather [hbm4b:s11+s9], $0x1900, $0x38;
	[tilespmem:$0x1AF00] =	vst v63  }
0x34: {  	_ =	swait.ge [sflag:s13], $0x1900  }
0x35: {  	[sflag:s13] =	ssyncset.done $0x0  }
0x36: {  	[sflag:s13] =	ssyncadd.s32 $0xFFFFE700  }
0x37: {  	s20 =	simm.s32 $0xC80;
	v25 =	vld.idx.msk [tilespmem:v25+s3+$0x0], $0xffff  }
0x38: {  	v26 =	vadd.s32 s20, v2;
	_ =	sdelay $0x2  }
0x39: {  	s5 =	simm.s32 $0x1930  }
0x3a: {  	[tilespmem:s5+$0xFFFFFFF0] =	vst v25  }
0x3b: {  	s6 =	simm.s32 $0x1;
	v25 =	vld.idx.msk [tilespmem:v26+s3+$0x0], $0xffff  }
0x3c: {  	s7 =	simm.s32 $0x2;
	v26 =	vadd.s32 s6, v2  }
.LBB2_4:
0x3d: {  	p0 =	sne.s32 s7, $0xC7;
	_ =	sdelay $0x2  }
0x3e: {  	[tilespmem:s5+$0x0] =	vst v25  }
0x3f: {  	v25 =	vld.idx.msk [tilespmem:v26+s3+$0x0], $0xffff  }
0x40: {  	s8 =	sadd.s32 $0xC80, s6;
	s6 =	smov.u32 s7  }
0x41: {  	v26 =	vadd.s32 s8, v2;
	_ =	sdelay $0x2  }
.Ltmp1:
0x42: {  	s5 =	sadd.s32 $0x80, s5;
	(pc) =	sbr.rel @p0 .LBB2_4-.Ltmp1, $3  }
0x43: {  	[tilespmem:s5+$0xFFFFFFF0] =	vst v25  }
0x44: {  	v25 =	vld.idx.msk [tilespmem:v26+s3+$0x0], $0xffff;
	_ =	sdelay $0x1  }
0x45: {  	s7 =	sadd.s32 $0x1, s7;
	v26 =	vadd.s32 s6, v2  }
0x46: {  	_ =	sdelay $0x2  }
0x47: {  	[tilespmem:s5+$0x0] =	vst v25  }
0x48: {  	s6 =	sadd.s32 $0xC80, s6;
	v25 =	vld.idx.msk [tilespmem:v26+s3+$0x0], $0xffff  }
0x49: {  	v26 =	vadd.s32 s6, v2;
	_ =	sdelay $0x2  }
0x4a: {  	s8 =	sadd.s32 $0x80, s5  }
0x4b: {  	[tilespmem:s8+$0xFFFFFFF0] =	vst v25  }
0x4c: {  	v25 =	vld.idx.msk [tilespmem:v26+s3+$0x0], $0xffff;
	_ =	sdelay $0x3  }
0x4d: {  	s9 =	simm.s32 $0x0  }
0x4e: {  	s11 =	rddreg [dreg:$0x6];
	[tilespmem:s8+$0x0] =	vst v25;
	v25 =	vadd.s32 s9, v2  }
0x4f: {  	[tilespmem:s9], [sflag:$0x9] =	stream.linear.gather [hbm4b:s11+s9], $0x1900, $0x38;
	[tilespmem:$0x1AF00] =	vst v63  }
0x50: {  	_ =	swait.ge [sflag:s13], $0x1900  }
0x51: {  	[sflag:s13] =	ssyncset.done $0x0  }
0x52: {  	[sflag:s13] =	ssyncadd.s32 $0xFFFFE700  }
0x53: {  	s20 =	simm.s32 $0xC80;
	v25 =	vld.idx.msk [tilespmem:v25+s3+$0x0], $0xffff  }
0x54: {  	v26 =	vadd.s32 s20, v2;
	_ =	sdelay $0x2  }
0x55: {  	s5 =	simm.s32 $0x1950  }
0x56: {  	[tilespmem:s5+$0xFFFFFFF0] =	vst v25  }
0x57: {  	s6 =	simm.s32 $0x1;
	v25 =	vld.idx.msk [tilespmem:v26+s3+$0x0], $0xffff  }
0x58: {  	s7 =	simm.s32 $0x2;
	v26 =	vadd.s32 s6, v2  }
.LBB2_6:
0x59: {  	p0 =	sne.s32 s7, $0xC7;
	_ =	sdelay $0x2  }
0x5a: {  	[tilespmem:s5+$0x0] =	vst v25  }
0x5b: {  	v25 =	vld.idx.msk [tilespmem:v26+s3+$0x0], $0xffff  }
0x5c: {  	s8 =	sadd.s32 $0xC80, s6;
	s6 =	smov.u32 s7  }
0x5d: {  	v26 =	vadd.s32 s8, v2;
	_ =	sdelay $0x2  }
.Ltmp2:
0x5e: {  	s5 =	sadd.s32 $0x80, s5;
	(pc) =	sbr.rel @p0 .LBB2_6-.Ltmp2, $3  }
0x5f: {  	[tilespmem:s5+$0xFFFFFFF0] =	vst v25  }
0x60: {  	v25 =	vld.idx.msk [tilespmem:v26+s3+$0x0], $0xffff;
	_ =	sdelay $0x1  }
0x61: {  	s7 =	sadd.s32 $0x1, s7;
	v26 =	vadd.s32 s6, v2  }
0x62: {  	_ =	sdelay $0x2  }
0x63: {  	[tilespmem:s5+$0x0] =	vst v25  }
0x64: {  	s6 =	sadd.s32 $0xC80, s6;
	v25 =	vld.idx.msk [tilespmem:v26+s3+$0x0], $0xffff  }
0x65: {  	v26 =	vadd.s32 s6, v2;
	_ =	sdelay $0x2  }
0x66: {  	s8 =	sadd.s32 $0x80, s5  }
0x67: {  	[tilespmem:s8+$0xFFFFFFF0] =	vst v25  }
0x68: {  	v25 =	vld.idx.msk [tilespmem:v26+s3+$0x0], $0xffff;
	_ =	sdelay $0x3  }
0x69: {  	s9 =	simm.s32 $0x0  }
0x6a: {  	s11 =	rddreg [dreg:$0x7];
	[tilespmem:s8+$0x0] =	vst v25;
	v25 =	vadd.s32 s9, v2  }
0x6b: {  	[tilespmem:s9], [sflag:$0x9] =	stream.linear.gather [hbm4b:s11+s9], $0x1900, $0x38;
	[tilespmem:$0x1AF00] =	vst v63  }
0x6c: {  	_ =	swait.ge [sflag:s13], $0x1900  }
0x6d: {  	[sflag:s13] =	ssyncset.done $0x0  }
0x6e: {  	[sflag:s13] =	ssyncadd.s32 $0xFFFFE700  }
0x6f: {  	s20 =	simm.s32 $0xC80;
	v25 =	vld.idx.msk [tilespmem:v25+s3+$0x0], $0xffff  }
0x70: {  	v26 =	vadd.s32 s20, v2;
	_ =	sdelay $0x2  }
0x71: {  	s5 =	simm.s32 $0x1970  }
0x72: {  	[tilespmem:s5+$0xFFFFFFF0] =	vst v25  }
0x73: {  	s6 =	simm.s32 $0x1;
	v25 =	vld.idx.msk [tilespmem:v26+s3+$0x0], $0xffff  }
0x74: {  	s7 =	simm.s32 $0x2;
	v26 =	vadd.s32 s6, v2  }
.LBB2_8:
0x75: {  	p0 =	sne.s32 s7, $0xC7;
	_ =	sdelay $0x2  }
0x76: {  	[tilespmem:s5+$0x0] =	vst v25  }
0x77: {  	v25 =	vld.idx.msk [tilespmem:v26+s3+$0x0], $0xffff  }
0x78: {  	s8 =	sadd.s32 $0xC80, s6;
	s6 =	smov.u32 s7  }
0x79: {  	v26 =	vadd.s32 s8, v2;
	_ =	sdelay $0x2  }
.Ltmp3:
0x7a: {  	s5 =	sadd.s32 $0x80, s5;
	(pc) =	sbr.rel @p0 .LBB2_8-.Ltmp3, $3  }
0x7b: {  	[tilespmem:s5+$0xFFFFFFF0] =	vst v25  }
0x7c: {  	v25 =	vld.idx.msk [tilespmem:v26+s3+$0x0], $0xffff;
	_ =	sdelay $0x1  }
0x7d: {  	s7 =	sadd.s32 $0x1, s7;
	v26 =	vadd.s32 s6, v2  }
0x7e: {  	_ =	sdelay $0x2  }
0x7f: {  	[tilespmem:s5+$0x0] =	vst v25  }
0x80: {  	s6 =	sadd.s32 $0xC80, s6;
	v25 =	vld.idx.msk [tilespmem:v26+s3+$0x0], $0xffff  }
0x81: {  	v26 =	vadd.s32 s6, v2;
	_ =	sdelay $0x2  }
0x82: {  	s6 =	sadd.s32 $0x80, s5  }
0x83: {  	[tilespmem:s6+$0xFFFFFFF0] =	vst v25  }
0x84: {  	v25 =	vld.idx.msk [tilespmem:v26+s3+$0x0], $0xffff;
	_ =	sdelay $0x4  }
0x85: {  	s7 =	simm.s32 $0x1900;
	[tilespmem:s6+$0x0] =	vst v25  }
0x86: {  	[tilespmem:s16], [sflag:$0x1] =	stream.indirect.gather [hbm4b:s4+s14], $0x40, s7, s14, $0xb8;
	[tilespmem:$0x1AF00] =	vst v63  }
0x87: {  	s8 =	simm.s32 $0x1980;
	s9 =	simm.s32 $0xCF00  }
0x88: {  	[tilespmem:s9], [sflag:$0x2] =	stream.indirect.gather [hbm4b:s4+s14], $0x40, s8, s14, $0xb8;
	[tilespmem:$0x1AF00] =	vst v63  }
0x89: {  	s11 =	simm.s32 $0x1A00;
	s20 =	simm.s32 $0xEF00  }
0x8a: {  	[tilespmem:s20], [sflag:$0x3] =	stream.indirect.gather [hbm4b:s4+s14], $0x40, s11, s14, $0xb8;
	[tilespmem:$0x1AF00] =	vst v63  }
0x8b: {  	s20 =	simm.s32 $0x0  }
.LBB2_10:
0x8c: {  	s5 =	sshllo.u32 s20, $0x2  }
0x8d: {  	_ =	swait.ge [sflag:s21], $0x2000;
	s6 =	sshll.u32 s5, $0x7  }
0x8e: {  	[sflag:s21] =	ssyncset.done $0x0;
	s6 =	sand.u32 $0x3FFFFF80, s6  }
0x8f: {  	p0 =	seq.s32 s20, $0x0;
	[sflag:s21] =	ssyncadd.s32 $0xFFFFE000;
	s6 =	sadd.s32 $0x1900, s6  }
0x90: {  	[tilespmem:s22], [sflag:$0x4] =	stream.indirect.gather [hbm4b:s4+s14], $0x40, s6, s14, $0xb8;
	[tilespmem:$0x1AF00] =	vst v63  }
0x91: {  	s6 =	simm.s32 @!p0 $0x5  }
0x92: {  	s7 =	sshll.u32 s20, $0x2;
	_ =	swait.ge @!p0 [sflag:s6], $0x2000  }
0x93: {  	s8 =	sshll.u32 s7, $0x6;
	[sflag:s6] =	ssyncset.done @!p0 $0x0  }
0x94: {  	v25 =	vmov s8;
	[sflag:s6] =	ssyncadd.s32 @!p0 $0xFFFFE000;
	s6 =	simm.s32 $0x0  }
.LBB2_11:
0x95: {  	v26 =	vadd.s32 s6, v0  }
0x96: {  	v27 =	vand.u32 $0xF, v26  }
0x97: {  	v28 =	vor.u32 v25, v27  }
0x98: {  	v29 =	vor.u32 v1, v27;
	_ =	sdelay $0x3  }
0x99: {  	v28 =	vld.idx.msk [tilespmem:v28+s12+$0x0], $0xffff  }
0x9a: {  	v30 =	vshll.u32 v26, $0x7;
	v29 =	vld.idx.msk [tilespmem:v29+s16+$0x0], $0xffff  }
0x9b: {  	v31 =	vand.u32 $0x780, v30  }
0x9c: {  	v32 =	vor.u32 v0, v31  }
0x9d: {  	v33 =	vor.u32 v3, v27;
	_ =	sdelay $0x1  }
0x9e: {  	v29 =	vadd.f32 v29, v28;
	_ =	sdelay $0x1  }
0x9f: {  	[tilespmem:v32+s23+$0x0] =	vst.idx.msk $0xffff, v29  }
0xa0: {  	v29 =	vld.idx.msk [tilespmem:v33+s16+$0x0], $0xffff;
	_ =	sdelay $0x1  }
0xa1: {  	v45 =	vor.u32 v4, v31  }
0xa2: {  	v46 =	vor.u32 v5, v27;
	_ =	sdelay $0x1  }
0xa3: {  	v29 =	vadd.f32 v29, v28;
	_ =	sdelay $0x1  }
0xa4: {  	[tilespmem:v45+s23+$0x0] =	vst.idx.msk $0xffff, v29  }
0xa5: {  	v29 =	vld.idx.msk [tilespmem:v46+s16+$0x0], $0xffff;
	_ =	sdelay $0x1  }
0xa6: {  	v47 =	vor.u32 v6, v31  }
0xa7: {  	v48 =	vor.u32 v7, v27;
	_ =	sdelay $0x1  }
0xa8: {  	v29 =	vadd.f32 v29, v28;
	_ =	sdelay $0x1  }
0xa9: {  	[tilespmem:v47+s23+$0x0] =	vst.idx.msk $0xffff, v29  }
0xaa: {  	v29 =	vld.idx.msk [tilespmem:v48+s16+$0x0], $0xffff;
	_ =	sdelay $0x1  }
0xab: {  	v49 =	vor.u32 v8, v31  }
0xac: {  	v50 =	vor.u32 v9, v27;
	_ =	sdelay $0x1  }
0xad: {  	v29 =	vadd.f32 v29, v28;
	_ =	sdelay $0x1  }
0xae: {  	[tilespmem:v49+s23+$0x0] =	vst.idx.msk $0xffff, v29  }
0xaf: {  	v29 =	vld.idx.msk [tilespmem:v50+s16+$0x0], $0xffff;
	_ =	sdelay $0x1  }
0xb0: {  	v51 =	vor.u32 v10, v31  }
0xb1: {  	v52 =	vor.u32 v11, v27;
	_ =	sdelay $0x1  }
0xb2: {  	v29 =	vadd.f32 v29, v28;
	_ =	sdelay $0x1  }
0xb3: {  	[tilespmem:v51+s23+$0x0] =	vst.idx.msk $0xffff, v29  }
0xb4: {  	v29 =	vld.idx.msk [tilespmem:v52+s16+$0x0], $0xffff;
	_ =	sdelay $0x1  }
0xb5: {  	v53 =	vor.u32 v12, v31  }
0xb6: {  	v54 =	vor.u32 v13, v27;
	_ =	sdelay $0x1  }
0xb7: {  	v29 =	vadd.f32 v29, v28;
	_ =	sdelay $0x1  }
0xb8: {  	[tilespmem:v53+s23+$0x0] =	vst.idx.msk $0xffff, v29  }
0xb9: {  	v29 =	vld.idx.msk [tilespmem:v54+s16+$0x0], $0xffff;
	_ =	sdelay $0x1  }
0xba: {  	v55 =	vor.u32 v14, v31  }
0xbb: {  	v56 =	vor.u32 v15, v27;
	_ =	sdelay $0x1  }
0xbc: {  	v29 =	vadd.f32 v29, v28;
	_ =	sdelay $0x1  }
0xbd: {  	[tilespmem:v55+s23+$0x0] =	vst.idx.msk $0xffff, v29  }
0xbe: {  	v29 =	vld.idx.msk [tilespmem:v56+s16+$0x0], $0xffff  }
0xbf: {  	v57 =	vor.u32 $0x10, v26  }
0xc0: {  	v58 =	vand.u32 $0x1F, v57;
	v31 =	vor.u32 v16, v31  }
0xc1: {  	v34 =	vor.u32 v25, v58  }
0xc2: {  	v35 =	vor.u32 v1, v58  }
0xc3: {  	v28 =	vadd.f32 v29, v28;
	_ =	sdelay $0x1  }
0xc4: {  	[tilespmem:v31+s23+$0x0] =	vst.idx.msk $0xffff, v28  }
0xc5: {  	v59 =	vshll.u32 v57, $0x7;
	v28 =	vld.idx.msk [tilespmem:v34+s12+$0x0], $0xffff  }
0xc6: {  	v30 =	vand.u32 $0x380, v30;
	v29 =	vand.u32 $0xC00, v59;
	v31 =	vld.idx.msk [tilespmem:v35+s16+$0x0], $0xffff  }
0xc7: {  	v29 =	vor.u32 v30, v29  }
0xc8: {  	v60 =	vor.u32 v0, v29  }
0xc9: {  	v61 =	vor.u32 v3, v58;
	_ =	sdelay $0x1  }
0xca: {  	v31 =	vadd.f32 v31, v28;
	_ =	sdelay $0x1  }
0xcb: {  	[tilespmem:v60+s23+$0x0] =	vst.idx.msk $0xffff, v31  }
0xcc: {  	v31 =	vld.idx.msk [tilespmem:v61+s16+$0x0], $0xffff;
	_ =	sdelay $0x1  }
0xcd: {  	v62 =	vor.u32 v4, v29  }
0xce: {  	v63 =	vor.u32 v5, v58;
	_ =	sdelay $0x1  }
0xcf: {  	v31 =	vadd.f32 v31, v28;
	_ =	sdelay $0x1  }
0xd0: {  	[tilespmem:v62+s23+$0x0] =	vst.idx.msk $0xffff, v31  }
0xd1: {  	v31 =	vld.idx.msk [tilespmem:v63+s16+$0x0], $0xffff;
	_ =	sdelay $0x1  }
0xd2: {  	v36 =	vor.u32 v6, v29  }
0xd3: {  	v37 =	vor.u32 v7, v58;
	_ =	sdelay $0x1  }
0xd4: {  	v31 =	vadd.f32 v31, v28;
	_ =	sdelay $0x1  }
0xd5: {  	[tilespmem:v36+s23+$0x0] =	vst.idx.msk $0xffff, v31  }
0xd6: {  	v31 =	vld.idx.msk [tilespmem:v37+s16+$0x0], $0xffff;
	_ =	sdelay $0x1  }
0xd7: {  	v38 =	vor.u32 v8, v29  }
0xd8: {  	v39 =	vor.u32 v9, v58;
	_ =	sdelay $0x1  }
0xd9: {  	v31 =	vadd.f32 v31, v28;
	_ =	sdelay $0x1  }
0xda: {  	[tilespmem:v38+s23+$0x0] =	vst.idx.msk $0xffff, v31  }
0xdb: {  	v31 =	vld.idx.msk [tilespmem:v39+s16+$0x0], $0xffff;
	_ =	sdelay $0x1  }
0xdc: {  	v40 =	vor.u32 v10, v29  }
0xdd: {  	v41 =	vor.u32 v11, v58;
	_ =	sdelay $0x1  }
0xde: {  	v31 =	vadd.f32 v31, v28;
	_ =	sdelay $0x1  }
0xdf: {  	[tilespmem:v40+s23+$0x0] =	vst.idx.msk $0xffff, v31  }
0xe0: {  	v31 =	vld.idx.msk [tilespmem:v41+s16+$0x0], $0xffff;
	_ =	sdelay $0x1  }
0xe1: {  	v42 =	vor.u32 v12, v29  }
0xe2: {  	v43 =	vor.u32 v13, v58;
	_ =	sdelay $0x1  }
0xe3: {  	v31 =	vadd.f32 v31, v28;
	_ =	sdelay $0x1  }
0xe4: {  	[tilespmem:v42+s23+$0x0] =	vst.idx.msk $0xffff, v31  }
0xe5: {  	v31 =	vld.idx.msk [tilespmem:v43+s16+$0x0], $0xffff;
	_ =	sdelay $0x1  }
0xe6: {  	v44 =	vor.u32 v14, v29  }
0xe7: {  	v33 =	vor.u32 v15, v58;
	_ =	sdelay $0x1  }
0xe8: {  	v31 =	vadd.f32 v31, v28;
	_ =	sdelay $0x1  }
0xe9: {  	[tilespmem:v44+s23+$0x0] =	vst.idx.msk $0xffff, v31  }
0xea: {  	v27 =	vor.u32 $0x20, v27;
	v31 =	vld.idx.msk [tilespmem:v33+s16+$0x0], $0xffff  }
0xeb: {  	v45 =	vand.u32 $0x7, v26;
	v46 =	vand.u32 $0x28, v27  }
0xec: {  	v32 =	vor.u32 v45, v46;
	v29 =	vor.u32 v16, v29  }
0xed: {  	v33 =	vor.u32 v25, v32  }
0xee: {  	v47 =	vor.u32 v1, v32  }
0xef: {  	v28 =	vadd.f32 v31, v28;
	_ =	sdelay $0x1  }
0xf0: {  	[tilespmem:v29+s23+$0x0] =	vst.idx.msk $0xffff, v28  }
0xf1: {  	v27 =	vshll.u32 v27, $0x7;
	v28 =	vld.idx.msk [tilespmem:v33+s12+$0x0], $0xffff  }
0xf2: {  	v27 =	vand.u32 $0x1400, v27;
	v29 =	vld.idx.msk [tilespmem:v47+s16+$0x0], $0xffff  }
0xf3: {  	v27 =	vor.u32 v30, v27  }
0xf4: {  	v48 =	vor.u32 v0, v27  }
0xf5: {  	v49 =	vor.u32 v3, v32;
	_ =	sdelay $0x1  }
0xf6: {  	v29 =	vadd.f32 v29, v28;
	_ =	sdelay $0x1  }
0xf7: {  	[tilespmem:v48+s23+$0x0] =	vst.idx.msk $0xffff, v29  }
0xf8: {  	v29 =	vld.idx.msk [tilespmem:v49+s16+$0x0], $0xffff;
	_ =	sdelay $0x1  }
0xf9: {  	v50 =	vor.u32 v4, v27  }
0xfa: {  	v51 =	vor.u32 v5, v32;
	_ =	sdelay $0x1  }
0xfb: {  	v29 =	vadd.f32 v29, v28;
	_ =	sdelay $0x1  }
0xfc: {  	[tilespmem:v50+s23+$0x0] =	vst.idx.msk $0xffff, v29  }
0xfd: {  	v29 =	vld.idx.msk [tilespmem:v51+s16+$0x0], $0xffff;
	_ =	sdelay $0x1  }
0xfe: {  	v52 =	vor.u32 v6, v27  }
0xff: {  	v53 =	vor.u32 v7, v32;
	_ =	sdelay $0x1  }
0x100: {  	v29 =	vadd.f32 v29, v28;
	_ =	sdelay $0x1  }
0x101: {  	[tilespmem:v52+s23+$0x0] =	vst.idx.msk $0xffff, v29  }
0x102: {  	v29 =	vld.idx.msk [tilespmem:v53+s16+$0x0], $0xffff;
	_ =	sdelay $0x1  }
0x103: {  	v54 =	vor.u32 v8, v27  }
0x104: {  	v55 =	vor.u32 v9, v32;
	_ =	sdelay $0x1  }
0x105: {  	v29 =	vadd.f32 v29, v28;
	_ =	sdelay $0x1  }
0x106: {  	[tilespmem:v54+s23+$0x0] =	vst.idx.msk $0xffff, v29  }
0x107: {  	v29 =	vld.idx.msk [tilespmem:v55+s16+$0x0], $0xffff;
	_ =	sdelay $0x1  }
0x108: {  	v56 =	vor.u32 v10, v27  }
0x109: {  	v57 =	vor.u32 v11, v32;
	_ =	sdelay $0x1  }
0x10a: {  	v29 =	vadd.f32 v29, v28;
	_ =	sdelay $0x1  }
0x10b: {  	[tilespmem:v56+s23+$0x0] =	vst.idx.msk $0xffff, v29  }
0x10c: {  	v29 =	vld.idx.msk [tilespmem:v57+s16+$0x0], $0xffff;
	_ =	sdelay $0x1  }
0x10d: {  	v58 =	vor.u32 v12, v27  }
0x10e: {  	v59 =	vor.u32 v13, v32;
	_ =	sdelay $0x1  }
0x10f: {  	v29 =	vadd.f32 v29, v28;
	_ =	sdelay $0x1  }
0x110: {  	[tilespmem:v58+s23+$0x0] =	vst.idx.msk $0xffff, v29  }
0x111: {  	v29 =	vld.idx.msk [tilespmem:v59+s16+$0x0], $0xffff;
	_ =	sdelay $0x1  }
0x112: {  	v60 =	vor.u32 v14, v27  }
0x113: {  	v32 =	vor.u32 v15, v32;
	_ =	sdelay $0x1  }
0x114: {  	v29 =	vadd.f32 v29, v28;
	_ =	sdelay $0x1  }
0x115: {  	[tilespmem:v60+s23+$0x0] =	vst.idx.msk $0xffff, v29  }
0x116: {  	v29 =	vld.idx.msk [tilespmem:v32+s16+$0x0], $0xffff  }
0x117: {  	v26 =	vor.u32 $0x30, v26  }
0x118: {  	v27 =	vor.u32 v16, v27;
	v61 =	vand.u32 $0x3F, v26  }
0x119: {  	v62 =	vor.u32 v25, v61  }
0x11a: {  	v63 =	vor.u32 v1, v61  }
0x11b: {  	v28 =	vadd.f32 v29, v28;
	_ =	sdelay $0x1  }
0x11c: {  	[tilespmem:v27+s23+$0x0] =	vst.idx.msk $0xffff, v28  }
0x11d: {  	v26 =	vshll.u32 v26, $0x7;
	v27 =	vld.idx.msk [tilespmem:v62+s12+$0x0], $0xffff  }
0x11e: {  	v26 =	vand.u32 $0x1C00, v26;
	v28 =	vld.idx.msk [tilespmem:v63+s16+$0x0], $0xffff  }
0x11f: {  	v35 =	vor.u32 v30, v26  }
0x120: {  	v26 =	vor.u32 v0, v35  }
0x121: {  	v36 =	vor.u32 v3, v61;
	_ =	sdelay $0x1  }
0x122: {  	v28 =	vadd.f32 v28, v27;
	_ =	sdelay $0x1  }
0x123: {  	[tilespmem:v26+s23+$0x0] =	vst.idx.msk $0xffff, v28  }
0x124: {  	v26 =	vld.idx.msk [tilespmem:v36+s16+$0x0], $0xffff;
	_ =	sdelay $0x1  }
0x125: {  	v37 =	vor.u32 v4, v35  }
0x126: {  	v38 =	vor.u32 v5, v61;
	_ =	sdelay $0x1  }
0x127: {  	v26 =	vadd.f32 v26, v27;
	_ =	sdelay $0x1  }
0x128: {  	[tilespmem:v37+s23+$0x0] =	vst.idx.msk $0xffff, v26  }
0x129: {  	v26 =	vld.idx.msk [tilespmem:v38+s16+$0x0], $0xffff;
	_ =	sdelay $0x1  }
0x12a: {  	v39 =	vor.u32 v6, v35  }
0x12b: {  	v40 =	vor.u32 v7, v61;
	_ =	sdelay $0x1  }
0x12c: {  	v26 =	vadd.f32 v26, v27;
	_ =	sdelay $0x1  }
0x12d: {  	[tilespmem:v39+s23+$0x0] =	vst.idx.msk $0xffff, v26  }
0x12e: {  	v26 =	vld.idx.msk [tilespmem:v40+s16+$0x0], $0xffff;
	_ =	sdelay $0x1  }
0x12f: {  	v41 =	vor.u32 v8, v35  }
0x130: {  	v42 =	vor.u32 v9, v61;
	_ =	sdelay $0x1  }
0x131: {  	v26 =	vadd.f32 v26, v27;
	_ =	sdelay $0x1  }
0x132: {  	[tilespmem:v41+s23+$0x0] =	vst.idx.msk $0xffff, v26  }
0x133: {  	v26 =	vld.idx.msk [tilespmem:v42+s16+$0x0], $0xffff;
	_ =	sdelay $0x1  }
0x134: {  	v43 =	vor.u32 v10, v35  }
0x135: {  	v44 =	vor.u32 v11, v61;
	_ =	sdelay $0x1  }
0x136: {  	v26 =	vadd.f32 v26, v27;
	_ =	sdelay $0x1  }
0x137: {  	[tilespmem:v43+s23+$0x0] =	vst.idx.msk $0xffff, v26  }
0x138: {  	v26 =	vld.idx.msk [tilespmem:v44+s16+$0x0], $0xffff;
	_ =	sdelay $0x1  }
0x139: {  	v45 =	vor.u32 v12, v35  }
0x13a: {  	v46 =	vor.u32 v13, v61;
	_ =	sdelay $0x1  }
0x13b: {  	v26 =	vadd.f32 v26, v27;
	_ =	sdelay $0x1  }
0x13c: {  	[tilespmem:v45+s23+$0x0] =	vst.idx.msk $0xffff, v26  }
0x13d: {  	v26 =	vld.idx.msk [tilespmem:v46+s16+$0x0], $0xffff;
	_ =	sdelay $0x1  }
0x13e: {  	v47 =	vor.u32 v14, v35  }
0x13f: {  	v48 =	vor.u32 v15, v61;
	_ =	sdelay $0x1  }
0x140: {  	v26 =	vadd.f32 v26, v27;
	_ =	sdelay $0x1  }
0x141: {  	[tilespmem:v47+s23+$0x0] =	vst.idx.msk $0xffff, v26  }
0x142: {  	s8 =	sadd.s32 $0x1, s6;
	v28 =	vld.idx.msk [tilespmem:v48+s16+$0x0], $0xffff  }
0x143: {  	v26 =	vadd.s32 s8, v0  }
0x144: {  	v29 =	vor.u32 v16, v35;
	v30 =	vand.u32 $0xF, v26  }
0x145: {  	v49 =	vor.u32 v25, v30  }
0x146: {  	v50 =	vor.u32 v1, v30  }
0x147: {  	v27 =	vadd.f32 v28, v27;
	_ =	sdelay $0x1  }
0x148: {  	[tilespmem:v29+s23+$0x0] =	vst.idx.msk $0xffff, v27  }
0x149: {  	v27 =	vld.idx.msk [tilespmem:v49+s12+$0x0], $0xffff  }
0x14a: {  	v52 =	vshll.u32 v26, $0x7;
	v51 =	vld.idx.msk [tilespmem:v50+s16+$0x0], $0xffff  }
0x14b: {  	v53 =	vand.u32 $0x780, v52  }
0x14c: {  	v54 =	vor.u32 v0, v53  }
0x14d: {  	v55 =	vor.u32 v3, v30;
	_ =	sdelay $0x1  }
0x14e: {  	v28 =	vadd.f32 v51, v27;
	_ =	sdelay $0x1  }
0x14f: {  	[tilespmem:v54+s23+$0x0] =	vst.idx.msk $0xffff, v28  }
0x150: {  	v28 =	vld.idx.msk [tilespmem:v55+s16+$0x0], $0xffff;
	_ =	sdelay $0x1  }
0x151: {  	v56 =	vor.u32 v4, v53  }
0x152: {  	v57 =	vor.u32 v5, v30;
	_ =	sdelay $0x1  }
0x153: {  	v28 =	vadd.f32 v28, v27;
	_ =	sdelay $0x1  }
0x154: {  	[tilespmem:v56+s23+$0x0] =	vst.idx.msk $0xffff, v28  }
0x155: {  	v28 =	vld.idx.msk [tilespmem:v57+s16+$0x0], $0xffff;
	_ =	sdelay $0x1  }
0x156: {  	v58 =	vor.u32 v6, v53  }
0x157: {  	v59 =	vor.u32 v7, v30;
	_ =	sdelay $0x1  }
0x158: {  	v28 =	vadd.f32 v28, v27;
	_ =	sdelay $0x1  }
0x159: {  	[tilespmem:v58+s23+$0x0] =	vst.idx.msk $0xffff, v28  }
0x15a: {  	v28 =	vld.idx.msk [tilespmem:v59+s16+$0x0], $0xffff;
	_ =	sdelay $0x1  }
0x15b: {  	v60 =	vor.u32 v8, v53  }
0x15c: {  	v61 =	vor.u32 v9, v30;
	_ =	sdelay $0x1  }
0x15d: {  	v28 =	vadd.f32 v28, v27;
	_ =	sdelay $0x1  }
0x15e: {  	[tilespmem:v60+s23+$0x0] =	vst.idx.msk $0xffff, v28  }
0x15f: {  	v28 =	vld.idx.msk [tilespmem:v61+s16+$0x0], $0xffff;
	_ =	sdelay $0x1  }
0x160: {  	v62 =	vor.u32 v10, v53  }
0x161: {  	v63 =	vor.u32 v11, v30;
	_ =	sdelay $0x1  }
0x162: {  	v28 =	vadd.f32 v28, v27;
	_ =	sdelay $0x1  }
0x163: {  	[tilespmem:v62+s23+$0x0] =	vst.idx.msk $0xffff, v28  }
0x164: {  	v28 =	vld.idx.msk [tilespmem:v63+s16+$0x0], $0xffff;
	_ =	sdelay $0x1  }
0x165: {  	v36 =	vor.u32 v12, v53  }
0x166: {  	v37 =	vor.u32 v13, v30;
	_ =	sdelay $0x1  }
0x167: {  	v28 =	vadd.f32 v28, v27;
	_ =	sdelay $0x1  }
0x168: {  	[tilespmem:v36+s23+$0x0] =	vst.idx.msk $0xffff, v28  }
0x169: {  	v28 =	vld.idx.msk [tilespmem:v37+s16+$0x0], $0xffff;
	_ =	sdelay $0x1  }
0x16a: {  	v38 =	vor.u32 v14, v53  }
0x16b: {  	v39 =	vor.u32 v15, v30;
	_ =	sdelay $0x1  }
0x16c: {  	v28 =	vadd.f32 v28, v27;
	_ =	sdelay $0x1  }
0x16d: {  	[tilespmem:v38+s23+$0x0] =	vst.idx.msk $0xffff, v28  }
0x16e: {  	v28 =	vld.idx.msk [tilespmem:v39+s16+$0x0], $0xffff  }
0x16f: {  	v40 =	vor.u32 $0x10, v26  }
0x170: {  	v41 =	vand.u32 $0x1F, v40;
	v31 =	vor.u32 v16, v53  }
0x171: {  	v42 =	vor.u32 v25, v41  }
0x172: {  	v43 =	vor.u32 v1, v41  }
0x173: {  	v27 =	vadd.f32 v28, v27;
	_ =	sdelay $0x1  }
0x174: {  	[tilespmem:v31+s23+$0x0] =	vst.idx.msk $0xffff, v27  }
0x175: {  	v44 =	vshll.u32 v40, $0x7;
	v27 =	vld.idx.msk [tilespmem:v42+s12+$0x0], $0xffff  }
0x176: {  	v29 =	vand.u32 $0x380, v52;
	v28 =	vand.u32 $0xC00, v44;
	v31 =	vld.idx.msk [tilespmem:v43+s16+$0x0], $0xffff  }
0x177: {  	v28 =	vor.u32 v29, v28  }
0x178: {  	v45 =	vor.u32 v0, v28  }
0x179: {  	v46 =	vor.u32 v3, v41;
	_ =	sdelay $0x1  }
0x17a: {  	v31 =	vadd.f32 v31, v27;
	_ =	sdelay $0x1  }
0x17b: {  	[tilespmem:v45+s23+$0x0] =	vst.idx.msk $0xffff, v31  }
0x17c: {  	v31 =	vld.idx.msk [tilespmem:v46+s16+$0x0], $0xffff;
	_ =	sdelay $0x1  }
0x17d: {  	v47 =	vor.u32 v4, v28  }
0x17e: {  	v48 =	vor.u32 v5, v41;
	_ =	sdelay $0x1  }
0x17f: {  	v31 =	vadd.f32 v31, v27;
	_ =	sdelay $0x1  }
0x180: {  	[tilespmem:v47+s23+$0x0] =	vst.idx.msk $0xffff, v31  }
0x181: {  	v31 =	vld.idx.msk [tilespmem:v48+s16+$0x0], $0xffff;
	_ =	sdelay $0x1  }
0x182: {  	v49 =	vor.u32 v6, v28  }
0x183: {  	v50 =	vor.u32 v7, v41;
	_ =	sdelay $0x1  }
0x184: {  	v31 =	vadd.f32 v31, v27;
	_ =	sdelay $0x1  }
0x185: {  	[tilespmem:v49+s23+$0x0] =	vst.idx.msk $0xffff, v31  }
0x186: {  	v31 =	vld.idx.msk [tilespmem:v50+s16+$0x0], $0xffff;
	_ =	sdelay $0x1  }
0x187: {  	v51 =	vor.u32 v8, v28  }
0x188: {  	v52 =	vor.u32 v9, v41;
	_ =	sdelay $0x1  }
0x189: {  	v31 =	vadd.f32 v31, v27;
	_ =	sdelay $0x1  }
0x18a: {  	[tilespmem:v51+s23+$0x0] =	vst.idx.msk $0xffff, v31  }
0x18b: {  	v31 =	vld.idx.msk [tilespmem:v52+s16+$0x0], $0xffff;
	_ =	sdelay $0x1  }
0x18c: {  	v53 =	vor.u32 v10, v28  }
0x18d: {  	v54 =	vor.u32 v11, v41;
	_ =	sdelay $0x1  }
0x18e: {  	v31 =	vadd.f32 v31, v27;
	_ =	sdelay $0x1  }
0x18f: {  	[tilespmem:v53+s23+$0x0] =	vst.idx.msk $0xffff, v31  }
0x190: {  	v31 =	vld.idx.msk [tilespmem:v54+s16+$0x0], $0xffff;
	_ =	sdelay $0x1  }
0x191: {  	v55 =	vor.u32 v12, v28  }
0x192: {  	v56 =	vor.u32 v13, v41;
	_ =	sdelay $0x1  }
0x193: {  	v31 =	vadd.f32 v31, v27;
	_ =	sdelay $0x1  }
0x194: {  	[tilespmem:v55+s23+$0x0] =	vst.idx.msk $0xffff, v31  }
0x195: {  	v31 =	vld.idx.msk [tilespmem:v56+s16+$0x0], $0xffff;
	_ =	sdelay $0x1  }
0x196: {  	v57 =	vor.u32 v14, v28  }
0x197: {  	v33 =	vor.u32 v15, v41;
	_ =	sdelay $0x1  }
0x198: {  	v31 =	vadd.f32 v31, v27;
	_ =	sdelay $0x1  }
0x199: {  	[tilespmem:v57+s23+$0x0] =	vst.idx.msk $0xffff, v31  }
0x19a: {  	v30 =	vor.u32 $0x20, v30;
	v31 =	vld.idx.msk [tilespmem:v33+s16+$0x0], $0xffff  }
0x19b: {  	v58 =	vand.u32 $0x7, v26;
	v59 =	vand.u32 $0x28, v30  }
0x19c: {  	v32 =	vor.u32 v58, v59;
	v28 =	vor.u32 v16, v28  }
0x19d: {  	v33 =	vor.u32 v25, v32  }
0x19e: {  	v60 =	vor.u32 v1, v32  }
0x19f: {  	v27 =	vadd.f32 v31, v27;
	_ =	sdelay $0x1  }
0x1a0: {  	[tilespmem:v28+s23+$0x0] =	vst.idx.msk $0xffff, v27  }
0x1a1: {  	v61 =	vshll.u32 v30, $0x7;
	v27 =	vld.idx.msk [tilespmem:v33+s12+$0x0], $0xffff  }
0x1a2: {  	v28 =	vand.u32 $0x1400, v61;
	v62 =	vld.idx.msk [tilespmem:v60+s16+$0x0], $0xffff  }
0x1a3: {  	v28 =	vor.u32 v29, v28  }
0x1a4: {  	v63 =	vor.u32 v0, v28  }
0x1a5: {  	v36 =	vor.u32 v3, v32;
	_ =	sdelay $0x1  }
0x1a6: {  	v30 =	vadd.f32 v62, v27;
	_ =	sdelay $0x1  }
0x1a7: {  	[tilespmem:v63+s23+$0x0] =	vst.idx.msk $0xffff, v30  }
0x1a8: {  	v30 =	vld.idx.msk [tilespmem:v36+s16+$0x0], $0xffff;
	_ =	sdelay $0x1  }
0x1a9: {  	v37 =	vor.u32 v4, v28  }
0x1aa: {  	v38 =	vor.u32 v5, v32;
	_ =	sdelay $0x1  }
0x1ab: {  	v30 =	vadd.f32 v30, v27;
	_ =	sdelay $0x1  }
0x1ac: {  	[tilespmem:v37+s23+$0x0] =	vst.idx.msk $0xffff, v30  }
0x1ad: {  	v30 =	vld.idx.msk [tilespmem:v38+s16+$0x0], $0xffff;
	_ =	sdelay $0x1  }
0x1ae: {  	v39 =	vor.u32 v6, v28  }
0x1af: {  	v40 =	vor.u32 v7, v32;
	_ =	sdelay $0x1  }
0x1b0: {  	v30 =	vadd.f32 v30, v27;
	_ =	sdelay $0x1  }
0x1b1: {  	[tilespmem:v39+s23+$0x0] =	vst.idx.msk $0xffff, v30  }
0x1b2: {  	v30 =	vld.idx.msk [tilespmem:v40+s16+$0x0], $0xffff;
	_ =	sdelay $0x1  }
0x1b3: {  	v41 =	vor.u32 v8, v28  }
0x1b4: {  	v42 =	vor.u32 v9, v32;
	_ =	sdelay $0x1  }
0x1b5: {  	v30 =	vadd.f32 v30, v27;
	_ =	sdelay $0x1  }
0x1b6: {  	[tilespmem:v41+s23+$0x0] =	vst.idx.msk $0xffff, v30  }
0x1b7: {  	v30 =	vld.idx.msk [tilespmem:v42+s16+$0x0], $0xffff;
	_ =	sdelay $0x1  }
0x1b8: {  	v43 =	vor.u32 v10, v28  }
0x1b9: {  	v44 =	vor.u32 v11, v32;
	_ =	sdelay $0x1  }
0x1ba: {  	v30 =	vadd.f32 v30, v27;
	_ =	sdelay $0x1  }
0x1bb: {  	[tilespmem:v43+s23+$0x0] =	vst.idx.msk $0xffff, v30  }
0x1bc: {  	v30 =	vld.idx.msk [tilespmem:v44+s16+$0x0], $0xffff;
	_ =	sdelay $0x1  }
0x1bd: {  	v45 =	vor.u32 v12, v28  }
0x1be: {  	v46 =	vor.u32 v13, v32;
	_ =	sdelay $0x1  }
0x1bf: {  	v30 =	vadd.f32 v30, v27;
	_ =	sdelay $0x1  }
0x1c0: {  	[tilespmem:v45+s23+$0x0] =	vst.idx.msk $0xffff, v30  }
0x1c1: {  	v30 =	vld.idx.msk [tilespmem:v46+s16+$0x0], $0xffff;
	_ =	sdelay $0x1  }
0x1c2: {  	v47 =	vor.u32 v14, v28  }
0x1c3: {  	v32 =	vor.u32 v15, v32;
	_ =	sdelay $0x1  }
0x1c4: {  	v30 =	vadd.f32 v30, v27;
	_ =	sdelay $0x1  }
0x1c5: {  	[tilespmem:v47+s23+$0x0] =	vst.idx.msk $0xffff, v30  }
0x1c6: {  	v30 =	vld.idx.msk [tilespmem:v32+s16+$0x0], $0xffff  }
0x1c7: {  	v26 =	vor.u32 $0x30, v26  }
0x1c8: {  	v48 =	vand.u32 $0x3F, v26;
	v28 =	vor.u32 v16, v28  }
0x1c9: {  	v49 =	vor.u32 v25, v48  }
0x1ca: {  	v50 =	vor.u32 v1, v48  }
0x1cb: {  	v27 =	vadd.f32 v30, v27;
	_ =	sdelay $0x1  }
0x1cc: {  	[tilespmem:v28+s23+$0x0] =	vst.idx.msk $0xffff, v27  }
0x1cd: {  	v26 =	vshll.u32 v26, $0x7;
	v27 =	vld.idx.msk [tilespmem:v49+s12+$0x0], $0xffff  }
0x1ce: {  	v26 =	vand.u32 $0x1C00, v26;
	v28 =	vld.idx.msk [tilespmem:v50+s16+$0x0], $0xffff  }
0x1cf: {  	v26 =	vor.u32 v29, v26  }
0x1d0: {  	v29 =	vor.u32 v0, v26  }
0x1d1: {  	v51 =	vor.u32 v3, v48;
	_ =	sdelay $0x1  }
0x1d2: {  	v28 =	vadd.f32 v28, v27;
	_ =	sdelay $0x1  }
0x1d3: {  	[tilespmem:v29+s23+$0x0] =	vst.idx.msk $0xffff, v28  }
0x1d4: {  	v28 =	vld.idx.msk [tilespmem:v51+s16+$0x0], $0xffff;
	_ =	sdelay $0x1  }
0x1d5: {  	v52 =	vor.u32 v4, v26  }
0x1d6: {  	v53 =	vor.u32 v5, v48;
	_ =	sdelay $0x1  }
0x1d7: {  	v28 =	vadd.f32 v28, v27;
	_ =	sdelay $0x1  }
0x1d8: {  	[tilespmem:v52+s23+$0x0] =	vst.idx.msk $0xffff, v28  }
0x1d9: {  	v28 =	vld.idx.msk [tilespmem:v53+s16+$0x0], $0xffff;
	_ =	sdelay $0x1  }
0x1da: {  	v54 =	vor.u32 v6, v26  }
0x1db: {  	v55 =	vor.u32 v7, v48;
	_ =	sdelay $0x1  }
0x1dc: {  	v28 =	vadd.f32 v28, v27;
	_ =	sdelay $0x1  }
0x1dd: {  	[tilespmem:v54+s23+$0x0] =	vst.idx.msk $0xffff, v28  }
0x1de: {  	v28 =	vld.idx.msk [tilespmem:v55+s16+$0x0], $0xffff;
	_ =	sdelay $0x1  }
0x1df: {  	v56 =	vor.u32 v8, v26  }
0x1e0: {  	v57 =	vor.u32 v9, v48;
	_ =	sdelay $0x1  }
0x1e1: {  	v28 =	vadd.f32 v28, v27;
	_ =	sdelay $0x1  }
0x1e2: {  	[tilespmem:v56+s23+$0x0] =	vst.idx.msk $0xffff, v28  }
0x1e3: {  	v28 =	vld.idx.msk [tilespmem:v57+s16+$0x0], $0xffff;
	_ =	sdelay $0x1  }
0x1e4: {  	v58 =	vor.u32 v10, v26  }
0x1e5: {  	v59 =	vor.u32 v11, v48;
	_ =	sdelay $0x1  }
0x1e6: {  	v28 =	vadd.f32 v28, v27;
	_ =	sdelay $0x1  }
0x1e7: {  	[tilespmem:v58+s23+$0x0] =	vst.idx.msk $0xffff, v28  }
0x1e8: {  	v28 =	vld.idx.msk [tilespmem:v59+s16+$0x0], $0xffff;
	_ =	sdelay $0x1  }
0x1e9: {  	v60 =	vor.u32 v12, v26  }
0x1ea: {  	v61 =	vor.u32 v13, v48;
	_ =	sdelay $0x1  }
0x1eb: {  	v28 =	vadd.f32 v28, v27;
	_ =	sdelay $0x1  }
0x1ec: {  	[tilespmem:v60+s23+$0x0] =	vst.idx.msk $0xffff, v28  }
0x1ed: {  	v28 =	vld.idx.msk [tilespmem:v61+s16+$0x0], $0xffff;
	_ =	sdelay $0x1  }
0x1ee: {  	v62 =	vor.u32 v14, v26  }
0x1ef: {  	v63 =	vor.u32 v15, v48;
	_ =	sdelay $0x1  }
0x1f0: {  	v28 =	vadd.f32 v28, v27;
	_ =	sdelay $0x1  }
0x1f1: {  	[tilespmem:v62+s23+$0x0] =	vst.idx.msk $0xffff, v28  }
0x1f2: {  	v28 =	vld.idx.msk [tilespmem:v63+s16+$0x0], $0xffff;
	_ =	sdelay $0x1  }
0x1f3: {  	p0 =	slt.u32 s6, $0xE;
	v26 =	vor.u32 v16, v26  }
.Ltmp4:
0x1f4: {  	_ = 	snop;
	(pc) =	sbr.rel @p0 .LBB2_11-.Ltmp4, $3  }
0x1f5: {  	_ = 	snop  }
0x1f6: {  	v27 =	vadd.f32 v28, v27;
	_ =	sdelay $0x1  }
0x1f7: {  	s6 =	sadd.s32 $0x2, s6;
	[tilespmem:v26+s23+$0x0] =	vst.idx.msk $0xffff, v27  }
0x1f8: {  	s6 =	sshll.u32 s20, $0x14  }
0x1f9: {  	s6 =	sor.u32 s10, s6  }
0x1fa: {  	p0 =	seq.s32 s20, $0x31;
	s6 =	sshrl.u32 s6, $0x3  }
0x1fb: {  	p1 =	seq.s32 @!p0 s20, $0x0;
	s6 =	sadd.s32 s2, s6  }
0x1fc: {  	[hbm4b:s6+s24] =	stream.strided.scatter [tilespmem:s23], [sflag:$0x5], $0x2000, s25, s24, $0x38;
	[tilespmem:$0x1AF00] =	vst v63  }
0x1fd: {  	s9 =	simm.s32 @!p0 $0x80;
	s6 =	sshll.u32 @!p0 s20, $0x9;
	_ =	swait.ge [sflag:s26], $0x2000  }
0x1fe: {  	s11 =	simm.s32 @!p0 $0xAF00;
	s6 =	sand.u32 @!p0 $0x3FFFFE00, s6;
	[sflag:s26] =	ssyncset.done $0x0  }
0x1ff: {  	p1 =	por p0, !p1;
	s8 =	sadd.s32 @!p0 $0x1B00, s6;
	[sflag:s26] =	ssyncadd.s32 $0xFFFFE000  }
0x200: {  	[tilespmem:s11], [sflag:$0x1] =	stream.indirect.gather @!p0 [hbm4b:s4+s9], $0x40, s8, s9, $0xb8;
	[tilespmem:$0x1AF00] =	vst v63  }
0x201: {  	s8 =	sor.u32 $0x1, s7;
	_ =	swait.ge @p1 [sflag:s15], $0x2000  }
0x202: {  	s11 =	sshll.u32 s8, $0x6;
	[sflag:s15] =	ssyncset.done @p1 $0x0  }
0x203: {  	s9 =	simm.s32 $0x0;
	v25 =	vmov s11;
	[sflag:s15] =	ssyncadd.s32 @p1 $0xFFFFE000  }
.LBB2_13:
0x204: {  	v27 =	vadd.s32 s9, v0  }
0x205: {  	v28 =	vand.u32 $0xF, v27  }
0x206: {  	v26 =	vor.u32 v25, v28  }
0x207: {  	v29 =	vor.u32 v17, v28;
	_ =	sdelay $0x2  }
0x208: {  	v30 =	vshll.u32 v27, $0x7  }
0x209: {  	v31 =	vld.idx.msk [tilespmem:v26+s12+$0x0], $0xffff;
	v26 =	vand.u32 $0x380, v30  }
0x20a: {  	v29 =	vld.idx.msk [tilespmem:v29+s16+$0x0], $0xffff;
	v30 =	vand.u32 $0x400, v30;
	v26 =	vor.u32 $0x2000, v26  }
0x20b: {  	v30 =	vor.u32 v30, v26  }
0x20c: {  	v32 =	vor.u32 v0, v30  }
0x20d: {  	v33 =	vor.u32 v18, v28;
	_ =	sdelay $0x1  }
0x20e: {  	v29 =	vadd.f32 v29, v31;
	_ =	sdelay $0x1  }
0x20f: {  	[tilespmem:v32+s23+$0x0] =	vst.idx.msk $0xffff, v29  }
0x210: {  	v29 =	vld.idx.msk [tilespmem:v33+s16+$0x0], $0xffff;
	_ =	sdelay $0x1  }
0x211: {  	v44 =	vor.u32 v4, v30  }
0x212: {  	v45 =	vor.u32 v19, v28;
	_ =	sdelay $0x1  }
0x213: {  	v29 =	vadd.f32 v29, v31;
	_ =	sdelay $0x1  }
0x214: {  	[tilespmem:v44+s23+$0x0] =	vst.idx.msk $0xffff, v29  }
0x215: {  	v29 =	vld.idx.msk [tilespmem:v45+s16+$0x0], $0xffff;
	_ =	sdelay $0x1  }
0x216: {  	v46 =	vor.u32 v6, v30  }
0x217: {  	v47 =	vor.u32 v20, v28;
	_ =	sdelay $0x1  }
0x218: {  	v29 =	vadd.f32 v29, v31;
	_ =	sdelay $0x1  }
0x219: {  	[tilespmem:v46+s23+$0x0] =	vst.idx.msk $0xffff, v29  }
0x21a: {  	v29 =	vld.idx.msk [tilespmem:v47+s16+$0x0], $0xffff;
	_ =	sdelay $0x1  }
0x21b: {  	v48 =	vor.u32 v8, v30  }
0x21c: {  	v49 =	vor.u32 v21, v28;
	_ =	sdelay $0x1  }
0x21d: {  	v29 =	vadd.f32 v29, v31;
	_ =	sdelay $0x1  }
0x21e: {  	[tilespmem:v48+s23+$0x0] =	vst.idx.msk $0xffff, v29  }
0x21f: {  	v29 =	vld.idx.msk [tilespmem:v49+s16+$0x0], $0xffff;
	_ =	sdelay $0x1  }
0x220: {  	v50 =	vor.u32 v10, v30  }
0x221: {  	v51 =	vor.u32 v22, v28;
	_ =	sdelay $0x1  }
0x222: {  	v29 =	vadd.f32 v29, v31;
	_ =	sdelay $0x1  }
0x223: {  	[tilespmem:v50+s23+$0x0] =	vst.idx.msk $0xffff, v29  }
0x224: {  	v29 =	vld.idx.msk [tilespmem:v51+s16+$0x0], $0xffff;
	_ =	sdelay $0x1  }
0x225: {  	v52 =	vor.u32 v12, v30  }
0x226: {  	v53 =	vor.u32 v23, v28;
	_ =	sdelay $0x1  }
0x227: {  	v29 =	vadd.f32 v29, v31;
	_ =	sdelay $0x1  }
0x228: {  	[tilespmem:v52+s23+$0x0] =	vst.idx.msk $0xffff, v29  }
0x229: {  	v29 =	vld.idx.msk [tilespmem:v53+s16+$0x0], $0xffff;
	_ =	sdelay $0x1  }
0x22a: {  	v54 =	vor.u32 v14, v30  }
0x22b: {  	v55 =	vor.u32 v24, v28;
	_ =	sdelay $0x1  }
0x22c: {  	v29 =	vadd.f32 v29, v31;
	_ =	sdelay $0x1  }
0x22d: {  	[tilespmem:v54+s23+$0x0] =	vst.idx.msk $0xffff, v29  }
0x22e: {  	v29 =	vld.idx.msk [tilespmem:v55+s16+$0x0], $0xffff  }
0x22f: {  	v56 =	vor.u32 $0x10, v27  }
0x230: {  	v57 =	vand.u32 $0x1F, v56;
	v30 =	vor.u32 v16, v30  }
0x231: {  	v34 =	vor.u32 v25, v57  }
0x232: {  	v35 =	vor.u32 v17, v57  }
0x233: {  	v29 =	vadd.f32 v29, v31;
	_ =	sdelay $0x1  }
0x234: {  	[tilespmem:v30+s23+$0x0] =	vst.idx.msk $0xffff, v29  }
0x235: {  	v58 =	vshll.u32 v56, $0x7;
	v29 =	vld.idx.msk [tilespmem:v34+s12+$0x0], $0xffff  }
0x236: {  	v30 =	vand.u32 $0xC00, v58;
	v59 =	vld.idx.msk [tilespmem:v35+s16+$0x0], $0xffff  }
0x237: {  	v30 =	vor.u32 v30, v26  }
0x238: {  	v60 =	vor.u32 v0, v30  }
0x239: {  	v61 =	vor.u32 v18, v57;
	_ =	sdelay $0x1  }
0x23a: {  	v31 =	vadd.f32 v59, v29;
	_ =	sdelay $0x1  }
0x23b: {  	[tilespmem:v60+s23+$0x0] =	vst.idx.msk $0xffff, v31  }
0x23c: {  	v31 =	vld.idx.msk [tilespmem:v61+s16+$0x0], $0xffff;
	_ =	sdelay $0x1  }
0x23d: {  	v62 =	vor.u32 v4, v30  }
0x23e: {  	v63 =	vor.u32 v19, v57;
	_ =	sdelay $0x1  }
0x23f: {  	v31 =	vadd.f32 v31, v29;
	_ =	sdelay $0x1  }
0x240: {  	[tilespmem:v62+s23+$0x0] =	vst.idx.msk $0xffff, v31  }
0x241: {  	v31 =	vld.idx.msk [tilespmem:v63+s16+$0x0], $0xffff;
	_ =	sdelay $0x1  }
0x242: {  	v36 =	vor.u32 v6, v30  }
0x243: {  	v37 =	vor.u32 v20, v57;
	_ =	sdelay $0x1  }
0x244: {  	v31 =	vadd.f32 v31, v29;
	_ =	sdelay $0x1  }
0x245: {  	[tilespmem:v36+s23+$0x0] =	vst.idx.msk $0xffff, v31  }
0x246: {  	v31 =	vld.idx.msk [tilespmem:v37+s16+$0x0], $0xffff;
	_ =	sdelay $0x1  }
0x247: {  	v38 =	vor.u32 v8, v30  }
0x248: {  	v39 =	vor.u32 v21, v57;
	_ =	sdelay $0x1  }
0x249: {  	v31 =	vadd.f32 v31, v29;
	_ =	sdelay $0x1  }
0x24a: {  	[tilespmem:v38+s23+$0x0] =	vst.idx.msk $0xffff, v31  }
0x24b: {  	v31 =	vld.idx.msk [tilespmem:v39+s16+$0x0], $0xffff;
	_ =	sdelay $0x1  }
0x24c: {  	v40 =	vor.u32 v10, v30  }
0x24d: {  	v41 =	vor.u32 v22, v57;
	_ =	sdelay $0x1  }
0x24e: {  	v31 =	vadd.f32 v31, v29;
	_ =	sdelay $0x1  }
0x24f: {  	[tilespmem:v40+s23+$0x0] =	vst.idx.msk $0xffff, v31  }
0x250: {  	v31 =	vld.idx.msk [tilespmem:v41+s16+$0x0], $0xffff;
	_ =	sdelay $0x1  }
0x251: {  	v42 =	vor.u32 v12, v30  }
0x252: {  	v43 =	vor.u32 v23, v57;
	_ =	sdelay $0x1  }
0x253: {  	v31 =	vadd.f32 v31, v29;
	_ =	sdelay $0x1  }
0x254: {  	[tilespmem:v42+s23+$0x0] =	vst.idx.msk $0xffff, v31  }
0x255: {  	v31 =	vld.idx.msk [tilespmem:v43+s16+$0x0], $0xffff;
	_ =	sdelay $0x1  }
0x256: {  	v44 =	vor.u32 v14, v30  }
0x257: {  	v33 =	vor.u32 v24, v57;
	_ =	sdelay $0x1  }
0x258: {  	v31 =	vadd.f32 v31, v29;
	_ =	sdelay $0x1  }
0x259: {  	[tilespmem:v44+s23+$0x0] =	vst.idx.msk $0xffff, v31  }
0x25a: {  	v28 =	vor.u32 $0x20, v28;
	v31 =	vld.idx.msk [tilespmem:v33+s16+$0x0], $0xffff  }
0x25b: {  	v45 =	vand.u32 $0x7, v27;
	v46 =	vand.u32 $0x28, v28  }
0x25c: {  	v32 =	vor.u32 v45, v46;
	v30 =	vor.u32 v16, v30  }
0x25d: {  	v33 =	vor.u32 v25, v32  }
0x25e: {  	v47 =	vor.u32 v17, v32  }
0x25f: {  	v29 =	vadd.f32 v31, v29;
	_ =	sdelay $0x1  }
0x260: {  	[tilespmem:v30+s23+$0x0] =	vst.idx.msk $0xffff, v29  }
0x261: {  	v28 =	vshll.u32 v28, $0x7;
	v29 =	vld.idx.msk [tilespmem:v33+s12+$0x0], $0xffff  }
0x262: {  	v28 =	vand.u32 $0x1400, v28;
	v30 =	vld.idx.msk [tilespmem:v47+s16+$0x0], $0xffff  }
0x263: {  	v28 =	vor.u32 v28, v26  }
0x264: {  	v48 =	vor.u32 v0, v28  }
0x265: {  	v49 =	vor.u32 v18, v32;
	_ =	sdelay $0x1  }
0x266: {  	v30 =	vadd.f32 v30, v29;
	_ =	sdelay $0x1  }
0x267: {  	[tilespmem:v48+s23+$0x0] =	vst.idx.msk $0xffff, v30  }
0x268: {  	v30 =	vld.idx.msk [tilespmem:v49+s16+$0x0], $0xffff;
	_ =	sdelay $0x1  }
0x269: {  	v50 =	vor.u32 v4, v28  }
0x26a: {  	v51 =	vor.u32 v19, v32;
	_ =	sdelay $0x1  }
0x26b: {  	v30 =	vadd.f32 v30, v29;
	_ =	sdelay $0x1  }
0x26c: {  	[tilespmem:v50+s23+$0x0] =	vst.idx.msk $0xffff, v30  }
0x26d: {  	v30 =	vld.idx.msk [tilespmem:v51+s16+$0x0], $0xffff;
	_ =	sdelay $0x1  }
0x26e: {  	v52 =	vor.u32 v6, v28  }
0x26f: {  	v53 =	vor.u32 v20, v32;
	_ =	sdelay $0x1  }
0x270: {  	v30 =	vadd.f32 v30, v29;
	_ =	sdelay $0x1  }
0x271: {  	[tilespmem:v52+s23+$0x0] =	vst.idx.msk $0xffff, v30  }
0x272: {  	v30 =	vld.idx.msk [tilespmem:v53+s16+$0x0], $0xffff;
	_ =	sdelay $0x1  }
0x273: {  	v54 =	vor.u32 v8, v28  }
0x274: {  	v55 =	vor.u32 v21, v32;
	_ =	sdelay $0x1  }
0x275: {  	v30 =	vadd.f32 v30, v29;
	_ =	sdelay $0x1  }
0x276: {  	[tilespmem:v54+s23+$0x0] =	vst.idx.msk $0xffff, v30  }
0x277: {  	v30 =	vld.idx.msk [tilespmem:v55+s16+$0x0], $0xffff;
	_ =	sdelay $0x1  }
0x278: {  	v56 =	vor.u32 v10, v28  }
0x279: {  	v57 =	vor.u32 v22, v32;
	_ =	sdelay $0x1  }
0x27a: {  	v30 =	vadd.f32 v30, v29;
	_ =	sdelay $0x1  }
0x27b: {  	[tilespmem:v56+s23+$0x0] =	vst.idx.msk $0xffff, v30  }
0x27c: {  	v30 =	vld.idx.msk [tilespmem:v57+s16+$0x0], $0xffff;
	_ =	sdelay $0x1  }
0x27d: {  	v58 =	vor.u32 v12, v28  }
0x27e: {  	v59 =	vor.u32 v23, v32;
	_ =	sdelay $0x1  }
0x27f: {  	v30 =	vadd.f32 v30, v29;
	_ =	sdelay $0x1  }
0x280: {  	[tilespmem:v58+s23+$0x0] =	vst.idx.msk $0xffff, v30  }
0x281: {  	v30 =	vld.idx.msk [tilespmem:v59+s16+$0x0], $0xffff;
	_ =	sdelay $0x1  }
0x282: {  	v60 =	vor.u32 v14, v28  }
0x283: {  	v32 =	vor.u32 v24, v32;
	_ =	sdelay $0x1  }
0x284: {  	v30 =	vadd.f32 v30, v29;
	_ =	sdelay $0x1  }
0x285: {  	[tilespmem:v60+s23+$0x0] =	vst.idx.msk $0xffff, v30  }
0x286: {  	v30 =	vld.idx.msk [tilespmem:v32+s16+$0x0], $0xffff  }
0x287: {  	v27 =	vor.u32 $0x30, v27  }
0x288: {  	v28 =	vor.u32 v16, v28;
	v61 =	vand.u32 $0x3F, v27  }
0x289: {  	v62 =	vor.u32 v25, v61  }
0x28a: {  	v63 =	vor.u32 v17, v61  }
0x28b: {  	v29 =	vadd.f32 v30, v29;
	_ =	sdelay $0x1  }
0x28c: {  	[tilespmem:v28+s23+$0x0] =	vst.idx.msk $0xffff, v29  }
0x28d: {  	v27 =	vshll.u32 v27, $0x7;
	v28 =	vld.idx.msk [tilespmem:v62+s12+$0x0], $0xffff  }
0x28e: {  	v27 =	vand.u32 $0x1C00, v27;
	v29 =	vld.idx.msk [tilespmem:v63+s16+$0x0], $0xffff  }
0x28f: {  	v27 =	vor.u32 v27, v26  }
0x290: {  	v26 =	vor.u32 v0, v27  }
0x291: {  	v36 =	vor.u32 v18, v61;
	_ =	sdelay $0x1  }
0x292: {  	v29 =	vadd.f32 v29, v28;
	_ =	sdelay $0x1  }
0x293: {  	[tilespmem:v26+s23+$0x0] =	vst.idx.msk $0xffff, v29  }
0x294: {  	v26 =	vld.idx.msk [tilespmem:v36+s16+$0x0], $0xffff;
	_ =	sdelay $0x1  }
0x295: {  	v37 =	vor.u32 v4, v27  }
0x296: {  	v38 =	vor.u32 v19, v61;
	_ =	sdelay $0x1  }
0x297: {  	v26 =	vadd.f32 v26, v28;
	_ =	sdelay $0x1  }
0x298: {  	[tilespmem:v37+s23+$0x0] =	vst.idx.msk $0xffff, v26  }
0x299: {  	v26 =	vld.idx.msk [tilespmem:v38+s16+$0x0], $0xffff;
	_ =	sdelay $0x1  }
0x29a: {  	v39 =	vor.u32 v6, v27  }
0x29b: {  	v40 =	vor.u32 v20, v61;
	_ =	sdelay $0x1  }
0x29c: {  	v26 =	vadd.f32 v26, v28;
	_ =	sdelay $0x1  }
0x29d: {  	[tilespmem:v39+s23+$0x0] =	vst.idx.msk $0xffff, v26  }
0x29e: {  	v26 =	vld.idx.msk [tilespmem:v40+s16+$0x0], $0xffff;
	_ =	sdelay $0x1  }
0x29f: {  	v41 =	vor.u32 v8, v27  }
0x2a0: {  	v42 =	vor.u32 v21, v61;
	_ =	sdelay $0x1  }
0x2a1: {  	v26 =	vadd.f32 v26, v28;
	_ =	sdelay $0x1  }
0x2a2: {  	[tilespmem:v41+s23+$0x0] =	vst.idx.msk $0xffff, v26  }
0x2a3: {  	v26 =	vld.idx.msk [tilespmem:v42+s16+$0x0], $0xffff;
	_ =	sdelay $0x1  }
0x2a4: {  	v43 =	vor.u32 v10, v27  }
0x2a5: {  	v44 =	vor.u32 v22, v61;
	_ =	sdelay $0x1  }
0x2a6: {  	v26 =	vadd.f32 v26, v28;
	_ =	sdelay $0x1  }
0x2a7: {  	[tilespmem:v43+s23+$0x0] =	vst.idx.msk $0xffff, v26  }
0x2a8: {  	v26 =	vld.idx.msk [tilespmem:v44+s16+$0x0], $0xffff;
	_ =	sdelay $0x1  }
0x2a9: {  	v45 =	vor.u32 v12, v27  }
0x2aa: {  	v46 =	vor.u32 v23, v61;
	_ =	sdelay $0x1  }
0x2ab: {  	v26 =	vadd.f32 v26, v28;
	_ =	sdelay $0x1  }
0x2ac: {  	[tilespmem:v45+s23+$0x0] =	vst.idx.msk $0xffff, v26  }
0x2ad: {  	v26 =	vld.idx.msk [tilespmem:v46+s16+$0x0], $0xffff;
	_ =	sdelay $0x1  }
0x2ae: {  	v47 =	vor.u32 v14, v27  }
0x2af: {  	v48 =	vor.u32 v24, v61;
	_ =	sdelay $0x1  }
0x2b0: {  	v26 =	vadd.f32 v26, v28;
	_ =	sdelay $0x1  }
0x2b1: {  	[tilespmem:v47+s23+$0x0] =	vst.idx.msk $0xffff, v26  }
0x2b2: {  	s11 =	sadd.s32 $0x1, s9;
	v29 =	vld.idx.msk [tilespmem:v48+s16+$0x0], $0xffff  }
0x2b3: {  	v26 =	vadd.s32 s11, v0  }
0x2b4: {  	v27 =	vor.u32 v16, v27;
	v30 =	vand.u32 $0xF, v26  }
0x2b5: {  	v49 =	vor.u32 v25, v30  }
0x2b6: {  	v50 =	vor.u32 v17, v30  }
0x2b7: {  	v28 =	vadd.f32 v29, v28;
	_ =	sdelay $0x1  }
0x2b8: {  	[tilespmem:v27+s23+$0x0] =	vst.idx.msk $0xffff, v28;
	v27 =	vshll.u32 v26, $0x7  }
0x2b9: {  	v28 =	vld.idx.msk [tilespmem:v49+s12+$0x0], $0xffff;
	v51 =	vand.u32 $0x380, v27  }
0x2ba: {  	v52 =	vld.idx.msk [tilespmem:v50+s16+$0x0], $0xffff;
	v53 =	vand.u32 $0x400, v27;
	v27 =	vor.u32 $0x2000, v51  }
0x2bb: {  	v29 =	vor.u32 v53, v27  }
0x2bc: {  	v32 =	vor.u32 v0, v29  }
0x2bd: {  	v54 =	vor.u32 v18, v30;
	_ =	sdelay $0x1  }
0x2be: {  	v31 =	vadd.f32 v52, v28;
	_ =	sdelay $0x1  }
0x2bf: {  	[tilespmem:v32+s23+$0x0] =	vst.idx.msk $0xffff, v31  }
0x2c0: {  	v31 =	vld.idx.msk [tilespmem:v54+s16+$0x0], $0xffff;
	_ =	sdelay $0x1  }
0x2c1: {  	v55 =	vor.u32 v4, v29  }
0x2c2: {  	v56 =	vor.u32 v19, v30;
	_ =	sdelay $0x1  }
0x2c3: {  	v31 =	vadd.f32 v31, v28;
	_ =	sdelay $0x1  }
0x2c4: {  	[tilespmem:v55+s23+$0x0] =	vst.idx.msk $0xffff, v31  }
0x2c5: {  	v31 =	vld.idx.msk [tilespmem:v56+s16+$0x0], $0xffff;
	_ =	sdelay $0x1  }
0x2c6: {  	v57 =	vor.u32 v6, v29  }
0x2c7: {  	v58 =	vor.u32 v20, v30;
	_ =	sdelay $0x1  }
0x2c8: {  	v31 =	vadd.f32 v31, v28;
	_ =	sdelay $0x1  }
0x2c9: {  	[tilespmem:v57+s23+$0x0] =	vst.idx.msk $0xffff, v31  }
0x2ca: {  	v31 =	vld.idx.msk [tilespmem:v58+s16+$0x0], $0xffff;
	_ =	sdelay $0x1  }
0x2cb: {  	v59 =	vor.u32 v8, v29  }
0x2cc: {  	v60 =	vor.u32 v21, v30;
	_ =	sdelay $0x1  }
0x2cd: {  	v31 =	vadd.f32 v31, v28;
	_ =	sdelay $0x1  }
0x2ce: {  	[tilespmem:v59+s23+$0x0] =	vst.idx.msk $0xffff, v31  }
0x2cf: {  	v31 =	vld.idx.msk [tilespmem:v60+s16+$0x0], $0xffff;
	_ =	sdelay $0x1  }
0x2d0: {  	v61 =	vor.u32 v10, v29  }
0x2d1: {  	v62 =	vor.u32 v22, v30;
	_ =	sdelay $0x1  }
0x2d2: {  	v31 =	vadd.f32 v31, v28;
	_ =	sdelay $0x1  }
0x2d3: {  	[tilespmem:v61+s23+$0x0] =	vst.idx.msk $0xffff, v31  }
0x2d4: {  	v31 =	vld.idx.msk [tilespmem:v62+s16+$0x0], $0xffff;
	_ =	sdelay $0x1  }
0x2d5: {  	v63 =	vor.u32 v12, v29  }
0x2d6: {  	v36 =	vor.u32 v23, v30;
	_ =	sdelay $0x1  }
0x2d7: {  	v31 =	vadd.f32 v31, v28;
	_ =	sdelay $0x1  }
0x2d8: {  	[tilespmem:v63+s23+$0x0] =	vst.idx.msk $0xffff, v31  }
0x2d9: {  	v31 =	vld.idx.msk [tilespmem:v36+s16+$0x0], $0xffff;
	_ =	sdelay $0x1  }
0x2da: {  	v37 =	vor.u32 v14, v29  }
0x2db: {  	v38 =	vor.u32 v24, v30;
	_ =	sdelay $0x1  }
0x2dc: {  	v31 =	vadd.f32 v31, v28;
	_ =	sdelay $0x1  }
0x2dd: {  	[tilespmem:v37+s23+$0x0] =	vst.idx.msk $0xffff, v31  }
0x2de: {  	v31 =	vld.idx.msk [tilespmem:v38+s16+$0x0], $0xffff  }
0x2df: {  	v39 =	vor.u32 $0x10, v26  }
0x2e0: {  	v40 =	vand.u32 $0x1F, v39;
	v29 =	vor.u32 v16, v29  }
0x2e1: {  	v41 =	vor.u32 v25, v40  }
0x2e2: {  	v42 =	vor.u32 v17, v40  }
0x2e3: {  	v28 =	vadd.f32 v31, v28;
	_ =	sdelay $0x1  }
0x2e4: {  	[tilespmem:v29+s23+$0x0] =	vst.idx.msk $0xffff, v28  }
0x2e5: {  	v43 =	vshll.u32 v39, $0x7;
	v28 =	vld.idx.msk [tilespmem:v41+s12+$0x0], $0xffff  }
0x2e6: {  	v29 =	vand.u32 $0xC00, v43;
	v44 =	vld.idx.msk [tilespmem:v42+s16+$0x0], $0xffff  }
0x2e7: {  	v29 =	vor.u32 v29, v27  }
0x2e8: {  	v45 =	vor.u32 v0, v29  }
0x2e9: {  	v46 =	vor.u32 v18, v40;
	_ =	sdelay $0x1  }
0x2ea: {  	v31 =	vadd.f32 v44, v28;
	_ =	sdelay $0x1  }
0x2eb: {  	[tilespmem:v45+s23+$0x0] =	vst.idx.msk $0xffff, v31  }
0x2ec: {  	v31 =	vld.idx.msk [tilespmem:v46+s16+$0x0], $0xffff;
	_ =	sdelay $0x1  }
0x2ed: {  	v47 =	vor.u32 v4, v29  }
0x2ee: {  	v48 =	vor.u32 v19, v40;
	_ =	sdelay $0x1  }
0x2ef: {  	v31 =	vadd.f32 v31, v28;
	_ =	sdelay $0x1  }
0x2f0: {  	[tilespmem:v47+s23+$0x0] =	vst.idx.msk $0xffff, v31  }
0x2f1: {  	v31 =	vld.idx.msk [tilespmem:v48+s16+$0x0], $0xffff;
	_ =	sdelay $0x1  }
0x2f2: {  	v49 =	vor.u32 v6, v29  }
0x2f3: {  	v50 =	vor.u32 v20, v40;
	_ =	sdelay $0x1  }
0x2f4: {  	v31 =	vadd.f32 v31, v28;
	_ =	sdelay $0x1  }
0x2f5: {  	[tilespmem:v49+s23+$0x0] =	vst.idx.msk $0xffff, v31  }
0x2f6: {  	v31 =	vld.idx.msk [tilespmem:v50+s16+$0x0], $0xffff;
	_ =	sdelay $0x1  }
0x2f7: {  	v51 =	vor.u32 v8, v29  }
0x2f8: {  	v52 =	vor.u32 v21, v40;
	_ =	sdelay $0x1  }
0x2f9: {  	v31 =	vadd.f32 v31, v28;
	_ =	sdelay $0x1  }
0x2fa: {  	[tilespmem:v51+s23+$0x0] =	vst.idx.msk $0xffff, v31  }
0x2fb: {  	v31 =	vld.idx.msk [tilespmem:v52+s16+$0x0], $0xffff;
	_ =	sdelay $0x1  }
0x2fc: {  	v53 =	vor.u32 v10, v29  }
0x2fd: {  	v54 =	vor.u32 v22, v40;
	_ =	sdelay $0x1  }
0x2fe: {  	v31 =	vadd.f32 v31, v28;
	_ =	sdelay $0x1  }
0x2ff: {  	[tilespmem:v53+s23+$0x0] =	vst.idx.msk $0xffff, v31  }
0x300: {  	v31 =	vld.idx.msk [tilespmem:v54+s16+$0x0], $0xffff;
	_ =	sdelay $0x1  }
0x301: {  	v55 =	vor.u32 v12, v29  }
0x302: {  	v56 =	vor.u32 v23, v40;
	_ =	sdelay $0x1  }
0x303: {  	v31 =	vadd.f32 v31, v28;
	_ =	sdelay $0x1  }
0x304: {  	[tilespmem:v55+s23+$0x0] =	vst.idx.msk $0xffff, v31  }
0x305: {  	v31 =	vld.idx.msk [tilespmem:v56+s16+$0x0], $0xffff;
	_ =	sdelay $0x1  }
0x306: {  	v57 =	vor.u32 v14, v29  }
0x307: {  	v33 =	vor.u32 v24, v40;
	_ =	sdelay $0x1  }
0x308: {  	v31 =	vadd.f32 v31, v28;
	_ =	sdelay $0x1  }
0x309: {  	[tilespmem:v57+s23+$0x0] =	vst.idx.msk $0xffff, v31  }
0x30a: {  	v30 =	vor.u32 $0x20, v30;
	v31 =	vld.idx.msk [tilespmem:v33+s16+$0x0], $0xffff  }
0x30b: {  	v58 =	vand.u32 $0x7, v26;
	v59 =	vand.u32 $0x28, v30  }
0x30c: {  	v32 =	vor.u32 v58, v59;
	v29 =	vor.u32 v16, v29  }
0x30d: {  	v33 =	vor.u32 v25, v32  }
0x30e: {  	v60 =	vor.u32 v17, v32  }
0x30f: {  	v28 =	vadd.f32 v31, v28;
	_ =	sdelay $0x1  }
0x310: {  	[tilespmem:v29+s23+$0x0] =	vst.idx.msk $0xffff, v28  }
0x311: {  	v61 =	vshll.u32 v30, $0x7;
	v28 =	vld.idx.msk [tilespmem:v33+s12+$0x0], $0xffff  }
0x312: {  	v29 =	vand.u32 $0x1400, v61;
	v62 =	vld.idx.msk [tilespmem:v60+s16+$0x0], $0xffff  }
0x313: {  	v29 =	vor.u32 v29, v27  }
0x314: {  	v63 =	vor.u32 v0, v29  }
0x315: {  	v36 =	vor.u32 v18, v32;
	_ =	sdelay $0x1  }
0x316: {  	v30 =	vadd.f32 v62, v28;
	_ =	sdelay $0x1  }
0x317: {  	[tilespmem:v63+s23+$0x0] =	vst.idx.msk $0xffff, v30  }
0x318: {  	v30 =	vld.idx.msk [tilespmem:v36+s16+$0x0], $0xffff;
	_ =	sdelay $0x1  }
0x319: {  	v37 =	vor.u32 v4, v29  }
0x31a: {  	v38 =	vor.u32 v19, v32;
	_ =	sdelay $0x1  }
0x31b: {  	v30 =	vadd.f32 v30, v28;
	_ =	sdelay $0x1  }
0x31c: {  	[tilespmem:v37+s23+$0x0] =	vst.idx.msk $0xffff, v30  }
0x31d: {  	v30 =	vld.idx.msk [tilespmem:v38+s16+$0x0], $0xffff;
	_ =	sdelay $0x1  }
0x31e: {  	v39 =	vor.u32 v6, v29  }
0x31f: {  	v40 =	vor.u32 v20, v32;
	_ =	sdelay $0x1  }
0x320: {  	v30 =	vadd.f32 v30, v28;
	_ =	sdelay $0x1  }
0x321: {  	[tilespmem:v39+s23+$0x0] =	vst.idx.msk $0xffff, v30  }
0x322: {  	v30 =	vld.idx.msk [tilespmem:v40+s16+$0x0], $0xffff;
	_ =	sdelay $0x1  }
0x323: {  	v41 =	vor.u32 v8, v29  }
0x324: {  	v42 =	vor.u32 v21, v32;
	_ =	sdelay $0x1  }
0x325: {  	v30 =	vadd.f32 v30, v28;
	_ =	sdelay $0x1  }
0x326: {  	[tilespmem:v41+s23+$0x0] =	vst.idx.msk $0xffff, v30  }
0x327: {  	v30 =	vld.idx.msk [tilespmem:v42+s16+$0x0], $0xffff;
	_ =	sdelay $0x1  }
0x328: {  	v43 =	vor.u32 v10, v29  }
0x329: {  	v44 =	vor.u32 v22, v32;
	_ =	sdelay $0x1  }
0x32a: {  	v30 =	vadd.f32 v30, v28;
	_ =	sdelay $0x1  }
0x32b: {  	[tilespmem:v43+s23+$0x0] =	vst.idx.msk $0xffff, v30  }
0x32c: {  	v30 =	vld.idx.msk [tilespmem:v44+s16+$0x0], $0xffff;
	_ =	sdelay $0x1  }
0x32d: {  	v45 =	vor.u32 v12, v29  }
0x32e: {  	v46 =	vor.u32 v23, v32;
	_ =	sdelay $0x1  }
0x32f: {  	v30 =	vadd.f32 v30, v28;
	_ =	sdelay $0x1  }
0x330: {  	[tilespmem:v45+s23+$0x0] =	vst.idx.msk $0xffff, v30  }
0x331: {  	v30 =	vld.idx.msk [tilespmem:v46+s16+$0x0], $0xffff;
	_ =	sdelay $0x1  }
0x332: {  	v47 =	vor.u32 v14, v29  }
0x333: {  	v32 =	vor.u32 v24, v32;
	_ =	sdelay $0x1  }
0x334: {  	v30 =	vadd.f32 v30, v28;
	_ =	sdelay $0x1  }
0x335: {  	[tilespmem:v47+s23+$0x0] =	vst.idx.msk $0xffff, v30  }
0x336: {  	v30 =	vld.idx.msk [tilespmem:v32+s16+$0x0], $0xffff  }
0x337: {  	v26 =	vor.u32 $0x30, v26  }
0x338: {  	v48 =	vand.u32 $0x3F, v26;
	v29 =	vor.u32 v16, v29  }
0x339: {  	v49 =	vor.u32 v25, v48  }
0x33a: {  	v50 =	vor.u32 v17, v48  }
0x33b: {  	v28 =	vadd.f32 v30, v28;
	_ =	sdelay $0x1  }
0x33c: {  	[tilespmem:v29+s23+$0x0] =	vst.idx.msk $0xffff, v28  }
0x33d: {  	v26 =	vshll.u32 v26, $0x7;
	v28 =	vld.idx.msk [tilespmem:v49+s12+$0x0], $0xffff  }
0x33e: {  	v26 =	vand.u32 $0x1C00, v26;
	v29 =	vld.idx.msk [tilespmem:v50+s16+$0x0], $0xffff  }
0x33f: {  	v26 =	vor.u32 v26, v27  }
0x340: {  	v27 =	vor.u32 v0, v26  }
0x341: {  	v51 =	vor.u32 v18, v48;
	_ =	sdelay $0x1  }
0x342: {  	v29 =	vadd.f32 v29, v28;
	_ =	sdelay $0x1  }
0x343: {  	[tilespmem:v27+s23+$0x0] =	vst.idx.msk $0xffff, v29  }
0x344: {  	v27 =	vld.idx.msk [tilespmem:v51+s16+$0x0], $0xffff;
	_ =	sdelay $0x1  }
0x345: {  	v52 =	vor.u32 v4, v26  }
0x346: {  	v53 =	vor.u32 v19, v48;
	_ =	sdelay $0x1  }
0x347: {  	v27 =	vadd.f32 v27, v28;
	_ =	sdelay $0x1  }
0x348: {  	[tilespmem:v52+s23+$0x0] =	vst.idx.msk $0xffff, v27  }
0x349: {  	v27 =	vld.idx.msk [tilespmem:v53+s16+$0x0], $0xffff;
	_ =	sdelay $0x1  }
0x34a: {  	v54 =	vor.u32 v6, v26  }
0x34b: {  	v55 =	vor.u32 v20, v48;
	_ =	sdelay $0x1  }
0x34c: {  	v27 =	vadd.f32 v27, v28;
	_ =	sdelay $0x1  }
0x34d: {  	[tilespmem:v54+s23+$0x0] =	vst.idx.msk $0xffff, v27  }
0x34e: {  	v27 =	vld.idx.msk [tilespmem:v55+s16+$0x0], $0xffff;
	_ =	sdelay $0x1  }
0x34f: {  	v56 =	vor.u32 v8, v26  }
0x350: {  	v57 =	vor.u32 v21, v48;
	_ =	sdelay $0x1  }
0x351: {  	v27 =	vadd.f32 v27, v28;
	_ =	sdelay $0x1  }
0x352: {  	[tilespmem:v56+s23+$0x0] =	vst.idx.msk $0xffff, v27  }
0x353: {  	v27 =	vld.idx.msk [tilespmem:v57+s16+$0x0], $0xffff;
	_ =	sdelay $0x1  }
0x354: {  	v58 =	vor.u32 v10, v26  }
0x355: {  	v59 =	vor.u32 v22, v48;
	_ =	sdelay $0x1  }
0x356: {  	v27 =	vadd.f32 v27, v28;
	_ =	sdelay $0x1  }
0x357: {  	[tilespmem:v58+s23+$0x0] =	vst.idx.msk $0xffff, v27  }
0x358: {  	v27 =	vld.idx.msk [tilespmem:v59+s16+$0x0], $0xffff;
	_ =	sdelay $0x1  }
0x359: {  	v60 =	vor.u32 v12, v26  }
0x35a: {  	v61 =	vor.u32 v23, v48;
	_ =	sdelay $0x1  }
0x35b: {  	v27 =	vadd.f32 v27, v28;
	_ =	sdelay $0x1  }
0x35c: {  	[tilespmem:v60+s23+$0x0] =	vst.idx.msk $0xffff, v27  }
0x35d: {  	v27 =	vld.idx.msk [tilespmem:v61+s16+$0x0], $0xffff;
	_ =	sdelay $0x1  }
0x35e: {  	v62 =	vor.u32 v14, v26  }
0x35f: {  	v63 =	vor.u32 v24, v48;
	_ =	sdelay $0x1  }
0x360: {  	v27 =	vadd.f32 v27, v28;
	_ =	sdelay $0x1  }
0x361: {  	[tilespmem:v62+s23+$0x0] =	vst.idx.msk $0xffff, v27  }
0x362: {  	v27 =	vld.idx.msk [tilespmem:v63+s16+$0x0], $0xffff;
	_ =	sdelay $0x1  }
0x363: {  	p2 =	slt.u32 s9, $0xE;
	v26 =	vor.u32 v16, v26  }
.Ltmp5:
0x364: {  	_ = 	snop;
	(pc) =	sbr.rel @p2 .LBB2_13-.Ltmp5, $3  }
0x365: {  	_ = 	snop  }
0x366: {  	v27 =	vadd.f32 v27, v28;
	_ =	sdelay $0x1  }
0x367: {  	s9 =	sadd.s32 $0x2, s9;
	[tilespmem:v26+s23+$0x0] =	vst.idx.msk $0xffff, v27  }
0x368: {  	s8 =	sshll.u32 s8, $0x12  }
0x369: {  	s8 =	sor.u32 s10, s8  }
0x36a: {  	s8 =	sshrl.u32 s8, $0x3  }
0x36b: {  	s8 =	sadd.s32 s2, s8  }
0x36c: {  	[hbm4b:s8+s24] =	stream.strided.scatter [tilespmem:s28], [sflag:$0x6], $0x2000, s25, s24, $0x38;
	[tilespmem:$0x1AF00] =	vst v63  }
0x36d: {  	_ =	swait.ge [sflag:s29], $0x2000  }
0x36e: {  	s9 =	simm.s32 @!p0 $0x80;
	[sflag:s29] =	ssyncset.done $0x0  }
0x36f: {  	s11 =	simm.s32 @!p0 $0xCF00;
	s8 =	sadd.s32 @!p0 $0x1B80, s6;
	[sflag:s29] =	ssyncadd.s32 $0xFFFFE000  }
0x370: {  	[tilespmem:s11], [sflag:$0x2] =	stream.indirect.gather @!p0 [hbm4b:s4+s9], $0x40, s8, s9, $0xb8;
	[tilespmem:$0x1AF00] =	vst v63  }
0x371: {  	s7 =	sor.u32 $0x2, s7;
	_ =	swait.ge @p1 [sflag:s17], $0x2000  }
0x372: {  	s11 =	sshll.u32 s7, $0x6;
	[sflag:s17] =	ssyncset.done @p1 $0x0  }
0x373: {  	s8 =	simm.s32 $0x0;
	v25 =	vmov s11;
	[sflag:s17] =	ssyncadd.s32 @p1 $0xFFFFE000  }
.LBB2_15:
0x374: {  	v35 =	vadd.s32 s8, v0  }
0x375: {  	v36 =	vand.u32 $0xF, v35  }
0x376: {  	v26 =	vor.u32 $0x4000, v1;
	v27 =	vor.u32 v25, v36  }
0x377: {  	v28 =	vor.u32 v26, v36;
	_ =	sdelay $0x2  }
0x378: {  	v29 =	vshll.u32 v35, $0x7  }
0x379: {  	v37 =	vld.idx.msk [tilespmem:v27+s12+$0x0], $0xffff;
	v27 =	vand.u32 $0x380, v29  }
0x37a: {  	v28 =	vld.idx.msk [tilespmem:v28+s16+$0x0], $0xffff;
	v29 =	vand.u32 $0x400, v29;
	v34 =	vor.u32 $0x4000, v27  }
0x37b: {  	v38 =	vor.u32 v29, v34  }
0x37c: {  	v27 =	vor.u32 $0x4400, v1;
	v29 =	vor.u32 v0, v38  }
0x37d: {  	v30 =	vor.u32 v27, v36;
	_ =	sdelay $0x1  }
0x37e: {  	v28 =	vadd.f32 v28, v37;
	_ =	sdelay $0x1  }
0x37f: {  	[tilespmem:v29+s23+$0x0] =	vst.idx.msk $0xffff, v28  }
0x380: {  	v29 =	vld.idx.msk [tilespmem:v30+s16+$0x0], $0xffff;
	_ =	sdelay $0x1  }
0x381: {  	v46 =	vor.u32 v4, v38;
	v28 =	vor.u32 $0x4800, v1  }
0x382: {  	v31 =	vor.u32 v28, v36;
	_ =	sdelay $0x1  }
0x383: {  	v29 =	vadd.f32 v29, v37;
	_ =	sdelay $0x1  }
0x384: {  	[tilespmem:v46+s23+$0x0] =	vst.idx.msk $0xffff, v29  }
0x385: {  	v30 =	vld.idx.msk [tilespmem:v31+s16+$0x0], $0xffff;
	_ =	sdelay $0x1  }
0x386: {  	v47 =	vor.u32 v6, v38;
	v29 =	vor.u32 $0x4C00, v1  }
0x387: {  	v32 =	vor.u32 v29, v36;
	_ =	sdelay $0x1  }
0x388: {  	v30 =	vadd.f32 v30, v37;
	_ =	sdelay $0x1  }
0x389: {  	[tilespmem:v47+s23+$0x0] =	vst.idx.msk $0xffff, v30  }
0x38a: {  	v31 =	vld.idx.msk [tilespmem:v32+s16+$0x0], $0xffff;
	_ =	sdelay $0x1  }
0x38b: {  	v48 =	vor.u32 v8, v38;
	v30 =	vor.u32 $0x5000, v1  }
0x38c: {  	v33 =	vor.u32 v30, v36;
	_ =	sdelay $0x1  }
0x38d: {  	v31 =	vadd.f32 v31, v37;
	_ =	sdelay $0x1  }
0x38e: {  	[tilespmem:v48+s23+$0x0] =	vst.idx.msk $0xffff, v31  }
0x38f: {  	v32 =	vld.idx.msk [tilespmem:v33+s16+$0x0], $0xffff;
	_ =	sdelay $0x1  }
0x390: {  	v49 =	vor.u32 v10, v38;
	v31 =	vor.u32 $0x5400, v1  }
0x391: {  	v39 =	vor.u32 v31, v36;
	_ =	sdelay $0x1  }
0x392: {  	v32 =	vadd.f32 v32, v37;
	_ =	sdelay $0x1  }
0x393: {  	[tilespmem:v49+s23+$0x0] =	vst.idx.msk $0xffff, v32  }
0x394: {  	v33 =	vld.idx.msk [tilespmem:v39+s16+$0x0], $0xffff;
	_ =	sdelay $0x1  }
0x395: {  	v50 =	vor.u32 v12, v38;
	v32 =	vor.u32 $0x5800, v1  }
0x396: {  	v40 =	vor.u32 v32, v36;
	_ =	sdelay $0x1  }
0x397: {  	v33 =	vadd.f32 v33, v37;
	_ =	sdelay $0x1  }
0x398: {  	[tilespmem:v50+s23+$0x0] =	vst.idx.msk $0xffff, v33  }
0x399: {  	v39 =	vld.idx.msk [tilespmem:v40+s16+$0x0], $0xffff;
	_ =	sdelay $0x1  }
0x39a: {  	v51 =	vor.u32 v14, v38;
	v33 =	vor.u32 $0x5C00, v1  }
0x39b: {  	v41 =	vor.u32 v33, v36;
	_ =	sdelay $0x1  }
0x39c: {  	v39 =	vadd.f32 v39, v37;
	_ =	sdelay $0x1  }
0x39d: {  	[tilespmem:v51+s23+$0x0] =	vst.idx.msk $0xffff, v39  }
0x39e: {  	v39 =	vld.idx.msk [tilespmem:v41+s16+$0x0], $0xffff  }
0x39f: {  	v52 =	vor.u32 $0x10, v35  }
0x3a0: {  	v53 =	vand.u32 $0x1F, v52;
	v38 =	vor.u32 v16, v38  }
0x3a1: {  	v42 =	vor.u32 v25, v53  }
0x3a2: {  	v43 =	vor.u32 v26, v53  }
0x3a3: {  	v37 =	vadd.f32 v39, v37;
	_ =	sdelay $0x1  }
0x3a4: {  	[tilespmem:v38+s23+$0x0] =	vst.idx.msk $0xffff, v37  }
0x3a5: {  	v54 =	vshll.u32 v52, $0x7;
	v37 =	vld.idx.msk [tilespmem:v42+s12+$0x0], $0xffff  }
0x3a6: {  	v38 =	vand.u32 $0xC00, v54;
	v55 =	vld.idx.msk [tilespmem:v43+s16+$0x0], $0xffff  }
0x3a7: {  	v38 =	vor.u32 v38, v34  }
0x3a8: {  	v56 =	vor.u32 v0, v38  }
0x3a9: {  	v57 =	vor.u32 v27, v53;
	_ =	sdelay $0x1  }
0x3aa: {  	v39 =	vadd.f32 v55, v37;
	_ =	sdelay $0x1  }
0x3ab: {  	[tilespmem:v56+s23+$0x0] =	vst.idx.msk $0xffff, v39  }
0x3ac: {  	v39 =	vld.idx.msk [tilespmem:v57+s16+$0x0], $0xffff;
	_ =	sdelay $0x1  }
0x3ad: {  	v58 =	vor.u32 v4, v38  }
0x3ae: {  	v59 =	vor.u32 v28, v53;
	_ =	sdelay $0x1  }
0x3af: {  	v39 =	vadd.f32 v39, v37;
	_ =	sdelay $0x1  }
0x3b0: {  	[tilespmem:v58+s23+$0x0] =	vst.idx.msk $0xffff, v39  }
0x3b1: {  	v39 =	vld.idx.msk [tilespmem:v59+s16+$0x0], $0xffff;
	_ =	sdelay $0x1  }
0x3b2: {  	v60 =	vor.u32 v6, v38  }
0x3b3: {  	v61 =	vor.u32 v29, v53;
	_ =	sdelay $0x1  }
0x3b4: {  	v39 =	vadd.f32 v39, v37;
	_ =	sdelay $0x1  }
0x3b5: {  	[tilespmem:v60+s23+$0x0] =	vst.idx.msk $0xffff, v39  }
0x3b6: {  	v39 =	vld.idx.msk [tilespmem:v61+s16+$0x0], $0xffff;
	_ =	sdelay $0x1  }
0x3b7: {  	v62 =	vor.u32 v8, v38  }
0x3b8: {  	v63 =	vor.u32 v30, v53;
	_ =	sdelay $0x1  }
0x3b9: {  	v39 =	vadd.f32 v39, v37;
	_ =	sdelay $0x1  }
0x3ba: {  	[tilespmem:v62+s23+$0x0] =	vst.idx.msk $0xffff, v39  }
0x3bb: {  	v39 =	vld.idx.msk [tilespmem:v63+s16+$0x0], $0xffff;
	_ =	sdelay $0x1  }
0x3bc: {  	v45 =	vor.u32 v10, v38  }
0x3bd: {  	v46 =	vor.u32 v31, v53;
	_ =	sdelay $0x1  }
0x3be: {  	v39 =	vadd.f32 v39, v37;
	_ =	sdelay $0x1  }
0x3bf: {  	[tilespmem:v45+s23+$0x0] =	vst.idx.msk $0xffff, v39  }
0x3c0: {  	v39 =	vld.idx.msk [tilespmem:v46+s16+$0x0], $0xffff;
	_ =	sdelay $0x1  }
0x3c1: {  	v47 =	vor.u32 v12, v38  }
0x3c2: {  	v48 =	vor.u32 v32, v53;
	_ =	sdelay $0x1  }
0x3c3: {  	v39 =	vadd.f32 v39, v37;
	_ =	sdelay $0x1  }
0x3c4: {  	[tilespmem:v47+s23+$0x0] =	vst.idx.msk $0xffff, v39  }
0x3c5: {  	v39 =	vld.idx.msk [tilespmem:v48+s16+$0x0], $0xffff;
	_ =	sdelay $0x1  }
0x3c6: {  	v49 =	vor.u32 v14, v38  }
0x3c7: {  	v41 =	vor.u32 v33, v53;
	_ =	sdelay $0x1  }
0x3c8: {  	v39 =	vadd.f32 v39, v37;
	_ =	sdelay $0x1  }
0x3c9: {  	[tilespmem:v49+s23+$0x0] =	vst.idx.msk $0xffff, v39  }
0x3ca: {  	v36 =	vor.u32 $0x20, v36;
	v39 =	vld.idx.msk [tilespmem:v41+s16+$0x0], $0xffff  }
0x3cb: {  	v50 =	vand.u32 $0x7, v35;
	v51 =	vand.u32 $0x28, v36  }
0x3cc: {  	v40 =	vor.u32 v50, v51;
	v38 =	vor.u32 v16, v38  }
0x3cd: {  	v41 =	vor.u32 v25, v40  }
0x3ce: {  	v52 =	vor.u32 v26, v40  }
0x3cf: {  	v37 =	vadd.f32 v39, v37;
	_ =	sdelay $0x1  }
0x3d0: {  	[tilespmem:v38+s23+$0x0] =	vst.idx.msk $0xffff, v37  }
0x3d1: {  	v36 =	vshll.u32 v36, $0x7;
	v37 =	vld.idx.msk [tilespmem:v41+s12+$0x0], $0xffff  }
0x3d2: {  	v36 =	vand.u32 $0x1400, v36;
	v38 =	vld.idx.msk [tilespmem:v52+s16+$0x0], $0xffff  }
0x3d3: {  	v36 =	vor.u32 v36, v34  }
0x3d4: {  	v53 =	vor.u32 v0, v36  }
0x3d5: {  	v54 =	vor.u32 v27, v40;
	_ =	sdelay $0x1  }
0x3d6: {  	v38 =	vadd.f32 v38, v37;
	_ =	sdelay $0x1  }
0x3d7: {  	[tilespmem:v53+s23+$0x0] =	vst.idx.msk $0xffff, v38  }
0x3d8: {  	v38 =	vld.idx.msk [tilespmem:v54+s16+$0x0], $0xffff;
	_ =	sdelay $0x1  }
0x3d9: {  	v55 =	vor.u32 v4, v36  }
0x3da: {  	v56 =	vor.u32 v28, v40;
	_ =	sdelay $0x1  }
0x3db: {  	v38 =	vadd.f32 v38, v37;
	_ =	sdelay $0x1  }
0x3dc: {  	[tilespmem:v55+s23+$0x0] =	vst.idx.msk $0xffff, v38  }
0x3dd: {  	v38 =	vld.idx.msk [tilespmem:v56+s16+$0x0], $0xffff;
	_ =	sdelay $0x1  }
0x3de: {  	v57 =	vor.u32 v6, v36  }
0x3df: {  	v58 =	vor.u32 v29, v40;
	_ =	sdelay $0x1  }
0x3e0: {  	v38 =	vadd.f32 v38, v37;
	_ =	sdelay $0x1  }
0x3e1: {  	[tilespmem:v57+s23+$0x0] =	vst.idx.msk $0xffff, v38  }
0x3e2: {  	v38 =	vld.idx.msk [tilespmem:v58+s16+$0x0], $0xffff;
	_ =	sdelay $0x1  }
0x3e3: {  	v59 =	vor.u32 v8, v36  }
0x3e4: {  	v60 =	vor.u32 v30, v40;
	_ =	sdelay $0x1  }
0x3e5: {  	v38 =	vadd.f32 v38, v37;
	_ =	sdelay $0x1  }
0x3e6: {  	[tilespmem:v59+s23+$0x0] =	vst.idx.msk $0xffff, v38  }
0x3e7: {  	v38 =	vld.idx.msk [tilespmem:v60+s16+$0x0], $0xffff;
	_ =	sdelay $0x1  }
0x3e8: {  	v61 =	vor.u32 v10, v36  }
0x3e9: {  	v62 =	vor.u32 v31, v40;
	_ =	sdelay $0x1  }
0x3ea: {  	v38 =	vadd.f32 v38, v37;
	_ =	sdelay $0x1  }
0x3eb: {  	[tilespmem:v61+s23+$0x0] =	vst.idx.msk $0xffff, v38  }
0x3ec: {  	v38 =	vld.idx.msk [tilespmem:v62+s16+$0x0], $0xffff;
	_ =	sdelay $0x1  }
0x3ed: {  	v63 =	vor.u32 v12, v36  }
0x3ee: {  	v44 =	vor.u32 v32, v40;
	_ =	sdelay $0x1  }
0x3ef: {  	v38 =	vadd.f32 v38, v37;
	_ =	sdelay $0x1  }
0x3f0: {  	[tilespmem:v63+s23+$0x0] =	vst.idx.msk $0xffff, v38  }
0x3f1: {  	v38 =	vld.idx.msk [tilespmem:v44+s16+$0x0], $0xffff;
	_ =	sdelay $0x1  }
0x3f2: {  	v45 =	vor.u32 v14, v36  }
0x3f3: {  	v40 =	vor.u32 v33, v40;
	_ =	sdelay $0x1  }
0x3f4: {  	v38 =	vadd.f32 v38, v37;
	_ =	sdelay $0x1  }
0x3f5: {  	[tilespmem:v45+s23+$0x0] =	vst.idx.msk $0xffff, v38  }
0x3f6: {  	v38 =	vld.idx.msk [tilespmem:v40+s16+$0x0], $0xffff  }
0x3f7: {  	v35 =	vor.u32 $0x30, v35  }
0x3f8: {  	v36 =	vor.u32 v16, v36;
	v46 =	vand.u32 $0x3F, v35  }
0x3f9: {  	v47 =	vor.u32 v25, v46  }
0x3fa: {  	v48 =	vor.u32 v26, v46  }
0x3fb: {  	v37 =	vadd.f32 v38, v37;
	_ =	sdelay $0x1  }
0x3fc: {  	[tilespmem:v36+s23+$0x0] =	vst.idx.msk $0xffff, v37  }
0x3fd: {  	v35 =	vshll.u32 v35, $0x7;
	v36 =	vld.idx.msk [tilespmem:v47+s12+$0x0], $0xffff  }
0x3fe: {  	v35 =	vand.u32 $0x1C00, v35;
	v37 =	vld.idx.msk [tilespmem:v48+s16+$0x0], $0xffff  }
0x3ff: {  	v35 =	vor.u32 v35, v34  }
0x400: {  	v34 =	vor.u32 v0, v35  }
0x401: {  	v49 =	vor.u32 v27, v46;
	_ =	sdelay $0x1  }
0x402: {  	v37 =	vadd.f32 v37, v36;
	_ =	sdelay $0x1  }
0x403: {  	[tilespmem:v34+s23+$0x0] =	vst.idx.msk $0xffff, v37  }
0x404: {  	v34 =	vld.idx.msk [tilespmem:v49+s16+$0x0], $0xffff;
	_ =	sdelay $0x1  }
0x405: {  	v50 =	vor.u32 v4, v35  }
0x406: {  	v51 =	vor.u32 v28, v46;
	_ =	sdelay $0x1  }
0x407: {  	v34 =	vadd.f32 v34, v36;
	_ =	sdelay $0x1  }
0x408: {  	[tilespmem:v50+s23+$0x0] =	vst.idx.msk $0xffff, v34  }
0x409: {  	v34 =	vld.idx.msk [tilespmem:v51+s16+$0x0], $0xffff;
	_ =	sdelay $0x1  }
0x40a: {  	v52 =	vor.u32 v6, v35  }
0x40b: {  	v53 =	vor.u32 v29, v46;
	_ =	sdelay $0x1  }
0x40c: {  	v34 =	vadd.f32 v34, v36;
	_ =	sdelay $0x1  }
0x40d: {  	[tilespmem:v52+s23+$0x0] =	vst.idx.msk $0xffff, v34  }
0x40e: {  	v34 =	vld.idx.msk [tilespmem:v53+s16+$0x0], $0xffff;
	_ =	sdelay $0x1  }
0x40f: {  	v54 =	vor.u32 v8, v35  }
0x410: {  	v55 =	vor.u32 v30, v46;
	_ =	sdelay $0x1  }
0x411: {  	v34 =	vadd.f32 v34, v36;
	_ =	sdelay $0x1  }
0x412: {  	[tilespmem:v54+s23+$0x0] =	vst.idx.msk $0xffff, v34  }
0x413: {  	v34 =	vld.idx.msk [tilespmem:v55+s16+$0x0], $0xffff;
	_ =	sdelay $0x1  }
0x414: {  	v56 =	vor.u32 v10, v35  }
0x415: {  	v57 =	vor.u32 v31, v46;
	_ =	sdelay $0x1  }
0x416: {  	v34 =	vadd.f32 v34, v36;
	_ =	sdelay $0x1  }
0x417: {  	[tilespmem:v56+s23+$0x0] =	vst.idx.msk $0xffff, v34  }
0x418: {  	v34 =	vld.idx.msk [tilespmem:v57+s16+$0x0], $0xffff;
	_ =	sdelay $0x1  }
0x419: {  	v58 =	vor.u32 v12, v35  }
0x41a: {  	v59 =	vor.u32 v32, v46;
	_ =	sdelay $0x1  }
0x41b: {  	v34 =	vadd.f32 v34, v36;
	_ =	sdelay $0x1  }
0x41c: {  	[tilespmem:v58+s23+$0x0] =	vst.idx.msk $0xffff, v34  }
0x41d: {  	v34 =	vld.idx.msk [tilespmem:v59+s16+$0x0], $0xffff;
	_ =	sdelay $0x1  }
0x41e: {  	v60 =	vor.u32 v14, v35  }
0x41f: {  	v61 =	vor.u32 v33, v46;
	_ =	sdelay $0x1  }
0x420: {  	v34 =	vadd.f32 v34, v36;
	_ =	sdelay $0x1  }
0x421: {  	[tilespmem:v60+s23+$0x0] =	vst.idx.msk $0xffff, v34  }
0x422: {  	s9 =	sadd.s32 $0x1, s8;
	v37 =	vld.idx.msk [tilespmem:v61+s16+$0x0], $0xffff  }
0x423: {  	v34 =	vadd.s32 s9, v0  }
0x424: {  	v35 =	vor.u32 v16, v35;
	v38 =	vand.u32 $0xF, v34  }
0x425: {  	v62 =	vor.u32 v25, v38  }
0x426: {  	v63 =	vor.u32 v26, v38  }
0x427: {  	v36 =	vadd.f32 v37, v36;
	_ =	sdelay $0x1  }
0x428: {  	v43 =	vshll.u32 v34, $0x7;
	[tilespmem:v35+s23+$0x0] =	vst.idx.msk $0xffff, v36  }
0x429: {  	v44 =	vand.u32 $0x380, v43;
	v36 =	vld.idx.msk [tilespmem:v62+s12+$0x0], $0xffff  }
0x42a: {  	v46 =	vand.u32 $0x400, v43;
	v35 =	vor.u32 $0x4000, v44;
	v45 =	vld.idx.msk [tilespmem:v63+s16+$0x0], $0xffff  }
0x42b: {  	v37 =	vor.u32 v46, v35  }
0x42c: {  	v40 =	vor.u32 v0, v37  }
0x42d: {  	v47 =	vor.u32 v27, v38;
	_ =	sdelay $0x1  }
0x42e: {  	v39 =	vadd.f32 v45, v36;
	_ =	sdelay $0x1  }
0x42f: {  	[tilespmem:v40+s23+$0x0] =	vst.idx.msk $0xffff, v39  }
0x430: {  	v39 =	vld.idx.msk [tilespmem:v47+s16+$0x0], $0xffff;
	_ =	sdelay $0x1  }
0x431: {  	v48 =	vor.u32 v4, v37  }
0x432: {  	v49 =	vor.u32 v28, v38;
	_ =	sdelay $0x1  }
0x433: {  	v39 =	vadd.f32 v39, v36;
	_ =	sdelay $0x1  }
0x434: {  	[tilespmem:v48+s23+$0x0] =	vst.idx.msk $0xffff, v39  }
0x435: {  	v39 =	vld.idx.msk [tilespmem:v49+s16+$0x0], $0xffff;
	_ =	sdelay $0x1  }
0x436: {  	v50 =	vor.u32 v6, v37  }
0x437: {  	v51 =	vor.u32 v29, v38;
	_ =	sdelay $0x1  }
0x438: {  	v39 =	vadd.f32 v39, v36;
	_ =	sdelay $0x1  }
0x439: {  	[tilespmem:v50+s23+$0x0] =	vst.idx.msk $0xffff, v39  }
0x43a: {  	v39 =	vld.idx.msk [tilespmem:v51+s16+$0x0], $0xffff;
	_ =	sdelay $0x1  }
0x43b: {  	v52 =	vor.u32 v8, v37  }
0x43c: {  	v53 =	vor.u32 v30, v38;
	_ =	sdelay $0x1  }
0x43d: {  	v39 =	vadd.f32 v39, v36;
	_ =	sdelay $0x1  }
0x43e: {  	[tilespmem:v52+s23+$0x0] =	vst.idx.msk $0xffff, v39  }
0x43f: {  	v39 =	vld.idx.msk [tilespmem:v53+s16+$0x0], $0xffff;
	_ =	sdelay $0x1  }
0x440: {  	v54 =	vor.u32 v10, v37  }
0x441: {  	v55 =	vor.u32 v31, v38;
	_ =	sdelay $0x1  }
0x442: {  	v39 =	vadd.f32 v39, v36;
	_ =	sdelay $0x1  }
0x443: {  	[tilespmem:v54+s23+$0x0] =	vst.idx.msk $0xffff, v39  }
0x444: {  	v39 =	vld.idx.msk [tilespmem:v55+s16+$0x0], $0xffff;
	_ =	sdelay $0x1  }
0x445: {  	v56 =	vor.u32 v12, v37  }
0x446: {  	v57 =	vor.u32 v32, v38;
	_ =	sdelay $0x1  }
0x447: {  	v39 =	vadd.f32 v39, v36;
	_ =	sdelay $0x1  }
0x448: {  	[tilespmem:v56+s23+$0x0] =	vst.idx.msk $0xffff, v39  }
0x449: {  	v39 =	vld.idx.msk [tilespmem:v57+s16+$0x0], $0xffff;
	_ =	sdelay $0x1  }
0x44a: {  	v58 =	vor.u32 v14, v37  }
0x44b: {  	v59 =	vor.u32 v33, v38;
	_ =	sdelay $0x1  }
0x44c: {  	v39 =	vadd.f32 v39, v36;
	_ =	sdelay $0x1  }
0x44d: {  	[tilespmem:v58+s23+$0x0] =	vst.idx.msk $0xffff, v39  }
0x44e: {  	v39 =	vld.idx.msk [tilespmem:v59+s16+$0x0], $0xffff  }
0x44f: {  	v60 =	vor.u32 $0x10, v34  }
0x450: {  	v61 =	vand.u32 $0x1F, v60;
	v37 =	vor.u32 v16, v37  }
0x451: {  	v62 =	vor.u32 v25, v61  }
0x452: {  	v63 =	vor.u32 v26, v61  }
0x453: {  	v36 =	vadd.f32 v39, v36;
	_ =	sdelay $0x1  }
0x454: {  	[tilespmem:v37+s23+$0x0] =	vst.idx.msk $0xffff, v36  }
0x455: {  	v44 =	vshll.u32 v60, $0x7;
	v36 =	vld.idx.msk [tilespmem:v62+s12+$0x0], $0xffff  }
0x456: {  	v37 =	vand.u32 $0xC00, v44;
	v45 =	vld.idx.msk [tilespmem:v63+s16+$0x0], $0xffff  }
0x457: {  	v37 =	vor.u32 v37, v35  }
0x458: {  	v46 =	vor.u32 v0, v37  }
0x459: {  	v47 =	vor.u32 v27, v61;
	_ =	sdelay $0x1  }
0x45a: {  	v39 =	vadd.f32 v45, v36;
	_ =	sdelay $0x1  }
0x45b: {  	[tilespmem:v46+s23+$0x0] =	vst.idx.msk $0xffff, v39  }
0x45c: {  	v39 =	vld.idx.msk [tilespmem:v47+s16+$0x0], $0xffff;
	_ =	sdelay $0x1  }
0x45d: {  	v48 =	vor.u32 v4, v37  }
0x45e: {  	v49 =	vor.u32 v28, v61;
	_ =	sdelay $0x1  }
0x45f: {  	v39 =	vadd.f32 v39, v36;
	_ =	sdelay $0x1  }
0x460: {  	[tilespmem:v48+s23+$0x0] =	vst.idx.msk $0xffff, v39  }
0x461: {  	v39 =	vld.idx.msk [tilespmem:v49+s16+$0x0], $0xffff;
	_ =	sdelay $0x1  }
0x462: {  	v50 =	vor.u32 v6, v37  }
0x463: {  	v51 =	vor.u32 v29, v61;
	_ =	sdelay $0x1  }
0x464: {  	v39 =	vadd.f32 v39, v36;
	_ =	sdelay $0x1  }
0x465: {  	[tilespmem:v50+s23+$0x0] =	vst.idx.msk $0xffff, v39  }
0x466: {  	v39 =	vld.idx.msk [tilespmem:v51+s16+$0x0], $0xffff;
	_ =	sdelay $0x1  }
0x467: {  	v52 =	vor.u32 v8, v37  }
0x468: {  	v53 =	vor.u32 v30, v61;
	_ =	sdelay $0x1  }
0x469: {  	v39 =	vadd.f32 v39, v36;
	_ =	sdelay $0x1  }
0x46a: {  	[tilespmem:v52+s23+$0x0] =	vst.idx.msk $0xffff, v39  }
0x46b: {  	v39 =	vld.idx.msk [tilespmem:v53+s16+$0x0], $0xffff;
	_ =	sdelay $0x1  }
0x46c: {  	v54 =	vor.u32 v10, v37  }
0x46d: {  	v55 =	vor.u32 v31, v61;
	_ =	sdelay $0x1  }
0x46e: {  	v39 =	vadd.f32 v39, v36;
	_ =	sdelay $0x1  }
0x46f: {  	[tilespmem:v54+s23+$0x0] =	vst.idx.msk $0xffff, v39  }
0x470: {  	v39 =	vld.idx.msk [tilespmem:v55+s16+$0x0], $0xffff;
	_ =	sdelay $0x1  }
0x471: {  	v56 =	vor.u32 v12, v37  }
0x472: {  	v57 =	vor.u32 v32, v61;
	_ =	sdelay $0x1  }
0x473: {  	v39 =	vadd.f32 v39, v36;
	_ =	sdelay $0x1  }
0x474: {  	[tilespmem:v56+s23+$0x0] =	vst.idx.msk $0xffff, v39  }
0x475: {  	v39 =	vld.idx.msk [tilespmem:v57+s16+$0x0], $0xffff;
	_ =	sdelay $0x1  }
0x476: {  	v58 =	vor.u32 v14, v37  }
0x477: {  	v41 =	vor.u32 v33, v61;
	_ =	sdelay $0x1  }
0x478: {  	v39 =	vadd.f32 v39, v36;
	_ =	sdelay $0x1  }
0x479: {  	[tilespmem:v58+s23+$0x0] =	vst.idx.msk $0xffff, v39  }
0x47a: {  	v38 =	vor.u32 $0x20, v38;
	v39 =	vld.idx.msk [tilespmem:v41+s16+$0x0], $0xffff  }
0x47b: {  	v60 =	vand.u32 $0x28, v38;
	v59 =	vand.u32 $0x7, v34  }
0x47c: {  	v40 =	vor.u32 v59, v60;
	v37 =	vor.u32 v16, v37  }
0x47d: {  	v41 =	vor.u32 v25, v40  }
0x47e: {  	v61 =	vor.u32 v26, v40  }
0x47f: {  	v36 =	vadd.f32 v39, v36;
	_ =	sdelay $0x1  }
0x480: {  	[tilespmem:v37+s23+$0x0] =	vst.idx.msk $0xffff, v36  }
0x481: {  	v62 =	vshll.u32 v38, $0x7;
	v36 =	vld.idx.msk [tilespmem:v41+s12+$0x0], $0xffff  }
0x482: {  	v37 =	vand.u32 $0x1400, v62;
	v63 =	vld.idx.msk [tilespmem:v61+s16+$0x0], $0xffff  }
0x483: {  	v37 =	vor.u32 v37, v35  }
0x484: {  	v44 =	vor.u32 v0, v37  }
0x485: {  	v45 =	vor.u32 v27, v40;
	_ =	sdelay $0x1  }
0x486: {  	v38 =	vadd.f32 v63, v36;
	_ =	sdelay $0x1  }
0x487: {  	[tilespmem:v44+s23+$0x0] =	vst.idx.msk $0xffff, v38  }
0x488: {  	v38 =	vld.idx.msk [tilespmem:v45+s16+$0x0], $0xffff;
	_ =	sdelay $0x1  }
0x489: {  	v46 =	vor.u32 v4, v37  }
0x48a: {  	v47 =	vor.u32 v28, v40;
	_ =	sdelay $0x1  }
0x48b: {  	v38 =	vadd.f32 v38, v36;
	_ =	sdelay $0x1  }
0x48c: {  	[tilespmem:v46+s23+$0x0] =	vst.idx.msk $0xffff, v38  }
0x48d: {  	v38 =	vld.idx.msk [tilespmem:v47+s16+$0x0], $0xffff;
	_ =	sdelay $0x1  }
0x48e: {  	v48 =	vor.u32 v6, v37  }
0x48f: {  	v49 =	vor.u32 v29, v40;
	_ =	sdelay $0x1  }
0x490: {  	v38 =	vadd.f32 v38, v36;
	_ =	sdelay $0x1  }
0x491: {  	[tilespmem:v48+s23+$0x0] =	vst.idx.msk $0xffff, v38  }
0x492: {  	v38 =	vld.idx.msk [tilespmem:v49+s16+$0x0], $0xffff;
	_ =	sdelay $0x1  }
0x493: {  	v50 =	vor.u32 v8, v37  }
0x494: {  	v51 =	vor.u32 v30, v40;
	_ =	sdelay $0x1  }
0x495: {  	v38 =	vadd.f32 v38, v36;
	_ =	sdelay $0x1  }
0x496: {  	[tilespmem:v50+s23+$0x0] =	vst.idx.msk $0xffff, v38  }
0x497: {  	v38 =	vld.idx.msk [tilespmem:v51+s16+$0x0], $0xffff;
	_ =	sdelay $0x1  }
0x498: {  	v52 =	vor.u32 v10, v37  }
0x499: {  	v53 =	vor.u32 v31, v40;
	_ =	sdelay $0x1  }
0x49a: {  	v38 =	vadd.f32 v38, v36;
	_ =	sdelay $0x1  }
0x49b: {  	[tilespmem:v52+s23+$0x0] =	vst.idx.msk $0xffff, v38  }
0x49c: {  	v38 =	vld.idx.msk [tilespmem:v53+s16+$0x0], $0xffff;
	_ =	sdelay $0x1  }
0x49d: {  	v54 =	vor.u32 v12, v37  }
0x49e: {  	v55 =	vor.u32 v32, v40;
	_ =	sdelay $0x1  }
0x49f: {  	v38 =	vadd.f32 v38, v36;
	_ =	sdelay $0x1  }
0x4a0: {  	[tilespmem:v54+s23+$0x0] =	vst.idx.msk $0xffff, v38  }
0x4a1: {  	v38 =	vld.idx.msk [tilespmem:v55+s16+$0x0], $0xffff;
	_ =	sdelay $0x1  }
0x4a2: {  	v56 =	vor.u32 v14, v37  }
0x4a3: {  	v40 =	vor.u32 v33, v40;
	_ =	sdelay $0x1  }
0x4a4: {  	v38 =	vadd.f32 v38, v36;
	_ =	sdelay $0x1  }
0x4a5: {  	[tilespmem:v56+s23+$0x0] =	vst.idx.msk $0xffff, v38  }
0x4a6: {  	v38 =	vld.idx.msk [tilespmem:v40+s16+$0x0], $0xffff  }
0x4a7: {  	v34 =	vor.u32 $0x30, v34  }
0x4a8: {  	v57 =	vand.u32 $0x3F, v34;
	v37 =	vor.u32 v16, v37  }
0x4a9: {  	v58 =	vor.u32 v25, v57  }
0x4aa: {  	v26 =	vor.u32 v26, v57  }
0x4ab: {  	v36 =	vadd.f32 v38, v36;
	_ =	sdelay $0x1  }
0x4ac: {  	[tilespmem:v37+s23+$0x0] =	vst.idx.msk $0xffff, v36  }
0x4ad: {  	v34 =	vshll.u32 v34, $0x7;
	v36 =	vld.idx.msk [tilespmem:v58+s12+$0x0], $0xffff  }
0x4ae: {  	v34 =	vand.u32 $0x1C00, v34;
	v26 =	vld.idx.msk [tilespmem:v26+s16+$0x0], $0xffff  }
0x4af: {  	v34 =	vor.u32 v34, v35  }
0x4b0: {  	v35 =	vor.u32 v0, v34  }
0x4b1: {  	v27 =	vor.u32 v27, v57;
	_ =	sdelay $0x1  }
0x4b2: {  	v26 =	vadd.f32 v26, v36;
	_ =	sdelay $0x1  }
0x4b3: {  	[tilespmem:v35+s23+$0x0] =	vst.idx.msk $0xffff, v26  }
0x4b4: {  	v26 =	vld.idx.msk [tilespmem:v27+s16+$0x0], $0xffff;
	_ =	sdelay $0x1  }
0x4b5: {  	v27 =	vor.u32 v4, v34  }
0x4b6: {  	v28 =	vor.u32 v28, v57;
	_ =	sdelay $0x1  }
0x4b7: {  	v26 =	vadd.f32 v26, v36;
	_ =	sdelay $0x1  }
0x4b8: {  	[tilespmem:v27+s23+$0x0] =	vst.idx.msk $0xffff, v26  }
0x4b9: {  	v26 =	vld.idx.msk [tilespmem:v28+s16+$0x0], $0xffff;
	_ =	sdelay $0x1  }
0x4ba: {  	v27 =	vor.u32 v6, v34  }
0x4bb: {  	v59 =	vor.u32 v29, v57;
	_ =	sdelay $0x1  }
0x4bc: {  	v26 =	vadd.f32 v26, v36;
	_ =	sdelay $0x1  }
0x4bd: {  	[tilespmem:v27+s23+$0x0] =	vst.idx.msk $0xffff, v26  }
0x4be: {  	v26 =	vld.idx.msk [tilespmem:v59+s16+$0x0], $0xffff;
	_ =	sdelay $0x1  }
0x4bf: {  	v27 =	vor.u32 v8, v34  }
0x4c0: {  	v60 =	vor.u32 v30, v57;
	_ =	sdelay $0x1  }
0x4c1: {  	v26 =	vadd.f32 v26, v36;
	_ =	sdelay $0x1  }
0x4c2: {  	[tilespmem:v27+s23+$0x0] =	vst.idx.msk $0xffff, v26  }
0x4c3: {  	v26 =	vld.idx.msk [tilespmem:v60+s16+$0x0], $0xffff;
	_ =	sdelay $0x1  }
0x4c4: {  	v27 =	vor.u32 v10, v34  }
0x4c5: {  	v61 =	vor.u32 v31, v57;
	_ =	sdelay $0x1  }
0x4c6: {  	v26 =	vadd.f32 v26, v36;
	_ =	sdelay $0x1  }
0x4c7: {  	[tilespmem:v27+s23+$0x0] =	vst.idx.msk $0xffff, v26  }
0x4c8: {  	v26 =	vld.idx.msk [tilespmem:v61+s16+$0x0], $0xffff;
	_ =	sdelay $0x1  }
0x4c9: {  	v27 =	vor.u32 v12, v34  }
0x4ca: {  	v62 =	vor.u32 v32, v57;
	_ =	sdelay $0x1  }
0x4cb: {  	v26 =	vadd.f32 v26, v36;
	_ =	sdelay $0x1  }
0x4cc: {  	[tilespmem:v27+s23+$0x0] =	vst.idx.msk $0xffff, v26  }
0x4cd: {  	v26 =	vld.idx.msk [tilespmem:v62+s16+$0x0], $0xffff;
	_ =	sdelay $0x1  }
0x4ce: {  	v27 =	vor.u32 v14, v34  }
0x4cf: {  	v63 =	vor.u32 v33, v57;
	_ =	sdelay $0x1  }
0x4d0: {  	v26 =	vadd.f32 v26, v36;
	_ =	sdelay $0x1  }
0x4d1: {  	[tilespmem:v27+s23+$0x0] =	vst.idx.msk $0xffff, v26  }
0x4d2: {  	v26 =	vld.idx.msk [tilespmem:v63+s16+$0x0], $0xffff;
	_ =	sdelay $0x1  }
0x4d3: {  	p2 =	slt.u32 s8, $0xE;
	v27 =	vor.u32 v16, v34  }
.Ltmp6:
0x4d4: {  	_ = 	snop;
	(pc) =	sbr.rel @p2 .LBB2_15-.Ltmp6, $3  }
0x4d5: {  	_ = 	snop  }
0x4d6: {  	v26 =	vadd.f32 v26, v36;
	_ =	sdelay $0x1  }
0x4d7: {  	s8 =	sadd.s32 $0x2, s8;
	[tilespmem:v27+s23+$0x0] =	vst.idx.msk $0xffff, v26  }
0x4d8: {  	s7 =	sshll.u32 s7, $0x12  }
0x4d9: {  	s7 =	sor.u32 s10, s7  }
0x4da: {  	s7 =	sshrl.u32 s7, $0x3  }
0x4db: {  	s7 =	sadd.s32 s2, s7  }
0x4dc: {  	[hbm4b:s7+s24] =	stream.strided.scatter [tilespmem:s30], [sflag:$0x7], $0x2000, s25, s24, $0x38;
	[tilespmem:$0x1AF00] =	vst v63  }
0x4dd: {  	_ =	swait.ge [sflag:s31], $0x2000  }
0x4de: {  	s6 =	sadd.s32 @!p0 $0x1C00, s6;
	[sflag:s31] =	ssyncset.done $0x0  }
0x4df: {  	s8 =	simm.s32 @!p0 $0xEF00;
	s7 =	simm.s32 @!p0 $0x80;
	[sflag:s31] =	ssyncadd.s32 $0xFFFFE000  }
0x4e0: {  	[tilespmem:s8], [sflag:$0x3] =	stream.indirect.gather @!p0 [hbm4b:s4+s7], $0x40, s6, s7, $0xb8;
	[tilespmem:$0x1AF00] =	vst v63  }
0x4e1: {  	_ =	swait.ge @p1 [sflag:s18], $0x2000  }
0x4e2: {  	s11 =	sshll.u32 s5, $0x6;
	[sflag:s18] =	ssyncset.done @p1 $0x0  }
0x4e3: {  	v25 =	vmov s11;
	s6 =	simm.s32 $0x0;
	[sflag:s18] =	ssyncadd.s32 @p1 $0xFFFFE000  }
.LBB2_17:
0x4e4: {  	v35 =	vadd.s32 s6, v0  }
0x4e5: {  	v36 =	vand.u32 $0xF, v35  }
0x4e6: {  	v26 =	vor.u32 $0x6000, v1;
	v27 =	vor.u32 v25, v36  }
0x4e7: {  	v28 =	vor.u32 v26, v36;
	_ =	sdelay $0x2  }
0x4e8: {  	v29 =	vshll.u32 v35, $0x7  }
0x4e9: {  	v37 =	vld.idx.msk [tilespmem:v27+s12+$0x0], $0xffff;
	v27 =	vand.u32 $0x380, v29  }
0x4ea: {  	v28 =	vld.idx.msk [tilespmem:v28+s16+$0x0], $0xffff;
	v29 =	vand.u32 $0x400, v29;
	v34 =	vor.u32 $0x6000, v27  }
0x4eb: {  	v38 =	vor.u32 v29, v34  }
0x4ec: {  	v27 =	vor.u32 $0x6400, v1;
	v29 =	vor.u32 v0, v38  }
0x4ed: {  	v30 =	vor.u32 v27, v36;
	_ =	sdelay $0x1  }
0x4ee: {  	v28 =	vadd.f32 v28, v37;
	_ =	sdelay $0x1  }
0x4ef: {  	[tilespmem:v29+s23+$0x0] =	vst.idx.msk $0xffff, v28  }
0x4f0: {  	v29 =	vld.idx.msk [tilespmem:v30+s16+$0x0], $0xffff;
	_ =	sdelay $0x1  }
0x4f1: {  	v46 =	vor.u32 v4, v38;
	v28 =	vor.u32 $0x6800, v1  }
0x4f2: {  	v31 =	vor.u32 v28, v36;
	_ =	sdelay $0x1  }
0x4f3: {  	v29 =	vadd.f32 v29, v37;
	_ =	sdelay $0x1  }
0x4f4: {  	[tilespmem:v46+s23+$0x0] =	vst.idx.msk $0xffff, v29  }
0x4f5: {  	v30 =	vld.idx.msk [tilespmem:v31+s16+$0x0], $0xffff;
	_ =	sdelay $0x1  }
0x4f6: {  	v47 =	vor.u32 v6, v38;
	v29 =	vor.u32 $0x6C00, v1  }
0x4f7: {  	v32 =	vor.u32 v29, v36;
	_ =	sdelay $0x1  }
0x4f8: {  	v30 =	vadd.f32 v30, v37;
	_ =	sdelay $0x1  }
0x4f9: {  	[tilespmem:v47+s23+$0x0] =	vst.idx.msk $0xffff, v30  }
0x4fa: {  	v31 =	vld.idx.msk [tilespmem:v32+s16+$0x0], $0xffff;
	_ =	sdelay $0x1  }
0x4fb: {  	v48 =	vor.u32 v8, v38;
	v30 =	vor.u32 $0x7000, v1  }
0x4fc: {  	v33 =	vor.u32 v30, v36;
	_ =	sdelay $0x1  }
0x4fd: {  	v31 =	vadd.f32 v31, v37;
	_ =	sdelay $0x1  }
0x4fe: {  	[tilespmem:v48+s23+$0x0] =	vst.idx.msk $0xffff, v31  }
0x4ff: {  	v32 =	vld.idx.msk [tilespmem:v33+s16+$0x0], $0xffff;
	_ =	sdelay $0x1  }
0x500: {  	v49 =	vor.u32 v10, v38;
	v31 =	vor.u32 $0x7400, v1  }
0x501: {  	v39 =	vor.u32 v31, v36;
	_ =	sdelay $0x1  }
0x502: {  	v32 =	vadd.f32 v32, v37;
	_ =	sdelay $0x1  }
0x503: {  	[tilespmem:v49+s23+$0x0] =	vst.idx.msk $0xffff, v32  }
0x504: {  	v33 =	vld.idx.msk [tilespmem:v39+s16+$0x0], $0xffff;
	_ =	sdelay $0x1  }
0x505: {  	v50 =	vor.u32 v12, v38;
	v32 =	vor.u32 $0x7800, v1  }
0x506: {  	v40 =	vor.u32 v32, v36;
	_ =	sdelay $0x1  }
0x507: {  	v33 =	vadd.f32 v33, v37;
	_ =	sdelay $0x1  }
0x508: {  	[tilespmem:v50+s23+$0x0] =	vst.idx.msk $0xffff, v33  }
0x509: {  	v39 =	vld.idx.msk [tilespmem:v40+s16+$0x0], $0xffff;
	_ =	sdelay $0x1  }
0x50a: {  	v51 =	vor.u32 v14, v38;
	v33 =	vor.u32 $0x7C00, v1  }
0x50b: {  	v41 =	vor.u32 v33, v36;
	_ =	sdelay $0x1  }
0x50c: {  	v39 =	vadd.f32 v39, v37;
	_ =	sdelay $0x1  }
0x50d: {  	[tilespmem:v51+s23+$0x0] =	vst.idx.msk $0xffff, v39  }
0x50e: {  	v39 =	vld.idx.msk [tilespmem:v41+s16+$0x0], $0xffff  }
0x50f: {  	v52 =	vor.u32 $0x10, v35  }
0x510: {  	v53 =	vand.u32 $0x1F, v52;
	v38 =	vor.u32 v16, v38  }
0x511: {  	v42 =	vor.u32 v25, v53  }
0x512: {  	v43 =	vor.u32 v26, v53  }
0x513: {  	v37 =	vadd.f32 v39, v37;
	_ =	sdelay $0x1  }
0x514: {  	[tilespmem:v38+s23+$0x0] =	vst.idx.msk $0xffff, v37  }
0x515: {  	v54 =	vshll.u32 v52, $0x7;
	v37 =	vld.idx.msk [tilespmem:v42+s12+$0x0], $0xffff  }
0x516: {  	v38 =	vand.u32 $0xC00, v54;
	v55 =	vld.idx.msk [tilespmem:v43+s16+$0x0], $0xffff  }
0x517: {  	v38 =	vor.u32 v38, v34  }
0x518: {  	v56 =	vor.u32 v0, v38  }
0x519: {  	v57 =	vor.u32 v27, v53;
	_ =	sdelay $0x1  }
0x51a: {  	v39 =	vadd.f32 v55, v37;
	_ =	sdelay $0x1  }
0x51b: {  	[tilespmem:v56+s23+$0x0] =	vst.idx.msk $0xffff, v39  }
0x51c: {  	v39 =	vld.idx.msk [tilespmem:v57+s16+$0x0], $0xffff;
	_ =	sdelay $0x1  }
0x51d: {  	v58 =	vor.u32 v4, v38  }
0x51e: {  	v59 =	vor.u32 v28, v53;
	_ =	sdelay $0x1  }
0x51f: {  	v39 =	vadd.f32 v39, v37;
	_ =	sdelay $0x1  }
0x520: {  	[tilespmem:v58+s23+$0x0] =	vst.idx.msk $0xffff, v39  }
0x521: {  	v39 =	vld.idx.msk [tilespmem:v59+s16+$0x0], $0xffff;
	_ =	sdelay $0x1  }
0x522: {  	v60 =	vor.u32 v6, v38  }
0x523: {  	v61 =	vor.u32 v29, v53;
	_ =	sdelay $0x1  }
0x524: {  	v39 =	vadd.f32 v39, v37;
	_ =	sdelay $0x1  }
0x525: {  	[tilespmem:v60+s23+$0x0] =	vst.idx.msk $0xffff, v39  }
0x526: {  	v39 =	vld.idx.msk [tilespmem:v61+s16+$0x0], $0xffff;
	_ =	sdelay $0x1  }
0x527: {  	v62 =	vor.u32 v8, v38  }
0x528: {  	v63 =	vor.u32 v30, v53;
	_ =	sdelay $0x1  }
0x529: {  	v39 =	vadd.f32 v39, v37;
	_ =	sdelay $0x1  }
0x52a: {  	[tilespmem:v62+s23+$0x0] =	vst.idx.msk $0xffff, v39  }
0x52b: {  	v39 =	vld.idx.msk [tilespmem:v63+s16+$0x0], $0xffff;
	_ =	sdelay $0x1  }
0x52c: {  	v45 =	vor.u32 v10, v38  }
0x52d: {  	v46 =	vor.u32 v31, v53;
	_ =	sdelay $0x1  }
0x52e: {  	v39 =	vadd.f32 v39, v37;
	_ =	sdelay $0x1  }
0x52f: {  	[tilespmem:v45+s23+$0x0] =	vst.idx.msk $0xffff, v39  }
0x530: {  	v39 =	vld.idx.msk [tilespmem:v46+s16+$0x0], $0xffff;
	_ =	sdelay $0x1  }
0x531: {  	v47 =	vor.u32 v12, v38  }
0x532: {  	v48 =	vor.u32 v32, v53;
	_ =	sdelay $0x1  }
0x533: {  	v39 =	vadd.f32 v39, v37;
	_ =	sdelay $0x1  }
0x534: {  	[tilespmem:v47+s23+$0x0] =	vst.idx.msk $0xffff, v39  }
0x535: {  	v39 =	vld.idx.msk [tilespmem:v48+s16+$0x0], $0xffff;
	_ =	sdelay $0x1  }
0x536: {  	v49 =	vor.u32 v14, v38  }
0x537: {  	v41 =	vor.u32 v33, v53;
	_ =	sdelay $0x1  }
0x538: {  	v39 =	vadd.f32 v39, v37;
	_ =	sdelay $0x1  }
0x539: {  	[tilespmem:v49+s23+$0x0] =	vst.idx.msk $0xffff, v39  }
0x53a: {  	v36 =	vor.u32 $0x20, v36;
	v39 =	vld.idx.msk [tilespmem:v41+s16+$0x0], $0xffff  }
0x53b: {  	v50 =	vand.u32 $0x7, v35;
	v51 =	vand.u32 $0x28, v36  }
0x53c: {  	v40 =	vor.u32 v50, v51;
	v38 =	vor.u32 v16, v38  }
0x53d: {  	v41 =	vor.u32 v25, v40  }
0x53e: {  	v52 =	vor.u32 v26, v40  }
0x53f: {  	v37 =	vadd.f32 v39, v37;
	_ =	sdelay $0x1  }
0x540: {  	[tilespmem:v38+s23+$0x0] =	vst.idx.msk $0xffff, v37  }
0x541: {  	v36 =	vshll.u32 v36, $0x7;
	v37 =	vld.idx.msk [tilespmem:v41+s12+$0x0], $0xffff  }
0x542: {  	v36 =	vand.u32 $0x1400, v36;
	v38 =	vld.idx.msk [tilespmem:v52+s16+$0x0], $0xffff  }
0x543: {  	v36 =	vor.u32 v36, v34  }
0x544: {  	v53 =	vor.u32 v0, v36  }
0x545: {  	v54 =	vor.u32 v27, v40;
	_ =	sdelay $0x1  }
0x546: {  	v38 =	vadd.f32 v38, v37;
	_ =	sdelay $0x1  }
0x547: {  	[tilespmem:v53+s23+$0x0] =	vst.idx.msk $0xffff, v38  }
0x548: {  	v38 =	vld.idx.msk [tilespmem:v54+s16+$0x0], $0xffff;
	_ =	sdelay $0x1  }
0x549: {  	v55 =	vor.u32 v4, v36  }
0x54a: {  	v56 =	vor.u32 v28, v40;
	_ =	sdelay $0x1  }
0x54b: {  	v38 =	vadd.f32 v38, v37;
	_ =	sdelay $0x1  }
0x54c: {  	[tilespmem:v55+s23+$0x0] =	vst.idx.msk $0xffff, v38  }
0x54d: {  	v38 =	vld.idx.msk [tilespmem:v56+s16+$0x0], $0xffff;
	_ =	sdelay $0x1  }
0x54e: {  	v57 =	vor.u32 v6, v36  }
0x54f: {  	v58 =	vor.u32 v29, v40;
	_ =	sdelay $0x1  }
0x550: {  	v38 =	vadd.f32 v38, v37;
	_ =	sdelay $0x1  }
0x551: {  	[tilespmem:v57+s23+$0x0] =	vst.idx.msk $0xffff, v38  }
0x552: {  	v38 =	vld.idx.msk [tilespmem:v58+s16+$0x0], $0xffff;
	_ =	sdelay $0x1  }
0x553: {  	v59 =	vor.u32 v8, v36  }
0x554: {  	v60 =	vor.u32 v30, v40;
	_ =	sdelay $0x1  }
0x555: {  	v38 =	vadd.f32 v38, v37;
	_ =	sdelay $0x1  }
0x556: {  	[tilespmem:v59+s23+$0x0] =	vst.idx.msk $0xffff, v38  }
0x557: {  	v38 =	vld.idx.msk [tilespmem:v60+s16+$0x0], $0xffff;
	_ =	sdelay $0x1  }
0x558: {  	v61 =	vor.u32 v10, v36  }
0x559: {  	v62 =	vor.u32 v31, v40;
	_ =	sdelay $0x1  }
0x55a: {  	v38 =	vadd.f32 v38, v37;
	_ =	sdelay $0x1  }
0x55b: {  	[tilespmem:v61+s23+$0x0] =	vst.idx.msk $0xffff, v38  }
0x55c: {  	v38 =	vld.idx.msk [tilespmem:v62+s16+$0x0], $0xffff;
	_ =	sdelay $0x1  }
0x55d: {  	v63 =	vor.u32 v12, v36  }
0x55e: {  	v44 =	vor.u32 v32, v40;
	_ =	sdelay $0x1  }
0x55f: {  	v38 =	vadd.f32 v38, v37;
	_ =	sdelay $0x1  }
0x560: {  	[tilespmem:v63+s23+$0x0] =	vst.idx.msk $0xffff, v38  }
0x561: {  	v38 =	vld.idx.msk [tilespmem:v44+s16+$0x0], $0xffff;
	_ =	sdelay $0x1  }
0x562: {  	v45 =	vor.u32 v14, v36  }
0x563: {  	v40 =	vor.u32 v33, v40;
	_ =	sdelay $0x1  }
0x564: {  	v38 =	vadd.f32 v38, v37;
	_ =	sdelay $0x1  }
0x565: {  	[tilespmem:v45+s23+$0x0] =	vst.idx.msk $0xffff, v38  }
0x566: {  	v38 =	vld.idx.msk [tilespmem:v40+s16+$0x0], $0xffff  }
0x567: {  	v35 =	vor.u32 $0x30, v35  }
0x568: {  	v36 =	vor.u32 v16, v36;
	v46 =	vand.u32 $0x3F, v35  }
0x569: {  	v47 =	vor.u32 v25, v46  }
0x56a: {  	v48 =	vor.u32 v26, v46  }
0x56b: {  	v37 =	vadd.f32 v38, v37;
	_ =	sdelay $0x1  }
0x56c: {  	[tilespmem:v36+s23+$0x0] =	vst.idx.msk $0xffff, v37  }
0x56d: {  	v35 =	vshll.u32 v35, $0x7;
	v36 =	vld.idx.msk [tilespmem:v47+s12+$0x0], $0xffff  }
0x56e: {  	v35 =	vand.u32 $0x1C00, v35;
	v37 =	vld.idx.msk [tilespmem:v48+s16+$0x0], $0xffff  }
0x56f: {  	v35 =	vor.u32 v35, v34  }
0x570: {  	v34 =	vor.u32 v0, v35  }
0x571: {  	v49 =	vor.u32 v27, v46;
	_ =	sdelay $0x1  }
0x572: {  	v37 =	vadd.f32 v37, v36;
	_ =	sdelay $0x1  }
0x573: {  	[tilespmem:v34+s23+$0x0] =	vst.idx.msk $0xffff, v37  }
0x574: {  	v34 =	vld.idx.msk [tilespmem:v49+s16+$0x0], $0xffff;
	_ =	sdelay $0x1  }
0x575: {  	v50 =	vor.u32 v4, v35  }
0x576: {  	v51 =	vor.u32 v28, v46;
	_ =	sdelay $0x1  }
0x577: {  	v34 =	vadd.f32 v34, v36;
	_ =	sdelay $0x1  }
0x578: {  	[tilespmem:v50+s23+$0x0] =	vst.idx.msk $0xffff, v34  }
0x579: {  	v34 =	vld.idx.msk [tilespmem:v51+s16+$0x0], $0xffff;
	_ =	sdelay $0x1  }
0x57a: {  	v52 =	vor.u32 v6, v35  }
0x57b: {  	v53 =	vor.u32 v29, v46;
	_ =	sdelay $0x1  }
0x57c: {  	v34 =	vadd.f32 v34, v36;
	_ =	sdelay $0x1  }
0x57d: {  	[tilespmem:v52+s23+$0x0] =	vst.idx.msk $0xffff, v34  }
0x57e: {  	v34 =	vld.idx.msk [tilespmem:v53+s16+$0x0], $0xffff;
	_ =	sdelay $0x1  }
0x57f: {  	v54 =	vor.u32 v8, v35  }
0x580: {  	v55 =	vor.u32 v30, v46;
	_ =	sdelay $0x1  }
0x581: {  	v34 =	vadd.f32 v34, v36;
	_ =	sdelay $0x1  }
0x582: {  	[tilespmem:v54+s23+$0x0] =	vst.idx.msk $0xffff, v34  }
0x583: {  	v34 =	vld.idx.msk [tilespmem:v55+s16+$0x0], $0xffff;
	_ =	sdelay $0x1  }
0x584: {  	v56 =	vor.u32 v10, v35  }
0x585: {  	v57 =	vor.u32 v31, v46;
	_ =	sdelay $0x1  }
0x586: {  	v34 =	vadd.f32 v34, v36;
	_ =	sdelay $0x1  }
0x587: {  	[tilespmem:v56+s23+$0x0] =	vst.idx.msk $0xffff, v34  }
0x588: {  	v34 =	vld.idx.msk [tilespmem:v57+s16+$0x0], $0xffff;
	_ =	sdelay $0x1  }
0x589: {  	v58 =	vor.u32 v12, v35  }
0x58a: {  	v59 =	vor.u32 v32, v46;
	_ =	sdelay $0x1  }
0x58b: {  	v34 =	vadd.f32 v34, v36;
	_ =	sdelay $0x1  }
0x58c: {  	[tilespmem:v58+s23+$0x0] =	vst.idx.msk $0xffff, v34  }
0x58d: {  	v34 =	vld.idx.msk [tilespmem:v59+s16+$0x0], $0xffff;
	_ =	sdelay $0x1  }
0x58e: {  	v60 =	vor.u32 v14, v35  }
0x58f: {  	v61 =	vor.u32 v33, v46;
	_ =	sdelay $0x1  }
0x590: {  	v34 =	vadd.f32 v34, v36;
	_ =	sdelay $0x1  }
0x591: {  	[tilespmem:v60+s23+$0x0] =	vst.idx.msk $0xffff, v34  }
0x592: {  	s7 =	sadd.s32 $0x1, s6;
	v37 =	vld.idx.msk [tilespmem:v61+s16+$0x0], $0xffff  }
0x593: {  	v34 =	vadd.s32 s7, v0  }
0x594: {  	v35 =	vor.u32 v16, v35;
	v38 =	vand.u32 $0xF, v34  }
0x595: {  	v62 =	vor.u32 v25, v38  }
0x596: {  	v63 =	vor.u32 v26, v38  }
0x597: {  	v36 =	vadd.f32 v37, v36;
	_ =	sdelay $0x1  }
0x598: {  	v43 =	vshll.u32 v34, $0x7;
	[tilespmem:v35+s23+$0x0] =	vst.idx.msk $0xffff, v36  }
0x599: {  	v44 =	vand.u32 $0x380, v43;
	v36 =	vld.idx.msk [tilespmem:v62+s12+$0x0], $0xffff  }
0x59a: {  	v46 =	vand.u32 $0x400, v43;
	v35 =	vor.u32 $0x6000, v44;
	v45 =	vld.idx.msk [tilespmem:v63+s16+$0x0], $0xffff  }
0x59b: {  	v37 =	vor.u32 v46, v35  }
0x59c: {  	v40 =	vor.u32 v0, v37  }
0x59d: {  	v47 =	vor.u32 v27, v38;
	_ =	sdelay $0x1  }
0x59e: {  	v39 =	vadd.f32 v45, v36;
	_ =	sdelay $0x1  }
0x59f: {  	[tilespmem:v40+s23+$0x0] =	vst.idx.msk $0xffff, v39  }
0x5a0: {  	v39 =	vld.idx.msk [tilespmem:v47+s16+$0x0], $0xffff;
	_ =	sdelay $0x1  }
0x5a1: {  	v48 =	vor.u32 v4, v37  }
0x5a2: {  	v49 =	vor.u32 v28, v38;
	_ =	sdelay $0x1  }
0x5a3: {  	v39 =	vadd.f32 v39, v36;
	_ =	sdelay $0x1  }
0x5a4: {  	[tilespmem:v48+s23+$0x0] =	vst.idx.msk $0xffff, v39  }
0x5a5: {  	v39 =	vld.idx.msk [tilespmem:v49+s16+$0x0], $0xffff;
	_ =	sdelay $0x1  }
0x5a6: {  	v50 =	vor.u32 v6, v37  }
0x5a7: {  	v51 =	vor.u32 v29, v38;
	_ =	sdelay $0x1  }
0x5a8: {  	v39 =	vadd.f32 v39, v36;
	_ =	sdelay $0x1  }
0x5a9: {  	[tilespmem:v50+s23+$0x0] =	vst.idx.msk $0xffff, v39  }
0x5aa: {  	v39 =	vld.idx.msk [tilespmem:v51+s16+$0x0], $0xffff;
	_ =	sdelay $0x1  }
0x5ab: {  	v52 =	vor.u32 v8, v37  }
0x5ac: {  	v53 =	vor.u32 v30, v38;
	_ =	sdelay $0x1  }
0x5ad: {  	v39 =	vadd.f32 v39, v36;
	_ =	sdelay $0x1  }
0x5ae: {  	[tilespmem:v52+s23+$0x0] =	vst.idx.msk $0xffff, v39  }
0x5af: {  	v39 =	vld.idx.msk [tilespmem:v53+s16+$0x0], $0xffff;
	_ =	sdelay $0x1  }
0x5b0: {  	v54 =	vor.u32 v10, v37  }
0x5b1: {  	v55 =	vor.u32 v31, v38;
	_ =	sdelay $0x1  }
0x5b2: {  	v39 =	vadd.f32 v39, v36;
	_ =	sdelay $0x1  }
0x5b3: {  	[tilespmem:v54+s23+$0x0] =	vst.idx.msk $0xffff, v39  }
0x5b4: {  	v39 =	vld.idx.msk [tilespmem:v55+s16+$0x0], $0xffff;
	_ =	sdelay $0x1  }
0x5b5: {  	v56 =	vor.u32 v12, v37  }
0x5b6: {  	v57 =	vor.u32 v32, v38;
	_ =	sdelay $0x1  }
0x5b7: {  	v39 =	vadd.f32 v39, v36;
	_ =	sdelay $0x1  }
0x5b8: {  	[tilespmem:v56+s23+$0x0] =	vst.idx.msk $0xffff, v39  }
0x5b9: {  	v39 =	vld.idx.msk [tilespmem:v57+s16+$0x0], $0xffff;
	_ =	sdelay $0x1  }
0x5ba: {  	v58 =	vor.u32 v14, v37  }
0x5bb: {  	v59 =	vor.u32 v33, v38;
	_ =	sdelay $0x1  }
0x5bc: {  	v39 =	vadd.f32 v39, v36;
	_ =	sdelay $0x1  }
0x5bd: {  	[tilespmem:v58+s23+$0x0] =	vst.idx.msk $0xffff, v39  }
0x5be: {  	v39 =	vld.idx.msk [tilespmem:v59+s16+$0x0], $0xffff  }
0x5bf: {  	v60 =	vor.u32 $0x10, v34  }
0x5c0: {  	v61 =	vand.u32 $0x1F, v60;
	v37 =	vor.u32 v16, v37  }
0x5c1: {  	v62 =	vor.u32 v25, v61  }
0x5c2: {  	v63 =	vor.u32 v26, v61  }
0x5c3: {  	v36 =	vadd.f32 v39, v36;
	_ =	sdelay $0x1  }
0x5c4: {  	[tilespmem:v37+s23+$0x0] =	vst.idx.msk $0xffff, v36  }
0x5c5: {  	v44 =	vshll.u32 v60, $0x7;
	v36 =	vld.idx.msk [tilespmem:v62+s12+$0x0], $0xffff  }
0x5c6: {  	v37 =	vand.u32 $0xC00, v44;
	v45 =	vld.idx.msk [tilespmem:v63+s16+$0x0], $0xffff  }
0x5c7: {  	v37 =	vor.u32 v37, v35  }
0x5c8: {  	v46 =	vor.u32 v0, v37  }
0x5c9: {  	v47 =	vor.u32 v27, v61;
	_ =	sdelay $0x1  }
0x5ca: {  	v39 =	vadd.f32 v45, v36;
	_ =	sdelay $0x1  }
0x5cb: {  	[tilespmem:v46+s23+$0x0] =	vst.idx.msk $0xffff, v39  }
0x5cc: {  	v39 =	vld.idx.msk [tilespmem:v47+s16+$0x0], $0xffff;
	_ =	sdelay $0x1  }
0x5cd: {  	v48 =	vor.u32 v4, v37  }
0x5ce: {  	v49 =	vor.u32 v28, v61;
	_ =	sdelay $0x1  }
0x5cf: {  	v39 =	vadd.f32 v39, v36;
	_ =	sdelay $0x1  }
0x5d0: {  	[tilespmem:v48+s23+$0x0] =	vst.idx.msk $0xffff, v39  }
0x5d1: {  	v39 =	vld.idx.msk [tilespmem:v49+s16+$0x0], $0xffff;
	_ =	sdelay $0x1  }
0x5d2: {  	v50 =	vor.u32 v6, v37  }
0x5d3: {  	v51 =	vor.u32 v29, v61;
	_ =	sdelay $0x1  }
0x5d4: {  	v39 =	vadd.f32 v39, v36;
	_ =	sdelay $0x1  }
0x5d5: {  	[tilespmem:v50+s23+$0x0] =	vst.idx.msk $0xffff, v39  }
0x5d6: {  	v39 =	vld.idx.msk [tilespmem:v51+s16+$0x0], $0xffff;
	_ =	sdelay $0x1  }
0x5d7: {  	v52 =	vor.u32 v8, v37  }
0x5d8: {  	v53 =	vor.u32 v30, v61;
	_ =	sdelay $0x1  }
0x5d9: {  	v39 =	vadd.f32 v39, v36;
	_ =	sdelay $0x1  }
0x5da: {  	[tilespmem:v52+s23+$0x0] =	vst.idx.msk $0xffff, v39  }
0x5db: {  	v39 =	vld.idx.msk [tilespmem:v53+s16+$0x0], $0xffff;
	_ =	sdelay $0x1  }
0x5dc: {  	v54 =	vor.u32 v10, v37  }
0x5dd: {  	v55 =	vor.u32 v31, v61;
	_ =	sdelay $0x1  }
0x5de: {  	v39 =	vadd.f32 v39, v36;
	_ =	sdelay $0x1  }
0x5df: {  	[tilespmem:v54+s23+$0x0] =	vst.idx.msk $0xffff, v39  }
0x5e0: {  	v39 =	vld.idx.msk [tilespmem:v55+s16+$0x0], $0xffff;
	_ =	sdelay $0x1  }
0x5e1: {  	v56 =	vor.u32 v12, v37  }
0x5e2: {  	v57 =	vor.u32 v32, v61;
	_ =	sdelay $0x1  }
0x5e3: {  	v39 =	vadd.f32 v39, v36;
	_ =	sdelay $0x1  }
0x5e4: {  	[tilespmem:v56+s23+$0x0] =	vst.idx.msk $0xffff, v39  }
0x5e5: {  	v39 =	vld.idx.msk [tilespmem:v57+s16+$0x0], $0xffff;
	_ =	sdelay $0x1  }
0x5e6: {  	v58 =	vor.u32 v14, v37  }
0x5e7: {  	v41 =	vor.u32 v33, v61;
	_ =	sdelay $0x1  }
0x5e8: {  	v39 =	vadd.f32 v39, v36;
	_ =	sdelay $0x1  }
0x5e9: {  	[tilespmem:v58+s23+$0x0] =	vst.idx.msk $0xffff, v39  }
0x5ea: {  	v38 =	vor.u32 $0x20, v38;
	v39 =	vld.idx.msk [tilespmem:v41+s16+$0x0], $0xffff  }
0x5eb: {  	v60 =	vand.u32 $0x28, v38;
	v59 =	vand.u32 $0x7, v34  }
0x5ec: {  	v40 =	vor.u32 v59, v60;
	v37 =	vor.u32 v16, v37  }
0x5ed: {  	v41 =	vor.u32 v25, v40  }
0x5ee: {  	v61 =	vor.u32 v26, v40  }
0x5ef: {  	v36 =	vadd.f32 v39, v36;
	_ =	sdelay $0x1  }
0x5f0: {  	[tilespmem:v37+s23+$0x0] =	vst.idx.msk $0xffff, v36  }
0x5f1: {  	v62 =	vshll.u32 v38, $0x7;
	v36 =	vld.idx.msk [tilespmem:v41+s12+$0x0], $0xffff  }
0x5f2: {  	v37 =	vand.u32 $0x1400, v62;
	v63 =	vld.idx.msk [tilespmem:v61+s16+$0x0], $0xffff  }
0x5f3: {  	v37 =	vor.u32 v37, v35  }
0x5f4: {  	v44 =	vor.u32 v0, v37  }
0x5f5: {  	v45 =	vor.u32 v27, v40;
	_ =	sdelay $0x1  }
0x5f6: {  	v38 =	vadd.f32 v63, v36;
	_ =	sdelay $0x1  }
0x5f7: {  	[tilespmem:v44+s23+$0x0] =	vst.idx.msk $0xffff, v38  }
0x5f8: {  	v38 =	vld.idx.msk [tilespmem:v45+s16+$0x0], $0xffff;
	_ =	sdelay $0x1  }
0x5f9: {  	v46 =	vor.u32 v4, v37  }
0x5fa: {  	v47 =	vor.u32 v28, v40;
	_ =	sdelay $0x1  }
0x5fb: {  	v38 =	vadd.f32 v38, v36;
	_ =	sdelay $0x1  }
0x5fc: {  	[tilespmem:v46+s23+$0x0] =	vst.idx.msk $0xffff, v38  }
0x5fd: {  	v38 =	vld.idx.msk [tilespmem:v47+s16+$0x0], $0xffff;
	_ =	sdelay $0x1  }
0x5fe: {  	v48 =	vor.u32 v6, v37  }
0x5ff: {  	v49 =	vor.u32 v29, v40;
	_ =	sdelay $0x1  }
0x600: {  	v38 =	vadd.f32 v38, v36;
	_ =	sdelay $0x1  }
0x601: {  	[tilespmem:v48+s23+$0x0] =	vst.idx.msk $0xffff, v38  }
0x602: {  	v38 =	vld.idx.msk [tilespmem:v49+s16+$0x0], $0xffff;
	_ =	sdelay $0x1  }
0x603: {  	v50 =	vor.u32 v8, v37  }
0x604: {  	v51 =	vor.u32 v30, v40;
	_ =	sdelay $0x1  }
0x605: {  	v38 =	vadd.f32 v38, v36;
	_ =	sdelay $0x1  }
0x606: {  	[tilespmem:v50+s23+$0x0] =	vst.idx.msk $0xffff, v38  }
0x607: {  	v38 =	vld.idx.msk [tilespmem:v51+s16+$0x0], $0xffff;
	_ =	sdelay $0x1  }
0x608: {  	v52 =	vor.u32 v10, v37  }
0x609: {  	v53 =	vor.u32 v31, v40;
	_ =	sdelay $0x1  }
0x60a: {  	v38 =	vadd.f32 v38, v36;
	_ =	sdelay $0x1  }
0x60b: {  	[tilespmem:v52+s23+$0x0] =	vst.idx.msk $0xffff, v38  }
0x60c: {  	v38 =	vld.idx.msk [tilespmem:v53+s16+$0x0], $0xffff;
	_ =	sdelay $0x1  }
0x60d: {  	v54 =	vor.u32 v12, v37  }
0x60e: {  	v55 =	vor.u32 v32, v40;
	_ =	sdelay $0x1  }
0x60f: {  	v38 =	vadd.f32 v38, v36;
	_ =	sdelay $0x1  }
0x610: {  	[tilespmem:v54+s23+$0x0] =	vst.idx.msk $0xffff, v38  }
0x611: {  	v38 =	vld.idx.msk [tilespmem:v55+s16+$0x0], $0xffff;
	_ =	sdelay $0x1  }
0x612: {  	v56 =	vor.u32 v14, v37  }
0x613: {  	v40 =	vor.u32 v33, v40;
	_ =	sdelay $0x1  }
0x614: {  	v38 =	vadd.f32 v38, v36;
	_ =	sdelay $0x1  }
0x615: {  	[tilespmem:v56+s23+$0x0] =	vst.idx.msk $0xffff, v38  }
0x616: {  	v38 =	vld.idx.msk [tilespmem:v40+s16+$0x0], $0xffff  }
0x617: {  	v34 =	vor.u32 $0x30, v34  }
0x618: {  	v57 =	vand.u32 $0x3F, v34;
	v37 =	vor.u32 v16, v37  }
0x619: {  	v58 =	vor.u32 v25, v57  }
0x61a: {  	v26 =	vor.u32 v26, v57  }
0x61b: {  	v36 =	vadd.f32 v38, v36;
	_ =	sdelay $0x1  }
0x61c: {  	[tilespmem:v37+s23+$0x0] =	vst.idx.msk $0xffff, v36  }
0x61d: {  	v34 =	vshll.u32 v34, $0x7;
	v36 =	vld.idx.msk [tilespmem:v58+s12+$0x0], $0xffff  }
0x61e: {  	v34 =	vand.u32 $0x1C00, v34;
	v26 =	vld.idx.msk [tilespmem:v26+s16+$0x0], $0xffff  }
0x61f: {  	v34 =	vor.u32 v34, v35  }
0x620: {  	v35 =	vor.u32 v0, v34  }
0x621: {  	v27 =	vor.u32 v27, v57;
	_ =	sdelay $0x1  }
0x622: {  	v26 =	vadd.f32 v26, v36;
	_ =	sdelay $0x1  }
0x623: {  	[tilespmem:v35+s23+$0x0] =	vst.idx.msk $0xffff, v26  }
0x624: {  	v26 =	vld.idx.msk [tilespmem:v27+s16+$0x0], $0xffff;
	_ =	sdelay $0x1  }
0x625: {  	v27 =	vor.u32 v4, v34  }
0x626: {  	v28 =	vor.u32 v28, v57;
	_ =	sdelay $0x1  }
0x627: {  	v26 =	vadd.f32 v26, v36;
	_ =	sdelay $0x1  }
0x628: {  	[tilespmem:v27+s23+$0x0] =	vst.idx.msk $0xffff, v26  }
0x629: {  	v26 =	vld.idx.msk [tilespmem:v28+s16+$0x0], $0xffff;
	_ =	sdelay $0x1  }
0x62a: {  	v27 =	vor.u32 v6, v34  }
0x62b: {  	v59 =	vor.u32 v29, v57;
	_ =	sdelay $0x1  }
0x62c: {  	v26 =	vadd.f32 v26, v36;
	_ =	sdelay $0x1  }
0x62d: {  	[tilespmem:v27+s23+$0x0] =	vst.idx.msk $0xffff, v26  }
0x62e: {  	v26 =	vld.idx.msk [tilespmem:v59+s16+$0x0], $0xffff;
	_ =	sdelay $0x1  }
0x62f: {  	v27 =	vor.u32 v8, v34  }
0x630: {  	v60 =	vor.u32 v30, v57;
	_ =	sdelay $0x1  }
0x631: {  	v26 =	vadd.f32 v26, v36;
	_ =	sdelay $0x1  }
0x632: {  	[tilespmem:v27+s23+$0x0] =	vst.idx.msk $0xffff, v26  }
0x633: {  	v26 =	vld.idx.msk [tilespmem:v60+s16+$0x0], $0xffff;
	_ =	sdelay $0x1  }
0x634: {  	v27 =	vor.u32 v10, v34  }
0x635: {  	v61 =	vor.u32 v31, v57;
	_ =	sdelay $0x1  }
0x636: {  	v26 =	vadd.f32 v26, v36;
	_ =	sdelay $0x1  }
0x637: {  	[tilespmem:v27+s23+$0x0] =	vst.idx.msk $0xffff, v26  }
0x638: {  	v26 =	vld.idx.msk [tilespmem:v61+s16+$0x0], $0xffff;
	_ =	sdelay $0x1  }
0x639: {  	v27 =	vor.u32 v12, v34  }
0x63a: {  	v62 =	vor.u32 v32, v57;
	_ =	sdelay $0x1  }
0x63b: {  	v26 =	vadd.f32 v26, v36;
	_ =	sdelay $0x1  }
0x63c: {  	[tilespmem:v27+s23+$0x0] =	vst.idx.msk $0xffff, v26  }
0x63d: {  	v26 =	vld.idx.msk [tilespmem:v62+s16+$0x0], $0xffff;
	_ =	sdelay $0x1  }
0x63e: {  	v27 =	vor.u32 v14, v34  }
0x63f: {  	v63 =	vor.u32 v33, v57;
	_ =	sdelay $0x1  }
0x640: {  	v26 =	vadd.f32 v26, v36;
	_ =	sdelay $0x1  }
0x641: {  	[tilespmem:v27+s23+$0x0] =	vst.idx.msk $0xffff, v26  }
0x642: {  	v26 =	vld.idx.msk [tilespmem:v63+s16+$0x0], $0xffff;
	_ =	sdelay $0x1  }
0x643: {  	p0 =	slt.u32 s6, $0xE;
	v27 =	vor.u32 v16, v34  }
.Ltmp7:
0x644: {  	_ = 	snop;
	(pc) =	sbr.rel @p0 .LBB2_17-.Ltmp7, $3  }
0x645: {  	_ = 	snop  }
0x646: {  	v26 =	vadd.f32 v26, v36;
	_ =	sdelay $0x1  }
0x647: {  	s6 =	sadd.s32 $0x2, s6;
	[tilespmem:v27+s23+$0x0] =	vst.idx.msk $0xffff, v26  }
0x648: {  	s20 =	sadd.s32 $0x1, s20  }
0x649: {  	p0 =	sne.s32 s20, $0x32  }
.Ltmp8:
0x64a: {  	s5 =	sshll.u32 s5, $0x12;
	(pc) =	sbr.rel @p0 .LBB2_10-.Ltmp8, $4  }
0x64b: {  	s5 =	sor.u32 s10, s5  }
0x64c: {  	s5 =	sshrl.u32 s5, $0x3  }
0x64d: {  	s5 =	sadd.s32 s2, s5  }
0x64e: {  	[hbm4b:s5+s24] =	stream.strided.scatter [tilespmem:s1], [sflag:$0x8], $0x2000, s25, s24, $0x38;
	[tilespmem:$0x1AF00] =	vst v63  }
0x64f: {  	_ =	swait.ge [sflag:s0], $0x2000  }
0x650: {  	[sflag:s0] =	ssyncset.done $0x0  }
0x651: {  	[sflag:s0] =	ssyncadd.s32 $0xFFFFE000  }
0x652: {  	_ =	swait.ge [sflag:s15], $0x2000  }
0x653: {  	[sflag:s15] =	ssyncset.done $0x0  }
0x654: {  	[sflag:s15] =	ssyncadd.s32 $0xFFFFE000  }
0x655: {  	_ =	swait.ge [sflag:s17], $0x2000  }
0x656: {  	[sflag:s17] =	ssyncset.done $0x0  }
0x657: {  	[sflag:s17] =	ssyncadd.s32 $0xFFFFE000  }
0x658: {  	_ =	swait.ge [sflag:s18], $0x2000  }
0x659: {  	s19 =	sadd.s32 $0x1, s19;
	s5 =	rddreg [dreg:$0x8]  }
0x65a: {  	p0 =	sne.s32 s19, s5  }
.Ltmp9:
0x65b: {  	_ = 	snop;
	(pc) =	sbr.rel @p0 .LBB2_1-.Ltmp9, $3  }
0x65c: {  	_ =	sdelay $0x1  }
0x65d: {  	[sflag:s18] =	ssyncset.done $0x0  }
0x65e: {  	[sflag:s18] =	ssyncadd.s32 $0xFFFFE000  }
0x65f: {  	_ =	sfence.sel $0x180000  }
0x660: {  	[bflag:$0x0] =	sbarrier.arrive $0xFFFF  }
0x661: {  	_ =	strace $0x90000047  }
0x662: {  	s0 =	stileid.u32;
	[bflag:$0x2] =	sbarrier.arrive $0xFFFF  }
0x663: {  	p0 =	sne.s32 s0, $0x0;
	s0 =	rddreg [dreg:$0x2]  }
0x664: {  	s0 =	sadd.s32 @!p0 $0x100000, s0  }
0x665: {  	[sflag:s0] =	ssyncadd.tile.s32 @!p0 $0x1;
	_ =	shalt  }
.Lfunc_end2:
_tile_overlayer_lowered:
.L_overlay_start_2:
0x666: {  	(tag) =	ssettag $0x2  }
0x667: {  	s0 =	rddreg [dreg:$0x0];
	s2 =	stileid.u32  }
0x668: {  	s1 =	rddreg [dreg:$0x1];
	p0 =	sne.s32 s2, $0x0  }
0x669: {  	s3 =	rddreg [dreg:$0x2];
	[bflag:$0x3] =	sbarrier.arrive $0xFFFF;
	s2 =	simm.s32 @!p0 $0x1C09  }
0x66a: {  	[timem:s3], [sflag:s2] =	dma.local @!p0 [hbm:s0], s1  }
0x66b: {  	s0 =	simm.s32 @!p0 $0x9  }
0x66c: {  	_ =	swait.ge @!p0 [sflag:s0], s1  }
0x66d: {  	s1 =	ssub.s32 @!p0 $0x0, s1;
	[sflag:s0] =	ssyncset.done @!p0 $0x0  }
0x66e: {  	[sflag:s0] =	ssyncadd.s32 @!p0 s1  }
0x66f: {  	[bflag:$0x3] =	sbarrier.arrive $0xFFFF  }
0x670: {  	_ =	shalt  }

</sc_bundles>
